<compile_context>
chip_gen: v7x
topology: tpu7x:2x2x1
jax: 0.10.2.dev20260603
libtpu: 0.0.44.dev20260713+nightly
codegen_flags: <defaults>
</compile_context>

<pallas_src>
import functools

import jax
import jax.numpy as jnp
from jax import lax
from jax.experimental import pallas as pl
from jax.experimental.pallas import tpu as pltpu
from jax.experimental.pallas import tpu_sc as plsc

N = 262144
NX = 848
NY = 848
NCELL = NX * NY
NWORKERS = 32
SLICE = 22496
NPAD = NWORKERS * SLICE
BMW = SLICE // 2
CHUNK = 1024
NCHUNK = N // CHUNK
RECW = 3 * CHUNK
UNROLL = 8
HB = 10
SENTINEL = 0xFFFFF

_F32_NEG_INF = float("-inf")


def _prep_body(x_ref, y_ref, z_ref, pk_ref, c0_ref, c1_ref, c2_ref):
    x = x_ref[...]
    y = y_ref[...]
    z = z_ref[...]
    cx = jnp.floor((x - jnp.float32(-84.8)) / jnp.float32(0.2)).astype(jnp.int32)
    cy = jnp.floor((y - jnp.float32(-84.8)) / jnp.float32(0.2)).astype(jnp.int32)
    cz = jnp.floor((z - jnp.float32(-3.0)) / jnp.float32(5.0)).astype(jnp.int32)
    valid = (
        (cx >= 0) & (cx < NX) & (cy >= 0) & (cy < NY) & (cz >= 0) & (cz < 1)
    )
    cell = cy * NX + cx
    hbin = jnp.clip(
        jnp.floor((z - jnp.float32(-3.0)) / jnp.float32(0.5)).astype(jnp.int32),
        0,
        HB - 1,
    )
    packed = jnp.where(valid, (hbin << 20) | cell, SENTINEL)
    pk_ref[...] = packed
    zero = jnp.zeros_like(cell)
    neg1 = zero - 1
    c0_ref[...] = jnp.where(valid, zero, neg1)
    c1_ref[...] = jnp.where(valid, cy, neg1)
    c2_ref[...] = jnp.where(valid, cx, neg1)


_prep_call = pl.pallas_call(
    _prep_body,
    out_shape=[
        jax.ShapeDtypeStruct((2048, 128), jnp.int32),
        jax.ShapeDtypeStruct((2048, 128), jnp.int32),
        jax.ShapeDtypeStruct((2048, 128), jnp.int32),
        jax.ShapeDtypeStruct((2048, 128), jnp.int32),
    ],
)


def _sc_body(
    rec_hbm,
    cnt_o,
    sz_o,
    si_o,
    mz_o,
    mi_o,
    bm_o,
    cnt_v,
    sz_v,
    si_v,
    mz_v,
    mi_v,
    bm_v,
    buf0,
    buf1,
    sem0,
    sem1,
):
    wid = lax.axis_index("s") * 2 + lax.axis_index("c")
    base = wid * SLICE

    zeros16 = jnp.zeros((16,), jnp.float32)
    ninf16 = jnp.full((16,), _F32_NEG_INF, jnp.float32)
    ones16 = jnp.ones((16,), jnp.float32)
    izeros16 = jnp.zeros((16,), jnp.int32)

    def init(j, _):
        off = j * 16
        cnt_v[pl.ds(off, 16)] = zeros16
        sz_v[pl.ds(off, 16)] = zeros16
        si_v[pl.ds(off, 16)] = zeros16
        mz_v[pl.ds(off, 16)] = ninf16
        mi_v[pl.ds(off, 16)] = ninf16
        return 0

    lax.fori_loop(0, SLICE // 16, init, 0)

    def init_bm(j, _):
        bm_v[pl.ds(j * 16, 16)] = izeros16
        return 0

    lax.fori_loop(0, BMW // 16, init_bm, 0)

    def do_vreg(buf, voff):
        pk = buf[pl.ds(voff, 16)]
        cell = pk & SENTINEL
        loc = cell - base
        m = (loc >= 0) & (loc < SLICE)
        locs = jnp.where(m, loc, 0)
        z = plsc.bitcast(buf[pl.ds(CHUNK + voff, 16)], jnp.float32)
        it = plsc.bitcast(buf[pl.ds(2 * CHUNK + voff, 16)], jnp.float32)
        plsc.addupdate_scatter(cnt_v, [locs], ones16, mask=m)
        plsc.addupdate_scatter(sz_v, [locs], z, mask=m)
        plsc.addupdate_scatter(si_v, [locs], it, mask=m)
        hbin = pk >> 20
        sh = hbin + ((locs & 1) << 4)
        bit = jnp.int32(1) << sh
        bmloc = locs >> 1
        oz = plsc.load_gather(mz_v, [locs])
        plsc.store_scatter(mz_v, [locs], jnp.maximum(oz, z), mask=m)
        oi = plsc.load_gather(mi_v, [locs])
        plsc.store_scatter(mi_v, [locs], jnp.maximum(oi, it), mask=m)
        ob = plsc.load_gather(bm_v, [bmloc])
        plsc.store_scatter(bm_v, [bmloc], ob | bit, mask=m)
        cz = plsc.load_gather(mz_v, [locs])
        ci = plsc.load_gather(bm_v, [bmloc])
        czf = plsc.load_gather(mi_v, [locs])
        pend = m & ((cz < z) | (czf < it) | ((ci & bit) == 0))
        return pend, locs, bmloc, z, it, bit

    def retry_vreg(state):
        pend, locs, bmloc, z, it, bit = state

        def cond(mv):
            return jnp.any(mv)

        def body(mv):
            oz = plsc.load_gather(mz_v, [locs])
            plsc.store_scatter(mz_v, [locs], jnp.maximum(oz, z), mask=mv)
            oi = plsc.load_gather(mi_v, [locs])
            plsc.store_scatter(mi_v, [locs], jnp.maximum(oi, it), mask=mv)
            ob = plsc.load_gather(bm_v, [bmloc])
            plsc.store_scatter(bm_v, [bmloc], ob | bit, mask=mv)
            cz = plsc.load_gather(mz_v, [locs])
            ci = plsc.load_gather(mi_v, [locs])
            cb = plsc.load_gather(bm_v, [bmloc])
            return mv & ((cz < z) | (ci < it) | ((cb & bit) == 0))

        lax.while_loop(cond, body, pend)

    def process(buf):
        def vbody(v, _):
            states = [
                do_vreg(buf, (v * UNROLL + u) * 16) for u in range(UNROLL)
            ]
            anyp = states[0][0]
            for s in states[1:]:
                anyp = anyp | s[0]

            @pl.when(jnp.any(anyp))
            def _():
                for s in states:
                    retry_vreg(s)

            return 0

        lax.fori_loop(0, CHUNK // 16 // UNROLL, vbody, 0)

    def rec_dma(c, buf, sem):
        return pltpu.make_async_copy(rec_hbm.at[c], buf, sem)

    half = NCHUNK // 2

    def stream_body(k, _):
        rec_dma(2 * k + 1, buf1, sem1).start()
        rec_dma(2 * k, buf0, sem0).wait()
        process(buf0)

        @pl.when(k < half - 1)
        def _():
            rec_dma(2 * k + 2, buf0, sem0).start()

        rec_dma(2 * k + 1, buf1, sem1).wait()
        process(buf1)
        return 0

    rec_dma(0, buf0, sem0).start()
    lax.fori_loop(0, half, stream_body, 0)

    pltpu.sync_copy(cnt_v, cnt_o.at[pl.ds(base, SLICE)])
    pltpu.sync_copy(sz_v, sz_o.at[pl.ds(base, SLICE)])
    pltpu.sync_copy(si_v, si_o.at[pl.ds(base, SLICE)])
    pltpu.sync_copy(mz_v, mz_o.at[pl.ds(base, SLICE)])
    pltpu.sync_copy(mi_v, mi_o.at[pl.ds(base, SLICE)])

    lowmask = jnp.full((16,), 0x3FF, jnp.int32)
    even_idx = lax.iota(jnp.int32, 16) * 2
    pieces = []
    _off = 0
    while _off < BMW // 16:
        _n = min(96, BMW // 16 - _off)
        pieces.append((_off, _n))
        _off += _n
    for piece, (in_voff, n_in) in enumerate(pieces):
        buf = buf0 if piece % 2 == 0 else buf1

        def unpack_vreg(j, _, buf=buf, in_voff=in_voff):
            w = bm_v[pl.ds((in_voff + j) * 16, 16)]
            even = w & lowmask
            odd = (w >> 16) & lowmask
            out_off = j * 32
            plsc.store_scatter(buf, [out_off + even_idx], even)
            plsc.store_scatter(buf, [out_off + even_idx + 1], odd)
            return 0

        lax.fori_loop(0, n_in, unpack_vreg, 0)
        pltpu.sync_copy(
            buf.at[pl.ds(0, n_in * 32)],
            bm_o.at[pl.ds(base + in_voff * 32, n_in * 32)],
        )


_sc_call = functools.partial(
    pl.kernel,
    out_type=[jax.ShapeDtypeStruct((NPAD,), jnp.float32) for _ in range(5)]
    + [jax.ShapeDtypeStruct((NPAD,), jnp.int32)],
    mesh=plsc.VectorSubcoreMesh(core_axis_name="c", subcore_axis_name="s"),
    compiler_params=pltpu.CompilerParams(needs_layout_passes=False),
    scratch_types=[pltpu.VMEM((SLICE,), jnp.float32) for _ in range(5)]
    + [
        pltpu.VMEM((BMW,), jnp.int32),
        pltpu.VMEM((RECW,), jnp.int32),
        pltpu.VMEM((RECW,), jnp.int32),
        pltpu.SemaphoreType.DMA,
        pltpu.SemaphoreType.DMA,
    ],
)(_sc_body)


def _finalize_body(cnt_ref, sz_ref, si_ref, mz_ref, mi_ref, bm_ref, out_ref):
    cnt = cnt_ref[...]
    occ = cnt >= jnp.float32(1.0)
    denom = jnp.where(occ, cnt, jnp.float32(1.0))
    out_ref[0] = jnp.where(occ, mz_ref[...], jnp.float32(0.0))
    out_ref[1] = sz_ref[...] / denom
    out_ref[2] = jnp.where(occ, mi_ref[...], jnp.float32(0.0))
    out_ref[3] = si_ref[...] / denom
    out_ref[4] = jnp.log(jnp.where(occ, cnt + jnp.float32(1.0), jnp.float32(1.0)))
    out_ref[5] = occ.astype(jnp.float32)
    bmi = bm_ref[...]
    for b in range(HB):
        out_ref[6 + b] = ((bmi >> b) & 1).astype(jnp.float32)


_FLAT = NPAD // 128
_FBLK = 152

_finalize_call = pl.pallas_call(
    _finalize_body,
    grid=(_FLAT // _FBLK,),
    in_specs=[
        pl.BlockSpec((_FBLK, 128), lambda i: (i, 0)) for _ in range(6)
    ],
    out_specs=pl.BlockSpec((16, _FBLK, 128), lambda i: (0, i, 0)),
    out_shape=jax.ShapeDtypeStruct((16, _FLAT, 128), jnp.float32),
)


def kernel(points):
    x2 = points[:, 0].reshape(2048, 128)
    y2 = points[:, 1].reshape(2048, 128)
    z2 = points[:, 2].reshape(2048, 128)
    pk2, c02, c12, c22 = _prep_call(x2, y2, z2)
    pk = pk2.reshape(N)
    zbits = lax.bitcast_convert_type(points[:, 2], jnp.int32)
    ibits = lax.bitcast_convert_type(points[:, 3], jnp.int32)
    rec = jnp.stack(
        [pk.reshape(NCHUNK, CHUNK), zbits.reshape(NCHUNK, CHUNK), ibits.reshape(NCHUNK, CHUNK)],
        axis=1,
    ).reshape(NCHUNK, RECW)
    cnt, sz, si, mz, mi, bm = _sc_call(rec)
    grids = [a.reshape(_FLAT, 128) for a in (cnt, sz, si, mz, mi, bm)]
    bev = _finalize_call(*grids).reshape(16, NPAD)[:, :NCELL].reshape(16, NY, NX)
    coors = jnp.stack([c02.reshape(N), c12.reshape(N), c22.reshape(N)], axis=1)
    return coors, bev

# --- scband reference (transcript-rebuilt; emitter-appended) ---
"""Pipeline reference for scband-custom-voxelization-31774168056339 (READ-ONLY COPY).

The authoritative reference and input builder live on the scoring server;
editing this copy changes nothing except your own understanding.
"""

import jax, jax.numpy as jnp
import numpy as np

VOXEL_SIZE = np.array([0.2, 0.2, 5.0], dtype=np.float32)
PC_RANGE = np.array([-84.8, -84.8, -3.0, 84.8, 84.8, 2.0], dtype=np.float32)
GRID = (848, 848, 1)
H_BINS = 10  # int((2 - -3) / 0.5)


def setup_inputs(seed: int = 0) -> dict:
    key = jax.random.key(seed)
    N = 262144
    u = jax.random.uniform(key, (N, 4), dtype=jnp.float32)
    lo = jnp.array([-84.8, -84.8, -3.0, 0.0], dtype=jnp.float32)
    hi = jnp.array([84.8, 84.8, 2.0, 1.0], dtype=jnp.float32)
    points = lo + u * (hi - lo)
    return {"points": points}


def _voxelize(points):
    nx, ny = GRID[0], GRID[1]
    ncells = nx * ny
    vs = jnp.asarray(VOXEL_SIZE)
    lo = jnp.asarray(PC_RANGE[:3])
    coor = jnp.floor((points[:, :3] - lo) / vs).astype(jnp.int32)
    gmax = jnp.array([GRID[0], GRID[1], GRID[2]], dtype=jnp.int32)
    valid = jnp.all((coor >= 0) & (coor < gmax), axis=1)
    cx = coor[:, 0]
    cy = coor[:, 1]
    cell = jnp.where(valid, cy * nx + cx, ncells)  # dump bucket = ncells
    z = points[:, 2]
    inten = points[:, 3]
    ones = jnp.where(valid, 1.0, 0.0).astype(points.dtype)
    nseg = ncells + 1
    count = jax.ops.segment_sum(ones, cell, num_segments=nseg)[:ncells]
    sum_z = jax.ops.segment_sum(z * ones, cell, num_segments=nseg)[:ncells]
    sum_i = jax.ops.segment_sum(inten * ones, cell, num_segments=nseg)[:ncells]
    neg_inf = jnp.array(-jnp.inf, dtype=points.dtype)
    max_z = jax.ops.segment_max(jnp.where(valid, z, neg_inf), cell, num_segments=nseg)[:ncells]
    max_i = jax.ops.segment_max(jnp.where(valid, inten, neg_inf), cell, num_segments=nseg)[:ncells]
    occupied = count >= 1.0
    max_z = jnp.where(occupied, max_z, 0.0)
    max_i = jnp.where(occupied, max_i, 0.0)
    # invalid cells: count forced to 1 before mean normalization
    denom = jnp.where(occupied, count, 1.0)
    mean_z = sum_z / denom
    mean_i = sum_i / denom
    # valid cells: count += 1, then log; empty cells -> log(1) = 0
    cnt_log = jnp.log(jnp.where(occupied, count + 1.0, 1.0))
    occ = occupied.astype(points.dtype)
    # height-bin occupancy channels (10 bins of 0.5m over [-3, 2))
    hbin = jnp.clip(jnp.floor((z - PC_RANGE[2]) / 0.5).astype(jnp.int32), 0, H_BINS - 1)
    bin_idx = jnp.where(valid, hbin * ncells + cell, H_BINS * ncells)
    bin_cnt = jax.ops.segment_sum(ones, bin_idx, num_segments=H_BINS * ncells + 1)[: H_BINS * ncells]
    bin_occ = (bin_cnt > 0).astype(points.dtype).reshape(H_BINS, ncells)
    bev = jnp.stack([max_z, mean_z, max_i, mean_i, cnt_log, occ], axis=0)
    bev = jnp.concatenate([bev, bin_occ], axis=0).reshape(6 + H_BINS, ny, nx)
    # dynamic voxelize returns per-point coords (z, y, x), -1 for out-of-range
    coors_out = jnp.where(valid[:, None], coor[:, ::-1], -1).astype(jnp.int32)
    return coors_out, bev


def reference(points):
    return _voxelize(points)

if __name__ == "__main__":
    import jax
    _d = setup_inputs()
    print(jax.jit(kernel)(*tuple(_d.values())))

</pallas_src>

<mosaic_0001>
#map = affine_map<(d0, d1) -> (0, 0)>
#map1 = affine_map<(d0, d1) -> (0)>
module attributes {stable_mosaic.version = 14 : i64} {
  func.func @_sc_body(%arg0: i32, %arg1: i32, %arg2: memref<256x3072xi32, #tpu.memory_space<hbm>>, %arg3: memref<719872xf32, #tpu.memory_space<hbm>>, %arg4: memref<719872xf32, #tpu.memory_space<hbm>>, %arg5: memref<719872xf32, #tpu.memory_space<hbm>>, %arg6: memref<719872xf32, #tpu.memory_space<hbm>>, %arg7: memref<719872xf32, #tpu.memory_space<hbm>>, %arg8: memref<719872xi32, #tpu.memory_space<hbm>>, %arg9: memref<22496xf32, #tpu.memory_space<vmem>>, %arg10: memref<22496xf32, #tpu.memory_space<vmem>>, %arg11: memref<22496xf32, #tpu.memory_space<vmem>>, %arg12: memref<22496xf32, #tpu.memory_space<vmem>>, %arg13: memref<22496xf32, #tpu.memory_space<vmem>>, %arg14: memref<11248xi32, #tpu.memory_space<vmem>>, %arg15: memref<3072xi32, #tpu.memory_space<vmem>>, %arg16: memref<3072xi32, #tpu.memory_space<vmem>>, %arg17: memref<!tpu.dma_semaphore, #tpu.memory_space<semaphore_mem>>, %arg18: memref<!tpu.dma_semaphore, #tpu.memory_space<semaphore_mem>>) attributes {dimension_semantics = [#tpu.dimension_semantics<core_parallel>, #tpu.dimension_semantics<subcore_parallel>], iteration_bounds = array<i64: 2, 16>, scalar_prefetch = 0 : i64, scratch_operands = 10 : i64, tpu.core_type = #tpu.core_type<sc_vector_subcore>, window_params = [{transform_indices = #map}, {transform_indices = #map1}, {transform_indices = #map1}, {transform_indices = #map1}, {transform_indices = #map1}, {transform_indices = #map1}, {transform_indices = #map1}]} {
    %mul3A = arith.constant 2 : i32
    %mul3A_0 = arith.muli %arg1, %mul3A : i32
    %add3A = arith.addi %mul3A_0, %arg0 : i32
    %mul3A_1 = arith.constant 22496 : i32
    %mul3A_2 = arith.muli %add3A, %mul3A_1 : i32
    %broadcast_in_dim3A = arith.constant 0.000000e+00 : f32
    %broadcast_in_dim3A_3 = vector.broadcast %broadcast_in_dim3A : f32 to vector<16xf32>
    %broadcast_in_dim3A_4 = arith.constant 0xFF800000 : f32
    %broadcast_in_dim3A_5 = vector.broadcast %broadcast_in_dim3A_4 : f32 to vector<16xf32>
    %broadcast_in_dim3A_6 = arith.constant 1.000000e+00 : f32
    %broadcast_in_dim3A_7 = vector.broadcast %broadcast_in_dim3A_6 : f32 to vector<16xf32>
    %broadcast_in_dim3A_8 = arith.constant 0 : i32
    %broadcast_in_dim3A_9 = vector.broadcast %broadcast_in_dim3A_8 : i32 to vector<16xi32>
    %scan3A = arith.constant 0 : i32
    %scan3A_10 = arith.constant 0 : i32
    %scan3A_11 = arith.constant 1406 : i32
    %scan3A_12 = arith.addi %scan3A_10, %scan3A_11 : i32
    %scan3A_13 = arith.constant 1 : i32
    %scan3A_14 = scf.for %scan3A_113 = %scan3A_10 to %scan3A_12 step %scan3A_13 iter_args(%scan3A_114 = %scan3A) -> (i32)  : i32 {
      %mul3A_115 = arith.constant 16 : i32
      %mul3A_116 = arith.muli %scan3A_113, %mul3A_115 : i32
      %swap3A = arith.index_cast %mul3A_116 : i32 to index
      %swap3A_117 = tpu.vector_load %arg9[%swap3A] {strides = array<i32>} : memref<22496xf32, #tpu.memory_space<vmem>>, vector<16xf32>,
      tpu.vector_store %arg9[%swap3A], %broadcast_in_dim3A_3 {strides = array<i32>} : memref<22496xf32, #tpu.memory_space<vmem>>, vector<16xf32>,
      %swap3A_118 = arith.index_cast %mul3A_116 : i32 to index
      %swap3A_119 = tpu.vector_load %arg10[%swap3A_118] {strides = array<i32>} : memref<22496xf32, #tpu.memory_space<vmem>>, vector<16xf32>,
      tpu.vector_store %arg10[%swap3A_118], %broadcast_in_dim3A_3 {strides = array<i32>} : memref<22496xf32, #tpu.memory_space<vmem>>, vector<16xf32>,
      %swap3A_120 = arith.index_cast %mul3A_116 : i32 to index
      %swap3A_121 = tpu.vector_load %arg11[%swap3A_120] {strides = array<i32>} : memref<22496xf32, #tpu.memory_space<vmem>>, vector<16xf32>,
      tpu.vector_store %arg11[%swap3A_120], %broadcast_in_dim3A_3 {strides = array<i32>} : memref<22496xf32, #tpu.memory_space<vmem>>, vector<16xf32>,
      %swap3A_122 = arith.index_cast %mul3A_116 : i32 to index
      %swap3A_123 = tpu.vector_load %arg12[%swap3A_122] {strides = array<i32>} : memref<22496xf32, #tpu.memory_space<vmem>>, vector<16xf32>,
      tpu.vector_store %arg12[%swap3A_122], %broadcast_in_dim3A_5 {strides = array<i32>} : memref<22496xf32, #tpu.memory_space<vmem>>, vector<16xf32>,
      %swap3A_124 = arith.index_cast %mul3A_116 : i32 to index
      %swap3A_125 = tpu.vector_load %arg13[%swap3A_124] {strides = array<i32>} : memref<22496xf32, #tpu.memory_space<vmem>>, vector<16xf32>,
      tpu.vector_store %arg13[%swap3A_124], %broadcast_in_dim3A_5 {strides = array<i32>} : memref<22496xf32, #tpu.memory_space<vmem>>, vector<16xf32>,
      %scan3A_126 = arith.constant 0 : i32
      scf.yield %scan3A_126 : i32
    }
    %scan3A_15 = arith.constant 1406 : i32
    %scan3A_16 = arith.constant 0 : i32
    %scan3A_17 = arith.constant 0 : i32
    %scan3A_18 = arith.constant 703 : i32
    %scan3A_19 = arith.addi %scan3A_17, %scan3A_18 : i32
    %scan3A_20 = arith.constant 1 : i32
    %scan3A_21 = scf.for %scan3A_113 = %scan3A_17 to %scan3A_19 step %scan3A_20 iter_args(%scan3A_114 = %scan3A_16) -> (i32)  : i32 {
      %mul3A_115 = arith.constant 16 : i32
      %mul3A_116 = arith.muli %scan3A_113, %mul3A_115 : i32
      %swap3A = arith.index_cast %mul3A_116 : i32 to index
      %swap3A_117 = tpu.vector_load %arg14[%swap3A] {strides = array<i32>} : memref<11248xi32, #tpu.memory_space<vmem>>, vector<16xi32>,
      tpu.vector_store %arg14[%swap3A], %broadcast_in_dim3A_9 {strides = array<i32>} : memref<11248xi32, #tpu.memory_space<vmem>>, vector<16xi32>,
      %scan3A_118 = arith.constant 0 : i32
      scf.yield %scan3A_118 : i32
    }
    %scan3A_22 = arith.constant 703 : i32
    %dma_start3A = arith.constant 0 : i32
    %dma_start3A_23 = arith.constant 0 : i32
    %dma_start3A_24 = tpu.memref_slice %arg2[%dma_start3A, %dma_start3A_23] : memref<256x3072xi32, #tpu.memory_space<hbm>> -> memref<1x3072xi32, #tpu.memory_space<hbm>>
    %dma_start3A_25 = tpu.memref_squeeze %dma_start3A_24 : memref<1x3072xi32, #tpu.memory_space<hbm>> -> memref<3072xi32, #tpu.memory_space<hbm>>
    %dma_start3A_26 = arith.constant 0 : i32
    %dma_start3A_27 = tpu.memref_slice %arg2[%dma_start3A, %dma_start3A_26] : memref<256x3072xi32, #tpu.memory_space<hbm>> -> memref<1x3072xi32, #tpu.memory_space<hbm>>
    %dma_start3A_28 = tpu.memref_squeeze %dma_start3A_27 : memref<1x3072xi32, #tpu.memory_space<hbm>> -> memref<3072xi32, #tpu.memory_space<hbm>>
    tpu.enqueue_dma source(%dma_start3A_28 : memref<3072xi32, #tpu.memory_space<hbm>>) target(%arg15 : memref<3072xi32, #tpu.memory_space<vmem>>) target_semaphore(%arg17 : memref<!tpu.dma_semaphore, #tpu.memory_space<semaphore_mem>>)
    %scan3A_29 = arith.constant 0 : i32
    %scan3A_30 = arith.constant 0 : i32
    %scan3A_31 = arith.constant 128 : i32
    %scan3A_32 = arith.addi %scan3A_30, %scan3A_31 : i32
    %scan3A_33 = arith.constant 1 : i32
    %scan3A_34 = scf.for %scan3A_113 = %scan3A_30 to %scan3A_32 step %scan3A_33 iter_args(%scan3A_114 = %scan3A_29) -> (i32)  : i32 {
      %mul3A_115 = arith.constant 2 : i32
      %mul3A_116 = arith.muli %mul3A_115, %scan3A_113 : i32
      %add3A_117 = arith.constant 1 : i32
      %add3A_118 = arith.addi %mul3A_116, %add3A_117 : i32
      %dma_start3A_119 = arith.constant 0 : i32
      %dma_start3A_120 = tpu.memref_slice %arg2[%add3A_118, %dma_start3A_119] : memref<256x3072xi32, #tpu.memory_space<hbm>> -> memref<1x3072xi32, #tpu.memory_space<hbm>>
      %dma_start3A_121 = tpu.memref_squeeze %dma_start3A_120 : memref<1x3072xi32, #tpu.memory_space<hbm>> -> memref<3072xi32, #tpu.memory_space<hbm>>
      %dma_start3A_122 = arith.constant 0 : i32
      %dma_start3A_123 = tpu.memref_slice %arg2[%add3A_118, %dma_start3A_122] : memref<256x3072xi32, #tpu.memory_space<hbm>> -> memref<1x3072xi32, #tpu.memory_space<hbm>>
      %dma_start3A_124 = tpu.memref_squeeze %dma_start3A_123 : memref<1x3072xi32, #tpu.memory_space<hbm>> -> memref<3072xi32, #tpu.memory_space<hbm>>
      tpu.enqueue_dma source(%dma_start3A_124 : memref<3072xi32, #tpu.memory_space<hbm>>) target(%arg16 : memref<3072xi32, #tpu.memory_space<vmem>>) target_semaphore(%arg18 : memref<!tpu.dma_semaphore, #tpu.memory_space<semaphore_mem>>)
      %mul3A_125 = arith.constant 2 : i32
      %mul3A_126 = arith.muli %mul3A_125, %scan3A_113 : i32
      %dma_wait3A = arith.constant 0 : i32
      %dma_wait3A_127 = tpu.memref_slice %arg2[%mul3A_126, %dma_wait3A] : memref<256x3072xi32, #tpu.memory_space<hbm>> -> memref<1x3072xi32, #tpu.memory_space<hbm>>
      %dma_wait3A_128 = tpu.memref_squeeze %dma_wait3A_127 : memref<1x3072xi32, #tpu.memory_space<hbm>> -> memref<3072xi32, #tpu.memory_space<hbm>>
      %dma_wait3A_129 = arith.constant 0 : i32
      %dma_wait3A_130 = tpu.memref_slice %arg2[%mul3A_126, %dma_wait3A_129] : memref<256x3072xi32, #tpu.memory_space<hbm>> -> memref<1x3072xi32, #tpu.memory_space<hbm>>
      %dma_wait3A_131 = tpu.memref_squeeze %dma_wait3A_130 : memref<1x3072xi32, #tpu.memory_space<hbm>> -> memref<3072xi32, #tpu.memory_space<hbm>>
      tpu.wait_dma2 semaphore(%arg17 : memref<!tpu.dma_semaphore, #tpu.memory_space<semaphore_mem>>) src(%dma_wait3A_131 : memref<3072xi32, #tpu.memory_space<hbm>>) dst(%arg15 : memref<3072xi32, #tpu.memory_space<vmem>>)
      %scan3A_132 = arith.constant 0 : i32
      %scan3A_133 = arith.constant 0 : i32
      %scan3A_134 = arith.constant 8 : i32
      %scan3A_135 = arith.addi %scan3A_133, %scan3A_134 : i32
      %scan3A_136 = arith.constant 1 : i32
      %scan3A_137 = scf.for %scan3A_159 = %scan3A_133 to %scan3A_135 step %scan3A_136 iter_args(%scan3A_160 = %scan3A_132) -> (i32)  : i32 {
        %mul3A_161 = arith.constant 8 : i32
        %mul3A_162 = arith.muli %scan3A_159, %mul3A_161 : i32
        %add3A_163 = arith.constant 0 : i32
        %add3A_164 = arith.addi %mul3A_162, %add3A_163 : i32
        %mul3A_165 = arith.constant 16 : i32
        %mul3A_166 = arith.muli %add3A_164, %mul3A_165 : i32
        %get3A = arith.index_cast %mul3A_166 : i32 to index
        %get3A_167 = tpu.vector_load %arg15[%get3A] {strides = array<i32>} : memref<3072xi32, #tpu.memory_space<vmem>>, vector<16xi32>,
        %and3A = arith.constant 1048575 : i32
        %and3A_168 = vector.broadcast %and3A : i32 to vector<16xi32>
        %and3A_169 = arith.andi %get3A_167, %and3A_168 : vector<16xi32>
        %sub3A = vector.broadcast %mul3A_2 : i32 to vector<16xi32>
        %sub3A_170 = arith.subi %and3A_169, %sub3A : vector<16xi32>
        %ge3A = arith.constant 0 : i32
        %ge3A_171 = vector.broadcast %ge3A : i32 to vector<16xi32>
        %ge3A_172 = arith.cmpi sge, %sub3A_170, %ge3A_171 : vector<16xi32>
        %lt3A_173 = arith.constant 22496 : i32
        %lt3A_174 = vector.broadcast %lt3A_173 : i32 to vector<16xi32>
        %lt3A_175 = arith.cmpi slt, %sub3A_170, %lt3A_174 : vector<16xi32>
        %and3A_176 = arith.andi %ge3A_172, %lt3A_175 : vector<16xi1>
        %jit3A = arith.constant 0 : i32
        %broadcast_in_dim3A_177 = vector.broadcast %jit3A : i32 to vector<16xi32>
        %select_n3A = arith.select %and3A_176, %sub3A_170, %broadcast_in_dim3A_177 : vector<16xi1>, vector<16xi32>
        %add3A_178 = arith.constant 1024 : i32
        %add3A_179 = arith.addi %add3A_178, %mul3A_166 : i32
        %get3A_180 = arith.index_cast %add3A_179 : i32 to index
        %get3A_181 = tpu.vector_load %arg15[%get3A_180] {strides = array<i32>} : memref<3072xi32, #tpu.memory_space<vmem>>, vector<16xi32>,
        %bitcast3A = vector.bitcast %get3A_181 : vector<16xi32> to vector<16xf32>
        %add3A_182 = arith.constant 2048 : i32
        %add3A_183 = arith.addi %add3A_182, %mul3A_166 : i32
        %get3A_184 = arith.index_cast %add3A_183 : i32 to index
        %get3A_185 = tpu.vector_load %arg15[%get3A_184] {strides = array<i32>} : memref<3072xi32, #tpu.memory_space<vmem>>, vector<16xi32>,
        %bitcast3A_186 = vector.bitcast %get3A_185 : vector<16xi32> to vector<16xf32>
        tpu.vector_store_idx %arg9[%select_n3A], %broadcast_in_dim3A_7 masked %and3A_176 {add = true} : memref<22496xf32, #tpu.memory_space<vmem>>[vector<16xi32>], vector<16xf32>, vector<16xi1>
        tpu.vector_store_idx %arg10[%select_n3A], %bitcast3A masked %and3A_176 {add = true} : memref<22496xf32, #tpu.memory_space<vmem>>[vector<16xi32>], vector<16xf32>, vector<16xi1>
        tpu.vector_store_idx %arg11[%select_n3A], %bitcast3A_186 masked %and3A_176 {add = true} : memref<22496xf32, #tpu.memory_space<vmem>>[vector<16xi32>], vector<16xf32>, vector<16xi1>
        %shift_right_arithmetic3A = arith.constant 20 : i32
        %shift_right_arithmetic3A_187 = vector.broadcast %shift_right_arithmetic3A : i32 to vector<16xi32>
        %shift_right_arithmetic3A_188 = arith.shrsi %get3A_167, %shift_right_arithmetic3A_187 : vector<16xi32>
        %and3A_189 = arith.constant 1 : i32
        %and3A_190 = vector.broadcast %and3A_189 : i32 to vector<16xi32>
        %and3A_191 = arith.andi %select_n3A, %and3A_190 : vector<16xi32>
        %shift_left3A = arith.constant 4 : i32
        %shift_left3A_192 = vector.broadcast %shift_left3A : i32 to vector<16xi32>
        %shift_left3A_193 = arith.shli %and3A_191, %shift_left3A_192 : vector<16xi32>
        %add3A_194 = arith.addi %shift_right_arithmetic3A_188, %shift_left3A_193 : vector<16xi32>
        %shift_left3A_195 = arith.constant 1 : i32
        %shift_left3A_196 = vector.broadcast %shift_left3A_195 : i32 to vector<16xi32>
        %shift_left3A_197 = arith.shli %shift_left3A_196, %add3A_194 : vector<16xi32>
        %shift_right_arithmetic3A_198 = arith.constant 1 : i32
        %shift_right_arithmetic3A_199 = vector.broadcast %shift_right_arithmetic3A_198 : i32 to vector<16xi32>
        %shift_right_arithmetic3A_200 = arith.shrsi %select_n3A, %shift_right_arithmetic3A_199 : vector<16xi32>
        %gather3A = tpu.vector_load_idx %arg12[%select_n3A] : memref<22496xf32, #tpu.memory_space<vmem>>[vector<16xi32>], vector<16xf32>,
        %max3A = arith.maximumf %gather3A, %bitcast3A : vector<16xf32>
        tpu.vector_store_idx %arg12[%select_n3A], %max3A masked %and3A_176 : memref<22496xf32, #tpu.memory_space<vmem>>[vector<16xi32>], vector<16xf32>, vector<16xi1>
        %gather3A_201 = tpu.vector_load_idx %arg13[%select_n3A] : memref<22496xf32, #tpu.memory_space<vmem>>[vector<16xi32>], vector<16xf32>,
        %max3A_202 = arith.maximumf %gather3A_201, %bitcast3A_186 : vector<16xf32>
        tpu.vector_store_idx %arg13[%select_n3A], %max3A_202 masked %and3A_176 : memref<22496xf32, #tpu.memory_space<vmem>>[vector<16xi32>], vector<16xf32>, vector<16xi1>
        %gather3A_203 = tpu.vector_load_idx %arg14[%shift_right_arithmetic3A_200] : memref<11248xi32, #tpu.memory_space<vmem>>[vector<16xi32>], vector<16xi32>,
        %or3A = arith.ori %gather3A_203, %shift_left3A_197 : vector<16xi32>
        tpu.vector_store_idx %arg14[%shift_right_arithmetic3A_200], %or3A masked %and3A_176 : memref<11248xi32, #tpu.memory_space<vmem>>[vector<16xi32>], vector<16xi32>, vector<16xi1>
        %gather3A_204 = tpu.vector_load_idx %arg12[%select_n3A] : memref<22496xf32, #tpu.memory_space<vmem>>[vector<16xi32>], vector<16xf32>,
        %gather3A_205 = tpu.vector_load_idx %arg14[%shift_right_arithmetic3A_200] : memref<11248xi32, #tpu.memory_space<vmem>>[vector<16xi32>], vector<16xi32>,
        %gather3A_206 = tpu.vector_load_idx %arg13[%select_n3A] : memref<22496xf32, #tpu.memory_space<vmem>>[vector<16xi32>], vector<16xf32>,
        %lt3A_207 = arith.cmpf olt, %gather3A_204, %bitcast3A : vector<16xf32>
        %lt3A_208 = arith.cmpf olt, %gather3A_206, %bitcast3A_186 : vector<16xf32>
        %or3A_209 = arith.ori %lt3A_207, %lt3A_208 : vector<16xi1>
        %and3A_210 = arith.andi %gather3A_205, %shift_left3A_197 : vector<16xi32>
        %eq3A = arith.constant 0 : i32
        %eq3A_211 = vector.broadcast %eq3A : i32 to vector<16xi32>
        %eq3A_212 = arith.cmpi eq, %and3A_210, %eq3A_211 : vector<16xi32>
        %or3A_213 = arith.ori %or3A_209, %eq3A_212 : vector<16xi1>
        %and3A_214 = arith.andi %and3A_176, %or3A_213 : vector<16xi1>
        %mul3A_215 = arith.constant 8 : i32
        %mul3A_216 = arith.muli %scan3A_159, %mul3A_215 : i32
        %add3A_217 = arith.constant 1 : i32
        %add3A_218 = arith.addi %mul3A_216, %add3A_217 : i32
        %mul3A_219 = arith.constant 16 : i32
        %mul3A_220 = arith.muli %add3A_218, %mul3A_219 : i32
        %get3A_221 = arith.index_cast %mul3A_220 : i32 to index
        %get3A_222 = tpu.vector_load %arg15[%get3A_221] {strides = array<i32>} : memref<3072xi32, #tpu.memory_space<vmem>>, vector<16xi32>,
        %and3A_223 = arith.constant 1048575 : i32
        %and3A_224 = vector.broadcast %and3A_223 : i32 to vector<16xi32>
        %and3A_225 = arith.andi %get3A_222, %and3A_224 : vector<16xi32>
        %sub3A_226 = vector.broadcast %mul3A_2 : i32 to vector<16xi32>
        %sub3A_227 = arith.subi %and3A_225, %sub3A_226 : vector<16xi32>
        %ge3A_228 = arith.constant 0 : i32
        %ge3A_229 = vector.broadcast %ge3A_228 : i32 to vector<16xi32>
        %ge3A_230 = arith.cmpi sge, %sub3A_227, %ge3A_229 : vector<16xi32>
        %lt3A_231 = arith.constant 22496 : i32
        %lt3A_232 = vector.broadcast %lt3A_231 : i32 to vector<16xi32>
        %lt3A_233 = arith.cmpi slt, %sub3A_227, %lt3A_232 : vector<16xi32>
        %and3A_234 = arith.andi %ge3A_230, %lt3A_233 : vector<16xi1>
        %jit3A_235 = arith.constant 0 : i32
        %broadcast_in_dim3A_236 = vector.broadcast %jit3A_235 : i32 to vector<16xi32>
        %select_n3A_237 = arith.select %and3A_234, %sub3A_227, %broadcast_in_dim3A_236 : vector<16xi1>, vector<16xi32>
        %add3A_238 = arith.constant 1024 : i32
        %add3A_239 = arith.addi %add3A_238, %mul3A_220 : i32
        %get3A_240 = arith.index_cast %add3A_239 : i32 to index
        %get3A_241 = tpu.vector_load %arg15[%get3A_240] {strides = array<i32>} : memref<3072xi32, #tpu.memory_space<vmem>>, vector<16xi32>,
        %bitcast3A_242 = vector.bitcast %get3A_241 : vector<16xi32> to vector<16xf32>
        %add3A_243 = arith.constant 2048 : i32
        %add3A_244 = arith.addi %add3A_243, %mul3A_220 : i32
        %get3A_245 = arith.index_cast %add3A_244 : i32 to index
        %get3A_246 = tpu.vector_load %arg15[%get3A_245] {strides = array<i32>} : memref<3072xi32, #tpu.memory_space<vmem>>, vector<16xi32>,
        %bitcast3A_247 = vector.bitcast %get3A_246 : vector<16xi32> to vector<16xf32>
        tpu.vector_store_idx %arg9[%select_n3A_237], %broadcast_in_dim3A_7 masked %and3A_234 {add = true} : memref<22496xf32, #tpu.memory_space<vmem>>[vector<16xi32>], vector<16xf32>, vector<16xi1>
        tpu.vector_store_idx %arg10[%select_n3A_237], %bitcast3A_242 masked %and3A_234 {add = true} : memref<22496xf32, #tpu.memory_space<vmem>>[vector<16xi32>], vector<16xf32>, vector<16xi1>
        tpu.vector_store_idx %arg11[%select_n3A_237], %bitcast3A_247 masked %and3A_234 {add = true} : memref<22496xf32, #tpu.memory_space<vmem>>[vector<16xi32>], vector<16xf32>, vector<16xi1>
        %shift_right_arithmetic3A_248 = arith.constant 20 : i32
        %shift_right_arithmetic3A_249 = vector.broadcast %shift_right_arithmetic3A_248 : i32 to vector<16xi32>
        %shift_right_arithmetic3A_250 = arith.shrsi %get3A_222, %shift_right_arithmetic3A_249 : vector<16xi32>
        %and3A_251 = arith.constant 1 : i32
        %and3A_252 = vector.broadcast %and3A_251 : i32 to vector<16xi32>
        %and3A_253 = arith.andi %select_n3A_237, %and3A_252 : vector<16xi32>
        %shift_left3A_254 = arith.constant 4 : i32
        %shift_left3A_255 = vector.broadcast %shift_left3A_254 : i32 to vector<16xi32>
        %shift_left3A_256 = arith.shli %and3A_253, %shift_left3A_255 : vector<16xi32>
        %add3A_257 = arith.addi %shift_right_arithmetic3A_250, %shift_left3A_256 : vector<16xi32>
        %shift_left3A_258 = arith.constant 1 : i32
        %shift_left3A_259 = vector.broadcast %shift_left3A_258 : i32 to vector<16xi32>
        %shift_left3A_260 = arith.shli %shift_left3A_259, %add3A_257 : vector<16xi32>
        %shift_right_arithmetic3A_261 = arith.constant 1 : i32
        %shift_right_arithmetic3A_262 = vector.broadcast %shift_right_arithmetic3A_261 : i32 to vector<16xi32>
        %shift_right_arithmetic3A_263 = arith.shrsi %select_n3A_237, %shift_right_arithmetic3A_262 : vector<16xi32>
        %gather3A_264 = tpu.vector_load_idx %arg12[%select_n3A_237] : memref<22496xf32, #tpu.memory_space<vmem>>[vector<16xi32>], vector<16xf32>,
        %max3A_265 = arith.maximumf %gather3A_264, %bitcast3A_242 : vector<16xf32>
        tpu.vector_store_idx %arg12[%select_n3A_237], %max3A_265 masked %and3A_234 : memref<22496xf32, #tpu.memory_space<vmem>>[vector<16xi32>], vector<16xf32>, vector<16xi1>
        %gather3A_266 = tpu.vector_load_idx %arg13[%select_n3A_237] : memref<22496xf32, #tpu.memory_space<vmem>>[vector<16xi32>], vector<16xf32>,
        %max3A_267 = arith.maximumf %gather3A_266, %bitcast3A_247 : vector<16xf32>
        tpu.vector_store_idx %arg13[%select_n3A_237], %max3A_267 masked %and3A_234 : memref<22496xf32, #tpu.memory_space<vmem>>[vector<16xi32>], vector<16xf32>, vector<16xi1>
        %gather3A_268 = tpu.vector_load_idx %arg14[%shift_right_arithmetic3A_263] : memref<11248xi32, #tpu.memory_space<vmem>>[vector<16xi32>], vector<16xi32>,
        %or3A_269 = arith.ori %gather3A_268, %shift_left3A_260 : vector<16xi32>
        tpu.vector_store_idx %arg14[%shift_right_arithmetic3A_263], %or3A_269 masked %and3A_234 : memref<11248xi32, #tpu.memory_space<vmem>>[vector<16xi32>], vector<16xi32>, vector<16xi1>
        %gather3A_270 = tpu.vector_load_idx %arg12[%select_n3A_237] : memref<22496xf32, #tpu.memory_space<vmem>>[vector<16xi32>], vector<16xf32>,
        %gather3A_271 = tpu.vector_load_idx %arg14[%shift_right_arithmetic3A_263] : memref<11248xi32, #tpu.memory_space<vmem>>[vector<16xi32>], vector<16xi32>,
        %gather3A_272 = tpu.vector_load_idx %arg13[%select_n3A_237] : memref<22496xf32, #tpu.memory_space<vmem>>[vector<16xi32>], vector<16xf32>,
        %lt3A_273 = arith.cmpf olt, %gather3A_270, %bitcast3A_242 : vector<16xf32>
        %lt3A_274 = arith.cmpf olt, %gather3A_272, %bitcast3A_247 : vector<16xf32>
        %or3A_275 = arith.ori %lt3A_273, %lt3A_274 : vector<16xi1>
        %and3A_276 = arith.andi %gather3A_271, %shift_left3A_260 : vector<16xi32>
        %eq3A_277 = arith.constant 0 : i32
        %eq3A_278 = vector.broadcast %eq3A_277 : i32 to vector<16xi32>
        %eq3A_279 = arith.cmpi eq, %and3A_276, %eq3A_278 : vector<16xi32>
        %or3A_280 = arith.ori %or3A_275, %eq3A_279 : vector<16xi1>
        %and3A_281 = arith.andi %and3A_234, %or3A_280 : vector<16xi1>
        %mul3A_282 = arith.constant 8 : i32
        %mul3A_283 = arith.muli %scan3A_159, %mul3A_282 : i32
        %add3A_284 = arith.constant 2 : i32
        %add3A_285 = arith.addi %mul3A_283, %add3A_284 : i32
        %mul3A_286 = arith.constant 16 : i32
        %mul3A_287 = arith.muli %add3A_285, %mul3A_286 : i32
        %get3A_288 = arith.index_cast %mul3A_287 : i32 to index
        %get3A_289 = tpu.vector_load %arg15[%get3A_288] {strides = array<i32>} : memref<3072xi32, #tpu.memory_space<vmem>>, vector<16xi32>,
        %and3A_290 = arith.constant 1048575 : i32
        %and3A_291 = vector.broadcast %and3A_290 : i32 to vector<16xi32>
        %and3A_292 = arith.andi %get3A_289, %and3A_291 : vector<16xi32>
        %sub3A_293 = vector.broadcast %mul3A_2 : i32 to vector<16xi32>
        %sub3A_294 = arith.subi %and3A_292, %sub3A_293 : vector<16xi32>
        %ge3A_295 = arith.constant 0 : i32
        %ge3A_296 = vector.broadcast %ge3A_295 : i32 to vector<16xi32>
        %ge3A_297 = arith.cmpi sge, %sub3A_294, %ge3A_296 : vector<16xi32>
        %lt3A_298 = arith.constant 22496 : i32
        %lt3A_299 = vector.broadcast %lt3A_298 : i32 to vector<16xi32>
        %lt3A_300 = arith.cmpi slt, %sub3A_294, %lt3A_299 : vector<16xi32>
        %and3A_301 = arith.andi %ge3A_297, %lt3A_300 : vector<16xi1>
        %jit3A_302 = arith.constant 0 : i32
        %broadcast_in_dim3A_303 = vector.broadcast %jit3A_302 : i32 to vector<16xi32>
        %select_n3A_304 = arith.select %and3A_301, %sub3A_294, %broadcast_in_dim3A_303 : vector<16xi1>, vector<16xi32>
        %add3A_305 = arith.constant 1024 : i32
        %add3A_306 = arith.addi %add3A_305, %mul3A_287 : i32
        %get3A_307 = arith.index_cast %add3A_306 : i32 to index
        %get3A_308 = tpu.vector_load %arg15[%get3A_307] {strides = array<i32>} : memref<3072xi32, #tpu.memory_space<vmem>>, vector<16xi32>,
        %bitcast3A_309 = vector.bitcast %get3A_308 : vector<16xi32> to vector<16xf32>
        %add3A_310 = arith.constant 2048 : i32
        %add3A_311 = arith.addi %add3A_310, %mul3A_287 : i32
        %get3A_312 = arith.index_cast %add3A_311 : i32 to index
        %get3A_313 = tpu.vector_load %arg15[%get3A_312] {strides = array<i32>} : memref<3072xi32, #tpu.memory_space<vmem>>, vector<16xi32>,
        %bitcast3A_314 = vector.bitcast %get3A_313 : vector<16xi32> to vector<16xf32>
        tpu.vector_store_idx %arg9[%select_n3A_304], %broadcast_in_dim3A_7 masked %and3A_301 {add = true} : memref<22496xf32, #tpu.memory_space<vmem>>[vector<16xi32>], vector<16xf32>, vector<16xi1>
        tpu.vector_store_idx %arg10[%select_n3A_304], %bitcast3A_309 masked %and3A_301 {add = true} : memref<22496xf32, #tpu.memory_space<vmem>>[vector<16xi32>], vector<16xf32>, vector<16xi1>
        tpu.vector_store_idx %arg11[%select_n3A_304], %bitcast3A_314 masked %and3A_301 {add = true} : memref<22496xf32, #tpu.memory_space<vmem>>[vector<16xi32>], vector<16xf32>, vector<16xi1>
        %shift_right_arithmetic3A_315 = arith.constant 20 : i32
        %shift_right_arithmetic3A_316 = vector.broadcast %shift_right_arithmetic3A_315 : i32 to vector<16xi32>
        %shift_right_arithmetic3A_317 = arith.shrsi %get3A_289, %shift_right_arithmetic3A_316 : vector<16xi32>
        %and3A_318 = arith.constant 1 : i32
        %and3A_319 = vector.broadcast %and3A_318 : i32 to vector<16xi32>
        %and3A_320 = arith.andi %select_n3A_304, %and3A_319 : vector<16xi32>
        %shift_left3A_321 = arith.constant 4 : i32
        %shift_left3A_322 = vector.broadcast %shift_left3A_321 : i32 to vector<16xi32>
        %shift_left3A_323 = arith.shli %and3A_320, %shift_left3A_322 : vector<16xi32>
        %add3A_324 = arith.addi %shift_right_arithmetic3A_317, %shift_left3A_323 : vector<16xi32>
        %shift_left3A_325 = arith.constant 1 : i32
        %shift_left3A_326 = vector.broadcast %shift_left3A_325 : i32 to vector<16xi32>
        %shift_left3A_327 = arith.shli %shift_left3A_326, %add3A_324 : vector<16xi32>
        %shift_right_arithmetic3A_328 = arith.constant 1 : i32
        %shift_right_arithmetic3A_329 = vector.broadcast %shift_right_arithmetic3A_328 : i32 to vector<16xi32>
        %shift_right_arithmetic3A_330 = arith.shrsi %select_n3A_304, %shift_right_arithmetic3A_329 : vector<16xi32>
        %gather3A_331 = tpu.vector_load_idx %arg12[%select_n3A_304] : memref<22496xf32, #tpu.memory_space<vmem>>[vector<16xi32>], vector<16xf32>,
        %max3A_332 = arith.maximumf %gather3A_331, %bitcast3A_309 : vector<16xf32>
        tpu.vector_store_idx %arg12[%select_n3A_304], %max3A_332 masked %and3A_301 : memref<22496xf32, #tpu.memory_space<vmem>>[vector<16xi32>], vector<16xf32>, vector<16xi1>
        %gather3A_333 = tpu.vector_load_idx %arg13[%select_n3A_304] : memref<22496xf32, #tpu.memory_space<vmem>>[vector<16xi32>], vector<16xf32>,
        %max3A_334 = arith.maximumf %gather3A_333, %bitcast3A_314 : vector<16xf32>
        tpu.vector_store_idx %arg13[%select_n3A_304], %max3A_334 masked %and3A_301 : memref<22496xf32, #tpu.memory_space<vmem>>[vector<16xi32>], vector<16xf32>, vector<16xi1>
        %gather3A_335 = tpu.vector_load_idx %arg14[%shift_right_arithmetic3A_330] : memref<11248xi32, #tpu.memory_space<vmem>>[vector<16xi32>], vector<16xi32>,
        %or3A_336 = arith.ori %gather3A_335, %shift_left3A_327 : vector<16xi32>
        tpu.vector_store_idx %arg14[%shift_right_arithmetic3A_330], %or3A_336 masked %and3A_301 : memref<11248xi32, #tpu.memory_space<vmem>>[vector<16xi32>], vector<16xi32>, vector<16xi1>
        %gather3A_337 = tpu.vector_load_idx %arg12[%select_n3A_304] : memref<22496xf32, #tpu.memory_space<vmem>>[vector<16xi32>], vector<16xf32>,
        %gather3A_338 = tpu.vector_load_idx %arg14[%shift_right_arithmetic3A_330] : memref<11248xi32, #tpu.memory_space<vmem>>[vector<16xi32>], vector<16xi32>,
        %gather3A_339 = tpu.vector_load_idx %arg13[%select_n3A_304] : memref<22496xf32, #tpu.memory_space<vmem>>[vector<16xi32>], vector<16xf32>,
        %lt3A_340 = arith.cmpf olt, %gather3A_337, %bitcast3A_309 : vector<16xf32>
        %lt3A_341 = arith.cmpf olt, %gather3A_339, %bitcast3A_314 : vector<16xf32>
        %or3A_342 = arith.ori %lt3A_340, %lt3A_341 : vector<16xi1>
        %and3A_343 = arith.andi %gather3A_338, %shift_left3A_327 : vector<16xi32>
        %eq3A_344 = arith.constant 0 : i32
        %eq3A_345 = vector.broadcast %eq3A_344 : i32 to vector<16xi32>
        %eq3A_346 = arith.cmpi eq, %and3A_343, %eq3A_345 : vector<16xi32>
        %or3A_347 = arith.ori %or3A_342, %eq3A_346 : vector<16xi1>
        %and3A_348 = arith.andi %and3A_301, %or3A_347 : vector<16xi1>
        %mul3A_349 = arith.constant 8 : i32
        %mul3A_350 = arith.muli %scan3A_159, %mul3A_349 : i32
        %add3A_351 = arith.constant 3 : i32
        %add3A_352 = arith.addi %mul3A_350, %add3A_351 : i32
        %mul3A_353 = arith.constant 16 : i32
        %mul3A_354 = arith.muli %add3A_352, %mul3A_353 : i32
        %get3A_355 = arith.index_cast %mul3A_354 : i32 to index
        %get3A_356 = tpu.vector_load %arg15[%get3A_355] {strides = array<i32>} : memref<3072xi32, #tpu.memory_space<vmem>>, vector<16xi32>,
        %and3A_357 = arith.constant 1048575 : i32
        %and3A_358 = vector.broadcast %and3A_357 : i32 to vector<16xi32>
        %and3A_359 = arith.andi %get3A_356, %and3A_358 : vector<16xi32>
        %sub3A_360 = vector.broadcast %mul3A_2 : i32 to vector<16xi32>
        %sub3A_361 = arith.subi %and3A_359, %sub3A_360 : vector<16xi32>
        %ge3A_362 = arith.constant 0 : i32
        %ge3A_363 = vector.broadcast %ge3A_362 : i32 to vector<16xi32>
        %ge3A_364 = arith.cmpi sge, %sub3A_361, %ge3A_363 : vector<16xi32>
        %lt3A_365 = arith.constant 22496 : i32
        %lt3A_366 = vector.broadcast %lt3A_365 : i32 to vector<16xi32>
        %lt3A_367 = arith.cmpi slt, %sub3A_361, %lt3A_366 : vector<16xi32>
        %and3A_368 = arith.andi %ge3A_364, %lt3A_367 : vector<16xi1>
        %jit3A_369 = arith.constant 0 : i32
        %broadcast_in_dim3A_370 = vector.broadcast %jit3A_369 : i32 to vector<16xi32>
        %select_n3A_371 = arith.select %and3A_368, %sub3A_361, %broadcast_in_dim3A_370 : vector<16xi1>, vector<16xi32>
        %add3A_372 = arith.constant 1024 : i32
        %add3A_373 = arith.addi %add3A_372, %mul3A_354 : i32
        %get3A_374 = arith.index_cast %add3A_373 : i32 to index
        %get3A_375 = tpu.vector_load %arg15[%get3A_374] {strides = array<i32>} : memref<3072xi32, #tpu.memory_space<vmem>>, vector<16xi32>,
        %bitcast3A_376 = vector.bitcast %get3A_375 : vector<16xi32> to vector<16xf32>
        %add3A_377 = arith.constant 2048 : i32
        %add3A_378 = arith.addi %add3A_377, %mul3A_354 : i32
        %get3A_379 = arith.index_cast %add3A_378 : i32 to index
        %get3A_380 = tpu.vector_load %arg15[%get3A_379] {strides = array<i32>} : memref<3072xi32, #tpu.memory_space<vmem>>, vector<16xi32>,
        %bitcast3A_381 = vector.bitcast %get3A_380 : vector<16xi32> to vector<16xf32>
        tpu.vector_store_idx %arg9[%select_n3A_371], %broadcast_in_dim3A_7 masked %and3A_368 {add = true} : memref<22496xf32, #tpu.memory_space<vmem>>[vector<16xi32>], vector<16xf32>, vector<16xi1>
        tpu.vector_store_idx %arg10[%select_n3A_371], %bitcast3A_376 masked %and3A_368 {add = true} : memref<22496xf32, #tpu.memory_space<vmem>>[vector<16xi32>], vector<16xf32>, vector<16xi1>
        tpu.vector_store_idx %arg11[%select_n3A_371], %bitcast3A_381 masked %and3A_368 {add = true} : memref<22496xf32, #tpu.memory_space<vmem>>[vector<16xi32>], vector<16xf32>, vector<16xi1>
        %shift_right_arithmetic3A_382 = arith.constant 20 : i32
        %shift_right_arithmetic3A_383 = vector.broadcast %shift_right_arithmetic3A_382 : i32 to vector<16xi32>
        %shift_right_arithmetic3A_384 = arith.shrsi %get3A_356, %shift_right_arithmetic3A_383 : vector<16xi32>
        %and3A_385 = arith.constant 1 : i32
        %and3A_386 = vector.broadcast %and3A_385 : i32 to vector<16xi32>
        %and3A_387 = arith.andi %select_n3A_371, %and3A_386 : vector<16xi32>
        %shift_left3A_388 = arith.constant 4 : i32
        %shift_left3A_389 = vector.broadcast %shift_left3A_388 : i32 to vector<16xi32>
        %shift_left3A_390 = arith.shli %and3A_387, %shift_left3A_389 : vector<16xi32>
        %add3A_391 = arith.addi %shift_right_arithmetic3A_384, %shift_left3A_390 : vector<16xi32>
        %shift_left3A_392 = arith.constant 1 : i32
        %shift_left3A_393 = vector.broadcast %shift_left3A_392 : i32 to vector<16xi32>
        %shift_left3A_394 = arith.shli %shift_left3A_393, %add3A_391 : vector<16xi32>
        %shift_right_arithmetic3A_395 = arith.constant 1 : i32
        %shift_right_arithmetic3A_396 = vector.broadcast %shift_right_arithmetic3A_395 : i32 to vector<16xi32>
        %shift_right_arithmetic3A_397 = arith.shrsi %select_n3A_371, %shift_right_arithmetic3A_396 : vector<16xi32>
        %gather3A_398 = tpu.vector_load_idx %arg12[%select_n3A_371] : memref<22496xf32, #tpu.memory_space<vmem>>[vector<16xi32>], vector<16xf32>,
        %max3A_399 = arith.maximumf %gather3A_398, %bitcast3A_376 : vector<16xf32>
        tpu.vector_store_idx %arg12[%select_n3A_371], %max3A_399 masked %and3A_368 : memref<22496xf32, #tpu.memory_space<vmem>>[vector<16xi32>], vector<16xf32>, vector<16xi1>
        %gather3A_400 = tpu.vector_load_idx %arg13[%select_n3A_371] : memref<22496xf32, #tpu.memory_space<vmem>>[vector<16xi32>], vector<16xf32>,
        %max3A_401 = arith.maximumf %gather3A_400, %bitcast3A_381 : vector<16xf32>
        tpu.vector_store_idx %arg13[%select_n3A_371], %max3A_401 masked %and3A_368 : memref<22496xf32, #tpu.memory_space<vmem>>[vector<16xi32>], vector<16xf32>, vector<16xi1>
        %gather3A_402 = tpu.vector_load_idx %arg14[%shift_right_arithmetic3A_397] : memref<11248xi32, #tpu.memory_space<vmem>>[vector<16xi32>], vector<16xi32>,
        %or3A_403 = arith.ori %gather3A_402, %shift_left3A_394 : vector<16xi32>
        tpu.vector_store_idx %arg14[%shift_right_arithmetic3A_397], %or3A_403 masked %and3A_368 : memref<11248xi32, #tpu.memory_space<vmem>>[vector<16xi32>], vector<16xi32>, vector<16xi1>
        %gather3A_404 = tpu.vector_load_idx %arg12[%select_n3A_371] : memref<22496xf32, #tpu.memory_space<vmem>>[vector<16xi32>], vector<16xf32>,
        %gather3A_405 = tpu.vector_load_idx %arg14[%shift_right_arithmetic3A_397] : memref<11248xi32, #tpu.memory_space<vmem>>[vector<16xi32>], vector<16xi32>,
        %gather3A_406 = tpu.vector_load_idx %arg13[%select_n3A_371] : memref<22496xf32, #tpu.memory_space<vmem>>[vector<16xi32>], vector<16xf32>,
        %lt3A_407 = arith.cmpf olt, %gather3A_404, %bitcast3A_376 : vector<16xf32>
        %lt3A_408 = arith.cmpf olt, %gather3A_406, %bitcast3A_381 : vector<16xf32>
        %or3A_409 = arith.ori %lt3A_407, %lt3A_408 : vector<16xi1>
        %and3A_410 = arith.andi %gather3A_405, %shift_left3A_394 : vector<16xi32>
        %eq3A_411 = arith.constant 0 : i32
        %eq3A_412 = vector.broadcast %eq3A_411 : i32 to vector<16xi32>
        %eq3A_413 = arith.cmpi eq, %and3A_410, %eq3A_412 : vector<16xi32>
        %or3A_414 = arith.ori %or3A_409, %eq3A_413 : vector<16xi1>
        %and3A_415 = arith.andi %and3A_368, %or3A_414 : vector<16xi1>
        %mul3A_416 = arith.constant 8 : i32
        %mul3A_417 = arith.muli %scan3A_159, %mul3A_416 : i32
        %add3A_418 = arith.constant 4 : i32
        %add3A_419 = arith.addi %mul3A_417, %add3A_418 : i32
        %mul3A_420 = arith.constant 16 : i32
        %mul3A_421 = arith.muli %add3A_419, %mul3A_420 : i32
        %get3A_422 = arith.index_cast %mul3A_421 : i32 to index
        %get3A_423 = tpu.vector_load %arg15[%get3A_422] {strides = array<i32>} : memref<3072xi32, #tpu.memory_space<vmem>>, vector<16xi32>,
        %and3A_424 = arith.constant 1048575 : i32
        %and3A_425 = vector.broadcast %and3A_424 : i32 to vector<16xi32>
        %and3A_426 = arith.andi %get3A_423, %and3A_425 : vector<16xi32>
        %sub3A_427 = vector.broadcast %mul3A_2 : i32 to vector<16xi32>
        %sub3A_428 = arith.subi %and3A_426, %sub3A_427 : vector<16xi32>
        %ge3A_429 = arith.constant 0 : i32
        %ge3A_430 = vector.broadcast %ge3A_429 : i32 to vector<16xi32>
        %ge3A_431 = arith.cmpi sge, %sub3A_428, %ge3A_430 : vector<16xi32>
        %lt3A_432 = arith.constant 22496 : i32
        %lt3A_433 = vector.broadcast %lt3A_432 : i32 to vector<16xi32>
        %lt3A_434 = arith.cmpi slt, %sub3A_428, %lt3A_433 : vector<16xi32>
        %and3A_435 = arith.andi %ge3A_431, %lt3A_434 : vector<16xi1>
        %jit3A_436 = arith.constant 0 : i32
        %broadcast_in_dim3A_437 = vector.broadcast %jit3A_436 : i32 to vector<16xi32>
        %select_n3A_438 = arith.select %and3A_435, %sub3A_428, %broadcast_in_dim3A_437 : vector<16xi1>, vector<16xi32>
        %add3A_439 = arith.constant 1024 : i32
        %add3A_440 = arith.addi %add3A_439, %mul3A_421 : i32
        %get3A_441 = arith.index_cast %add3A_440 : i32 to index
        %get3A_442 = tpu.vector_load %arg15[%get3A_441] {strides = array<i32>} : memref<3072xi32, #tpu.memory_space<vmem>>, vector<16xi32>,
        %bitcast3A_443 = vector.bitcast %get3A_442 : vector<16xi32> to vector<16xf32>
        %add3A_444 = arith.constant 2048 : i32
        %add3A_445 = arith.addi %add3A_444, %mul3A_421 : i32
        %get3A_446 = arith.index_cast %add3A_445 : i32 to index
        %get3A_447 = tpu.vector_load %arg15[%get3A_446] {strides = array<i32>} : memref<3072xi32, #tpu.memory_space<vmem>>, vector<16xi32>,
        %bitcast3A_448 = vector.bitcast %get3A_447 : vector<16xi32> to vector<16xf32>
        tpu.vector_store_idx %arg9[%select_n3A_438], %broadcast_in_dim3A_7 masked %and3A_435 {add = true} : memref<22496xf32, #tpu.memory_space<vmem>>[vector<16xi32>], vector<16xf32>, vector<16xi1>
        tpu.vector_store_idx %arg10[%select_n3A_438], %bitcast3A_443 masked %and3A_435 {add = true} : memref<22496xf32, #tpu.memory_space<vmem>>[vector<16xi32>], vector<16xf32>, vector<16xi1>
        tpu.vector_store_idx %arg11[%select_n3A_438], %bitcast3A_448 masked %and3A_435 {add = true} : memref<22496xf32, #tpu.memory_space<vmem>>[vector<16xi32>], vector<16xf32>, vector<16xi1>
        %shift_right_arithmetic3A_449 = arith.constant 20 : i32
        %shift_right_arithmetic3A_450 = vector.broadcast %shift_right_arithmetic3A_449 : i32 to vector<16xi32>
        %shift_right_arithmetic3A_451 = arith.shrsi %get3A_423, %shift_right_arithmetic3A_450 : vector<16xi32>
        %and3A_452 = arith.constant 1 : i32
        %and3A_453 = vector.broadcast %and3A_452 : i32 to vector<16xi32>
        %and3A_454 = arith.andi %select_n3A_438, %and3A_453 : vector<16xi32>
        %shift_left3A_455 = arith.constant 4 : i32
        %shift_left3A_456 = vector.broadcast %shift_left3A_455 : i32 to vector<16xi32>
        %shift_left3A_457 = arith.shli %and3A_454, %shift_left3A_456 : vector<16xi32>
        %add3A_458 = arith.addi %shift_right_arithmetic3A_451, %shift_left3A_457 : vector<16xi32>
        %shift_left3A_459 = arith.constant 1 : i32
        %shift_left3A_460 = vector.broadcast %shift_left3A_459 : i32 to vector<16xi32>
        %shift_left3A_461 = arith.shli %shift_left3A_460, %add3A_458 : vector<16xi32>
        %shift_right_arithmetic3A_462 = arith.constant 1 : i32
        %shift_right_arithmetic3A_463 = vector.broadcast %shift_right_arithmetic3A_462 : i32 to vector<16xi32>
        %shift_right_arithmetic3A_464 = arith.shrsi %select_n3A_438, %shift_right_arithmetic3A_463 : vector<16xi32>
        %gather3A_465 = tpu.vector_load_idx %arg12[%select_n3A_438] : memref<22496xf32, #tpu.memory_space<vmem>>[vector<16xi32>], vector<16xf32>,
        %max3A_466 = arith.maximumf %gather3A_465, %bitcast3A_443 : vector<16xf32>
        tpu.vector_store_idx %arg12[%select_n3A_438], %max3A_466 masked %and3A_435 : memref<22496xf32, #tpu.memory_space<vmem>>[vector<16xi32>], vector<16xf32>, vector<16xi1>
        %gather3A_467 = tpu.vector_load_idx %arg13[%select_n3A_438] : memref<22496xf32, #tpu.memory_space<vmem>>[vector<16xi32>], vector<16xf32>,
        %max3A_468 = arith.maximumf %gather3A_467, %bitcast3A_448 : vector<16xf32>
        tpu.vector_store_idx %arg13[%select_n3A_438], %max3A_468 masked %and3A_435 : memref<22496xf32, #tpu.memory_space<vmem>>[vector<16xi32>], vector<16xf32>, vector<16xi1>
        %gather3A_469 = tpu.vector_load_idx %arg14[%shift_right_arithmetic3A_464] : memref<11248xi32, #tpu.memory_space<vmem>>[vector<16xi32>], vector<16xi32>,
        %or3A_470 = arith.ori %gather3A_469, %shift_left3A_461 : vector<16xi32>
        tpu.vector_store_idx %arg14[%shift_right_arithmetic3A_464], %or3A_470 masked %and3A_435 : memref<11248xi32, #tpu.memory_space<vmem>>[vector<16xi32>], vector<16xi32>, vector<16xi1>
        %gather3A_471 = tpu.vector_load_idx %arg12[%select_n3A_438] : memref<22496xf32, #tpu.memory_space<vmem>>[vector<16xi32>], vector<16xf32>,
        %gather3A_472 = tpu.vector_load_idx %arg14[%shift_right_arithmetic3A_464] : memref<11248xi32, #tpu.memory_space<vmem>>[vector<16xi32>], vector<16xi32>,
        %gather3A_473 = tpu.vector_load_idx %arg13[%select_n3A_438] : memref<22496xf32, #tpu.memory_space<vmem>>[vector<16xi32>], vector<16xf32>,
        %lt3A_474 = arith.cmpf olt, %gather3A_471, %bitcast3A_443 : vector<16xf32>
        %lt3A_475 = arith.cmpf olt, %gather3A_473, %bitcast3A_448 : vector<16xf32>
        %or3A_476 = arith.ori %lt3A_474, %lt3A_475 : vector<16xi1>
        %and3A_477 = arith.andi %gather3A_472, %shift_left3A_461 : vector<16xi32>
        %eq3A_478 = arith.constant 0 : i32
        %eq3A_479 = vector.broadcast %eq3A_478 : i32 to vector<16xi32>
        %eq3A_480 = arith.cmpi eq, %and3A_477, %eq3A_479 : vector<16xi32>
        %or3A_481 = arith.ori %or3A_476, %eq3A_480 : vector<16xi1>
        %and3A_482 = arith.andi %and3A_435, %or3A_481 : vector<16xi1>
        %mul3A_483 = arith.constant 8 : i32
        %mul3A_484 = arith.muli %scan3A_159, %mul3A_483 : i32
        %add3A_485 = arith.constant 5 : i32
        %add3A_486 = arith.addi %mul3A_484, %add3A_485 : i32
        %mul3A_487 = arith.constant 16 : i32
        %mul3A_488 = arith.muli %add3A_486, %mul3A_487 : i32
        %get3A_489 = arith.index_cast %mul3A_488 : i32 to index
        %get3A_490 = tpu.vector_load %arg15[%get3A_489] {strides = array<i32>} : memref<3072xi32, #tpu.memory_space<vmem>>, vector<16xi32>,
        %and3A_491 = arith.constant 1048575 : i32
        %and3A_492 = vector.broadcast %and3A_491 : i32 to vector<16xi32>
        %and3A_493 = arith.andi %get3A_490, %and3A_492 : vector<16xi32>
        %sub3A_494 = vector.broadcast %mul3A_2 : i32 to vector<16xi32>
        %sub3A_495 = arith.subi %and3A_493, %sub3A_494 : vector<16xi32>
        %ge3A_496 = arith.constant 0 : i32
        %ge3A_497 = vector.broadcast %ge3A_496 : i32 to vector<16xi32>
        %ge3A_498 = arith.cmpi sge, %sub3A_495, %ge3A_497 : vector<16xi32>
        %lt3A_499 = arith.constant 22496 : i32
        %lt3A_500 = vector.broadcast %lt3A_499 : i32 to vector<16xi32>
        %lt3A_501 = arith.cmpi slt, %sub3A_495, %lt3A_500 : vector<16xi32>
        %and3A_502 = arith.andi %ge3A_498, %lt3A_501 : vector<16xi1>
        %jit3A_503 = arith.constant 0 : i32
        %broadcast_in_dim3A_504 = vector.broadcast %jit3A_503 : i32 to vector<16xi32>
        %select_n3A_505 = arith.select %and3A_502, %sub3A_495, %broadcast_in_dim3A_504 : vector<16xi1>, vector<16xi32>
        %add3A_506 = arith.constant 1024 : i32
        %add3A_507 = arith.addi %add3A_506, %mul3A_488 : i32
        %get3A_508 = arith.index_cast %add3A_507 : i32 to index
        %get3A_509 = tpu.vector_load %arg15[%get3A_508] {strides = array<i32>} : memref<3072xi32, #tpu.memory_space<vmem>>, vector<16xi32>,
        %bitcast3A_510 = vector.bitcast %get3A_509 : vector<16xi32> to vector<16xf32>
        %add3A_511 = arith.constant 2048 : i32
        %add3A_512 = arith.addi %add3A_511, %mul3A_488 : i32
        %get3A_513 = arith.index_cast %add3A_512 : i32 to index
        %get3A_514 = tpu.vector_load %arg15[%get3A_513] {strides = array<i32>} : memref<3072xi32, #tpu.memory_space<vmem>>, vector<16xi32>,
        %bitcast3A_515 = vector.bitcast %get3A_514 : vector<16xi32> to vector<16xf32>
        tpu.vector_store_idx %arg9[%select_n3A_505], %broadcast_in_dim3A_7 masked %and3A_502 {add = true} : memref<22496xf32, #tpu.memory_space<vmem>>[vector<16xi32>], vector<16xf32>, vector<16xi1>
        tpu.vector_store_idx %arg10[%select_n3A_505], %bitcast3A_510 masked %and3A_502 {add = true} : memref<22496xf32, #tpu.memory_space<vmem>>[vector<16xi32>], vector<16xf32>, vector<16xi1>
        tpu.vector_store_idx %arg11[%select_n3A_505], %bitcast3A_515 masked %and3A_502 {add = true} : memref<22496xf32, #tpu.memory_space<vmem>>[vector<16xi32>], vector<16xf32>, vector<16xi1>
        %shift_right_arithmetic3A_516 = arith.constant 20 : i32
        %shift_right_arithmetic3A_517 = vector.broadcast %shift_right_arithmetic3A_516 : i32 to vector<16xi32>
        %shift_right_arithmetic3A_518 = arith.shrsi %get3A_490, %shift_right_arithmetic3A_517 : vector<16xi32>
        %and3A_519 = arith.constant 1 : i32
        %and3A_520 = vector.broadcast %and3A_519 : i32 to vector<16xi32>
        %and3A_521 = arith.andi %select_n3A_505, %and3A_520 : vector<16xi32>
        %shift_left3A_522 = arith.constant 4 : i32
        %shift_left3A_523 = vector.broadcast %shift_left3A_522 : i32 to vector<16xi32>
        %shift_left3A_524 = arith.shli %and3A_521, %shift_left3A_523 : vector<16xi32>
        %add3A_525 = arith.addi %shift_right_arithmetic3A_518, %shift_left3A_524 : vector<16xi32>
        %shift_left3A_526 = arith.constant 1 : i32
        %shift_left3A_527 = vector.broadcast %shift_left3A_526 : i32 to vector<16xi32>
        %shift_left3A_528 = arith.shli %shift_left3A_527, %add3A_525 : vector<16xi32>
        %shift_right_arithmetic3A_529 = arith.constant 1 : i32
        %shift_right_arithmetic3A_530 = vector.broadcast %shift_right_arithmetic3A_529 : i32 to vector<16xi32>
        %shift_right_arithmetic3A_531 = arith.shrsi %select_n3A_505, %shift_right_arithmetic3A_530 : vector<16xi32>
        %gather3A_532 = tpu.vector_load_idx %arg12[%select_n3A_505] : memref<22496xf32, #tpu.memory_space<vmem>>[vector<16xi32>], vector<16xf32>,
        %max3A_533 = arith.maximumf %gather3A_532, %bitcast3A_510 : vector<16xf32>
        tpu.vector_store_idx %arg12[%select_n3A_505], %max3A_533 masked %and3A_502 : memref<22496xf32, #tpu.memory_space<vmem>>[vector<16xi32>], vector<16xf32>, vector<16xi1>
        %gather3A_534 = tpu.vector_load_idx %arg13[%select_n3A_505] : memref<22496xf32, #tpu.memory_space<vmem>>[vector<16xi32>], vector<16xf32>,
        %max3A_535 = arith.maximumf %gather3A_534, %bitcast3A_515 : vector<16xf32>
        tpu.vector_store_idx %arg13[%select_n3A_505], %max3A_535 masked %and3A_502 : memref<22496xf32, #tpu.memory_space<vmem>>[vector<16xi32>], vector<16xf32>, vector<16xi1>
        %gather3A_536 = tpu.vector_load_idx %arg14[%shift_right_arithmetic3A_531] : memref<11248xi32, #tpu.memory_space<vmem>>[vector<16xi32>], vector<16xi32>,
        %or3A_537 = arith.ori %gather3A_536, %shift_left3A_528 : vector<16xi32>
        tpu.vector_store_idx %arg14[%shift_right_arithmetic3A_531], %or3A_537 masked %and3A_502 : memref<11248xi32, #tpu.memory_space<vmem>>[vector<16xi32>], vector<16xi32>, vector<16xi1>
        %gather3A_538 = tpu.vector_load_idx %arg12[%select_n3A_505] : memref<22496xf32, #tpu.memory_space<vmem>>[vector<16xi32>], vector<16xf32>,
        %gather3A_539 = tpu.vector_load_idx %arg14[%shift_right_arithmetic3A_531] : memref<11248xi32, #tpu.memory_space<vmem>>[vector<16xi32>], vector<16xi32>,
        %gather3A_540 = tpu.vector_load_idx %arg13[%select_n3A_505] : memref<22496xf32, #tpu.memory_space<vmem>>[vector<16xi32>], vector<16xf32>,
        %lt3A_541 = arith.cmpf olt, %gather3A_538, %bitcast3A_510 : vector<16xf32>
        %lt3A_542 = arith.cmpf olt, %gather3A_540, %bitcast3A_515 : vector<16xf32>
        %or3A_543 = arith.ori %lt3A_541, %lt3A_542 : vector<16xi1>
        %and3A_544 = arith.andi %gather3A_539, %shift_left3A_528 : vector<16xi32>
        %eq3A_545 = arith.constant 0 : i32
        %eq3A_546 = vector.broadcast %eq3A_545 : i32 to vector<16xi32>
        %eq3A_547 = arith.cmpi eq, %and3A_544, %eq3A_546 : vector<16xi32>
        %or3A_548 = arith.ori %or3A_543, %eq3A_547 : vector<16xi1>
        %and3A_549 = arith.andi %and3A_502, %or3A_548 : vector<16xi1>
        %mul3A_550 = arith.constant 8 : i32
        %mul3A_551 = arith.muli %scan3A_159, %mul3A_550 : i32
        %add3A_552 = arith.constant 6 : i32
        %add3A_553 = arith.addi %mul3A_551, %add3A_552 : i32
        %mul3A_554 = arith.constant 16 : i32
        %mul3A_555 = arith.muli %add3A_553, %mul3A_554 : i32
        %get3A_556 = arith.index_cast %mul3A_555 : i32 to index
        %get3A_557 = tpu.vector_load %arg15[%get3A_556] {strides = array<i32>} : memref<3072xi32, #tpu.memory_space<vmem>>, vector<16xi32>,
        %and3A_558 = arith.constant 1048575 : i32
        %and3A_559 = vector.broadcast %and3A_558 : i32 to vector<16xi32>
        %and3A_560 = arith.andi %get3A_557, %and3A_559 : vector<16xi32>
        %sub3A_561 = vector.broadcast %mul3A_2 : i32 to vector<16xi32>
        %sub3A_562 = arith.subi %and3A_560, %sub3A_561 : vector<16xi32>
        %ge3A_563 = arith.constant 0 : i32
        %ge3A_564 = vector.broadcast %ge3A_563 : i32 to vector<16xi32>
        %ge3A_565 = arith.cmpi sge, %sub3A_562, %ge3A_564 : vector<16xi32>
        %lt3A_566 = arith.constant 22496 : i32
        %lt3A_567 = vector.broadcast %lt3A_566 : i32 to vector<16xi32>
        %lt3A_568 = arith.cmpi slt, %sub3A_562, %lt3A_567 : vector<16xi32>
        %and3A_569 = arith.andi %ge3A_565, %lt3A_568 : vector<16xi1>
        %jit3A_570 = arith.constant 0 : i32
        %broadcast_in_dim3A_571 = vector.broadcast %jit3A_570 : i32 to vector<16xi32>
        %select_n3A_572 = arith.select %and3A_569, %sub3A_562, %broadcast_in_dim3A_571 : vector<16xi1>, vector<16xi32>
        %add3A_573 = arith.constant 1024 : i32
        %add3A_574 = arith.addi %add3A_573, %mul3A_555 : i32
        %get3A_575 = arith.index_cast %add3A_574 : i32 to index
        %get3A_576 = tpu.vector_load %arg15[%get3A_575] {strides = array<i32>} : memref<3072xi32, #tpu.memory_space<vmem>>, vector<16xi32>,
        %bitcast3A_577 = vector.bitcast %get3A_576 : vector<16xi32> to vector<16xf32>
        %add3A_578 = arith.constant 2048 : i32
        %add3A_579 = arith.addi %add3A_578, %mul3A_555 : i32
        %get3A_580 = arith.index_cast %add3A_579 : i32 to index
        %get3A_581 = tpu.vector_load %arg15[%get3A_580] {strides = array<i32>} : memref<3072xi32, #tpu.memory_space<vmem>>, vector<16xi32>,
        %bitcast3A_582 = vector.bitcast %get3A_581 : vector<16xi32> to vector<16xf32>
        tpu.vector_store_idx %arg9[%select_n3A_572], %broadcast_in_dim3A_7 masked %and3A_569 {add = true} : memref<22496xf32, #tpu.memory_space<vmem>>[vector<16xi32>], vector<16xf32>, vector<16xi1>
        tpu.vector_store_idx %arg10[%select_n3A_572], %bitcast3A_577 masked %and3A_569 {add = true} : memref<22496xf32, #tpu.memory_space<vmem>>[vector<16xi32>], vector<16xf32>, vector<16xi1>
        tpu.vector_store_idx %arg11[%select_n3A_572], %bitcast3A_582 masked %and3A_569 {add = true} : memref<22496xf32, #tpu.memory_space<vmem>>[vector<16xi32>], vector<16xf32>, vector<16xi1>
        %shift_right_arithmetic3A_583 = arith.constant 20 : i32
        %shift_right_arithmetic3A_584 = vector.broadcast %shift_right_arithmetic3A_583 : i32 to vector<16xi32>
        %shift_right_arithmetic3A_585 = arith.shrsi %get3A_557, %shift_right_arithmetic3A_584 : vector<16xi32>
        %and3A_586 = arith.constant 1 : i32
        %and3A_587 = vector.broadcast %and3A_586 : i32 to vector<16xi32>
        %and3A_588 = arith.andi %select_n3A_572, %and3A_587 : vector<16xi32>
        %shift_left3A_589 = arith.constant 4 : i32
        %shift_left3A_590 = vector.broadcast %shift_left3A_589 : i32 to vector<16xi32>
        %shift_left3A_591 = arith.shli %and3A_588, %shift_left3A_590 : vector<16xi32>
        %add3A_592 = arith.addi %shift_right_arithmetic3A_585, %shift_left3A_591 : vector<16xi32>
        %shift_left3A_593 = arith.constant 1 : i32
        %shift_left3A_594 = vector.broadcast %shift_left3A_593 : i32 to vector<16xi32>
        %shift_left3A_595 = arith.shli %shift_left3A_594, %add3A_592 : vector<16xi32>
        %shift_right_arithmetic3A_596 = arith.constant 1 : i32
        %shift_right_arithmetic3A_597 = vector.broadcast %shift_right_arithmetic3A_596 : i32 to vector<16xi32>
        %shift_right_arithmetic3A_598 = arith.shrsi %select_n3A_572, %shift_right_arithmetic3A_597 : vector<16xi32>
        %gather3A_599 = tpu.vector_load_idx %arg12[%select_n3A_572] : memref<22496xf32, #tpu.memory_space<vmem>>[vector<16xi32>], vector<16xf32>,
        %max3A_600 = arith.maximumf %gather3A_599, %bitcast3A_577 : vector<16xf32>
        tpu.vector_store_idx %arg12[%select_n3A_572], %max3A_600 masked %and3A_569 : memref<22496xf32, #tpu.memory_space<vmem>>[vector<16xi32>], vector<16xf32>, vector<16xi1>
        %gather3A_601 = tpu.vector_load_idx %arg13[%select_n3A_572] : memref<22496xf32, #tpu.memory_space<vmem>>[vector<16xi32>], vector<16xf32>,
        %max3A_602 = arith.maximumf %gather3A_601, %bitcast3A_582 : vector<16xf32>
        tpu.vector_store_idx %arg13[%select_n3A_572], %max3A_602 masked %and3A_569 : memref<22496xf32, #tpu.memory_space<vmem>>[vector<16xi32>], vector<16xf32>, vector<16xi1>
        %gather3A_603 = tpu.vector_load_idx %arg14[%shift_right_arithmetic3A_598] : memref<11248xi32, #tpu.memory_space<vmem>>[vector<16xi32>], vector<16xi32>,
        %or3A_604 = arith.ori %gather3A_603, %shift_left3A_595 : vector<16xi32>
        tpu.vector_store_idx %arg14[%shift_right_arithmetic3A_598], %or3A_604 masked %and3A_569 : memref<11248xi32, #tpu.memory_space<vmem>>[vector<16xi32>], vector<16xi32>, vector<16xi1>
        %gather3A_605 = tpu.vector_load_idx %arg12[%select_n3A_572] : memref<22496xf32, #tpu.memory_space<vmem>>[vector<16xi32>], vector<16xf32>,
        %gather3A_606 = tpu.vector_load_idx %arg14[%shift_right_arithmetic3A_598] : memref<11248xi32, #tpu.memory_space<vmem>>[vector<16xi32>], vector<16xi32>,
        %gather3A_607 = tpu.vector_load_idx %arg13[%select_n3A_572] : memref<22496xf32, #tpu.memory_space<vmem>>[vector<16xi32>], vector<16xf32>,
        %lt3A_608 = arith.cmpf olt, %gather3A_605, %bitcast3A_577 : vector<16xf32>
        %lt3A_609 = arith.cmpf olt, %gather3A_607, %bitcast3A_582 : vector<16xf32>
        %or3A_610 = arith.ori %lt3A_608, %lt3A_609 : vector<16xi1>
        %and3A_611 = arith.andi %gather3A_606, %shift_left3A_595 : vector<16xi32>
        %eq3A_612 = arith.constant 0 : i32
        %eq3A_613 = vector.broadcast %eq3A_612 : i32 to vector<16xi32>
        %eq3A_614 = arith.cmpi eq, %and3A_611, %eq3A_613 : vector<16xi32>
        %or3A_615 = arith.ori %or3A_610, %eq3A_614 : vector<16xi1>
        %and3A_616 = arith.andi %and3A_569, %or3A_615 : vector<16xi1>
        %mul3A_617 = arith.constant 8 : i32
        %mul3A_618 = arith.muli %scan3A_159, %mul3A_617 : i32
        %add3A_619 = arith.constant 7 : i32
        %add3A_620 = arith.addi %mul3A_618, %add3A_619 : i32
        %mul3A_621 = arith.constant 16 : i32
        %mul3A_622 = arith.muli %add3A_620, %mul3A_621 : i32
        %get3A_623 = arith.index_cast %mul3A_622 : i32 to index
        %get3A_624 = tpu.vector_load %arg15[%get3A_623] {strides = array<i32>} : memref<3072xi32, #tpu.memory_space<vmem>>, vector<16xi32>,
        %and3A_625 = arith.constant 1048575 : i32
        %and3A_626 = vector.broadcast %and3A_625 : i32 to vector<16xi32>
        %and3A_627 = arith.andi %get3A_624, %and3A_626 : vector<16xi32>
        %sub3A_628 = vector.broadcast %mul3A_2 : i32 to vector<16xi32>
        %sub3A_629 = arith.subi %and3A_627, %sub3A_628 : vector<16xi32>
        %ge3A_630 = arith.constant 0 : i32
        %ge3A_631 = vector.broadcast %ge3A_630 : i32 to vector<16xi32>
        %ge3A_632 = arith.cmpi sge, %sub3A_629, %ge3A_631 : vector<16xi32>
        %lt3A_633 = arith.constant 22496 : i32
        %lt3A_634 = vector.broadcast %lt3A_633 : i32 to vector<16xi32>
        %lt3A_635 = arith.cmpi slt, %sub3A_629, %lt3A_634 : vector<16xi32>
        %and3A_636 = arith.andi %ge3A_632, %lt3A_635 : vector<16xi1>
        %jit3A_637 = arith.constant 0 : i32
        %broadcast_in_dim3A_638 = vector.broadcast %jit3A_637 : i32 to vector<16xi32>
        %select_n3A_639 = arith.select %and3A_636, %sub3A_629, %broadcast_in_dim3A_638 : vector<16xi1>, vector<16xi32>
        %add3A_640 = arith.constant 1024 : i32
        %add3A_641 = arith.addi %add3A_640, %mul3A_622 : i32
        %get3A_642 = arith.index_cast %add3A_641 : i32 to index
        %get3A_643 = tpu.vector_load %arg15[%get3A_642] {strides = array<i32>} : memref<3072xi32, #tpu.memory_space<vmem>>, vector<16xi32>,
        %bitcast3A_644 = vector.bitcast %get3A_643 : vector<16xi32> to vector<16xf32>
        %add3A_645 = arith.constant 2048 : i32
        %add3A_646 = arith.addi %add3A_645, %mul3A_622 : i32
        %get3A_647 = arith.index_cast %add3A_646 : i32 to index
        %get3A_648 = tpu.vector_load %arg15[%get3A_647] {strides = array<i32>} : memref<3072xi32, #tpu.memory_space<vmem>>, vector<16xi32>,
        %bitcast3A_649 = vector.bitcast %get3A_648 : vector<16xi32> to vector<16xf32>
        tpu.vector_store_idx %arg9[%select_n3A_639], %broadcast_in_dim3A_7 masked %and3A_636 {add = true} : memref<22496xf32, #tpu.memory_space<vmem>>[vector<16xi32>], vector<16xf32>, vector<16xi1>
        tpu.vector_store_idx %arg10[%select_n3A_639], %bitcast3A_644 masked %and3A_636 {add = true} : memref<22496xf32, #tpu.memory_space<vmem>>[vector<16xi32>], vector<16xf32>, vector<16xi1>
        tpu.vector_store_idx %arg11[%select_n3A_639], %bitcast3A_649 masked %and3A_636 {add = true} : memref<22496xf32, #tpu.memory_space<vmem>>[vector<16xi32>], vector<16xf32>, vector<16xi1>
        %shift_right_arithmetic3A_650 = arith.constant 20 : i32
        %shift_right_arithmetic3A_651 = vector.broadcast %shift_right_arithmetic3A_650 : i32 to vector<16xi32>
        %shift_right_arithmetic3A_652 = arith.shrsi %get3A_624, %shift_right_arithmetic3A_651 : vector<16xi32>
        %and3A_653 = arith.constant 1 : i32
        %and3A_654 = vector.broadcast %and3A_653 : i32 to vector<16xi32>
        %and3A_655 = arith.andi %select_n3A_639, %and3A_654 : vector<16xi32>
        %shift_left3A_656 = arith.constant 4 : i32
        %shift_left3A_657 = vector.broadcast %shift_left3A_656 : i32 to vector<16xi32>
        %shift_left3A_658 = arith.shli %and3A_655, %shift_left3A_657 : vector<16xi32>
        %add3A_659 = arith.addi %shift_right_arithmetic3A_652, %shift_left3A_658 : vector<16xi32>
        %shift_left3A_660 = arith.constant 1 : i32
        %shift_left3A_661 = vector.broadcast %shift_left3A_660 : i32 to vector<16xi32>
        %shift_left3A_662 = arith.shli %shift_left3A_661, %add3A_659 : vector<16xi32>
        %shift_right_arithmetic3A_663 = arith.constant 1 : i32
        %shift_right_arithmetic3A_664 = vector.broadcast %shift_right_arithmetic3A_663 : i32 to vector<16xi32>
        %shift_right_arithmetic3A_665 = arith.shrsi %select_n3A_639, %shift_right_arithmetic3A_664 : vector<16xi32>
        %gather3A_666 = tpu.vector_load_idx %arg12[%select_n3A_639] : memref<22496xf32, #tpu.memory_space<vmem>>[vector<16xi32>], vector<16xf32>,
        %max3A_667 = arith.maximumf %gather3A_666, %bitcast3A_644 : vector<16xf32>
        tpu.vector_store_idx %arg12[%select_n3A_639], %max3A_667 masked %and3A_636 : memref<22496xf32, #tpu.memory_space<vmem>>[vector<16xi32>], vector<16xf32>, vector<16xi1>
        %gather3A_668 = tpu.vector_load_idx %arg13[%select_n3A_639] : memref<22496xf32, #tpu.memory_space<vmem>>[vector<16xi32>], vector<16xf32>,
        %max3A_669 = arith.maximumf %gather3A_668, %bitcast3A_649 : vector<16xf32>
        tpu.vector_store_idx %arg13[%select_n3A_639], %max3A_669 masked %and3A_636 : memref<22496xf32, #tpu.memory_space<vmem>>[vector<16xi32>], vector<16xf32>, vector<16xi1>
        %gather3A_670 = tpu.vector_load_idx %arg14[%shift_right_arithmetic3A_665] : memref<11248xi32, #tpu.memory_space<vmem>>[vector<16xi32>], vector<16xi32>,
        %or3A_671 = arith.ori %gather3A_670, %shift_left3A_662 : vector<16xi32>
        tpu.vector_store_idx %arg14[%shift_right_arithmetic3A_665], %or3A_671 masked %and3A_636 : memref<11248xi32, #tpu.memory_space<vmem>>[vector<16xi32>], vector<16xi32>, vector<16xi1>
        %gather3A_672 = tpu.vector_load_idx %arg12[%select_n3A_639] : memref<22496xf32, #tpu.memory_space<vmem>>[vector<16xi32>], vector<16xf32>,
        %gather3A_673 = tpu.vector_load_idx %arg14[%shift_right_arithmetic3A_665] : memref<11248xi32, #tpu.memory_space<vmem>>[vector<16xi32>], vector<16xi32>,
        %gather3A_674 = tpu.vector_load_idx %arg13[%select_n3A_639] : memref<22496xf32, #tpu.memory_space<vmem>>[vector<16xi32>], vector<16xf32>,
        %lt3A_675 = arith.cmpf olt, %gather3A_672, %bitcast3A_644 : vector<16xf32>
        %lt3A_676 = arith.cmpf olt, %gather3A_674, %bitcast3A_649 : vector<16xf32>
        %or3A_677 = arith.ori %lt3A_675, %lt3A_676 : vector<16xi1>
        %and3A_678 = arith.andi %gather3A_673, %shift_left3A_662 : vector<16xi32>
        %eq3A_679 = arith.constant 0 : i32
        %eq3A_680 = vector.broadcast %eq3A_679 : i32 to vector<16xi32>
        %eq3A_681 = arith.cmpi eq, %and3A_678, %eq3A_680 : vector<16xi32>
        %or3A_682 = arith.ori %or3A_677, %eq3A_681 : vector<16xi1>
        %and3A_683 = arith.andi %and3A_636, %or3A_682 : vector<16xi1>
        %or3A_684 = arith.ori %and3A_214, %and3A_281 : vector<16xi1>
        %or3A_685 = arith.ori %or3A_684, %and3A_348 : vector<16xi1>
        %or3A_686 = arith.ori %or3A_685, %and3A_415 : vector<16xi1>
        %or3A_687 = arith.ori %or3A_686, %and3A_482 : vector<16xi1>
        %or3A_688 = arith.ori %or3A_687, %and3A_549 : vector<16xi1>
        %or3A_689 = arith.ori %or3A_688, %and3A_616 : vector<16xi1>
        %or3A_690 = arith.ori %or3A_689, %and3A_683 : vector<16xi1>
        %reduce_or3A = arith.constant 1.000000e+00 : f32
        %reduce_or3A_691 = arith.constant 0.000000e+00 : f32
        %reduce_or3A_692 = vector.broadcast %reduce_or3A : f32 to vector<16xf32>
        %reduce_or3A_693 = vector.broadcast %reduce_or3A_691 : f32 to vector<16xf32>
        %reduce_or3A_694 = arith.select %or3A_690, %reduce_or3A_692, %reduce_or3A_693 : vector<16xi1>, vector<16xf32>
        %reduce_or3A_695 = arith.constant true
        %reduce_or3A_696 = vector.broadcast %reduce_or3A_695 : i1 to vector<16xi1>
        %reduce_or3A_697 = tpu.scan <max>, %reduce_or3A_694 masked %reduce_or3A_696 : vector<16xf32>, vector<16xi1> -> vector<16xf32>
        %reduce_or3A_698 = vector.extract %reduce_or3A_697[15] : f32 from vector<16xf32>
        %reduce_or3A_699 = arith.constant 0.000000e+00 : f32
        %reduce_or3A_700 = arith.cmpf ogt, %reduce_or3A_698, %reduce_or3A_699 : f32
        %convert_element_type3A_701 = arith.extui %reduce_or3A_700 : i1 to i32
        %cond3A_702 = arith.constant 0 : i32
        %cond3A_703 = arith.cmpi ne, %convert_element_type3A_701, %cond3A_702 : i32
        scf.if %cond3A_703 {
          %while3A = scf.while (%while3A_712 = %and3A_214) : (vector<16xi1>) -> vector<16xi1> {
            %reduce_or3A_713 = arith.constant 1.000000e+00 : f32
            %reduce_or3A_714 = arith.constant 0.000000e+00 : f32
            %reduce_or3A_715 = vector.broadcast %reduce_or3A_713 : f32 to vector<16xf32>
            %reduce_or3A_716 = vector.broadcast %reduce_or3A_714 : f32 to vector<16xf32>
            %reduce_or3A_717 = arith.select %while3A_712, %reduce_or3A_715, %reduce_or3A_716 : vector<16xi1>, vector<16xf32>
            %reduce_or3A_718 = arith.constant true
            %reduce_or3A_719 = vector.broadcast %reduce_or3A_718 : i1 to vector<16xi1>
            %reduce_or3A_720 = tpu.scan <max>, %reduce_or3A_717 masked %reduce_or3A_719 : vector<16xf32>, vector<16xi1> -> vector<16xf32>
            %reduce_or3A_721 = vector.extract %reduce_or3A_720[15] : f32 from vector<16xf32>
            %reduce_or3A_722 = arith.constant 0.000000e+00 : f32
            %reduce_or3A_723 = arith.cmpf ogt, %reduce_or3A_721, %reduce_or3A_722 : f32
            scf.condition(%reduce_or3A_723) %while3A_712 : vector<16xi1>
          } do {
          ^bb0(%while3A_712: vector<16xi1>):
            %gather3A_713 = tpu.vector_load_idx %arg12[%select_n3A] : memref<22496xf32, #tpu.memory_space<vmem>>[vector<16xi32>], vector<16xf32>,
            %max3A_714 = arith.maximumf %gather3A_713, %bitcast3A : vector<16xf32>
            tpu.vector_store_idx %arg12[%select_n3A], %max3A_714 masked %while3A_712 : memref<22496xf32, #tpu.memory_space<vmem>>[vector<16xi32>], vector<16xf32>, vector<16xi1>
            %gather3A_715 = tpu.vector_load_idx %arg13[%select_n3A] : memref<22496xf32, #tpu.memory_space<vmem>>[vector<16xi32>], vector<16xf32>,
            %max3A_716 = arith.maximumf %gather3A_715, %bitcast3A_186 : vector<16xf32>
            tpu.vector_store_idx %arg13[%select_n3A], %max3A_716 masked %while3A_712 : memref<22496xf32, #tpu.memory_space<vmem>>[vector<16xi32>], vector<16xf32>, vector<16xi1>
            %gather3A_717 = tpu.vector_load_idx %arg14[%shift_right_arithmetic3A_200] : memref<11248xi32, #tpu.memory_space<vmem>>[vector<16xi32>], vector<16xi32>,
            %or3A_718 = arith.ori %gather3A_717, %shift_left3A_197 : vector<16xi32>
            tpu.vector_store_idx %arg14[%shift_right_arithmetic3A_200], %or3A_718 masked %while3A_712 : memref<11248xi32, #tpu.memory_space<vmem>>[vector<16xi32>], vector<16xi32>, vector<16xi1>
            %gather3A_719 = tpu.vector_load_idx %arg12[%select_n3A] : memref<22496xf32, #tpu.memory_space<vmem>>[vector<16xi32>], vector<16xf32>,
            %gather3A_720 = tpu.vector_load_idx %arg13[%select_n3A] : memref<22496xf32, #tpu.memory_space<vmem>>[vector<16xi32>], vector<16xf32>,
            %gather3A_721 = tpu.vector_load_idx %arg14[%shift_right_arithmetic3A_200] : memref<11248xi32, #tpu.memory_space<vmem>>[vector<16xi32>], vector<16xi32>,
            %lt3A_722 = arith.cmpf olt, %gather3A_719, %bitcast3A : vector<16xf32>
            %lt3A_723 = arith.cmpf olt, %gather3A_720, %bitcast3A_186 : vector<16xf32>
            %or3A_724 = arith.ori %lt3A_722, %lt3A_723 : vector<16xi1>
            %and3A_725 = arith.andi %gather3A_721, %shift_left3A_197 : vector<16xi32>
            %eq3A_726 = arith.constant 0 : i32
            %eq3A_727 = vector.broadcast %eq3A_726 : i32 to vector<16xi32>
            %eq3A_728 = arith.cmpi eq, %and3A_725, %eq3A_727 : vector<16xi32>
            %or3A_729 = arith.ori %or3A_724, %eq3A_728 : vector<16xi1>
            %and3A_730 = arith.andi %while3A_712, %or3A_729 : vector<16xi1>
            scf.yield %and3A_730 : vector<16xi1>
          }
          %while3A_705 = scf.while (%while3A_712 = %and3A_281) : (vector<16xi1>) -> vector<16xi1> {
            %reduce_or3A_713 = arith.constant 1.000000e+00 : f32
            %reduce_or3A_714 = arith.constant 0.000000e+00 : f32
            %reduce_or3A_715 = vector.broadcast %reduce_or3A_713 : f32 to vector<16xf32>
            %reduce_or3A_716 = vector.broadcast %reduce_or3A_714 : f32 to vector<16xf32>
            %reduce_or3A_717 = arith.select %while3A_712, %reduce_or3A_715, %reduce_or3A_716 : vector<16xi1>, vector<16xf32>
            %reduce_or3A_718 = arith.constant true
            %reduce_or3A_719 = vector.broadcast %reduce_or3A_718 : i1 to vector<16xi1>
            %reduce_or3A_720 = tpu.scan <max>, %reduce_or3A_717 masked %reduce_or3A_719 : vector<16xf32>, vector<16xi1> -> vector<16xf32>
            %reduce_or3A_721 = vector.extract %reduce_or3A_720[15] : f32 from vector<16xf32>
            %reduce_or3A_722 = arith.constant 0.000000e+00 : f32
            %reduce_or3A_723 = arith.cmpf ogt, %reduce_or3A_721, %reduce_or3A_722 : f32
            scf.condition(%reduce_or3A_723) %while3A_712 : vector<16xi1>
          } do {
          ^bb0(%while3A_712: vector<16xi1>):
            %gather3A_713 = tpu.vector_load_idx %arg12[%select_n3A_237] : memref<22496xf32, #tpu.memory_space<vmem>>[vector<16xi32>], vector<16xf32>,
            %max3A_714 = arith.maximumf %gather3A_713, %bitcast3A_242 : vector<16xf32>
            tpu.vector_store_idx %arg12[%select_n3A_237], %max3A_714 masked %while3A_712 : memref<22496xf32, #tpu.memory_space<vmem>>[vector<16xi32>], vector<16xf32>, vector<16xi1>
            %gather3A_715 = tpu.vector_load_idx %arg13[%select_n3A_237] : memref<22496xf32, #tpu.memory_space<vmem>>[vector<16xi32>], vector<16xf32>,
            %max3A_716 = arith.maximumf %gather3A_715, %bitcast3A_247 : vector<16xf32>
            tpu.vector_store_idx %arg13[%select_n3A_237], %max3A_716 masked %while3A_712 : memref<22496xf32, #tpu.memory_space<vmem>>[vector<16xi32>], vector<16xf32>, vector<16xi1>
            %gather3A_717 = tpu.vector_load_idx %arg14[%shift_right_arithmetic3A_263] : memref<11248xi32, #tpu.memory_space<vmem>>[vector<16xi32>], vector<16xi32>,
            %or3A_718 = arith.ori %gather3A_717, %shift_left3A_260 : vector<16xi32>
            tpu.vector_store_idx %arg14[%shift_right_arithmetic3A_263], %or3A_718 masked %while3A_712 : memref<11248xi32, #tpu.memory_space<vmem>>[vector<16xi32>], vector<16xi32>, vector<16xi1>
            %gather3A_719 = tpu.vector_load_idx %arg12[%select_n3A_237] : memref<22496xf32, #tpu.memory_space<vmem>>[vector<16xi32>], vector<16xf32>,
            %gather3A_720 = tpu.vector_load_idx %arg13[%select_n3A_237] : memref<22496xf32, #tpu.memory_space<vmem>>[vector<16xi32>], vector<16xf32>,
            %gather3A_721 = tpu.vector_load_idx %arg14[%shift_right_arithmetic3A_263] : memref<11248xi32, #tpu.memory_space<vmem>>[vector<16xi32>], vector<16xi32>,
            %lt3A_722 = arith.cmpf olt, %gather3A_719, %bitcast3A_242 : vector<16xf32>
            %lt3A_723 = arith.cmpf olt, %gather3A_720, %bitcast3A_247 : vector<16xf32>
            %or3A_724 = arith.ori %lt3A_722, %lt3A_723 : vector<16xi1>
            %and3A_725 = arith.andi %gather3A_721, %shift_left3A_260 : vector<16xi32>
            %eq3A_726 = arith.constant 0 : i32
            %eq3A_727 = vector.broadcast %eq3A_726 : i32 to vector<16xi32>
            %eq3A_728 = arith.cmpi eq, %and3A_725, %eq3A_727 : vector<16xi32>
            %or3A_729 = arith.ori %or3A_724, %eq3A_728 : vector<16xi1>
            %and3A_730 = arith.andi %while3A_712, %or3A_729 : vector<16xi1>
            scf.yield %and3A_730 : vector<16xi1>
          }
          %while3A_706 = scf.while (%while3A_712 = %and3A_348) : (vector<16xi1>) -> vector<16xi1> {
            %reduce_or3A_713 = arith.constant 1.000000e+00 : f32
            %reduce_or3A_714 = arith.constant 0.000000e+00 : f32
            %reduce_or3A_715 = vector.broadcast %reduce_or3A_713 : f32 to vector<16xf32>
            %reduce_or3A_716 = vector.broadcast %reduce_or3A_714 : f32 to vector<16xf32>
            %reduce_or3A_717 = arith.select %while3A_712, %reduce_or3A_715, %reduce_or3A_716 : vector<16xi1>, vector<16xf32>
            %reduce_or3A_718 = arith.constant true
            %reduce_or3A_719 = vector.broadcast %reduce_or3A_718 : i1 to vector<16xi1>
            %reduce_or3A_720 = tpu.scan <max>, %reduce_or3A_717 masked %reduce_or3A_719 : vector<16xf32>, vector<16xi1> -> vector<16xf32>
            %reduce_or3A_721 = vector.extract %reduce_or3A_720[15] : f32 from vector<16xf32>
            %reduce_or3A_722 = arith.constant 0.000000e+00 : f32
            %reduce_or3A_723 = arith.cmpf ogt, %reduce_or3A_721, %reduce_or3A_722 : f32
            scf.condition(%reduce_or3A_723) %while3A_712 : vector<16xi1>
          } do {
          ^bb0(%while3A_712: vector<16xi1>):
            %gather3A_713 = tpu.vector_load_idx %arg12[%select_n3A_304] : memref<22496xf32, #tpu.memory_space<vmem>>[vector<16xi32>], vector<16xf32>,
            %max3A_714 = arith.maximumf %gather3A_713, %bitcast3A_309 : vector<16xf32>
            tpu.vector_store_idx %arg12[%select_n3A_304], %max3A_714 masked %while3A_712 : memref<22496xf32, #tpu.memory_space<vmem>>[vector<16xi32>], vector<16xf32>, vector<16xi1>
            %gather3A_715 = tpu.vector_load_idx %arg13[%select_n3A_304] : memref<22496xf32, #tpu.memory_space<vmem>>[vector<16xi32>], vector<16xf32>,
            %max3A_716 = arith.maximumf %gather3A_715, %bitcast3A_314 : vector<16xf32>
            tpu.vector_store_idx %arg13[%select_n3A_304], %max3A_716 masked %while3A_712 : memref<22496xf32, #tpu.memory_space<vmem>>[vector<16xi32>], vector<16xf32>, vector<16xi1>
            %gather3A_717 = tpu.vector_load_idx %arg14[%shift_right_arithmetic3A_330] : memref<11248xi32, #tpu.memory_space<vmem>>[vector<16xi32>], vector<16xi32>,
            %or3A_718 = arith.ori %gather3A_717, %shift_left3A_327 : vector<16xi32>
            tpu.vector_store_idx %arg14[%shift_right_arithmetic3A_330], %or3A_718 masked %while3A_712 : memref<11248xi32, #tpu.memory_space<vmem>>[vector<16xi32>], vector<16xi32>, vector<16xi1>
            %gather3A_719 = tpu.vector_load_idx %arg12[%select_n3A_304] : memref<22496xf32, #tpu.memory_space<vmem>>[vector<16xi32>], vector<16xf32>,
            %gather3A_720 = tpu.vector_load_idx %arg13[%select_n3A_304] : memref<22496xf32, #tpu.memory_space<vmem>>[vector<16xi32>], vector<16xf32>,
            %gather3A_721 = tpu.vector_load_idx %arg14[%shift_right_arithmetic3A_330] : memref<11248xi32, #tpu.memory_space<vmem>>[vector<16xi32>], vector<16xi32>,
            %lt3A_722 = arith.cmpf olt, %gather3A_719, %bitcast3A_309 : vector<16xf32>
            %lt3A_723 = arith.cmpf olt, %gather3A_720, %bitcast3A_314 : vector<16xf32>
            %or3A_724 = arith.ori %lt3A_722, %lt3A_723 : vector<16xi1>
            %and3A_725 = arith.andi %gather3A_721, %shift_left3A_327 : vector<16xi32>
            %eq3A_726 = arith.constant 0 : i32
            %eq3A_727 = vector.broadcast %eq3A_726 : i32 to vector<16xi32>
            %eq3A_728 = arith.cmpi eq, %and3A_725, %eq3A_727 : vector<16xi32>
            %or3A_729 = arith.ori %or3A_724, %eq3A_728 : vector<16xi1>
            %and3A_730 = arith.andi %while3A_712, %or3A_729 : vector<16xi1>
            scf.yield %and3A_730 : vector<16xi1>
          }
          %while3A_707 = scf.while (%while3A_712 = %and3A_415) : (vector<16xi1>) -> vector<16xi1> {
            %reduce_or3A_713 = arith.constant 1.000000e+00 : f32
            %reduce_or3A_714 = arith.constant 0.000000e+00 : f32
            %reduce_or3A_715 = vector.broadcast %reduce_or3A_713 : f32 to vector<16xf32>
            %reduce_or3A_716 = vector.broadcast %reduce_or3A_714 : f32 to vector<16xf32>
            %reduce_or3A_717 = arith.select %while3A_712, %reduce_or3A_715, %reduce_or3A_716 : vector<16xi1>, vector<16xf32>
            %reduce_or3A_718 = arith.constant true
            %reduce_or3A_719 = vector.broadcast %reduce_or3A_718 : i1 to vector<16xi1>
            %reduce_or3A_720 = tpu.scan <max>, %reduce_or3A_717 masked %reduce_or3A_719 : vector<16xf32>, vector<16xi1> -> vector<16xf32>
            %reduce_or3A_721 = vector.extract %reduce_or3A_720[15] : f32 from vector<16xf32>
            %reduce_or3A_722 = arith.constant 0.000000e+00 : f32
            %reduce_or3A_723 = arith.cmpf ogt, %reduce_or3A_721, %reduce_or3A_722 : f32
            scf.condition(%reduce_or3A_723) %while3A_712 : vector<16xi1>
          } do {
          ^bb0(%while3A_712: vector<16xi1>):
            %gather3A_713 = tpu.vector_load_idx %arg12[%select_n3A_371] : memref<22496xf32, #tpu.memory_space<vmem>>[vector<16xi32>], vector<16xf32>,
            %max3A_714 = arith.maximumf %gather3A_713, %bitcast3A_376 : vector<16xf32>
            tpu.vector_store_idx %arg12[%select_n3A_371], %max3A_714 masked %while3A_712 : memref<22496xf32, #tpu.memory_space<vmem>>[vector<16xi32>], vector<16xf32>, vector<16xi1>
            %gather3A_715 = tpu.vector_load_idx %arg13[%select_n3A_371] : memref<22496xf32, #tpu.memory_space<vmem>>[vector<16xi32>], vector<16xf32>,
            %max3A_716 = arith.maximumf %gather3A_715, %bitcast3A_381 : vector<16xf32>
            tpu.vector_store_idx %arg13[%select_n3A_371], %max3A_716 masked %while3A_712 : memref<22496xf32, #tpu.memory_space<vmem>>[vector<16xi32>], vector<16xf32>, vector<16xi1>
            %gather3A_717 = tpu.vector_load_idx %arg14[%shift_right_arithmetic3A_397] : memref<11248xi32, #tpu.memory_space<vmem>>[vector<16xi32>], vector<16xi32>,
            %or3A_718 = arith.ori %gather3A_717, %shift_left3A_394 : vector<16xi32>
            tpu.vector_store_idx %arg14[%shift_right_arithmetic3A_397], %or3A_718 masked %while3A_712 : memref<11248xi32, #tpu.memory_space<vmem>>[vector<16xi32>], vector<16xi32>, vector<16xi1>
            %gather3A_719 = tpu.vector_load_idx %arg12[%select_n3A_371] : memref<22496xf32, #tpu.memory_space<vmem>>[vector<16xi32>], vector<16xf32>,
            %gather3A_720 = tpu.vector_load_idx %arg13[%select_n3A_371] : memref<22496xf32, #tpu.memory_space<vmem>>[vector<16xi32>], vector<16xf32>,
            %gather3A_721 = tpu.vector_load_idx %arg14[%shift_right_arithmetic3A_397] : memref<11248xi32, #tpu.memory_space<vmem>>[vector<16xi32>], vector<16xi32>,
            %lt3A_722 = arith.cmpf olt, %gather3A_719, %bitcast3A_376 : vector<16xf32>
            %lt3A_723 = arith.cmpf olt, %gather3A_720, %bitcast3A_381 : vector<16xf32>
            %or3A_724 = arith.ori %lt3A_722, %lt3A_723 : vector<16xi1>
            %and3A_725 = arith.andi %gather3A_721, %shift_left3A_394 : vector<16xi32>
            %eq3A_726 = arith.constant 0 : i32
            %eq3A_727 = vector.broadcast %eq3A_726 : i32 to vector<16xi32>
            %eq3A_728 = arith.cmpi eq, %and3A_725, %eq3A_727 : vector<16xi32>
            %or3A_729 = arith.ori %or3A_724, %eq3A_728 : vector<16xi1>
            %and3A_730 = arith.andi %while3A_712, %or3A_729 : vector<16xi1>
            scf.yield %and3A_730 : vector<16xi1>
          }
          %while3A_708 = scf.while (%while3A_712 = %and3A_482) : (vector<16xi1>) -> vector<16xi1> {
            %reduce_or3A_713 = arith.constant 1.000000e+00 : f32
            %reduce_or3A_714 = arith.constant 0.000000e+00 : f32
            %reduce_or3A_715 = vector.broadcast %reduce_or3A_713 : f32 to vector<16xf32>
            %reduce_or3A_716 = vector.broadcast %reduce_or3A_714 : f32 to vector<16xf32>
            %reduce_or3A_717 = arith.select %while3A_712, %reduce_or3A_715, %reduce_or3A_716 : vector<16xi1>, vector<16xf32>
            %reduce_or3A_718 = arith.constant true
            %reduce_or3A_719 = vector.broadcast %reduce_or3A_718 : i1 to vector<16xi1>
            %reduce_or3A_720 = tpu.scan <max>, %reduce_or3A_717 masked %reduce_or3A_719 : vector<16xf32>, vector<16xi1> -> vector<16xf32>
            %reduce_or3A_721 = vector.extract %reduce_or3A_720[15] : f32 from vector<16xf32>
            %reduce_or3A_722 = arith.constant 0.000000e+00 : f32
            %reduce_or3A_723 = arith.cmpf ogt, %reduce_or3A_721, %reduce_or3A_722 : f32
            scf.condition(%reduce_or3A_723) %while3A_712 : vector<16xi1>
          } do {
          ^bb0(%while3A_712: vector<16xi1>):
            %gather3A_713 = tpu.vector_load_idx %arg12[%select_n3A_438] : memref<22496xf32, #tpu.memory_space<vmem>>[vector<16xi32>], vector<16xf32>,
            %max3A_714 = arith.maximumf %gather3A_713, %bitcast3A_443 : vector<16xf32>
            tpu.vector_store_idx %arg12[%select_n3A_438], %max3A_714 masked %while3A_712 : memref<22496xf32, #tpu.memory_space<vmem>>[vector<16xi32>], vector<16xf32>, vector<16xi1>
            %gather3A_715 = tpu.vector_load_idx %arg13[%select_n3A_438] : memref<22496xf32, #tpu.memory_space<vmem>>[vector<16xi32>], vector<16xf32>,
            %max3A_716 = arith.maximumf %gather3A_715, %bitcast3A_448 : vector<16xf32>
            tpu.vector_store_idx %arg13[%select_n3A_438], %max3A_716 masked %while3A_712 : memref<22496xf32, #tpu.memory_space<vmem>>[vector<16xi32>], vector<16xf32>, vector<16xi1>
            %gather3A_717 = tpu.vector_load_idx %arg14[%shift_right_arithmetic3A_464] : memref<11248xi32, #tpu.memory_space<vmem>>[vector<16xi32>], vector<16xi32>,
            %or3A_718 = arith.ori %gather3A_717, %shift_left3A_461 : vector<16xi32>
            tpu.vector_store_idx %arg14[%shift_right_arithmetic3A_464], %or3A_718 masked %while3A_712 : memref<11248xi32, #tpu.memory_space<vmem>>[vector<16xi32>], vector<16xi32>, vector<16xi1>
            %gather3A_719 = tpu.vector_load_idx %arg12[%select_n3A_438] : memref<22496xf32, #tpu.memory_space<vmem>>[vector<16xi32>], vector<16xf32>,
            %gather3A_720 = tpu.vector_load_idx %arg13[%select_n3A_438] : memref<22496xf32, #tpu.memory_space<vmem>>[vector<16xi32>], vector<16xf32>,
            %gather3A_721 = tpu.vector_load_idx %arg14[%shift_right_arithmetic3A_464] : memref<11248xi32, #tpu.memory_space<vmem>>[vector<16xi32>], vector<16xi32>,
            %lt3A_722 = arith.cmpf olt, %gather3A_719, %bitcast3A_443 : vector<16xf32>
            %lt3A_723 = arith.cmpf olt, %gather3A_720, %bitcast3A_448 : vector<16xf32>
            %or3A_724 = arith.ori %lt3A_722, %lt3A_723 : vector<16xi1>
            %and3A_725 = arith.andi %gather3A_721, %shift_left3A_461 : vector<16xi32>
            %eq3A_726 = arith.constant 0 : i32
            %eq3A_727 = vector.broadcast %eq3A_726 : i32 to vector<16xi32>
            %eq3A_728 = arith.cmpi eq, %and3A_725, %eq3A_727 : vector<16xi32>
            %or3A_729 = arith.ori %or3A_724, %eq3A_728 : vector<16xi1>
            %and3A_730 = arith.andi %while3A_712, %or3A_729 : vector<16xi1>
            scf.yield %and3A_730 : vector<16xi1>
          }
          %while3A_709 = scf.while (%while3A_712 = %and3A_549) : (vector<16xi1>) -> vector<16xi1> {
            %reduce_or3A_713 = arith.constant 1.000000e+00 : f32
            %reduce_or3A_714 = arith.constant 0.000000e+00 : f32
            %reduce_or3A_715 = vector.broadcast %reduce_or3A_713 : f32 to vector<16xf32>
            %reduce_or3A_716 = vector.broadcast %reduce_or3A_714 : f32 to vector<16xf32>
            %reduce_or3A_717 = arith.select %while3A_712, %reduce_or3A_715, %reduce_or3A_716 : vector<16xi1>, vector<16xf32>
            %reduce_or3A_718 = arith.constant true
            %reduce_or3A_719 = vector.broadcast %reduce_or3A_718 : i1 to vector<16xi1>
            %reduce_or3A_720 = tpu.scan <max>, %reduce_or3A_717 masked %reduce_or3A_719 : vector<16xf32>, vector<16xi1> -> vector<16xf32>
            %reduce_or3A_721 = vector.extract %reduce_or3A_720[15] : f32 from vector<16xf32>
            %reduce_or3A_722 = arith.constant 0.000000e+00 : f32
            %reduce_or3A_723 = arith.cmpf ogt, %reduce_or3A_721, %reduce_or3A_722 : f32
            scf.condition(%reduce_or3A_723) %while3A_712 : vector<16xi1>
          } do {
          ^bb0(%while3A_712: vector<16xi1>):
            %gather3A_713 = tpu.vector_load_idx %arg12[%select_n3A_505] : memref<22496xf32, #tpu.memory_space<vmem>>[vector<16xi32>], vector<16xf32>,
            %max3A_714 = arith.maximumf %gather3A_713, %bitcast3A_510 : vector<16xf32>
            tpu.vector_store_idx %arg12[%select_n3A_505], %max3A_714 masked %while3A_712 : memref<22496xf32, #tpu.memory_space<vmem>>[vector<16xi32>], vector<16xf32>, vector<16xi1>
            %gather3A_715 = tpu.vector_load_idx %arg13[%select_n3A_505] : memref<22496xf32, #tpu.memory_space<vmem>>[vector<16xi32>], vector<16xf32>,
            %max3A_716 = arith.maximumf %gather3A_715, %bitcast3A_515 : vector<16xf32>
            tpu.vector_store_idx %arg13[%select_n3A_505], %max3A_716 masked %while3A_712 : memref<22496xf32, #tpu.memory_space<vmem>>[vector<16xi32>], vector<16xf32>, vector<16xi1>
            %gather3A_717 = tpu.vector_load_idx %arg14[%shift_right_arithmetic3A_531] : memref<11248xi32, #tpu.memory_space<vmem>>[vector<16xi32>], vector<16xi32>,
            %or3A_718 = arith.ori %gather3A_717, %shift_left3A_528 : vector<16xi32>
            tpu.vector_store_idx %arg14[%shift_right_arithmetic3A_531], %or3A_718 masked %while3A_712 : memref<11248xi32, #tpu.memory_space<vmem>>[vector<16xi32>], vector<16xi32>, vector<16xi1>
            %gather3A_719 = tpu.vector_load_idx %arg12[%select_n3A_505] : memref<22496xf32, #tpu.memory_space<vmem>>[vector<16xi32>], vector<16xf32>,
            %gather3A_720 = tpu.vector_load_idx %arg13[%select_n3A_505] : memref<22496xf32, #tpu.memory_space<vmem>>[vector<16xi32>], vector<16xf32>,
            %gather3A_721 = tpu.vector_load_idx %arg14[%shift_right_arithmetic3A_531] : memref<11248xi32, #tpu.memory_space<vmem>>[vector<16xi32>], vector<16xi32>,
            %lt3A_722 = arith.cmpf olt, %gather3A_719, %bitcast3A_510 : vector<16xf32>
            %lt3A_723 = arith.cmpf olt, %gather3A_720, %bitcast3A_515 : vector<16xf32>
            %or3A_724 = arith.ori %lt3A_722, %lt3A_723 : vector<16xi1>
            %and3A_725 = arith.andi %gather3A_721, %shift_left3A_528 : vector<16xi32>
            %eq3A_726 = arith.constant 0 : i32
            %eq3A_727 = vector.broadcast %eq3A_726 : i32 to vector<16xi32>
            %eq3A_728 = arith.cmpi eq, %and3A_725, %eq3A_727 : vector<16xi32>
            %or3A_729 = arith.ori %or3A_724, %eq3A_728 : vector<16xi1>
            %and3A_730 = arith.andi %while3A_712, %or3A_729 : vector<16xi1>
            scf.yield %and3A_730 : vector<16xi1>
          }
          %while3A_710 = scf.while (%while3A_712 = %and3A_616) : (vector<16xi1>) -> vector<16xi1> {
            %reduce_or3A_713 = arith.constant 1.000000e+00 : f32
            %reduce_or3A_714 = arith.constant 0.000000e+00 : f32
            %reduce_or3A_715 = vector.broadcast %reduce_or3A_713 : f32 to vector<16xf32>
            %reduce_or3A_716 = vector.broadcast %reduce_or3A_714 : f32 to vector<16xf32>
            %reduce_or3A_717 = arith.select %while3A_712, %reduce_or3A_715, %reduce_or3A_716 : vector<16xi1>, vector<16xf32>
            %reduce_or3A_718 = arith.constant true
            %reduce_or3A_719 = vector.broadcast %reduce_or3A_718 : i1 to vector<16xi1>
            %reduce_or3A_720 = tpu.scan <max>, %reduce_or3A_717 masked %reduce_or3A_719 : vector<16xf32>, vector<16xi1> -> vector<16xf32>
            %reduce_or3A_721 = vector.extract %reduce_or3A_720[15] : f32 from vector<16xf32>
            %reduce_or3A_722 = arith.constant 0.000000e+00 : f32
            %reduce_or3A_723 = arith.cmpf ogt, %reduce_or3A_721, %reduce_or3A_722 : f32
            scf.condition(%reduce_or3A_723) %while3A_712 : vector<16xi1>
          } do {
          ^bb0(%while3A_712: vector<16xi1>):
            %gather3A_713 = tpu.vector_load_idx %arg12[%select_n3A_572] : memref<22496xf32, #tpu.memory_space<vmem>>[vector<16xi32>], vector<16xf32>,
            %max3A_714 = arith.maximumf %gather3A_713, %bitcast3A_577 : vector<16xf32>
            tpu.vector_store_idx %arg12[%select_n3A_572], %max3A_714 masked %while3A_712 : memref<22496xf32, #tpu.memory_space<vmem>>[vector<16xi32>], vector<16xf32>, vector<16xi1>
            %gather3A_715 = tpu.vector_load_idx %arg13[%select_n3A_572] : memref<22496xf32, #tpu.memory_space<vmem>>[vector<16xi32>], vector<16xf32>,
            %max3A_716 = arith.maximumf %gather3A_715, %bitcast3A_582 : vector<16xf32>
            tpu.vector_store_idx %arg13[%select_n3A_572], %max3A_716 masked %while3A_712 : memref<22496xf32, #tpu.memory_space<vmem>>[vector<16xi32>], vector<16xf32>, vector<16xi1>
            %gather3A_717 = tpu.vector_load_idx %arg14[%shift_right_arithmetic3A_598] : memref<11248xi32, #tpu.memory_space<vmem>>[vector<16xi32>], vector<16xi32>,
            %or3A_718 = arith.ori %gather3A_717, %shift_left3A_595 : vector<16xi32>
            tpu.vector_store_idx %arg14[%shift_right_arithmetic3A_598], %or3A_718 masked %while3A_712 : memref<11248xi32, #tpu.memory_space<vmem>>[vector<16xi32>], vector<16xi32>, vector<16xi1>
            %gather3A_719 = tpu.vector_load_idx %arg12[%select_n3A_572] : memref<22496xf32, #tpu.memory_space<vmem>>[vector<16xi32>], vector<16xf32>,
            %gather3A_720 = tpu.vector_load_idx %arg13[%select_n3A_572] : memref<22496xf32, #tpu.memory_space<vmem>>[vector<16xi32>], vector<16xf32>,
            %gather3A_721 = tpu.vector_load_idx %arg14[%shift_right_arithmetic3A_598] : memref<11248xi32, #tpu.memory_space<vmem>>[vector<16xi32>], vector<16xi32>,
            %lt3A_722 = arith.cmpf olt, %gather3A_719, %bitcast3A_577 : vector<16xf32>
            %lt3A_723 = arith.cmpf olt, %gather3A_720, %bitcast3A_582 : vector<16xf32>
            %or3A_724 = arith.ori %lt3A_722, %lt3A_723 : vector<16xi1>
            %and3A_725 = arith.andi %gather3A_721, %shift_left3A_595 : vector<16xi32>
            %eq3A_726 = arith.constant 0 : i32
            %eq3A_727 = vector.broadcast %eq3A_726 : i32 to vector<16xi32>
            %eq3A_728 = arith.cmpi eq, %and3A_725, %eq3A_727 : vector<16xi32>
            %or3A_729 = arith.ori %or3A_724, %eq3A_728 : vector<16xi1>
            %and3A_730 = arith.andi %while3A_712, %or3A_729 : vector<16xi1>
            scf.yield %and3A_730 : vector<16xi1>
          }
          %while3A_711 = scf.while (%while3A_712 = %and3A_683) : (vector<16xi1>) -> vector<16xi1> {
            %reduce_or3A_713 = arith.constant 1.000000e+00 : f32
            %reduce_or3A_714 = arith.constant 0.000000e+00 : f32
            %reduce_or3A_715 = vector.broadcast %reduce_or3A_713 : f32 to vector<16xf32>
            %reduce_or3A_716 = vector.broadcast %reduce_or3A_714 : f32 to vector<16xf32>
            %reduce_or3A_717 = arith.select %while3A_712, %reduce_or3A_715, %reduce_or3A_716 : vector<16xi1>, vector<16xf32>
            %reduce_or3A_718 = arith.constant true
            %reduce_or3A_719 = vector.broadcast %reduce_or3A_718 : i1 to vector<16xi1>
            %reduce_or3A_720 = tpu.scan <max>, %reduce_or3A_717 masked %reduce_or3A_719 : vector<16xf32>, vector<16xi1> -> vector<16xf32>
            %reduce_or3A_721 = vector.extract %reduce_or3A_720[15] : f32 from vector<16xf32>
            %reduce_or3A_722 = arith.constant 0.000000e+00 : f32
            %reduce_or3A_723 = arith.cmpf ogt, %reduce_or3A_721, %reduce_or3A_722 : f32
            scf.condition(%reduce_or3A_723) %while3A_712 : vector<16xi1>
          } do {
          ^bb0(%while3A_712: vector<16xi1>):
            %gather3A_713 = tpu.vector_load_idx %arg12[%select_n3A_639] : memref<22496xf32, #tpu.memory_space<vmem>>[vector<16xi32>], vector<16xf32>,
            %max3A_714 = arith.maximumf %gather3A_713, %bitcast3A_644 : vector<16xf32>
            tpu.vector_store_idx %arg12[%select_n3A_639], %max3A_714 masked %while3A_712 : memref<22496xf32, #tpu.memory_space<vmem>>[vector<16xi32>], vector<16xf32>, vector<16xi1>
            %gather3A_715 = tpu.vector_load_idx %arg13[%select_n3A_639] : memref<22496xf32, #tpu.memory_space<vmem>>[vector<16xi32>], vector<16xf32>,
            %max3A_716 = arith.maximumf %gather3A_715, %bitcast3A_649 : vector<16xf32>
            tpu.vector_store_idx %arg13[%select_n3A_639], %max3A_716 masked %while3A_712 : memref<22496xf32, #tpu.memory_space<vmem>>[vector<16xi32>], vector<16xf32>, vector<16xi1>
            %gather3A_717 = tpu.vector_load_idx %arg14[%shift_right_arithmetic3A_665] : memref<11248xi32, #tpu.memory_space<vmem>>[vector<16xi32>], vector<16xi32>,
            %or3A_718 = arith.ori %gather3A_717, %shift_left3A_662 : vector<16xi32>
            tpu.vector_store_idx %arg14[%shift_right_arithmetic3A_665], %or3A_718 masked %while3A_712 : memref<11248xi32, #tpu.memory_space<vmem>>[vector<16xi32>], vector<16xi32>, vector<16xi1>
            %gather3A_719 = tpu.vector_load_idx %arg12[%select_n3A_639] : memref<22496xf32, #tpu.memory_space<vmem>>[vector<16xi32>], vector<16xf32>,
            %gather3A_720 = tpu.vector_load_idx %arg13[%select_n3A_639] : memref<22496xf32, #tpu.memory_space<vmem>>[vector<16xi32>], vector<16xf32>,
            %gather3A_721 = tpu.vector_load_idx %arg14[%shift_right_arithmetic3A_665] : memref<11248xi32, #tpu.memory_space<vmem>>[vector<16xi32>], vector<16xi32>,
            %lt3A_722 = arith.cmpf olt, %gather3A_719, %bitcast3A_644 : vector<16xf32>
            %lt3A_723 = arith.cmpf olt, %gather3A_720, %bitcast3A_649 : vector<16xf32>
            %or3A_724 = arith.ori %lt3A_722, %lt3A_723 : vector<16xi1>
            %and3A_725 = arith.andi %gather3A_721, %shift_left3A_662 : vector<16xi32>
            %eq3A_726 = arith.constant 0 : i32
            %eq3A_727 = vector.broadcast %eq3A_726 : i32 to vector<16xi32>
            %eq3A_728 = arith.cmpi eq, %and3A_725, %eq3A_727 : vector<16xi32>
            %or3A_729 = arith.ori %or3A_724, %eq3A_728 : vector<16xi1>
            %and3A_730 = arith.andi %while3A_712, %or3A_729 : vector<16xi1>
            scf.yield %and3A_730 : vector<16xi1>
          }
        } else {
        }
        %scan3A_704 = arith.constant 0 : i32
        scf.yield %scan3A_704 : i32
      }
      %scan3A_138 = arith.constant 8 : i32
      %lt3A = arith.constant 127 : i32
      %lt3A_139 = arith.cmpi slt, %scan3A_113, %lt3A : i32
      %convert_element_type3A = arith.extui %lt3A_139 : i1 to i32
      %cond3A = arith.constant 0 : i32
      %cond3A_140 = arith.cmpi ne, %convert_element_type3A, %cond3A : i32
      scf.if %cond3A_140 {
        %mul3A_159 = arith.constant 2 : i32
        %mul3A_160 = arith.muli %mul3A_159, %scan3A_113 : i32
        %add3A_161 = arith.constant 2 : i32
        %add3A_162 = arith.addi %mul3A_160, %add3A_161 : i32
        %dma_start3A_163 = arith.constant 0 : i32
        %dma_start3A_164 = tpu.memref_slice %arg2[%add3A_162, %dma_start3A_163] : memref<256x3072xi32, #tpu.memory_space<hbm>> -> memref<1x3072xi32, #tpu.memory_space<hbm>>
        %dma_start3A_165 = tpu.memref_squeeze %dma_start3A_164 : memref<1x3072xi32, #tpu.memory_space<hbm>> -> memref<3072xi32, #tpu.memory_space<hbm>>
        %dma_start3A_166 = arith.constant 0 : i32
        %dma_start3A_167 = tpu.memref_slice %arg2[%add3A_162, %dma_start3A_166] : memref<256x3072xi32, #tpu.memory_space<hbm>> -> memref<1x3072xi32, #tpu.memory_space<hbm>>
        %dma_start3A_168 = tpu.memref_squeeze %dma_start3A_167 : memref<1x3072xi32, #tpu.memory_space<hbm>> -> memref<3072xi32, #tpu.memory_space<hbm>>
        tpu.enqueue_dma source(%dma_start3A_168 : memref<3072xi32, #tpu.memory_space<hbm>>) target(%arg15 : memref<3072xi32, #tpu.memory_space<vmem>>) target_semaphore(%arg17 : memref<!tpu.dma_semaphore, #tpu.memory_space<semaphore_mem>>)
      } else {
      }
      %mul3A_141 = arith.constant 2 : i32
      %mul3A_142 = arith.muli %mul3A_141, %scan3A_113 : i32
      %add3A_143 = arith.constant 1 : i32
      %add3A_144 = arith.addi %mul3A_142, %add3A_143 : i32
      %dma_wait3A_145 = arith.constant 0 : i32
      %dma_wait3A_146 = tpu.memref_slice %arg2[%add3A_144, %dma_wait3A_145] : memref<256x3072xi32, #tpu.memory_space<hbm>> -> memref<1x3072xi32, #tpu.memory_space<hbm>>
      %dma_wait3A_147 = tpu.memref_squeeze %dma_wait3A_146 : memref<1x3072xi32, #tpu.memory_space<hbm>> -> memref<3072xi32, #tpu.memory_space<hbm>>
      %dma_wait3A_148 = arith.constant 0 : i32
      %dma_wait3A_149 = tpu.memref_slice %arg2[%add3A_144, %dma_wait3A_148] : memref<256x3072xi32, #tpu.memory_space<hbm>> -> memref<1x3072xi32, #tpu.memory_space<hbm>>
      %dma_wait3A_150 = tpu.memref_squeeze %dma_wait3A_149 : memref<1x3072xi32, #tpu.memory_space<hbm>> -> memref<3072xi32, #tpu.memory_space<hbm>>
      tpu.wait_dma2 semaphore(%arg18 : memref<!tpu.dma_semaphore, #tpu.memory_space<semaphore_mem>>) src(%dma_wait3A_150 : memref<3072xi32, #tpu.memory_space<hbm>>) dst(%arg16 : memref<3072xi32, #tpu.memory_space<vmem>>)
      %scan3A_151 = arith.constant 0 : i32
      %scan3A_152 = arith.constant 0 : i32
      %scan3A_153 = arith.constant 8 : i32
      %scan3A_154 = arith.addi %scan3A_152, %scan3A_153 : i32
      %scan3A_155 = arith.constant 1 : i32
      %scan3A_156 = scf.for %scan3A_159 = %scan3A_152 to %scan3A_154 step %scan3A_155 iter_args(%scan3A_160 = %scan3A_151) -> (i32)  : i32 {
        %mul3A_161 = arith.constant 8 : i32
        %mul3A_162 = arith.muli %scan3A_159, %mul3A_161 : i32
        %add3A_163 = arith.constant 0 : i32
        %add3A_164 = arith.addi %mul3A_162, %add3A_163 : i32
        %mul3A_165 = arith.constant 16 : i32
        %mul3A_166 = arith.muli %add3A_164, %mul3A_165 : i32
        %get3A = arith.index_cast %mul3A_166 : i32 to index
        %get3A_167 = tpu.vector_load %arg16[%get3A] {strides = array<i32>} : memref<3072xi32, #tpu.memory_space<vmem>>, vector<16xi32>,
        %and3A = arith.constant 1048575 : i32
        %and3A_168 = vector.broadcast %and3A : i32 to vector<16xi32>
        %and3A_169 = arith.andi %get3A_167, %and3A_168 : vector<16xi32>
        %sub3A = vector.broadcast %mul3A_2 : i32 to vector<16xi32>
        %sub3A_170 = arith.subi %and3A_169, %sub3A : vector<16xi32>
        %ge3A = arith.constant 0 : i32
        %ge3A_171 = vector.broadcast %ge3A : i32 to vector<16xi32>
        %ge3A_172 = arith.cmpi sge, %sub3A_170, %ge3A_171 : vector<16xi32>
        %lt3A_173 = arith.constant 22496 : i32
        %lt3A_174 = vector.broadcast %lt3A_173 : i32 to vector<16xi32>
        %lt3A_175 = arith.cmpi slt, %sub3A_170, %lt3A_174 : vector<16xi32>
        %and3A_176 = arith.andi %ge3A_172, %lt3A_175 : vector<16xi1>
        %jit3A = arith.constant 0 : i32
        %broadcast_in_dim3A_177 = vector.broadcast %jit3A : i32 to vector<16xi32>
        %select_n3A = arith.select %and3A_176, %sub3A_170, %broadcast_in_dim3A_177 : vector<16xi1>, vector<16xi32>
        %add3A_178 = arith.constant 1024 : i32
        %add3A_179 = arith.addi %add3A_178, %mul3A_166 : i32
        %get3A_180 = arith.index_cast %add3A_179 : i32 to index
        %get3A_181 = tpu.vector_load %arg16[%get3A_180] {strides = array<i32>} : memref<3072xi32, #tpu.memory_space<vmem>>, vector<16xi32>,
        %bitcast3A = vector.bitcast %get3A_181 : vector<16xi32> to vector<16xf32>
        %add3A_182 = arith.constant 2048 : i32
        %add3A_183 = arith.addi %add3A_182, %mul3A_166 : i32
        %get3A_184 = arith.index_cast %add3A_183 : i32 to index
        %get3A_185 = tpu.vector_load %arg16[%get3A_184] {strides = array<i32>} : memref<3072xi32, #tpu.memory_space<vmem>>, vector<16xi32>,
        %bitcast3A_186 = vector.bitcast %get3A_185 : vector<16xi32> to vector<16xf32>
        tpu.vector_store_idx %arg9[%select_n3A], %broadcast_in_dim3A_7 masked %and3A_176 {add = true} : memref<22496xf32, #tpu.memory_space<vmem>>[vector<16xi32>], vector<16xf32>, vector<16xi1>
        tpu.vector_store_idx %arg10[%select_n3A], %bitcast3A masked %and3A_176 {add = true} : memref<22496xf32, #tpu.memory_space<vmem>>[vector<16xi32>], vector<16xf32>, vector<16xi1>
        tpu.vector_store_idx %arg11[%select_n3A], %bitcast3A_186 masked %and3A_176 {add = true} : memref<22496xf32, #tpu.memory_space<vmem>>[vector<16xi32>], vector<16xf32>, vector<16xi1>
        %shift_right_arithmetic3A = arith.constant 20 : i32
        %shift_right_arithmetic3A_187 = vector.broadcast %shift_right_arithmetic3A : i32 to vector<16xi32>
        %shift_right_arithmetic3A_188 = arith.shrsi %get3A_167, %shift_right_arithmetic3A_187 : vector<16xi32>
        %and3A_189 = arith.constant 1 : i32
        %and3A_190 = vector.broadcast %and3A_189 : i32 to vector<16xi32>
        %and3A_191 = arith.andi %select_n3A, %and3A_190 : vector<16xi32>
        %shift_left3A = arith.constant 4 : i32
        %shift_left3A_192 = vector.broadcast %shift_left3A : i32 to vector<16xi32>
        %shift_left3A_193 = arith.shli %and3A_191, %shift_left3A_192 : vector<16xi32>
        %add3A_194 = arith.addi %shift_right_arithmetic3A_188, %shift_left3A_193 : vector<16xi32>
        %shift_left3A_195 = arith.constant 1 : i32
        %shift_left3A_196 = vector.broadcast %shift_left3A_195 : i32 to vector<16xi32>
        %shift_left3A_197 = arith.shli %shift_left3A_196, %add3A_194 : vector<16xi32>
        %shift_right_arithmetic3A_198 = arith.constant 1 : i32
        %shift_right_arithmetic3A_199 = vector.broadcast %shift_right_arithmetic3A_198 : i32 to vector<16xi32>
        %shift_right_arithmetic3A_200 = arith.shrsi %select_n3A, %shift_right_arithmetic3A_199 : vector<16xi32>
        %gather3A = tpu.vector_load_idx %arg12[%select_n3A] : memref<22496xf32, #tpu.memory_space<vmem>>[vector<16xi32>], vector<16xf32>,
        %max3A = arith.maximumf %gather3A, %bitcast3A : vector<16xf32>
        tpu.vector_store_idx %arg12[%select_n3A], %max3A masked %and3A_176 : memref<22496xf32, #tpu.memory_space<vmem>>[vector<16xi32>], vector<16xf32>, vector<16xi1>
        %gather3A_201 = tpu.vector_load_idx %arg13[%select_n3A] : memref<22496xf32, #tpu.memory_space<vmem>>[vector<16xi32>], vector<16xf32>,
        %max3A_202 = arith.maximumf %gather3A_201, %bitcast3A_186 : vector<16xf32>
        tpu.vector_store_idx %arg13[%select_n3A], %max3A_202 masked %and3A_176 : memref<22496xf32, #tpu.memory_space<vmem>>[vector<16xi32>], vector<16xf32>, vector<16xi1>
        %gather3A_203 = tpu.vector_load_idx %arg14[%shift_right_arithmetic3A_200] : memref<11248xi32, #tpu.memory_space<vmem>>[vector<16xi32>], vector<16xi32>,
        %or3A = arith.ori %gather3A_203, %shift_left3A_197 : vector<16xi32>
        tpu.vector_store_idx %arg14[%shift_right_arithmetic3A_200], %or3A masked %and3A_176 : memref<11248xi32, #tpu.memory_space<vmem>>[vector<16xi32>], vector<16xi32>, vector<16xi1>
        %gather3A_204 = tpu.vector_load_idx %arg12[%select_n3A] : memref<22496xf32, #tpu.memory_space<vmem>>[vector<16xi32>], vector<16xf32>,
        %gather3A_205 = tpu.vector_load_idx %arg14[%shift_right_arithmetic3A_200] : memref<11248xi32, #tpu.memory_space<vmem>>[vector<16xi32>], vector<16xi32>,
        %gather3A_206 = tpu.vector_load_idx %arg13[%select_n3A] : memref<22496xf32, #tpu.memory_space<vmem>>[vector<16xi32>], vector<16xf32>,
        %lt3A_207 = arith.cmpf olt, %gather3A_204, %bitcast3A : vector<16xf32>
        %lt3A_208 = arith.cmpf olt, %gather3A_206, %bitcast3A_186 : vector<16xf32>
        %or3A_209 = arith.ori %lt3A_207, %lt3A_208 : vector<16xi1>
        %and3A_210 = arith.andi %gather3A_205, %shift_left3A_197 : vector<16xi32>
        %eq3A = arith.constant 0 : i32
        %eq3A_211 = vector.broadcast %eq3A : i32 to vector<16xi32>
        %eq3A_212 = arith.cmpi eq, %and3A_210, %eq3A_211 : vector<16xi32>
        %or3A_213 = arith.ori %or3A_209, %eq3A_212 : vector<16xi1>
        %and3A_214 = arith.andi %and3A_176, %or3A_213 : vector<16xi1>
        %mul3A_215 = arith.constant 8 : i32
        %mul3A_216 = arith.muli %scan3A_159, %mul3A_215 : i32
        %add3A_217 = arith.constant 1 : i32
        %add3A_218 = arith.addi %mul3A_216, %add3A_217 : i32
        %mul3A_219 = arith.constant 16 : i32
        %mul3A_220 = arith.muli %add3A_218, %mul3A_219 : i32
        %get3A_221 = arith.index_cast %mul3A_220 : i32 to index
        %get3A_222 = tpu.vector_load %arg16[%get3A_221] {strides = array<i32>} : memref<3072xi32, #tpu.memory_space<vmem>>, vector<16xi32>,
        %and3A_223 = arith.constant 1048575 : i32
        %and3A_224 = vector.broadcast %and3A_223 : i32 to vector<16xi32>
        %and3A_225 = arith.andi %get3A_222, %and3A_224 : vector<16xi32>
        %sub3A_226 = vector.broadcast %mul3A_2 : i32 to vector<16xi32>
        %sub3A_227 = arith.subi %and3A_225, %sub3A_226 : vector<16xi32>
        %ge3A_228 = arith.constant 0 : i32
        %ge3A_229 = vector.broadcast %ge3A_228 : i32 to vector<16xi32>
        %ge3A_230 = arith.cmpi sge, %sub3A_227, %ge3A_229 : vector<16xi32>
        %lt3A_231 = arith.constant 22496 : i32
        %lt3A_232 = vector.broadcast %lt3A_231 : i32 to vector<16xi32>
        %lt3A_233 = arith.cmpi slt, %sub3A_227, %lt3A_232 : vector<16xi32>
        %and3A_234 = arith.andi %ge3A_230, %lt3A_233 : vector<16xi1>
        %jit3A_235 = arith.constant 0 : i32
        %broadcast_in_dim3A_236 = vector.broadcast %jit3A_235 : i32 to vector<16xi32>
        %select_n3A_237 = arith.select %and3A_234, %sub3A_227, %broadcast_in_dim3A_236 : vector<16xi1>, vector<16xi32>
        %add3A_238 = arith.constant 1024 : i32
        %add3A_239 = arith.addi %add3A_238, %mul3A_220 : i32
        %get3A_240 = arith.index_cast %add3A_239 : i32 to index
        %get3A_241 = tpu.vector_load %arg16[%get3A_240] {strides = array<i32>} : memref<3072xi32, #tpu.memory_space<vmem>>, vector<16xi32>,
        %bitcast3A_242 = vector.bitcast %get3A_241 : vector<16xi32> to vector<16xf32>
        %add3A_243 = arith.constant 2048 : i32
        %add3A_244 = arith.addi %add3A_243, %mul3A_220 : i32
        %get3A_245 = arith.index_cast %add3A_244 : i32 to index
        %get3A_246 = tpu.vector_load %arg16[%get3A_245] {strides = array<i32>} : memref<3072xi32, #tpu.memory_space<vmem>>, vector<16xi32>,
        %bitcast3A_247 = vector.bitcast %get3A_246 : vector<16xi32> to vector<16xf32>
        tpu.vector_store_idx %arg9[%select_n3A_237], %broadcast_in_dim3A_7 masked %and3A_234 {add = true} : memref<22496xf32, #tpu.memory_space<vmem>>[vector<16xi32>], vector<16xf32>, vector<16xi1>
        tpu.vector_store_idx %arg10[%select_n3A_237], %bitcast3A_242 masked %and3A_234 {add = true} : memref<22496xf32, #tpu.memory_space<vmem>>[vector<16xi32>], vector<16xf32>, vector<16xi1>
        tpu.vector_store_idx %arg11[%select_n3A_237], %bitcast3A_247 masked %and3A_234 {add = true} : memref<22496xf32, #tpu.memory_space<vmem>>[vector<16xi32>], vector<16xf32>, vector<16xi1>
        %shift_right_arithmetic3A_248 = arith.constant 20 : i32
        %shift_right_arithmetic3A_249 = vector.broadcast %shift_right_arithmetic3A_248 : i32 to vector<16xi32>
        %shift_right_arithmetic3A_250 = arith.shrsi %get3A_222, %shift_right_arithmetic3A_249 : vector<16xi32>
        %and3A_251 = arith.constant 1 : i32
        %and3A_252 = vector.broadcast %and3A_251 : i32 to vector<16xi32>
        %and3A_253 = arith.andi %select_n3A_237, %and3A_252 : vector<16xi32>
        %shift_left3A_254 = arith.constant 4 : i32
        %shift_left3A_255 = vector.broadcast %shift_left3A_254 : i32 to vector<16xi32>
        %shift_left3A_256 = arith.shli %and3A_253, %shift_left3A_255 : vector<16xi32>
        %add3A_257 = arith.addi %shift_right_arithmetic3A_250, %shift_left3A_256 : vector<16xi32>
        %shift_left3A_258 = arith.constant 1 : i32
        %shift_left3A_259 = vector.broadcast %shift_left3A_258 : i32 to vector<16xi32>
        %shift_left3A_260 = arith.shli %shift_left3A_259, %add3A_257 : vector<16xi32>
        %shift_right_arithmetic3A_261 = arith.constant 1 : i32
        %shift_right_arithmetic3A_262 = vector.broadcast %shift_right_arithmetic3A_261 : i32 to vector<16xi32>
        %shift_right_arithmetic3A_263 = arith.shrsi %select_n3A_237, %shift_right_arithmetic3A_262 : vector<16xi32>
        %gather3A_264 = tpu.vector_load_idx %arg12[%select_n3A_237] : memref<22496xf32, #tpu.memory_space<vmem>>[vector<16xi32>], vector<16xf32>,
        %max3A_265 = arith.maximumf %gather3A_264, %bitcast3A_242 : vector<16xf32>
        tpu.vector_store_idx %arg12[%select_n3A_237], %max3A_265 masked %and3A_234 : memref<22496xf32, #tpu.memory_space<vmem>>[vector<16xi32>], vector<16xf32>, vector<16xi1>
        %gather3A_266 = tpu.vector_load_idx %arg13[%select_n3A_237] : memref<22496xf32, #tpu.memory_space<vmem>>[vector<16xi32>], vector<16xf32>,
        %max3A_267 = arith.maximumf %gather3A_266, %bitcast3A_247 : vector<16xf32>
        tpu.vector_store_idx %arg13[%select_n3A_237], %max3A_267 masked %and3A_234 : memref<22496xf32, #tpu.memory_space<vmem>>[vector<16xi32>], vector<16xf32>, vector<16xi1>
        %gather3A_268 = tpu.vector_load_idx %arg14[%shift_right_arithmetic3A_263] : memref<11248xi32, #tpu.memory_space<vmem>>[vector<16xi32>], vector<16xi32>,
        %or3A_269 = arith.ori %gather3A_268, %shift_left3A_260 : vector<16xi32>
        tpu.vector_store_idx %arg14[%shift_right_arithmetic3A_263], %or3A_269 masked %and3A_234 : memref<11248xi32, #tpu.memory_space<vmem>>[vector<16xi32>], vector<16xi32>, vector<16xi1>
        %gather3A_270 = tpu.vector_load_idx %arg12[%select_n3A_237] : memref<22496xf32, #tpu.memory_space<vmem>>[vector<16xi32>], vector<16xf32>,
        %gather3A_271 = tpu.vector_load_idx %arg14[%shift_right_arithmetic3A_263] : memref<11248xi32, #tpu.memory_space<vmem>>[vector<16xi32>], vector<16xi32>,
        %gather3A_272 = tpu.vector_load_idx %arg13[%select_n3A_237] : memref<22496xf32, #tpu.memory_space<vmem>>[vector<16xi32>], vector<16xf32>,
        %lt3A_273 = arith.cmpf olt, %gather3A_270, %bitcast3A_242 : vector<16xf32>
        %lt3A_274 = arith.cmpf olt, %gather3A_272, %bitcast3A_247 : vector<16xf32>
        %or3A_275 = arith.ori %lt3A_273, %lt3A_274 : vector<16xi1>
        %and3A_276 = arith.andi %gather3A_271, %shift_left3A_260 : vector<16xi32>
        %eq3A_277 = arith.constant 0 : i32
        %eq3A_278 = vector.broadcast %eq3A_277 : i32 to vector<16xi32>
        %eq3A_279 = arith.cmpi eq, %and3A_276, %eq3A_278 : vector<16xi32>
        %or3A_280 = arith.ori %or3A_275, %eq3A_279 : vector<16xi1>
        %and3A_281 = arith.andi %and3A_234, %or3A_280 : vector<16xi1>
        %mul3A_282 = arith.constant 8 : i32
        %mul3A_283 = arith.muli %scan3A_159, %mul3A_282 : i32
        %add3A_284 = arith.constant 2 : i32
        %add3A_285 = arith.addi %mul3A_283, %add3A_284 : i32
        %mul3A_286 = arith.constant 16 : i32
        %mul3A_287 = arith.muli %add3A_285, %mul3A_286 : i32
        %get3A_288 = arith.index_cast %mul3A_287 : i32 to index
        %get3A_289 = tpu.vector_load %arg16[%get3A_288] {strides = array<i32>} : memref<3072xi32, #tpu.memory_space<vmem>>, vector<16xi32>,
        %and3A_290 = arith.constant 1048575 : i32
        %and3A_291 = vector.broadcast %and3A_290 : i32 to vector<16xi32>
        %and3A_292 = arith.andi %get3A_289, %and3A_291 : vector<16xi32>
        %sub3A_293 = vector.broadcast %mul3A_2 : i32 to vector<16xi32>
        %sub3A_294 = arith.subi %and3A_292, %sub3A_293 : vector<16xi32>
        %ge3A_295 = arith.constant 0 : i32
        %ge3A_296 = vector.broadcast %ge3A_295 : i32 to vector<16xi32>
        %ge3A_297 = arith.cmpi sge, %sub3A_294, %ge3A_296 : vector<16xi32>
        %lt3A_298 = arith.constant 22496 : i32
        %lt3A_299 = vector.broadcast %lt3A_298 : i32 to vector<16xi32>
        %lt3A_300 = arith.cmpi slt, %sub3A_294, %lt3A_299 : vector<16xi32>
        %and3A_301 = arith.andi %ge3A_297, %lt3A_300 : vector<16xi1>
        %jit3A_302 = arith.constant 0 : i32
        %broadcast_in_dim3A_303 = vector.broadcast %jit3A_302 : i32 to vector<16xi32>
        %select_n3A_304 = arith.select %and3A_301, %sub3A_294, %broadcast_in_dim3A_303 : vector<16xi1>, vector<16xi32>
        %add3A_305 = arith.constant 1024 : i32
        %add3A_306 = arith.addi %add3A_305, %mul3A_287 : i32
        %get3A_307 = arith.index_cast %add3A_306 : i32 to index
        %get3A_308 = tpu.vector_load %arg16[%get3A_307] {strides = array<i32>} : memref<3072xi32, #tpu.memory_space<vmem>>, vector<16xi32>,
        %bitcast3A_309 = vector.bitcast %get3A_308 : vector<16xi32> to vector<16xf32>
        %add3A_310 = arith.constant 2048 : i32
        %add3A_311 = arith.addi %add3A_310, %mul3A_287 : i32
        %get3A_312 = arith.index_cast %add3A_311 : i32 to index
        %get3A_313 = tpu.vector_load %arg16[%get3A_312] {strides = array<i32>} : memref<3072xi32, #tpu.memory_space<vmem>>, vector<16xi32>,
        %bitcast3A_314 = vector.bitcast %get3A_313 : vector<16xi32> to vector<16xf32>
        tpu.vector_store_idx %arg9[%select_n3A_304], %broadcast_in_dim3A_7 masked %and3A_301 {add = true} : memref<22496xf32, #tpu.memory_space<vmem>>[vector<16xi32>], vector<16xf32>, vector<16xi1>
        tpu.vector_store_idx %arg10[%select_n3A_304], %bitcast3A_309 masked %and3A_301 {add = true} : memref<22496xf32, #tpu.memory_space<vmem>>[vector<16xi32>], vector<16xf32>, vector<16xi1>
        tpu.vector_store_idx %arg11[%select_n3A_304], %bitcast3A_314 masked %and3A_301 {add = true} : memref<22496xf32, #tpu.memory_space<vmem>>[vector<16xi32>], vector<16xf32>, vector<16xi1>
        %shift_right_arithmetic3A_315 = arith.constant 20 : i32
        %shift_right_arithmetic3A_316 = vector.broadcast %shift_right_arithmetic3A_315 : i32 to vector<16xi32>
        %shift_right_arithmetic3A_317 = arith.shrsi %get3A_289, %shift_right_arithmetic3A_316 : vector<16xi32>
        %and3A_318 = arith.constant 1 : i32
        %and3A_319 = vector.broadcast %and3A_318 : i32 to vector<16xi32>
        %and3A_320 = arith.andi %select_n3A_304, %and3A_319 : vector<16xi32>
        %shift_left3A_321 = arith.constant 4 : i32
        %shift_left3A_322 = vector.broadcast %shift_left3A_321 : i32 to vector<16xi32>
        %shift_left3A_323 = arith.shli %and3A_320, %shift_left3A_322 : vector<16xi32>
        %add3A_324 = arith.addi %shift_right_arithmetic3A_317, %shift_left3A_323 : vector<16xi32>
        %shift_left3A_325 = arith.constant 1 : i32
        %shift_left3A_326 = vector.broadcast %shift_left3A_325 : i32 to vector<16xi32>
        %shift_left3A_327 = arith.shli %shift_left3A_326, %add3A_324 : vector<16xi32>
        %shift_right_arithmetic3A_328 = arith.constant 1 : i32
        %shift_right_arithmetic3A_329 = vector.broadcast %shift_right_arithmetic3A_328 : i32 to vector<16xi32>
        %shift_right_arithmetic3A_330 = arith.shrsi %select_n3A_304, %shift_right_arithmetic3A_329 : vector<16xi32>
        %gather3A_331 = tpu.vector_load_idx %arg12[%select_n3A_304] : memref<22496xf32, #tpu.memory_space<vmem>>[vector<16xi32>], vector<16xf32>,
        %max3A_332 = arith.maximumf %gather3A_331, %bitcast3A_309 : vector<16xf32>
        tpu.vector_store_idx %arg12[%select_n3A_304], %max3A_332 masked %and3A_301 : memref<22496xf32, #tpu.memory_space<vmem>>[vector<16xi32>], vector<16xf32>, vector<16xi1>
        %gather3A_333 = tpu.vector_load_idx %arg13[%select_n3A_304] : memref<22496xf32, #tpu.memory_space<vmem>>[vector<16xi32>], vector<16xf32>,
        %max3A_334 = arith.maximumf %gather3A_333, %bitcast3A_314 : vector<16xf32>
        tpu.vector_store_idx %arg13[%select_n3A_304], %max3A_334 masked %and3A_301 : memref<22496xf32, #tpu.memory_space<vmem>>[vector<16xi32>], vector<16xf32>, vector<16xi1>
        %gather3A_335 = tpu.vector_load_idx %arg14[%shift_right_arithmetic3A_330] : memref<11248xi32, #tpu.memory_space<vmem>>[vector<16xi32>], vector<16xi32>,
        %or3A_336 = arith.ori %gather3A_335, %shift_left3A_327 : vector<16xi32>
        tpu.vector_store_idx %arg14[%shift_right_arithmetic3A_330], %or3A_336 masked %and3A_301 : memref<11248xi32, #tpu.memory_space<vmem>>[vector<16xi32>], vector<16xi32>, vector<16xi1>
        %gather3A_337 = tpu.vector_load_idx %arg12[%select_n3A_304] : memref<22496xf32, #tpu.memory_space<vmem>>[vector<16xi32>], vector<16xf32>,
        %gather3A_338 = tpu.vector_load_idx %arg14[%shift_right_arithmetic3A_330] : memref<11248xi32, #tpu.memory_space<vmem>>[vector<16xi32>], vector<16xi32>,
        %gather3A_339 = tpu.vector_load_idx %arg13[%select_n3A_304] : memref<22496xf32, #tpu.memory_space<vmem>>[vector<16xi32>], vector<16xf32>,
        %lt3A_340 = arith.cmpf olt, %gather3A_337, %bitcast3A_309 : vector<16xf32>
        %lt3A_341 = arith.cmpf olt, %gather3A_339, %bitcast3A_314 : vector<16xf32>
        %or3A_342 = arith.ori %lt3A_340, %lt3A_341 : vector<16xi1>
        %and3A_343 = arith.andi %gather3A_338, %shift_left3A_327 : vector<16xi32>
        %eq3A_344 = arith.constant 0 : i32
        %eq3A_345 = vector.broadcast %eq3A_344 : i32 to vector<16xi32>
        %eq3A_346 = arith.cmpi eq, %and3A_343, %eq3A_345 : vector<16xi32>
        %or3A_347 = arith.ori %or3A_342, %eq3A_346 : vector<16xi1>
        %and3A_348 = arith.andi %and3A_301, %or3A_347 : vector<16xi1>
        %mul3A_349 = arith.constant 8 : i32
        %mul3A_350 = arith.muli %scan3A_159, %mul3A_349 : i32
        %add3A_351 = arith.constant 3 : i32
        %add3A_352 = arith.addi %mul3A_350, %add3A_351 : i32
        %mul3A_353 = arith.constant 16 : i32
        %mul3A_354 = arith.muli %add3A_352, %mul3A_353 : i32
        %get3A_355 = arith.index_cast %mul3A_354 : i32 to index
        %get3A_356 = tpu.vector_load %arg16[%get3A_355] {strides = array<i32>} : memref<3072xi32, #tpu.memory_space<vmem>>, vector<16xi32>,
        %and3A_357 = arith.constant 1048575 : i32
        %and3A_358 = vector.broadcast %and3A_357 : i32 to vector<16xi32>
        %and3A_359 = arith.andi %get3A_356, %and3A_358 : vector<16xi32>
        %sub3A_360 = vector.broadcast %mul3A_2 : i32 to vector<16xi32>
        %sub3A_361 = arith.subi %and3A_359, %sub3A_360 : vector<16xi32>
        %ge3A_362 = arith.constant 0 : i32
        %ge3A_363 = vector.broadcast %ge3A_362 : i32 to vector<16xi32>
        %ge3A_364 = arith.cmpi sge, %sub3A_361, %ge3A_363 : vector<16xi32>
        %lt3A_365 = arith.constant 22496 : i32
        %lt3A_366 = vector.broadcast %lt3A_365 : i32 to vector<16xi32>
        %lt3A_367 = arith.cmpi slt, %sub3A_361, %lt3A_366 : vector<16xi32>
        %and3A_368 = arith.andi %ge3A_364, %lt3A_367 : vector<16xi1>
        %jit3A_369 = arith.constant 0 : i32
        %broadcast_in_dim3A_370 = vector.broadcast %jit3A_369 : i32 to vector<16xi32>
        %select_n3A_371 = arith.select %and3A_368, %sub3A_361, %broadcast_in_dim3A_370 : vector<16xi1>, vector<16xi32>
        %add3A_372 = arith.constant 1024 : i32
        %add3A_373 = arith.addi %add3A_372, %mul3A_354 : i32
        %get3A_374 = arith.index_cast %add3A_373 : i32 to index
        %get3A_375 = tpu.vector_load %arg16[%get3A_374] {strides = array<i32>} : memref<3072xi32, #tpu.memory_space<vmem>>, vector<16xi32>,
        %bitcast3A_376 = vector.bitcast %get3A_375 : vector<16xi32> to vector<16xf32>
        %add3A_377 = arith.constant 2048 : i32
        %add3A_378 = arith.addi %add3A_377, %mul3A_354 : i32
        %get3A_379 = arith.index_cast %add3A_378 : i32 to index
        %get3A_380 = tpu.vector_load %arg16[%get3A_379] {strides = array<i32>} : memref<3072xi32, #tpu.memory_space<vmem>>, vector<16xi32>,
        %bitcast3A_381 = vector.bitcast %get3A_380 : vector<16xi32> to vector<16xf32>
        tpu.vector_store_idx %arg9[%select_n3A_371], %broadcast_in_dim3A_7 masked %and3A_368 {add = true} : memref<22496xf32, #tpu.memory_space<vmem>>[vector<16xi32>], vector<16xf32>, vector<16xi1>
        tpu.vector_store_idx %arg10[%select_n3A_371], %bitcast3A_376 masked %and3A_368 {add = true} : memref<22496xf32, #tpu.memory_space<vmem>>[vector<16xi32>], vector<16xf32>, vector<16xi1>
        tpu.vector_store_idx %arg11[%select_n3A_371], %bitcast3A_381 masked %and3A_368 {add = true} : memref<22496xf32, #tpu.memory_space<vmem>>[vector<16xi32>], vector<16xf32>, vector<16xi1>
        %shift_right_arithmetic3A_382 = arith.constant 20 : i32
        %shift_right_arithmetic3A_383 = vector.broadcast %shift_right_arithmetic3A_382 : i32 to vector<16xi32>
        %shift_right_arithmetic3A_384 = arith.shrsi %get3A_356, %shift_right_arithmetic3A_383 : vector<16xi32>
        %and3A_385 = arith.constant 1 : i32
        %and3A_386 = vector.broadcast %and3A_385 : i32 to vector<16xi32>
        %and3A_387 = arith.andi %select_n3A_371, %and3A_386 : vector<16xi32>
        %shift_left3A_388 = arith.constant 4 : i32
        %shift_left3A_389 = vector.broadcast %shift_left3A_388 : i32 to vector<16xi32>
        %shift_left3A_390 = arith.shli %and3A_387, %shift_left3A_389 : vector<16xi32>
        %add3A_391 = arith.addi %shift_right_arithmetic3A_384, %shift_left3A_390 : vector<16xi32>
        %shift_left3A_392 = arith.constant 1 : i32
        %shift_left3A_393 = vector.broadcast %shift_left3A_392 : i32 to vector<16xi32>
        %shift_left3A_394 = arith.shli %shift_left3A_393, %add3A_391 : vector<16xi32>
        %shift_right_arithmetic3A_395 = arith.constant 1 : i32
        %shift_right_arithmetic3A_396 = vector.broadcast %shift_right_arithmetic3A_395 : i32 to vector<16xi32>
        %shift_right_arithmetic3A_397 = arith.shrsi %select_n3A_371, %shift_right_arithmetic3A_396 : vector<16xi32>
        %gather3A_398 = tpu.vector_load_idx %arg12[%select_n3A_371] : memref<22496xf32, #tpu.memory_space<vmem>>[vector<16xi32>], vector<16xf32>,
        %max3A_399 = arith.maximumf %gather3A_398, %bitcast3A_376 : vector<16xf32>
        tpu.vector_store_idx %arg12[%select_n3A_371], %max3A_399 masked %and3A_368 : memref<22496xf32, #tpu.memory_space<vmem>>[vector<16xi32>], vector<16xf32>, vector<16xi1>
        %gather3A_400 = tpu.vector_load_idx %arg13[%select_n3A_371] : memref<22496xf32, #tpu.memory_space<vmem>>[vector<16xi32>], vector<16xf32>,
        %max3A_401 = arith.maximumf %gather3A_400, %bitcast3A_381 : vector<16xf32>
        tpu.vector_store_idx %arg13[%select_n3A_371], %max3A_401 masked %and3A_368 : memref<22496xf32, #tpu.memory_space<vmem>>[vector<16xi32>], vector<16xf32>, vector<16xi1>
        %gather3A_402 = tpu.vector_load_idx %arg14[%shift_right_arithmetic3A_397] : memref<11248xi32, #tpu.memory_space<vmem>>[vector<16xi32>], vector<16xi32>,
        %or3A_403 = arith.ori %gather3A_402, %shift_left3A_394 : vector<16xi32>
        tpu.vector_store_idx %arg14[%shift_right_arithmetic3A_397], %or3A_403 masked %and3A_368 : memref<11248xi32, #tpu.memory_space<vmem>>[vector<16xi32>], vector<16xi32>, vector<16xi1>
        %gather3A_404 = tpu.vector_load_idx %arg12[%select_n3A_371] : memref<22496xf32, #tpu.memory_space<vmem>>[vector<16xi32>], vector<16xf32>,
        %gather3A_405 = tpu.vector_load_idx %arg14[%shift_right_arithmetic3A_397] : memref<11248xi32, #tpu.memory_space<vmem>>[vector<16xi32>], vector<16xi32>,
        %gather3A_406 = tpu.vector_load_idx %arg13[%select_n3A_371] : memref<22496xf32, #tpu.memory_space<vmem>>[vector<16xi32>], vector<16xf32>,
        %lt3A_407 = arith.cmpf olt, %gather3A_404, %bitcast3A_376 : vector<16xf32>
        %lt3A_408 = arith.cmpf olt, %gather3A_406, %bitcast3A_381 : vector<16xf32>
        %or3A_409 = arith.ori %lt3A_407, %lt3A_408 : vector<16xi1>
        %and3A_410 = arith.andi %gather3A_405, %shift_left3A_394 : vector<16xi32>
        %eq3A_411 = arith.constant 0 : i32
        %eq3A_412 = vector.broadcast %eq3A_411 : i32 to vector<16xi32>
        %eq3A_413 = arith.cmpi eq, %and3A_410, %eq3A_412 : vector<16xi32>
        %or3A_414 = arith.ori %or3A_409, %eq3A_413 : vector<16xi1>
        %and3A_415 = arith.andi %and3A_368, %or3A_414 : vector<16xi1>
        %mul3A_416 = arith.constant 8 : i32
        %mul3A_417 = arith.muli %scan3A_159, %mul3A_416 : i32
        %add3A_418 = arith.constant 4 : i32
        %add3A_419 = arith.addi %mul3A_417, %add3A_418 : i32
        %mul3A_420 = arith.constant 16 : i32
        %mul3A_421 = arith.muli %add3A_419, %mul3A_420 : i32
        %get3A_422 = arith.index_cast %mul3A_421 : i32 to index
        %get3A_423 = tpu.vector_load %arg16[%get3A_422] {strides = array<i32>} : memref<3072xi32, #tpu.memory_space<vmem>>, vector<16xi32>,
        %and3A_424 = arith.constant 1048575 : i32
        %and3A_425 = vector.broadcast %and3A_424 : i32 to vector<16xi32>
        %and3A_426 = arith.andi %get3A_423, %and3A_425 : vector<16xi32>
        %sub3A_427 = vector.broadcast %mul3A_2 : i32 to vector<16xi32>
        %sub3A_428 = arith.subi %and3A_426, %sub3A_427 : vector<16xi32>
        %ge3A_429 = arith.constant 0 : i32
        %ge3A_430 = vector.broadcast %ge3A_429 : i32 to vector<16xi32>
        %ge3A_431 = arith.cmpi sge, %sub3A_428, %ge3A_430 : vector<16xi32>
        %lt3A_432 = arith.constant 22496 : i32
        %lt3A_433 = vector.broadcast %lt3A_432 : i32 to vector<16xi32>
        %lt3A_434 = arith.cmpi slt, %sub3A_428, %lt3A_433 : vector<16xi32>
        %and3A_435 = arith.andi %ge3A_431, %lt3A_434 : vector<16xi1>
        %jit3A_436 = arith.constant 0 : i32
        %broadcast_in_dim3A_437 = vector.broadcast %jit3A_436 : i32 to vector<16xi32>
        %select_n3A_438 = arith.select %and3A_435, %sub3A_428, %broadcast_in_dim3A_437 : vector<16xi1>, vector<16xi32>
        %add3A_439 = arith.constant 1024 : i32
        %add3A_440 = arith.addi %add3A_439, %mul3A_421 : i32
        %get3A_441 = arith.index_cast %add3A_440 : i32 to index
        %get3A_442 = tpu.vector_load %arg16[%get3A_441] {strides = array<i32>} : memref<3072xi32, #tpu.memory_space<vmem>>, vector<16xi32>,
        %bitcast3A_443 = vector.bitcast %get3A_442 : vector<16xi32> to vector<16xf32>
        %add3A_444 = arith.constant 2048 : i32
        %add3A_445 = arith.addi %add3A_444, %mul3A_421 : i32
        %get3A_446 = arith.index_cast %add3A_445 : i32 to index
        %get3A_447 = tpu.vector_load %arg16[%get3A_446] {strides = array<i32>} : memref<3072xi32, #tpu.memory_space<vmem>>, vector<16xi32>,
        %bitcast3A_448 = vector.bitcast %get3A_447 : vector<16xi32> to vector<16xf32>
        tpu.vector_store_idx %arg9[%select_n3A_438], %broadcast_in_dim3A_7 masked %and3A_435 {add = true} : memref<22496xf32, #tpu.memory_space<vmem>>[vector<16xi32>], vector<16xf32>, vector<16xi1>
        tpu.vector_store_idx %arg10[%select_n3A_438], %bitcast3A_443 masked %and3A_435 {add = true} : memref<22496xf32, #tpu.memory_space<vmem>>[vector<16xi32>], vector<16xf32>, vector<16xi1>
        tpu.vector_store_idx %arg11[%select_n3A_438], %bitcast3A_448 masked %and3A_435 {add = true} : memref<22496xf32, #tpu.memory_space<vmem>>[vector<16xi32>], vector<16xf32>, vector<16xi1>
        %shift_right_arithmetic3A_449 = arith.constant 20 : i32
        %shift_right_arithmetic3A_450 = vector.broadcast %shift_right_arithmetic3A_449 : i32 to vector<16xi32>
        %shift_right_arithmetic3A_451 = arith.shrsi %get3A_423, %shift_right_arithmetic3A_450 : vector<16xi32>
        %and3A_452 = arith.constant 1 : i32
        %and3A_453 = vector.broadcast %and3A_452 : i32 to vector<16xi32>
        %and3A_454 = arith.andi %select_n3A_438, %and3A_453 : vector<16xi32>
        %shift_left3A_455 = arith.constant 4 : i32
        %shift_left3A_456 = vector.broadcast %shift_left3A_455 : i32 to vector<16xi32>
        %shift_left3A_457 = arith.shli %and3A_454, %shift_left3A_456 : vector<16xi32>
        %add3A_458 = arith.addi %shift_right_arithmetic3A_451, %shift_left3A_457 : vector<16xi32>
        %shift_left3A_459 = arith.constant 1 : i32
        %shift_left3A_460 = vector.broadcast %shift_left3A_459 : i32 to vector<16xi32>
        %shift_left3A_461 = arith.shli %shift_left3A_460, %add3A_458 : vector<16xi32>
        %shift_right_arithmetic3A_462 = arith.constant 1 : i32
        %shift_right_arithmetic3A_463 = vector.broadcast %shift_right_arithmetic3A_462 : i32 to vector<16xi32>
        %shift_right_arithmetic3A_464 = arith.shrsi %select_n3A_438, %shift_right_arithmetic3A_463 : vector<16xi32>
        %gather3A_465 = tpu.vector_load_idx %arg12[%select_n3A_438] : memref<22496xf32, #tpu.memory_space<vmem>>[vector<16xi32>], vector<16xf32>,
        %max3A_466 = arith.maximumf %gather3A_465, %bitcast3A_443 : vector<16xf32>
        tpu.vector_store_idx %arg12[%select_n3A_438], %max3A_466 masked %and3A_435 : memref<22496xf32, #tpu.memory_space<vmem>>[vector<16xi32>], vector<16xf32>, vector<16xi1>
        %gather3A_467 = tpu.vector_load_idx %arg13[%select_n3A_438] : memref<22496xf32, #tpu.memory_space<vmem>>[vector<16xi32>], vector<16xf32>,
        %max3A_468 = arith.maximumf %gather3A_467, %bitcast3A_448 : vector<16xf32>
        tpu.vector_store_idx %arg13[%select_n3A_438], %max3A_468 masked %and3A_435 : memref<22496xf32, #tpu.memory_space<vmem>>[vector<16xi32>], vector<16xf32>, vector<16xi1>
        %gather3A_469 = tpu.vector_load_idx %arg14[%shift_right_arithmetic3A_464] : memref<11248xi32, #tpu.memory_space<vmem>>[vector<16xi32>], vector<16xi32>,
        %or3A_470 = arith.ori %gather3A_469, %shift_left3A_461 : vector<16xi32>
        tpu.vector_store_idx %arg14[%shift_right_arithmetic3A_464], %or3A_470 masked %and3A_435 : memref<11248xi32, #tpu.memory_space<vmem>>[vector<16xi32>], vector<16xi32>, vector<16xi1>
        %gather3A_471 = tpu.vector_load_idx %arg12[%select_n3A_438] : memref<22496xf32, #tpu.memory_space<vmem>>[vector<16xi32>], vector<16xf32>,
        %gather3A_472 = tpu.vector_load_idx %arg14[%shift_right_arithmetic3A_464] : memref<11248xi32, #tpu.memory_space<vmem>>[vector<16xi32>], vector<16xi32>,
        %gather3A_473 = tpu.vector_load_idx %arg13[%select_n3A_438] : memref<22496xf32, #tpu.memory_space<vmem>>[vector<16xi32>], vector<16xf32>,
        %lt3A_474 = arith.cmpf olt, %gather3A_471, %bitcast3A_443 : vector<16xf32>
        %lt3A_475 = arith.cmpf olt, %gather3A_473, %bitcast3A_448 : vector<16xf32>
        %or3A_476 = arith.ori %lt3A_474, %lt3A_475 : vector<16xi1>
        %and3A_477 = arith.andi %gather3A_472, %shift_left3A_461 : vector<16xi32>
        %eq3A_478 = arith.constant 0 : i32
        %eq3A_479 = vector.broadcast %eq3A_478 : i32 to vector<16xi32>
        %eq3A_480 = arith.cmpi eq, %and3A_477, %eq3A_479 : vector<16xi32>
        %or3A_481 = arith.ori %or3A_476, %eq3A_480 : vector<16xi1>
        %and3A_482 = arith.andi %and3A_435, %or3A_481 : vector<16xi1>
        %mul3A_483 = arith.constant 8 : i32
        %mul3A_484 = arith.muli %scan3A_159, %mul3A_483 : i32
        %add3A_485 = arith.constant 5 : i32
        %add3A_486 = arith.addi %mul3A_484, %add3A_485 : i32
        %mul3A_487 = arith.constant 16 : i32
        %mul3A_488 = arith.muli %add3A_486, %mul3A_487 : i32
        %get3A_489 = arith.index_cast %mul3A_488 : i32 to index
        %get3A_490 = tpu.vector_load %arg16[%get3A_489] {strides = array<i32>} : memref<3072xi32, #tpu.memory_space<vmem>>, vector<16xi32>,
        %and3A_491 = arith.constant 1048575 : i32
        %and3A_492 = vector.broadcast %and3A_491 : i32 to vector<16xi32>
        %and3A_493 = arith.andi %get3A_490, %and3A_492 : vector<16xi32>
        %sub3A_494 = vector.broadcast %mul3A_2 : i32 to vector<16xi32>
        %sub3A_495 = arith.subi %and3A_493, %sub3A_494 : vector<16xi32>
        %ge3A_496 = arith.constant 0 : i32
        %ge3A_497 = vector.broadcast %ge3A_496 : i32 to vector<16xi32>
        %ge3A_498 = arith.cmpi sge, %sub3A_495, %ge3A_497 : vector<16xi32>
        %lt3A_499 = arith.constant 22496 : i32
        %lt3A_500 = vector.broadcast %lt3A_499 : i32 to vector<16xi32>
        %lt3A_501 = arith.cmpi slt, %sub3A_495, %lt3A_500 : vector<16xi32>
        %and3A_502 = arith.andi %ge3A_498, %lt3A_501 : vector<16xi1>
        %jit3A_503 = arith.constant 0 : i32
        %broadcast_in_dim3A_504 = vector.broadcast %jit3A_503 : i32 to vector<16xi32>
        %select_n3A_505 = arith.select %and3A_502, %sub3A_495, %broadcast_in_dim3A_504 : vector<16xi1>, vector<16xi32>
        %add3A_506 = arith.constant 1024 : i32
        %add3A_507 = arith.addi %add3A_506, %mul3A_488 : i32
        %get3A_508 = arith.index_cast %add3A_507 : i32 to index
        %get3A_509 = tpu.vector_load %arg16[%get3A_508] {strides = array<i32>} : memref<3072xi32, #tpu.memory_space<vmem>>, vector<16xi32>,
        %bitcast3A_510 = vector.bitcast %get3A_509 : vector<16xi32> to vector<16xf32>
        %add3A_511 = arith.constant 2048 : i32
        %add3A_512 = arith.addi %add3A_511, %mul3A_488 : i32
        %get3A_513 = arith.index_cast %add3A_512 : i32 to index
        %get3A_514 = tpu.vector_load %arg16[%get3A_513] {strides = array<i32>} : memref<3072xi32, #tpu.memory_space<vmem>>, vector<16xi32>,
        %bitcast3A_515 = vector.bitcast %get3A_514 : vector<16xi32> to vector<16xf32>
        tpu.vector_store_idx %arg9[%select_n3A_505], %broadcast_in_dim3A_7 masked %and3A_502 {add = true} : memref<22496xf32, #tpu.memory_space<vmem>>[vector<16xi32>], vector<16xf32>, vector<16xi1>
        tpu.vector_store_idx %arg10[%select_n3A_505], %bitcast3A_510 masked %and3A_502 {add = true} : memref<22496xf32, #tpu.memory_space<vmem>>[vector<16xi32>], vector<16xf32>, vector<16xi1>
        tpu.vector_store_idx %arg11[%select_n3A_505], %bitcast3A_515 masked %and3A_502 {add = true} : memref<22496xf32, #tpu.memory_space<vmem>>[vector<16xi32>], vector<16xf32>, vector<16xi1>
        %shift_right_arithmetic3A_516 = arith.constant 20 : i32
        %shift_right_arithmetic3A_517 = vector.broadcast %shift_right_arithmetic3A_516 : i32 to vector<16xi32>
        %shift_right_arithmetic3A_518 = arith.shrsi %get3A_490, %shift_right_arithmetic3A_517 : vector<16xi32>
        %and3A_519 = arith.constant 1 : i32
        %and3A_520 = vector.broadcast %and3A_519 : i32 to vector<16xi32>
        %and3A_521 = arith.andi %select_n3A_505, %and3A_520 : vector<16xi32>
        %shift_left3A_522 = arith.constant 4 : i32
        %shift_left3A_523 = vector.broadcast %shift_left3A_522 : i32 to vector<16xi32>
        %shift_left3A_524 = arith.shli %and3A_521, %shift_left3A_523 : vector<16xi32>
        %add3A_525 = arith.addi %shift_right_arithmetic3A_518, %shift_left3A_524 : vector<16xi32>
        %shift_left3A_526 = arith.constant 1 : i32
        %shift_left3A_527 = vector.broadcast %shift_left3A_526 : i32 to vector<16xi32>
        %shift_left3A_528 = arith.shli %shift_left3A_527, %add3A_525 : vector<16xi32>
        %shift_right_arithmetic3A_529 = arith.constant 1 : i32
        %shift_right_arithmetic3A_530 = vector.broadcast %shift_right_arithmetic3A_529 : i32 to vector<16xi32>
        %shift_right_arithmetic3A_531 = arith.shrsi %select_n3A_505, %shift_right_arithmetic3A_530 : vector<16xi32>
        %gather3A_532 = tpu.vector_load_idx %arg12[%select_n3A_505] : memref<22496xf32, #tpu.memory_space<vmem>>[vector<16xi32>], vector<16xf32>,
        %max3A_533 = arith.maximumf %gather3A_532, %bitcast3A_510 : vector<16xf32>
        tpu.vector_store_idx %arg12[%select_n3A_505], %max3A_533 masked %and3A_502 : memref<22496xf32, #tpu.memory_space<vmem>>[vector<16xi32>], vector<16xf32>, vector<16xi1>
        %gather3A_534 = tpu.vector_load_idx %arg13[%select_n3A_505] : memref<22496xf32, #tpu.memory_space<vmem>>[vector<16xi32>], vector<16xf32>,
        %max3A_535 = arith.maximumf %gather3A_534, %bitcast3A_515 : vector<16xf32>
        tpu.vector_store_idx %arg13[%select_n3A_505], %max3A_535 masked %and3A_502 : memref<22496xf32, #tpu.memory_space<vmem>>[vector<16xi32>], vector<16xf32>, vector<16xi1>
        %gather3A_536 = tpu.vector_load_idx %arg14[%shift_right_arithmetic3A_531] : memref<11248xi32, #tpu.memory_space<vmem>>[vector<16xi32>], vector<16xi32>,
        %or3A_537 = arith.ori %gather3A_536, %shift_left3A_528 : vector<16xi32>
        tpu.vector_store_idx %arg14[%shift_right_arithmetic3A_531], %or3A_537 masked %and3A_502 : memref<11248xi32, #tpu.memory_space<vmem>>[vector<16xi32>], vector<16xi32>, vector<16xi1>
        %gather3A_538 = tpu.vector_load_idx %arg12[%select_n3A_505] : memref<22496xf32, #tpu.memory_space<vmem>>[vector<16xi32>], vector<16xf32>,
        %gather3A_539 = tpu.vector_load_idx %arg14[%shift_right_arithmetic3A_531] : memref<11248xi32, #tpu.memory_space<vmem>>[vector<16xi32>], vector<16xi32>,
        %gather3A_540 = tpu.vector_load_idx %arg13[%select_n3A_505] : memref<22496xf32, #tpu.memory_space<vmem>>[vector<16xi32>], vector<16xf32>,
        %lt3A_541 = arith.cmpf olt, %gather3A_538, %bitcast3A_510 : vector<16xf32>
        %lt3A_542 = arith.cmpf olt, %gather3A_540, %bitcast3A_515 : vector<16xf32>
        %or3A_543 = arith.ori %lt3A_541, %lt3A_542 : vector<16xi1>
        %and3A_544 = arith.andi %gather3A_539, %shift_left3A_528 : vector<16xi32>
        %eq3A_545 = arith.constant 0 : i32
        %eq3A_546 = vector.broadcast %eq3A_545 : i32 to vector<16xi32>
        %eq3A_547 = arith.cmpi eq, %and3A_544, %eq3A_546 : vector<16xi32>
        %or3A_548 = arith.ori %or3A_543, %eq3A_547 : vector<16xi1>
        %and3A_549 = arith.andi %and3A_502, %or3A_548 : vector<16xi1>
        %mul3A_550 = arith.constant 8 : i32
        %mul3A_551 = arith.muli %scan3A_159, %mul3A_550 : i32
        %add3A_552 = arith.constant 6 : i32
        %add3A_553 = arith.addi %mul3A_551, %add3A_552 : i32
        %mul3A_554 = arith.constant 16 : i32
        %mul3A_555 = arith.muli %add3A_553, %mul3A_554 : i32
        %get3A_556 = arith.index_cast %mul3A_555 : i32 to index
        %get3A_557 = tpu.vector_load %arg16[%get3A_556] {strides = array<i32>} : memref<3072xi32, #tpu.memory_space<vmem>>, vector<16xi32>,
        %and3A_558 = arith.constant 1048575 : i32
        %and3A_559 = vector.broadcast %and3A_558 : i32 to vector<16xi32>
        %and3A_560 = arith.andi %get3A_557, %and3A_559 : vector<16xi32>
        %sub3A_561 = vector.broadcast %mul3A_2 : i32 to vector<16xi32>
        %sub3A_562 = arith.subi %and3A_560, %sub3A_561 : vector<16xi32>
        %ge3A_563 = arith.constant 0 : i32
        %ge3A_564 = vector.broadcast %ge3A_563 : i32 to vector<16xi32>
        %ge3A_565 = arith.cmpi sge, %sub3A_562, %ge3A_564 : vector<16xi32>
        %lt3A_566 = arith.constant 22496 : i32
        %lt3A_567 = vector.broadcast %lt3A_566 : i32 to vector<16xi32>
        %lt3A_568 = arith.cmpi slt, %sub3A_562, %lt3A_567 : vector<16xi32>
        %and3A_569 = arith.andi %ge3A_565, %lt3A_568 : vector<16xi1>
        %jit3A_570 = arith.constant 0 : i32
        %broadcast_in_dim3A_571 = vector.broadcast %jit3A_570 : i32 to vector<16xi32>
        %select_n3A_572 = arith.select %and3A_569, %sub3A_562, %broadcast_in_dim3A_571 : vector<16xi1>, vector<16xi32>
        %add3A_573 = arith.constant 1024 : i32
        %add3A_574 = arith.addi %add3A_573, %mul3A_555 : i32
        %get3A_575 = arith.index_cast %add3A_574 : i32 to index
        %get3A_576 = tpu.vector_load %arg16[%get3A_575] {strides = array<i32>} : memref<3072xi32, #tpu.memory_space<vmem>>, vector<16xi32>,
        %bitcast3A_577 = vector.bitcast %get3A_576 : vector<16xi32> to vector<16xf32>
        %add3A_578 = arith.constant 2048 : i32
        %add3A_579 = arith.addi %add3A_578, %mul3A_555 : i32
        %get3A_580 = arith.index_cast %add3A_579 : i32 to index
        %get3A_581 = tpu.vector_load %arg16[%get3A_580] {strides = array<i32>} : memref<3072xi32, #tpu.memory_space<vmem>>, vector<16xi32>,
        %bitcast3A_582 = vector.bitcast %get3A_581 : vector<16xi32> to vector<16xf32>
        tpu.vector_store_idx %arg9[%select_n3A_572], %broadcast_in_dim3A_7 masked %and3A_569 {add = true} : memref<22496xf32, #tpu.memory_space<vmem>>[vector<16xi32>], vector<16xf32>, vector<16xi1>
        tpu.vector_store_idx %arg10[%select_n3A_572], %bitcast3A_577 masked %and3A_569 {add = true} : memref<22496xf32, #tpu.memory_space<vmem>>[vector<16xi32>], vector<16xf32>, vector<16xi1>
        tpu.vector_store_idx %arg11[%select_n3A_572], %bitcast3A_582 masked %and3A_569 {add = true} : memref<22496xf32, #tpu.memory_space<vmem>>[vector<16xi32>], vector<16xf32>, vector<16xi1>
        %shift_right_arithmetic3A_583 = arith.constant 20 : i32
        %shift_right_arithmetic3A_584 = vector.broadcast %shift_right_arithmetic3A_583 : i32 to vector<16xi32>
        %shift_right_arithmetic3A_585 = arith.shrsi %get3A_557, %shift_right_arithmetic3A_584 : vector<16xi32>
        %and3A_586 = arith.constant 1 : i32
        %and3A_587 = vector.broadcast %and3A_586 : i32 to vector<16xi32>
        %and3A_588 = arith.andi %select_n3A_572, %and3A_587 : vector<16xi32>
        %shift_left3A_589 = arith.constant 4 : i32
        %shift_left3A_590 = vector.broadcast %shift_left3A_589 : i32 to vector<16xi32>
        %shift_left3A_591 = arith.shli %and3A_588, %shift_left3A_590 : vector<16xi32>
        %add3A_592 = arith.addi %shift_right_arithmetic3A_585, %shift_left3A_591 : vector<16xi32>
        %shift_left3A_593 = arith.constant 1 : i32
        %shift_left3A_594 = vector.broadcast %shift_left3A_593 : i32 to vector<16xi32>
        %shift_left3A_595 = arith.shli %shift_left3A_594, %add3A_592 : vector<16xi32>
        %shift_right_arithmetic3A_596 = arith.constant 1 : i32
        %shift_right_arithmetic3A_597 = vector.broadcast %shift_right_arithmetic3A_596 : i32 to vector<16xi32>
        %shift_right_arithmetic3A_598 = arith.shrsi %select_n3A_572, %shift_right_arithmetic3A_597 : vector<16xi32>
        %gather3A_599 = tpu.vector_load_idx %arg12[%select_n3A_572] : memref<22496xf32, #tpu.memory_space<vmem>>[vector<16xi32>], vector<16xf32>,
        %max3A_600 = arith.maximumf %gather3A_599, %bitcast3A_577 : vector<16xf32>
        tpu.vector_store_idx %arg12[%select_n3A_572], %max3A_600 masked %and3A_569 : memref<22496xf32, #tpu.memory_space<vmem>>[vector<16xi32>], vector<16xf32>, vector<16xi1>
        %gather3A_601 = tpu.vector_load_idx %arg13[%select_n3A_572] : memref<22496xf32, #tpu.memory_space<vmem>>[vector<16xi32>], vector<16xf32>,
        %max3A_602 = arith.maximumf %gather3A_601, %bitcast3A_582 : vector<16xf32>
        tpu.vector_store_idx %arg13[%select_n3A_572], %max3A_602 masked %and3A_569 : memref<22496xf32, #tpu.memory_space<vmem>>[vector<16xi32>], vector<16xf32>, vector<16xi1>
        %gather3A_603 = tpu.vector_load_idx %arg14[%shift_right_arithmetic3A_598] : memref<11248xi32, #tpu.memory_space<vmem>>[vector<16xi32>], vector<16xi32>,
        %or3A_604 = arith.ori %gather3A_603, %shift_left3A_595 : vector<16xi32>
        tpu.vector_store_idx %arg14[%shift_right_arithmetic3A_598], %or3A_604 masked %and3A_569 : memref<11248xi32, #tpu.memory_space<vmem>>[vector<16xi32>], vector<16xi32>, vector<16xi1>
        %gather3A_605 = tpu.vector_load_idx %arg12[%select_n3A_572] : memref<22496xf32, #tpu.memory_space<vmem>>[vector<16xi32>], vector<16xf32>,
        %gather3A_606 = tpu.vector_load_idx %arg14[%shift_right_arithmetic3A_598] : memref<11248xi32, #tpu.memory_space<vmem>>[vector<16xi32>], vector<16xi32>,
        %gather3A_607 = tpu.vector_load_idx %arg13[%select_n3A_572] : memref<22496xf32, #tpu.memory_space<vmem>>[vector<16xi32>], vector<16xf32>,
        %lt3A_608 = arith.cmpf olt, %gather3A_605, %bitcast3A_577 : vector<16xf32>
        %lt3A_609 = arith.cmpf olt, %gather3A_607, %bitcast3A_582 : vector<16xf32>
        %or3A_610 = arith.ori %lt3A_608, %lt3A_609 : vector<16xi1>
        %and3A_611 = arith.andi %gather3A_606, %shift_left3A_595 : vector<16xi32>
        %eq3A_612 = arith.constant 0 : i32
        %eq3A_613 = vector.broadcast %eq3A_612 : i32 to vector<16xi32>
        %eq3A_614 = arith.cmpi eq, %and3A_611, %eq3A_613 : vector<16xi32>
        %or3A_615 = arith.ori %or3A_610, %eq3A_614 : vector<16xi1>
        %and3A_616 = arith.andi %and3A_569, %or3A_615 : vector<16xi1>
        %mul3A_617 = arith.constant 8 : i32
        %mul3A_618 = arith.muli %scan3A_159, %mul3A_617 : i32
        %add3A_619 = arith.constant 7 : i32
        %add3A_620 = arith.addi %mul3A_618, %add3A_619 : i32
        %mul3A_621 = arith.constant 16 : i32
        %mul3A_622 = arith.muli %add3A_620, %mul3A_621 : i32
        %get3A_623 = arith.index_cast %mul3A_622 : i32 to index
        %get3A_624 = tpu.vector_load %arg16[%get3A_623] {strides = array<i32>} : memref<3072xi32, #tpu.memory_space<vmem>>, vector<16xi32>,
        %and3A_625 = arith.constant 1048575 : i32
        %and3A_626 = vector.broadcast %and3A_625 : i32 to vector<16xi32>
        %and3A_627 = arith.andi %get3A_624, %and3A_626 : vector<16xi32>
        %sub3A_628 = vector.broadcast %mul3A_2 : i32 to vector<16xi32>
        %sub3A_629 = arith.subi %and3A_627, %sub3A_628 : vector<16xi32>
        %ge3A_630 = arith.constant 0 : i32
        %ge3A_631 = vector.broadcast %ge3A_630 : i32 to vector<16xi32>
        %ge3A_632 = arith.cmpi sge, %sub3A_629, %ge3A_631 : vector<16xi32>
        %lt3A_633 = arith.constant 22496 : i32
        %lt3A_634 = vector.broadcast %lt3A_633 : i32 to vector<16xi32>
        %lt3A_635 = arith.cmpi slt, %sub3A_629, %lt3A_634 : vector<16xi32>
        %and3A_636 = arith.andi %ge3A_632, %lt3A_635 : vector<16xi1>
        %jit3A_637 = arith.constant 0 : i32
        %broadcast_in_dim3A_638 = vector.broadcast %jit3A_637 : i32 to vector<16xi32>
        %select_n3A_639 = arith.select %and3A_636, %sub3A_629, %broadcast_in_dim3A_638 : vector<16xi1>, vector<16xi32>
        %add3A_640 = arith.constant 1024 : i32
        %add3A_641 = arith.addi %add3A_640, %mul3A_622 : i32
        %get3A_642 = arith.index_cast %add3A_641 : i32 to index
        %get3A_643 = tpu.vector_load %arg16[%get3A_642] {strides = array<i32>} : memref<3072xi32, #tpu.memory_space<vmem>>, vector<16xi32>,
        %bitcast3A_644 = vector.bitcast %get3A_643 : vector<16xi32> to vector<16xf32>
        %add3A_645 = arith.constant 2048 : i32
        %add3A_646 = arith.addi %add3A_645, %mul3A_622 : i32
        %get3A_647 = arith.index_cast %add3A_646 : i32 to index
        %get3A_648 = tpu.vector_load %arg16[%get3A_647] {strides = array<i32>} : memref<3072xi32, #tpu.memory_space<vmem>>, vector<16xi32>,
        %bitcast3A_649 = vector.bitcast %get3A_648 : vector<16xi32> to vector<16xf32>
        tpu.vector_store_idx %arg9[%select_n3A_639], %broadcast_in_dim3A_7 masked %and3A_636 {add = true} : memref<22496xf32, #tpu.memory_space<vmem>>[vector<16xi32>], vector<16xf32>, vector<16xi1>
        tpu.vector_store_idx %arg10[%select_n3A_639], %bitcast3A_644 masked %and3A_636 {add = true} : memref<22496xf32, #tpu.memory_space<vmem>>[vector<16xi32>], vector<16xf32>, vector<16xi1>
        tpu.vector_store_idx %arg11[%select_n3A_639], %bitcast3A_649 masked %and3A_636 {add = true} : memref<22496xf32, #tpu.memory_space<vmem>>[vector<16xi32>], vector<16xf32>, vector<16xi1>
        %shift_right_arithmetic3A_650 = arith.constant 20 : i32
        %shift_right_arithmetic3A_651 = vector.broadcast %shift_right_arithmetic3A_650 : i32 to vector<16xi32>
        %shift_right_arithmetic3A_652 = arith.shrsi %get3A_624, %shift_right_arithmetic3A_651 : vector<16xi32>
        %and3A_653 = arith.constant 1 : i32
        %and3A_654 = vector.broadcast %and3A_653 : i32 to vector<16xi32>
        %and3A_655 = arith.andi %select_n3A_639, %and3A_654 : vector<16xi32>
        %shift_left3A_656 = arith.constant 4 : i32
        %shift_left3A_657 = vector.broadcast %shift_left3A_656 : i32 to vector<16xi32>
        %shift_left3A_658 = arith.shli %and3A_655, %shift_left3A_657 : vector<16xi32>
        %add3A_659 = arith.addi %shift_right_arithmetic3A_652, %shift_left3A_658 : vector<16xi32>
        %shift_left3A_660 = arith.constant 1 : i32
        %shift_left3A_661 = vector.broadcast %shift_left3A_660 : i32 to vector<16xi32>
        %shift_left3A_662 = arith.shli %shift_left3A_661, %add3A_659 : vector<16xi32>
        %shift_right_arithmetic3A_663 = arith.constant 1 : i32
        %shift_right_arithmetic3A_664 = vector.broadcast %shift_right_arithmetic3A_663 : i32 to vector<16xi32>
        %shift_right_arithmetic3A_665 = arith.shrsi %select_n3A_639, %shift_right_arithmetic3A_664 : vector<16xi32>
        %gather3A_666 = tpu.vector_load_idx %arg12[%select_n3A_639] : memref<22496xf32, #tpu.memory_space<vmem>>[vector<16xi32>], vector<16xf32>,
        %max3A_667 = arith.maximumf %gather3A_666, %bitcast3A_644 : vector<16xf32>
        tpu.vector_store_idx %arg12[%select_n3A_639], %max3A_667 masked %and3A_636 : memref<22496xf32, #tpu.memory_space<vmem>>[vector<16xi32>], vector<16xf32>, vector<16xi1>
        %gather3A_668 = tpu.vector_load_idx %arg13[%select_n3A_639] : memref<22496xf32, #tpu.memory_space<vmem>>[vector<16xi32>], vector<16xf32>,
        %max3A_669 = arith.maximumf %gather3A_668, %bitcast3A_649 : vector<16xf32>
        tpu.vector_store_idx %arg13[%select_n3A_639], %max3A_669 masked %and3A_636 : memref<22496xf32, #tpu.memory_space<vmem>>[vector<16xi32>], vector<16xf32>, vector<16xi1>
        %gather3A_670 = tpu.vector_load_idx %arg14[%shift_right_arithmetic3A_665] : memref<11248xi32, #tpu.memory_space<vmem>>[vector<16xi32>], vector<16xi32>,
        %or3A_671 = arith.ori %gather3A_670, %shift_left3A_662 : vector<16xi32>
        tpu.vector_store_idx %arg14[%shift_right_arithmetic3A_665], %or3A_671 masked %and3A_636 : memref<11248xi32, #tpu.memory_space<vmem>>[vector<16xi32>], vector<16xi32>, vector<16xi1>
        %gather3A_672 = tpu.vector_load_idx %arg12[%select_n3A_639] : memref<22496xf32, #tpu.memory_space<vmem>>[vector<16xi32>], vector<16xf32>,
        %gather3A_673 = tpu.vector_load_idx %arg14[%shift_right_arithmetic3A_665] : memref<11248xi32, #tpu.memory_space<vmem>>[vector<16xi32>], vector<16xi32>,
        %gather3A_674 = tpu.vector_load_idx %arg13[%select_n3A_639] : memref<22496xf32, #tpu.memory_space<vmem>>[vector<16xi32>], vector<16xf32>,
        %lt3A_675 = arith.cmpf olt, %gather3A_672, %bitcast3A_644 : vector<16xf32>
        %lt3A_676 = arith.cmpf olt, %gather3A_674, %bitcast3A_649 : vector<16xf32>
        %or3A_677 = arith.ori %lt3A_675, %lt3A_676 : vector<16xi1>
        %and3A_678 = arith.andi %gather3A_673, %shift_left3A_662 : vector<16xi32>
        %eq3A_679 = arith.constant 0 : i32
        %eq3A_680 = vector.broadcast %eq3A_679 : i32 to vector<16xi32>
        %eq3A_681 = arith.cmpi eq, %and3A_678, %eq3A_680 : vector<16xi32>
        %or3A_682 = arith.ori %or3A_677, %eq3A_681 : vector<16xi1>
        %and3A_683 = arith.andi %and3A_636, %or3A_682 : vector<16xi1>
        %or3A_684 = arith.ori %and3A_214, %and3A_281 : vector<16xi1>
        %or3A_685 = arith.ori %or3A_684, %and3A_348 : vector<16xi1>
        %or3A_686 = arith.ori %or3A_685, %and3A_415 : vector<16xi1>
        %or3A_687 = arith.ori %or3A_686, %and3A_482 : vector<16xi1>
        %or3A_688 = arith.ori %or3A_687, %and3A_549 : vector<16xi1>
        %or3A_689 = arith.ori %or3A_688, %and3A_616 : vector<16xi1>
        %or3A_690 = arith.ori %or3A_689, %and3A_683 : vector<16xi1>
        %reduce_or3A = arith.constant 1.000000e+00 : f32
        %reduce_or3A_691 = arith.constant 0.000000e+00 : f32
        %reduce_or3A_692 = vector.broadcast %reduce_or3A : f32 to vector<16xf32>
        %reduce_or3A_693 = vector.broadcast %reduce_or3A_691 : f32 to vector<16xf32>
        %reduce_or3A_694 = arith.select %or3A_690, %reduce_or3A_692, %reduce_or3A_693 : vector<16xi1>, vector<16xf32>
        %reduce_or3A_695 = arith.constant true
        %reduce_or3A_696 = vector.broadcast %reduce_or3A_695 : i1 to vector<16xi1>
        %reduce_or3A_697 = tpu.scan <max>, %reduce_or3A_694 masked %reduce_or3A_696 : vector<16xf32>, vector<16xi1> -> vector<16xf32>
        %reduce_or3A_698 = vector.extract %reduce_or3A_697[15] : f32 from vector<16xf32>
        %reduce_or3A_699 = arith.constant 0.000000e+00 : f32
        %reduce_or3A_700 = arith.cmpf ogt, %reduce_or3A_698, %reduce_or3A_699 : f32
        %convert_element_type3A_701 = arith.extui %reduce_or3A_700 : i1 to i32
        %cond3A_702 = arith.constant 0 : i32
        %cond3A_703 = arith.cmpi ne, %convert_element_type3A_701, %cond3A_702 : i32
        scf.if %cond3A_703 {
          %while3A = scf.while (%while3A_712 = %and3A_214) : (vector<16xi1>) -> vector<16xi1> {
            %reduce_or3A_713 = arith.constant 1.000000e+00 : f32
            %reduce_or3A_714 = arith.constant 0.000000e+00 : f32
            %reduce_or3A_715 = vector.broadcast %reduce_or3A_713 : f32 to vector<16xf32>
            %reduce_or3A_716 = vector.broadcast %reduce_or3A_714 : f32 to vector<16xf32>
            %reduce_or3A_717 = arith.select %while3A_712, %reduce_or3A_715, %reduce_or3A_716 : vector<16xi1>, vector<16xf32>
            %reduce_or3A_718 = arith.constant true
            %reduce_or3A_719 = vector.broadcast %reduce_or3A_718 : i1 to vector<16xi1>
            %reduce_or3A_720 = tpu.scan <max>, %reduce_or3A_717 masked %reduce_or3A_719 : vector<16xf32>, vector<16xi1> -> vector<16xf32>
            %reduce_or3A_721 = vector.extract %reduce_or3A_720[15] : f32 from vector<16xf32>
            %reduce_or3A_722 = arith.constant 0.000000e+00 : f32
            %reduce_or3A_723 = arith.cmpf ogt, %reduce_or3A_721, %reduce_or3A_722 : f32
            scf.condition(%reduce_or3A_723) %while3A_712 : vector<16xi1>
          } do {
          ^bb0(%while3A_712: vector<16xi1>):
            %gather3A_713 = tpu.vector_load_idx %arg12[%select_n3A] : memref<22496xf32, #tpu.memory_space<vmem>>[vector<16xi32>], vector<16xf32>,
            %max3A_714 = arith.maximumf %gather3A_713, %bitcast3A : vector<16xf32>
            tpu.vector_store_idx %arg12[%select_n3A], %max3A_714 masked %while3A_712 : memref<22496xf32, #tpu.memory_space<vmem>>[vector<16xi32>], vector<16xf32>, vector<16xi1>
            %gather3A_715 = tpu.vector_load_idx %arg13[%select_n3A] : memref<22496xf32, #tpu.memory_space<vmem>>[vector<16xi32>], vector<16xf32>,
            %max3A_716 = arith.maximumf %gather3A_715, %bitcast3A_186 : vector<16xf32>
            tpu.vector_store_idx %arg13[%select_n3A], %max3A_716 masked %while3A_712 : memref<22496xf32, #tpu.memory_space<vmem>>[vector<16xi32>], vector<16xf32>, vector<16xi1>
            %gather3A_717 = tpu.vector_load_idx %arg14[%shift_right_arithmetic3A_200] : memref<11248xi32, #tpu.memory_space<vmem>>[vector<16xi32>], vector<16xi32>,
            %or3A_718 = arith.ori %gather3A_717, %shift_left3A_197 : vector<16xi32>
            tpu.vector_store_idx %arg14[%shift_right_arithmetic3A_200], %or3A_718 masked %while3A_712 : memref<11248xi32, #tpu.memory_space<vmem>>[vector<16xi32>], vector<16xi32>, vector<16xi1>
            %gather3A_719 = tpu.vector_load_idx %arg12[%select_n3A] : memref<22496xf32, #tpu.memory_space<vmem>>[vector<16xi32>], vector<16xf32>,
            %gather3A_720 = tpu.vector_load_idx %arg13[%select_n3A] : memref<22496xf32, #tpu.memory_space<vmem>>[vector<16xi32>], vector<16xf32>,
            %gather3A_721 = tpu.vector_load_idx %arg14[%shift_right_arithmetic3A_200] : memref<11248xi32, #tpu.memory_space<vmem>>[vector<16xi32>], vector<16xi32>,
            %lt3A_722 = arith.cmpf olt, %gather3A_719, %bitcast3A : vector<16xf32>
            %lt3A_723 = arith.cmpf olt, %gather3A_720, %bitcast3A_186 : vector<16xf32>
            %or3A_724 = arith.ori %lt3A_722, %lt3A_723 : vector<16xi1>
            %and3A_725 = arith.andi %gather3A_721, %shift_left3A_197 : vector<16xi32>
            %eq3A_726 = arith.constant 0 : i32
            %eq3A_727 = vector.broadcast %eq3A_726 : i32 to vector<16xi32>
            %eq3A_728 = arith.cmpi eq, %and3A_725, %eq3A_727 : vector<16xi32>
            %or3A_729 = arith.ori %or3A_724, %eq3A_728 : vector<16xi1>
            %and3A_730 = arith.andi %while3A_712, %or3A_729 : vector<16xi1>
            scf.yield %and3A_730 : vector<16xi1>
          }
          %while3A_705 = scf.while (%while3A_712 = %and3A_281) : (vector<16xi1>) -> vector<16xi1> {
            %reduce_or3A_713 = arith.constant 1.000000e+00 : f32
            %reduce_or3A_714 = arith.constant 0.000000e+00 : f32
            %reduce_or3A_715 = vector.broadcast %reduce_or3A_713 : f32 to vector<16xf32>
            %reduce_or3A_716 = vector.broadcast %reduce_or3A_714 : f32 to vector<16xf32>
            %reduce_or3A_717 = arith.select %while3A_712, %reduce_or3A_715, %reduce_or3A_716 : vector<16xi1>, vector<16xf32>
            %reduce_or3A_718 = arith.constant true
            %reduce_or3A_719 = vector.broadcast %reduce_or3A_718 : i1 to vector<16xi1>
            %reduce_or3A_720 = tpu.scan <max>, %reduce_or3A_717 masked %reduce_or3A_719 : vector<16xf32>, vector<16xi1> -> vector<16xf32>
            %reduce_or3A_721 = vector.extract %reduce_or3A_720[15] : f32 from vector<16xf32>
            %reduce_or3A_722 = arith.constant 0.000000e+00 : f32
            %reduce_or3A_723 = arith.cmpf ogt, %reduce_or3A_721, %reduce_or3A_722 : f32
            scf.condition(%reduce_or3A_723) %while3A_712 : vector<16xi1>
          } do {
          ^bb0(%while3A_712: vector<16xi1>):
            %gather3A_713 = tpu.vector_load_idx %arg12[%select_n3A_237] : memref<22496xf32, #tpu.memory_space<vmem>>[vector<16xi32>], vector<16xf32>,
            %max3A_714 = arith.maximumf %gather3A_713, %bitcast3A_242 : vector<16xf32>
            tpu.vector_store_idx %arg12[%select_n3A_237], %max3A_714 masked %while3A_712 : memref<22496xf32, #tpu.memory_space<vmem>>[vector<16xi32>], vector<16xf32>, vector<16xi1>
            %gather3A_715 = tpu.vector_load_idx %arg13[%select_n3A_237] : memref<22496xf32, #tpu.memory_space<vmem>>[vector<16xi32>], vector<16xf32>,
            %max3A_716 = arith.maximumf %gather3A_715, %bitcast3A_247 : vector<16xf32>
            tpu.vector_store_idx %arg13[%select_n3A_237], %max3A_716 masked %while3A_712 : memref<22496xf32, #tpu.memory_space<vmem>>[vector<16xi32>], vector<16xf32>, vector<16xi1>
            %gather3A_717 = tpu.vector_load_idx %arg14[%shift_right_arithmetic3A_263] : memref<11248xi32, #tpu.memory_space<vmem>>[vector<16xi32>], vector<16xi32>,
            %or3A_718 = arith.ori %gather3A_717, %shift_left3A_260 : vector<16xi32>
            tpu.vector_store_idx %arg14[%shift_right_arithmetic3A_263], %or3A_718 masked %while3A_712 : memref<11248xi32, #tpu.memory_space<vmem>>[vector<16xi32>], vector<16xi32>, vector<16xi1>
            %gather3A_719 = tpu.vector_load_idx %arg12[%select_n3A_237] : memref<22496xf32, #tpu.memory_space<vmem>>[vector<16xi32>], vector<16xf32>,
            %gather3A_720 = tpu.vector_load_idx %arg13[%select_n3A_237] : memref<22496xf32, #tpu.memory_space<vmem>>[vector<16xi32>], vector<16xf32>,
            %gather3A_721 = tpu.vector_load_idx %arg14[%shift_right_arithmetic3A_263] : memref<11248xi32, #tpu.memory_space<vmem>>[vector<16xi32>], vector<16xi32>,
            %lt3A_722 = arith.cmpf olt, %gather3A_719, %bitcast3A_242 : vector<16xf32>
            %lt3A_723 = arith.cmpf olt, %gather3A_720, %bitcast3A_247 : vector<16xf32>
            %or3A_724 = arith.ori %lt3A_722, %lt3A_723 : vector<16xi1>
            %and3A_725 = arith.andi %gather3A_721, %shift_left3A_260 : vector<16xi32>
            %eq3A_726 = arith.constant 0 : i32
            %eq3A_727 = vector.broadcast %eq3A_726 : i32 to vector<16xi32>
            %eq3A_728 = arith.cmpi eq, %and3A_725, %eq3A_727 : vector<16xi32>
            %or3A_729 = arith.ori %or3A_724, %eq3A_728 : vector<16xi1>
            %and3A_730 = arith.andi %while3A_712, %or3A_729 : vector<16xi1>
            scf.yield %and3A_730 : vector<16xi1>
          }
          %while3A_706 = scf.while (%while3A_712 = %and3A_348) : (vector<16xi1>) -> vector<16xi1> {
            %reduce_or3A_713 = arith.constant 1.000000e+00 : f32
            %reduce_or3A_714 = arith.constant 0.000000e+00 : f32
            %reduce_or3A_715 = vector.broadcast %reduce_or3A_713 : f32 to vector<16xf32>
            %reduce_or3A_716 = vector.broadcast %reduce_or3A_714 : f32 to vector<16xf32>
            %reduce_or3A_717 = arith.select %while3A_712, %reduce_or3A_715, %reduce_or3A_716 : vector<16xi1>, vector<16xf32>
            %reduce_or3A_718 = arith.constant true
            %reduce_or3A_719 = vector.broadcast %reduce_or3A_718 : i1 to vector<16xi1>
            %reduce_or3A_720 = tpu.scan <max>, %reduce_or3A_717 masked %reduce_or3A_719 : vector<16xf32>, vector<16xi1> -> vector<16xf32>
            %reduce_or3A_721 = vector.extract %reduce_or3A_720[15] : f32 from vector<16xf32>
            %reduce_or3A_722 = arith.constant 0.000000e+00 : f32
            %reduce_or3A_723 = arith.cmpf ogt, %reduce_or3A_721, %reduce_or3A_722 : f32
            scf.condition(%reduce_or3A_723) %while3A_712 : vector<16xi1>
          } do {
          ^bb0(%while3A_712: vector<16xi1>):
            %gather3A_713 = tpu.vector_load_idx %arg12[%select_n3A_304] : memref<22496xf32, #tpu.memory_space<vmem>>[vector<16xi32>], vector<16xf32>,
            %max3A_714 = arith.maximumf %gather3A_713, %bitcast3A_309 : vector<16xf32>
            tpu.vector_store_idx %arg12[%select_n3A_304], %max3A_714 masked %while3A_712 : memref<22496xf32, #tpu.memory_space<vmem>>[vector<16xi32>], vector<16xf32>, vector<16xi1>
            %gather3A_715 = tpu.vector_load_idx %arg13[%select_n3A_304] : memref<22496xf32, #tpu.memory_space<vmem>>[vector<16xi32>], vector<16xf32>,
            %max3A_716 = arith.maximumf %gather3A_715, %bitcast3A_314 : vector<16xf32>
            tpu.vector_store_idx %arg13[%select_n3A_304], %max3A_716 masked %while3A_712 : memref<22496xf32, #tpu.memory_space<vmem>>[vector<16xi32>], vector<16xf32>, vector<16xi1>
            %gather3A_717 = tpu.vector_load_idx %arg14[%shift_right_arithmetic3A_330] : memref<11248xi32, #tpu.memory_space<vmem>>[vector<16xi32>], vector<16xi32>,
            %or3A_718 = arith.ori %gather3A_717, %shift_left3A_327 : vector<16xi32>
            tpu.vector_store_idx %arg14[%shift_right_arithmetic3A_330], %or3A_718 masked %while3A_712 : memref<11248xi32, #tpu.memory_space<vmem>>[vector<16xi32>], vector<16xi32>, vector<16xi1>
            %gather3A_719 = tpu.vector_load_idx %arg12[%select_n3A_304] : memref<22496xf32, #tpu.memory_space<vmem>>[vector<16xi32>], vector<16xf32>,
            %gather3A_720 = tpu.vector_load_idx %arg13[%select_n3A_304] : memref<22496xf32, #tpu.memory_space<vmem>>[vector<16xi32>], vector<16xf32>,
            %gather3A_721 = tpu.vector_load_idx %arg14[%shift_right_arithmetic3A_330] : memref<11248xi32, #tpu.memory_space<vmem>>[vector<16xi32>], vector<16xi32>,
            %lt3A_722 = arith.cmpf olt, %gather3A_719, %bitcast3A_309 : vector<16xf32>
            %lt3A_723 = arith.cmpf olt, %gather3A_720, %bitcast3A_314 : vector<16xf32>
            %or3A_724 = arith.ori %lt3A_722, %lt3A_723 : vector<16xi1>
            %and3A_725 = arith.andi %gather3A_721, %shift_left3A_327 : vector<16xi32>
            %eq3A_726 = arith.constant 0 : i32
            %eq3A_727 = vector.broadcast %eq3A_726 : i32 to vector<16xi32>
            %eq3A_728 = arith.cmpi eq, %and3A_725, %eq3A_727 : vector<16xi32>
            %or3A_729 = arith.ori %or3A_724, %eq3A_728 : vector<16xi1>
            %and3A_730 = arith.andi %while3A_712, %or3A_729 : vector<16xi1>
            scf.yield %and3A_730 : vector<16xi1>
          }
          %while3A_707 = scf.while (%while3A_712 = %and3A_415) : (vector<16xi1>) -> vector<16xi1> {
            %reduce_or3A_713 = arith.constant 1.000000e+00 : f32
            %reduce_or3A_714 = arith.constant 0.000000e+00 : f32
            %reduce_or3A_715 = vector.broadcast %reduce_or3A_713 : f32 to vector<16xf32>
            %reduce_or3A_716 = vector.broadcast %reduce_or3A_714 : f32 to vector<16xf32>
            %reduce_or3A_717 = arith.select %while3A_712, %reduce_or3A_715, %reduce_or3A_716 : vector<16xi1>, vector<16xf32>
            %reduce_or3A_718 = arith.constant true
            %reduce_or3A_719 = vector.broadcast %reduce_or3A_718 : i1 to vector<16xi1>
            %reduce_or3A_720 = tpu.scan <max>, %reduce_or3A_717 masked %reduce_or3A_719 : vector<16xf32>, vector<16xi1> -> vector<16xf32>
            %reduce_or3A_721 = vector.extract %reduce_or3A_720[15] : f32 from vector<16xf32>
            %reduce_or3A_722 = arith.constant 0.000000e+00 : f32
            %reduce_or3A_723 = arith.cmpf ogt, %reduce_or3A_721, %reduce_or3A_722 : f32
            scf.condition(%reduce_or3A_723) %while3A_712 : vector<16xi1>
          } do {
          ^bb0(%while3A_712: vector<16xi1>):
            %gather3A_713 = tpu.vector_load_idx %arg12[%select_n3A_371] : memref<22496xf32, #tpu.memory_space<vmem>>[vector<16xi32>], vector<16xf32>,
            %max3A_714 = arith.maximumf %gather3A_713, %bitcast3A_376 : vector<16xf32>
            tpu.vector_store_idx %arg12[%select_n3A_371], %max3A_714 masked %while3A_712 : memref<22496xf32, #tpu.memory_space<vmem>>[vector<16xi32>], vector<16xf32>, vector<16xi1>
            %gather3A_715 = tpu.vector_load_idx %arg13[%select_n3A_371] : memref<22496xf32, #tpu.memory_space<vmem>>[vector<16xi32>], vector<16xf32>,
            %max3A_716 = arith.maximumf %gather3A_715, %bitcast3A_381 : vector<16xf32>
            tpu.vector_store_idx %arg13[%select_n3A_371], %max3A_716 masked %while3A_712 : memref<22496xf32, #tpu.memory_space<vmem>>[vector<16xi32>], vector<16xf32>, vector<16xi1>
            %gather3A_717 = tpu.vector_load_idx %arg14[%shift_right_arithmetic3A_397] : memref<11248xi32, #tpu.memory_space<vmem>>[vector<16xi32>], vector<16xi32>,
            %or3A_718 = arith.ori %gather3A_717, %shift_left3A_394 : vector<16xi32>
            tpu.vector_store_idx %arg14[%shift_right_arithmetic3A_397], %or3A_718 masked %while3A_712 : memref<11248xi32, #tpu.memory_space<vmem>>[vector<16xi32>], vector<16xi32>, vector<16xi1>
            %gather3A_719 = tpu.vector_load_idx %arg12[%select_n3A_371] : memref<22496xf32, #tpu.memory_space<vmem>>[vector<16xi32>], vector<16xf32>,
            %gather3A_720 = tpu.vector_load_idx %arg13[%select_n3A_371] : memref<22496xf32, #tpu.memory_space<vmem>>[vector<16xi32>], vector<16xf32>,
            %gather3A_721 = tpu.vector_load_idx %arg14[%shift_right_arithmetic3A_397] : memref<11248xi32, #tpu.memory_space<vmem>>[vector<16xi32>], vector<16xi32>,
            %lt3A_722 = arith.cmpf olt, %gather3A_719, %bitcast3A_376 : vector<16xf32>
            %lt3A_723 = arith.cmpf olt, %gather3A_720, %bitcast3A_381 : vector<16xf32>
            %or3A_724 = arith.ori %lt3A_722, %lt3A_723 : vector<16xi1>
            %and3A_725 = arith.andi %gather3A_721, %shift_left3A_394 : vector<16xi32>
            %eq3A_726 = arith.constant 0 : i32
            %eq3A_727 = vector.broadcast %eq3A_726 : i32 to vector<16xi32>
            %eq3A_728 = arith.cmpi eq, %and3A_725, %eq3A_727 : vector<16xi32>
            %or3A_729 = arith.ori %or3A_724, %eq3A_728 : vector<16xi1>
            %and3A_730 = arith.andi %while3A_712, %or3A_729 : vector<16xi1>
            scf.yield %and3A_730 : vector<16xi1>
          }
          %while3A_708 = scf.while (%while3A_712 = %and3A_482) : (vector<16xi1>) -> vector<16xi1> {
            %reduce_or3A_713 = arith.constant 1.000000e+00 : f32
            %reduce_or3A_714 = arith.constant 0.000000e+00 : f32
            %reduce_or3A_715 = vector.broadcast %reduce_or3A_713 : f32 to vector<16xf32>
            %reduce_or3A_716 = vector.broadcast %reduce_or3A_714 : f32 to vector<16xf32>
            %reduce_or3A_717 = arith.select %while3A_712, %reduce_or3A_715, %reduce_or3A_716 : vector<16xi1>, vector<16xf32>
            %reduce_or3A_718 = arith.constant true
            %reduce_or3A_719 = vector.broadcast %reduce_or3A_718 : i1 to vector<16xi1>
            %reduce_or3A_720 = tpu.scan <max>, %reduce_or3A_717 masked %reduce_or3A_719 : vector<16xf32>, vector<16xi1> -> vector<16xf32>
            %reduce_or3A_721 = vector.extract %reduce_or3A_720[15] : f32 from vector<16xf32>
            %reduce_or3A_722 = arith.constant 0.000000e+00 : f32
            %reduce_or3A_723 = arith.cmpf ogt, %reduce_or3A_721, %reduce_or3A_722 : f32
            scf.condition(%reduce_or3A_723) %while3A_712 : vector<16xi1>
          } do {
          ^bb0(%while3A_712: vector<16xi1>):
            %gather3A_713 = tpu.vector_load_idx %arg12[%select_n3A_438] : memref<22496xf32, #tpu.memory_space<vmem>>[vector<16xi32>], vector<16xf32>,
            %max3A_714 = arith.maximumf %gather3A_713, %bitcast3A_443 : vector<16xf32>
            tpu.vector_store_idx %arg12[%select_n3A_438], %max3A_714 masked %while3A_712 : memref<22496xf32, #tpu.memory_space<vmem>>[vector<16xi32>], vector<16xf32>, vector<16xi1>
            %gather3A_715 = tpu.vector_load_idx %arg13[%select_n3A_438] : memref<22496xf32, #tpu.memory_space<vmem>>[vector<16xi32>], vector<16xf32>,
            %max3A_716 = arith.maximumf %gather3A_715, %bitcast3A_448 : vector<16xf32>
            tpu.vector_store_idx %arg13[%select_n3A_438], %max3A_716 masked %while3A_712 : memref<22496xf32, #tpu.memory_space<vmem>>[vector<16xi32>], vector<16xf32>, vector<16xi1>
            %gather3A_717 = tpu.vector_load_idx %arg14[%shift_right_arithmetic3A_464] : memref<11248xi32, #tpu.memory_space<vmem>>[vector<16xi32>], vector<16xi32>,
            %or3A_718 = arith.ori %gather3A_717, %shift_left3A_461 : vector<16xi32>
            tpu.vector_store_idx %arg14[%shift_right_arithmetic3A_464], %or3A_718 masked %while3A_712 : memref<11248xi32, #tpu.memory_space<vmem>>[vector<16xi32>], vector<16xi32>, vector<16xi1>
            %gather3A_719 = tpu.vector_load_idx %arg12[%select_n3A_438] : memref<22496xf32, #tpu.memory_space<vmem>>[vector<16xi32>], vector<16xf32>,
            %gather3A_720 = tpu.vector_load_idx %arg13[%select_n3A_438] : memref<22496xf32, #tpu.memory_space<vmem>>[vector<16xi32>], vector<16xf32>,
            %gather3A_721 = tpu.vector_load_idx %arg14[%shift_right_arithmetic3A_464] : memref<11248xi32, #tpu.memory_space<vmem>>[vector<16xi32>], vector<16xi32>,
            %lt3A_722 = arith.cmpf olt, %gather3A_719, %bitcast3A_443 : vector<16xf32>
            %lt3A_723 = arith.cmpf olt, %gather3A_720, %bitcast3A_448 : vector<16xf32>
            %or3A_724 = arith.ori %lt3A_722, %lt3A_723 : vector<16xi1>
            %and3A_725 = arith.andi %gather3A_721, %shift_left3A_461 : vector<16xi32>
            %eq3A_726 = arith.constant 0 : i32
            %eq3A_727 = vector.broadcast %eq3A_726 : i32 to vector<16xi32>
            %eq3A_728 = arith.cmpi eq, %and3A_725, %eq3A_727 : vector<16xi32>
            %or3A_729 = arith.ori %or3A_724, %eq3A_728 : vector<16xi1>
            %and3A_730 = arith.andi %while3A_712, %or3A_729 : vector<16xi1>
            scf.yield %and3A_730 : vector<16xi1>
          }
          %while3A_709 = scf.while (%while3A_712 = %and3A_549) : (vector<16xi1>) -> vector<16xi1> {
            %reduce_or3A_713 = arith.constant 1.000000e+00 : f32
            %reduce_or3A_714 = arith.constant 0.000000e+00 : f32
            %reduce_or3A_715 = vector.broadcast %reduce_or3A_713 : f32 to vector<16xf32>
            %reduce_or3A_716 = vector.broadcast %reduce_or3A_714 : f32 to vector<16xf32>
            %reduce_or3A_717 = arith.select %while3A_712, %reduce_or3A_715, %reduce_or3A_716 : vector<16xi1>, vector<16xf32>
            %reduce_or3A_718 = arith.constant true
            %reduce_or3A_719 = vector.broadcast %reduce_or3A_718 : i1 to vector<16xi1>
            %reduce_or3A_720 = tpu.scan <max>, %reduce_or3A_717 masked %reduce_or3A_719 : vector<16xf32>, vector<16xi1> -> vector<16xf32>
            %reduce_or3A_721 = vector.extract %reduce_or3A_720[15] : f32 from vector<16xf32>
            %reduce_or3A_722 = arith.constant 0.000000e+00 : f32
            %reduce_or3A_723 = arith.cmpf ogt, %reduce_or3A_721, %reduce_or3A_722 : f32
            scf.condition(%reduce_or3A_723) %while3A_712 : vector<16xi1>
          } do {
          ^bb0(%while3A_712: vector<16xi1>):
            %gather3A_713 = tpu.vector_load_idx %arg12[%select_n3A_505] : memref<22496xf32, #tpu.memory_space<vmem>>[vector<16xi32>], vector<16xf32>,
            %max3A_714 = arith.maximumf %gather3A_713, %bitcast3A_510 : vector<16xf32>
            tpu.vector_store_idx %arg12[%select_n3A_505], %max3A_714 masked %while3A_712 : memref<22496xf32, #tpu.memory_space<vmem>>[vector<16xi32>], vector<16xf32>, vector<16xi1>
            %gather3A_715 = tpu.vector_load_idx %arg13[%select_n3A_505] : memref<22496xf32, #tpu.memory_space<vmem>>[vector<16xi32>], vector<16xf32>,
            %max3A_716 = arith.maximumf %gather3A_715, %bitcast3A_515 : vector<16xf32>
            tpu.vector_store_idx %arg13[%select_n3A_505], %max3A_716 masked %while3A_712 : memref<22496xf32, #tpu.memory_space<vmem>>[vector<16xi32>], vector<16xf32>, vector<16xi1>
            %gather3A_717 = tpu.vector_load_idx %arg14[%shift_right_arithmetic3A_531] : memref<11248xi32, #tpu.memory_space<vmem>>[vector<16xi32>], vector<16xi32>,
            %or3A_718 = arith.ori %gather3A_717, %shift_left3A_528 : vector<16xi32>
            tpu.vector_store_idx %arg14[%shift_right_arithmetic3A_531], %or3A_718 masked %while3A_712 : memref<11248xi32, #tpu.memory_space<vmem>>[vector<16xi32>], vector<16xi32>, vector<16xi1>
            %gather3A_719 = tpu.vector_load_idx %arg12[%select_n3A_505] : memref<22496xf32, #tpu.memory_space<vmem>>[vector<16xi32>], vector<16xf32>,
            %gather3A_720 = tpu.vector_load_idx %arg13[%select_n3A_505] : memref<22496xf32, #tpu.memory_space<vmem>>[vector<16xi32>], vector<16xf32>,
            %gather3A_721 = tpu.vector_load_idx %arg14[%shift_right_arithmetic3A_531] : memref<11248xi32, #tpu.memory_space<vmem>>[vector<16xi32>], vector<16xi32>,
            %lt3A_722 = arith.cmpf olt, %gather3A_719, %bitcast3A_510 : vector<16xf32>
            %lt3A_723 = arith.cmpf olt, %gather3A_720, %bitcast3A_515 : vector<16xf32>
            %or3A_724 = arith.ori %lt3A_722, %lt3A_723 : vector<16xi1>
            %and3A_725 = arith.andi %gather3A_721, %shift_left3A_528 : vector<16xi32>
            %eq3A_726 = arith.constant 0 : i32
            %eq3A_727 = vector.broadcast %eq3A_726 : i32 to vector<16xi32>
            %eq3A_728 = arith.cmpi eq, %and3A_725, %eq3A_727 : vector<16xi32>
            %or3A_729 = arith.ori %or3A_724, %eq3A_728 : vector<16xi1>
            %and3A_730 = arith.andi %while3A_712, %or3A_729 : vector<16xi1>
            scf.yield %and3A_730 : vector<16xi1>
          }
          %while3A_710 = scf.while (%while3A_712 = %and3A_616) : (vector<16xi1>) -> vector<16xi1> {
            %reduce_or3A_713 = arith.constant 1.000000e+00 : f32
            %reduce_or3A_714 = arith.constant 0.000000e+00 : f32
            %reduce_or3A_715 = vector.broadcast %reduce_or3A_713 : f32 to vector<16xf32>
            %reduce_or3A_716 = vector.broadcast %reduce_or3A_714 : f32 to vector<16xf32>
            %reduce_or3A_717 = arith.select %while3A_712, %reduce_or3A_715, %reduce_or3A_716 : vector<16xi1>, vector<16xf32>
            %reduce_or3A_718 = arith.constant true
            %reduce_or3A_719 = vector.broadcast %reduce_or3A_718 : i1 to vector<16xi1>
            %reduce_or3A_720 = tpu.scan <max>, %reduce_or3A_717 masked %reduce_or3A_719 : vector<16xf32>, vector<16xi1> -> vector<16xf32>
            %reduce_or3A_721 = vector.extract %reduce_or3A_720[15] : f32 from vector<16xf32>
            %reduce_or3A_722 = arith.constant 0.000000e+00 : f32
            %reduce_or3A_723 = arith.cmpf ogt, %reduce_or3A_721, %reduce_or3A_722 : f32
            scf.condition(%reduce_or3A_723) %while3A_712 : vector<16xi1>
          } do {
          ^bb0(%while3A_712: vector<16xi1>):
            %gather3A_713 = tpu.vector_load_idx %arg12[%select_n3A_572] : memref<22496xf32, #tpu.memory_space<vmem>>[vector<16xi32>], vector<16xf32>,
            %max3A_714 = arith.maximumf %gather3A_713, %bitcast3A_577 : vector<16xf32>
            tpu.vector_store_idx %arg12[%select_n3A_572], %max3A_714 masked %while3A_712 : memref<22496xf32, #tpu.memory_space<vmem>>[vector<16xi32>], vector<16xf32>, vector<16xi1>
            %gather3A_715 = tpu.vector_load_idx %arg13[%select_n3A_572] : memref<22496xf32, #tpu.memory_space<vmem>>[vector<16xi32>], vector<16xf32>,
            %max3A_716 = arith.maximumf %gather3A_715, %bitcast3A_582 : vector<16xf32>
            tpu.vector_store_idx %arg13[%select_n3A_572], %max3A_716 masked %while3A_712 : memref<22496xf32, #tpu.memory_space<vmem>>[vector<16xi32>], vector<16xf32>, vector<16xi1>
            %gather3A_717 = tpu.vector_load_idx %arg14[%shift_right_arithmetic3A_598] : memref<11248xi32, #tpu.memory_space<vmem>>[vector<16xi32>], vector<16xi32>,
            %or3A_718 = arith.ori %gather3A_717, %shift_left3A_595 : vector<16xi32>
            tpu.vector_store_idx %arg14[%shift_right_arithmetic3A_598], %or3A_718 masked %while3A_712 : memref<11248xi32, #tpu.memory_space<vmem>>[vector<16xi32>], vector<16xi32>, vector<16xi1>
            %gather3A_719 = tpu.vector_load_idx %arg12[%select_n3A_572] : memref<22496xf32, #tpu.memory_space<vmem>>[vector<16xi32>], vector<16xf32>,
            %gather3A_720 = tpu.vector_load_idx %arg13[%select_n3A_572] : memref<22496xf32, #tpu.memory_space<vmem>>[vector<16xi32>], vector<16xf32>,
            %gather3A_721 = tpu.vector_load_idx %arg14[%shift_right_arithmetic3A_598] : memref<11248xi32, #tpu.memory_space<vmem>>[vector<16xi32>], vector<16xi32>,
            %lt3A_722 = arith.cmpf olt, %gather3A_719, %bitcast3A_577 : vector<16xf32>
            %lt3A_723 = arith.cmpf olt, %gather3A_720, %bitcast3A_582 : vector<16xf32>
            %or3A_724 = arith.ori %lt3A_722, %lt3A_723 : vector<16xi1>
            %and3A_725 = arith.andi %gather3A_721, %shift_left3A_595 : vector<16xi32>
            %eq3A_726 = arith.constant 0 : i32
            %eq3A_727 = vector.broadcast %eq3A_726 : i32 to vector<16xi32>
            %eq3A_728 = arith.cmpi eq, %and3A_725, %eq3A_727 : vector<16xi32>
            %or3A_729 = arith.ori %or3A_724, %eq3A_728 : vector<16xi1>
            %and3A_730 = arith.andi %while3A_712, %or3A_729 : vector<16xi1>
            scf.yield %and3A_730 : vector<16xi1>
          }
          %while3A_711 = scf.while (%while3A_712 = %and3A_683) : (vector<16xi1>) -> vector<16xi1> {
            %reduce_or3A_713 = arith.constant 1.000000e+00 : f32
            %reduce_or3A_714 = arith.constant 0.000000e+00 : f32
            %reduce_or3A_715 = vector.broadcast %reduce_or3A_713 : f32 to vector<16xf32>
            %reduce_or3A_716 = vector.broadcast %reduce_or3A_714 : f32 to vector<16xf32>
            %reduce_or3A_717 = arith.select %while3A_712, %reduce_or3A_715, %reduce_or3A_716 : vector<16xi1>, vector<16xf32>
            %reduce_or3A_718 = arith.constant true
            %reduce_or3A_719 = vector.broadcast %reduce_or3A_718 : i1 to vector<16xi1>
            %reduce_or3A_720 = tpu.scan <max>, %reduce_or3A_717 masked %reduce_or3A_719 : vector<16xf32>, vector<16xi1> -> vector<16xf32>
            %reduce_or3A_721 = vector.extract %reduce_or3A_720[15] : f32 from vector<16xf32>
            %reduce_or3A_722 = arith.constant 0.000000e+00 : f32
            %reduce_or3A_723 = arith.cmpf ogt, %reduce_or3A_721, %reduce_or3A_722 : f32
            scf.condition(%reduce_or3A_723) %while3A_712 : vector<16xi1>
          } do {
          ^bb0(%while3A_712: vector<16xi1>):
            %gather3A_713 = tpu.vector_load_idx %arg12[%select_n3A_639] : memref<22496xf32, #tpu.memory_space<vmem>>[vector<16xi32>], vector<16xf32>,
            %max3A_714 = arith.maximumf %gather3A_713, %bitcast3A_644 : vector<16xf32>
            tpu.vector_store_idx %arg12[%select_n3A_639], %max3A_714 masked %while3A_712 : memref<22496xf32, #tpu.memory_space<vmem>>[vector<16xi32>], vector<16xf32>, vector<16xi1>
            %gather3A_715 = tpu.vector_load_idx %arg13[%select_n3A_639] : memref<22496xf32, #tpu.memory_space<vmem>>[vector<16xi32>], vector<16xf32>,
            %max3A_716 = arith.maximumf %gather3A_715, %bitcast3A_649 : vector<16xf32>
            tpu.vector_store_idx %arg13[%select_n3A_639], %max3A_716 masked %while3A_712 : memref<22496xf32, #tpu.memory_space<vmem>>[vector<16xi32>], vector<16xf32>, vector<16xi1>
            %gather3A_717 = tpu.vector_load_idx %arg14[%shift_right_arithmetic3A_665] : memref<11248xi32, #tpu.memory_space<vmem>>[vector<16xi32>], vector<16xi32>,
            %or3A_718 = arith.ori %gather3A_717, %shift_left3A_662 : vector<16xi32>
            tpu.vector_store_idx %arg14[%shift_right_arithmetic3A_665], %or3A_718 masked %while3A_712 : memref<11248xi32, #tpu.memory_space<vmem>>[vector<16xi32>], vector<16xi32>, vector<16xi1>
            %gather3A_719 = tpu.vector_load_idx %arg12[%select_n3A_639] : memref<22496xf32, #tpu.memory_space<vmem>>[vector<16xi32>], vector<16xf32>,
            %gather3A_720 = tpu.vector_load_idx %arg13[%select_n3A_639] : memref<22496xf32, #tpu.memory_space<vmem>>[vector<16xi32>], vector<16xf32>,
            %gather3A_721 = tpu.vector_load_idx %arg14[%shift_right_arithmetic3A_665] : memref<11248xi32, #tpu.memory_space<vmem>>[vector<16xi32>], vector<16xi32>,
            %lt3A_722 = arith.cmpf olt, %gather3A_719, %bitcast3A_644 : vector<16xf32>
            %lt3A_723 = arith.cmpf olt, %gather3A_720, %bitcast3A_649 : vector<16xf32>
            %or3A_724 = arith.ori %lt3A_722, %lt3A_723 : vector<16xi1>
            %and3A_725 = arith.andi %gather3A_721, %shift_left3A_662 : vector<16xi32>
            %eq3A_726 = arith.constant 0 : i32
            %eq3A_727 = vector.broadcast %eq3A_726 : i32 to vector<16xi32>
            %eq3A_728 = arith.cmpi eq, %and3A_725, %eq3A_727 : vector<16xi32>
            %or3A_729 = arith.ori %or3A_724, %eq3A_728 : vector<16xi1>
            %and3A_730 = arith.andi %while3A_712, %or3A_729 : vector<16xi1>
            scf.yield %and3A_730 : vector<16xi1>
          }
        } else {
        }
        %scan3A_704 = arith.constant 0 : i32
        scf.yield %scan3A_704 : i32
      }
      %scan3A_157 = arith.constant 8 : i32
      %scan3A_158 = arith.constant 0 : i32
      scf.yield %scan3A_158 : i32
    }
    %scan3A_35 = arith.constant 128 : i32
    "tpu.region"() ({
      %run_scoped3A = tpu.sem_alloc : memref<!tpu.dma_semaphore, #tpu.memory_space<semaphore_mem>>
      %dma_start3A_113 = tpu.memref_slice %arg3[%mul3A_2] : memref<719872xf32, #tpu.memory_space<hbm>> -> memref<22496xf32, #tpu.memory_space<hbm>>
      %dma_start3A_114 = tpu.memref_slice %arg3[%mul3A_2] : memref<719872xf32, #tpu.memory_space<hbm>> -> memref<22496xf32, #tpu.memory_space<hbm>>
      tpu.enqueue_dma source(%arg9 : memref<22496xf32, #tpu.memory_space<vmem>>) target(%dma_start3A_114 : memref<22496xf32, #tpu.memory_space<hbm>>) target_semaphore(%run_scoped3A : memref<!tpu.dma_semaphore, #tpu.memory_space<semaphore_mem>>)
      %dma_wait3A = tpu.memref_slice %arg3[%mul3A_2] : memref<719872xf32, #tpu.memory_space<hbm>> -> memref<22496xf32, #tpu.memory_space<hbm>>
      %dma_wait3A_115 = tpu.memref_slice %arg3[%mul3A_2] : memref<719872xf32, #tpu.memory_space<hbm>> -> memref<22496xf32, #tpu.memory_space<hbm>>
      tpu.wait_dma2 semaphore(%run_scoped3A : memref<!tpu.dma_semaphore, #tpu.memory_space<semaphore_mem>>) src(%arg9 : memref<22496xf32, #tpu.memory_space<vmem>>) dst(%dma_wait3A_115 : memref<22496xf32, #tpu.memory_space<hbm>>)
      tpu.yield
    }) : () -> ()
    "tpu.region"() ({
      %run_scoped3A = tpu.sem_alloc : memref<!tpu.dma_semaphore, #tpu.memory_space<semaphore_mem>>
      %dma_start3A_113 = tpu.memref_slice %arg4[%mul3A_2] : memref<719872xf32, #tpu.memory_space<hbm>> -> memref<22496xf32, #tpu.memory_space<hbm>>
      %dma_start3A_114 = tpu.memref_slice %arg4[%mul3A_2] : memref<719872xf32, #tpu.memory_space<hbm>> -> memref<22496xf32, #tpu.memory_space<hbm>>
      tpu.enqueue_dma source(%arg10 : memref<22496xf32, #tpu.memory_space<vmem>>) target(%dma_start3A_114 : memref<22496xf32, #tpu.memory_space<hbm>>) target_semaphore(%run_scoped3A : memref<!tpu.dma_semaphore, #tpu.memory_space<semaphore_mem>>)
      %dma_wait3A = tpu.memref_slice %arg4[%mul3A_2] : memref<719872xf32, #tpu.memory_space<hbm>> -> memref<22496xf32, #tpu.memory_space<hbm>>
      %dma_wait3A_115 = tpu.memref_slice %arg4[%mul3A_2] : memref<719872xf32, #tpu.memory_space<hbm>> -> memref<22496xf32, #tpu.memory_space<hbm>>
      tpu.wait_dma2 semaphore(%run_scoped3A : memref<!tpu.dma_semaphore, #tpu.memory_space<semaphore_mem>>) src(%arg10 : memref<22496xf32, #tpu.memory_space<vmem>>) dst(%dma_wait3A_115 : memref<22496xf32, #tpu.memory_space<hbm>>)
      tpu.yield
    }) : () -> ()
    "tpu.region"() ({
      %run_scoped3A = tpu.sem_alloc : memref<!tpu.dma_semaphore, #tpu.memory_space<semaphore_mem>>
      %dma_start3A_113 = tpu.memref_slice %arg5[%mul3A_2] : memref<719872xf32, #tpu.memory_space<hbm>> -> memref<22496xf32, #tpu.memory_space<hbm>>
      %dma_start3A_114 = tpu.memref_slice %arg5[%mul3A_2] : memref<719872xf32, #tpu.memory_space<hbm>> -> memref<22496xf32, #tpu.memory_space<hbm>>
      tpu.enqueue_dma source(%arg11 : memref<22496xf32, #tpu.memory_space<vmem>>) target(%dma_start3A_114 : memref<22496xf32, #tpu.memory_space<hbm>>) target_semaphore(%run_scoped3A : memref<!tpu.dma_semaphore, #tpu.memory_space<semaphore_mem>>)
      %dma_wait3A = tpu.memref_slice %arg5[%mul3A_2] : memref<719872xf32, #tpu.memory_space<hbm>> -> memref<22496xf32, #tpu.memory_space<hbm>>
      %dma_wait3A_115 = tpu.memref_slice %arg5[%mul3A_2] : memref<719872xf32, #tpu.memory_space<hbm>> -> memref<22496xf32, #tpu.memory_space<hbm>>
      tpu.wait_dma2 semaphore(%run_scoped3A : memref<!tpu.dma_semaphore, #tpu.memory_space<semaphore_mem>>) src(%arg11 : memref<22496xf32, #tpu.memory_space<vmem>>) dst(%dma_wait3A_115 : memref<22496xf32, #tpu.memory_space<hbm>>)
      tpu.yield
    }) : () -> ()
    "tpu.region"() ({
      %run_scoped3A = tpu.sem_alloc : memref<!tpu.dma_semaphore, #tpu.memory_space<semaphore_mem>>
      %dma_start3A_113 = tpu.memref_slice %arg6[%mul3A_2] : memref<719872xf32, #tpu.memory_space<hbm>> -> memref<22496xf32, #tpu.memory_space<hbm>>
      %dma_start3A_114 = tpu.memref_slice %arg6[%mul3A_2] : memref<719872xf32, #tpu.memory_space<hbm>> -> memref<22496xf32, #tpu.memory_space<hbm>>
      tpu.enqueue_dma source(%arg12 : memref<22496xf32, #tpu.memory_space<vmem>>) target(%dma_start3A_114 : memref<22496xf32, #tpu.memory_space<hbm>>) target_semaphore(%run_scoped3A : memref<!tpu.dma_semaphore, #tpu.memory_space<semaphore_mem>>)
      %dma_wait3A = tpu.memref_slice %arg6[%mul3A_2] : memref<719872xf32, #tpu.memory_space<hbm>> -> memref<22496xf32, #tpu.memory_space<hbm>>
      %dma_wait3A_115 = tpu.memref_slice %arg6[%mul3A_2] : memref<719872xf32, #tpu.memory_space<hbm>> -> memref<22496xf32, #tpu.memory_space<hbm>>
      tpu.wait_dma2 semaphore(%run_scoped3A : memref<!tpu.dma_semaphore, #tpu.memory_space<semaphore_mem>>) src(%arg12 : memref<22496xf32, #tpu.memory_space<vmem>>) dst(%dma_wait3A_115 : memref<22496xf32, #tpu.memory_space<hbm>>)
      tpu.yield
    }) : () -> ()
    "tpu.region"() ({
      %run_scoped3A = tpu.sem_alloc : memref<!tpu.dma_semaphore, #tpu.memory_space<semaphore_mem>>
      %dma_start3A_113 = tpu.memref_slice %arg7[%mul3A_2] : memref<719872xf32, #tpu.memory_space<hbm>> -> memref<22496xf32, #tpu.memory_space<hbm>>
      %dma_start3A_114 = tpu.memref_slice %arg7[%mul3A_2] : memref<719872xf32, #tpu.memory_space<hbm>> -> memref<22496xf32, #tpu.memory_space<hbm>>
      tpu.enqueue_dma source(%arg13 : memref<22496xf32, #tpu.memory_space<vmem>>) target(%dma_start3A_114 : memref<22496xf32, #tpu.memory_space<hbm>>) target_semaphore(%run_scoped3A : memref<!tpu.dma_semaphore, #tpu.memory_space<semaphore_mem>>)
      %dma_wait3A = tpu.memref_slice %arg7[%mul3A_2] : memref<719872xf32, #tpu.memory_space<hbm>> -> memref<22496xf32, #tpu.memory_space<hbm>>
      %dma_wait3A_115 = tpu.memref_slice %arg7[%mul3A_2] : memref<719872xf32, #tpu.memory_space<hbm>> -> memref<22496xf32, #tpu.memory_space<hbm>>
      tpu.wait_dma2 semaphore(%run_scoped3A : memref<!tpu.dma_semaphore, #tpu.memory_space<semaphore_mem>>) src(%arg13 : memref<22496xf32, #tpu.memory_space<vmem>>) dst(%dma_wait3A_115 : memref<22496xf32, #tpu.memory_space<hbm>>)
      tpu.yield
    }) : () -> ()
    %broadcast_in_dim3A_36 = arith.constant 1023 : i32
    %broadcast_in_dim3A_37 = vector.broadcast %broadcast_in_dim3A_36 : i32 to vector<16xi32>
    %iota3A = tpu.iota {dimensions = array<i32: 0>} : vector<16xi32>
    %mul3A_38 = arith.constant 2 : i32
    %mul3A_39 = vector.broadcast %mul3A_38 : i32 to vector<16xi32>
    %mul3A_40 = arith.muli %iota3A, %mul3A_39 : vector<16xi32>
    %scan3A_41 = arith.constant 0 : i32
    %scan3A_42 = arith.constant 0 : i32
    %scan3A_43 = arith.constant 96 : i32
    %scan3A_44 = arith.addi %scan3A_42, %scan3A_43 : i32
    %scan3A_45 = arith.constant 1 : i32
    %scan3A_46 = scf.for %scan3A_113 = %scan3A_42 to %scan3A_44 step %scan3A_45 iter_args(%scan3A_114 = %scan3A_41) -> (i32)  : i32 {
      %add3A_115 = arith.constant 0 : i32
      %add3A_116 = arith.addi %add3A_115, %scan3A_113 : i32
      %mul3A_117 = arith.constant 16 : i32
      %mul3A_118 = arith.muli %add3A_116, %mul3A_117 : i32
      %get3A = arith.index_cast %mul3A_118 : i32 to index
      %get3A_119 = tpu.vector_load %arg14[%get3A] {strides = array<i32>} : memref<11248xi32, #tpu.memory_space<vmem>>, vector<16xi32>,
      %and3A = arith.andi %get3A_119, %broadcast_in_dim3A_37 : vector<16xi32>
      %shift_right_arithmetic3A = arith.constant 16 : i32
      %shift_right_arithmetic3A_120 = vector.broadcast %shift_right_arithmetic3A : i32 to vector<16xi32>
      %shift_right_arithmetic3A_121 = arith.shrsi %get3A_119, %shift_right_arithmetic3A_120 : vector<16xi32>
      %and3A_122 = arith.andi %shift_right_arithmetic3A_121, %broadcast_in_dim3A_37 : vector<16xi32>
      %mul3A_123 = arith.constant 32 : i32
      %mul3A_124 = arith.muli %scan3A_113, %mul3A_123 : i32
      %add3A_125 = vector.broadcast %mul3A_124 : i32 to vector<16xi32>
      %add3A_126 = arith.addi %add3A_125, %mul3A_40 : vector<16xi32>
      tpu.vector_store_idx %arg15[%add3A_126], %and3A : memref<3072xi32, #tpu.memory_space<vmem>>[vector<16xi32>], vector<16xi32>,
      %add3A_127 = vector.broadcast %mul3A_124 : i32 to vector<16xi32>
      %add3A_128 = arith.addi %add3A_127, %mul3A_40 : vector<16xi32>
      %add3A_129 = arith.constant 1 : i32
      %add3A_130 = vector.broadcast %add3A_129 : i32 to vector<16xi32>
      %add3A_131 = arith.addi %add3A_128, %add3A_130 : vector<16xi32>
      tpu.vector_store_idx %arg15[%add3A_131], %and3A_122 : memref<3072xi32, #tpu.memory_space<vmem>>[vector<16xi32>], vector<16xi32>,
      %scan3A_132 = arith.constant 0 : i32
      scf.yield %scan3A_132 : i32
    }
    %scan3A_47 = arith.constant 96 : i32
    %add3A_48 = arith.constant 0 : i32
    %add3A_49 = arith.addi %mul3A_2, %add3A_48 : i32
    "tpu.region"() ({
      %run_scoped3A = tpu.sem_alloc : memref<!tpu.dma_semaphore, #tpu.memory_space<semaphore_mem>>
      %dma_start3A_113 = arith.constant 0 : i32
      %dma_start3A_114 = tpu.memref_slice %arg15[%dma_start3A_113] : memref<3072xi32, #tpu.memory_space<vmem>> -> memref<3072xi32, #tpu.memory_space<vmem>>
      %dma_start3A_115 = tpu.memref_slice %arg8[%add3A_49] : memref<719872xi32, #tpu.memory_space<hbm>> -> memref<3072xi32, #tpu.memory_space<hbm>>
      %dma_start3A_116 = tpu.memref_slice %arg8[%add3A_49] : memref<719872xi32, #tpu.memory_space<hbm>> -> memref<3072xi32, #tpu.memory_space<hbm>>
      %dma_start3A_117 = arith.constant 0 : i32
      %dma_start3A_118 = tpu.memref_slice %arg15[%dma_start3A_117] : memref<3072xi32, #tpu.memory_space<vmem>> -> memref<3072xi32, #tpu.memory_space<vmem>>
      tpu.enqueue_dma source(%dma_start3A_118 : memref<3072xi32, #tpu.memory_space<vmem>>) target(%dma_start3A_116 : memref<3072xi32, #tpu.memory_space<hbm>>) target_semaphore(%run_scoped3A : memref<!tpu.dma_semaphore, #tpu.memory_space<semaphore_mem>>)
      %dma_wait3A = arith.constant 0 : i32
      %dma_wait3A_119 = tpu.memref_slice %arg15[%dma_wait3A] : memref<3072xi32, #tpu.memory_space<vmem>> -> memref<3072xi32, #tpu.memory_space<vmem>>
      %dma_wait3A_120 = tpu.memref_slice %arg8[%add3A_49] : memref<719872xi32, #tpu.memory_space<hbm>> -> memref<3072xi32, #tpu.memory_space<hbm>>
      %dma_wait3A_121 = tpu.memref_slice %arg8[%add3A_49] : memref<719872xi32, #tpu.memory_space<hbm>> -> memref<3072xi32, #tpu.memory_space<hbm>>
      %dma_wait3A_122 = arith.constant 0 : i32
      %dma_wait3A_123 = tpu.memref_slice %arg15[%dma_wait3A_122] : memref<3072xi32, #tpu.memory_space<vmem>> -> memref<3072xi32, #tpu.memory_space<vmem>>
      tpu.wait_dma2 semaphore(%run_scoped3A : memref<!tpu.dma_semaphore, #tpu.memory_space<semaphore_mem>>) src(%dma_wait3A_123 : memref<3072xi32, #tpu.memory_space<vmem>>) dst(%dma_wait3A_121 : memref<3072xi32, #tpu.memory_space<hbm>>)
      tpu.yield
    }) : () -> ()
    %scan3A_50 = arith.constant 0 : i32
    %scan3A_51 = arith.constant 0 : i32
    %scan3A_52 = arith.constant 96 : i32
    %scan3A_53 = arith.addi %scan3A_51, %scan3A_52 : i32
    %scan3A_54 = arith.constant 1 : i32
    %scan3A_55 = scf.for %scan3A_113 = %scan3A_51 to %scan3A_53 step %scan3A_54 iter_args(%scan3A_114 = %scan3A_50) -> (i32)  : i32 {
      %add3A_115 = arith.constant 96 : i32
      %add3A_116 = arith.addi %add3A_115, %scan3A_113 : i32
      %mul3A_117 = arith.constant 16 : i32
      %mul3A_118 = arith.muli %add3A_116, %mul3A_117 : i32
      %get3A = arith.index_cast %mul3A_118 : i32 to index
      %get3A_119 = tpu.vector_load %arg14[%get3A] {strides = array<i32>} : memref<11248xi32, #tpu.memory_space<vmem>>, vector<16xi32>,
      %and3A = arith.andi %get3A_119, %broadcast_in_dim3A_37 : vector<16xi32>
      %shift_right_arithmetic3A = arith.constant 16 : i32
      %shift_right_arithmetic3A_120 = vector.broadcast %shift_right_arithmetic3A : i32 to vector<16xi32>
      %shift_right_arithmetic3A_121 = arith.shrsi %get3A_119, %shift_right_arithmetic3A_120 : vector<16xi32>
      %and3A_122 = arith.andi %shift_right_arithmetic3A_121, %broadcast_in_dim3A_37 : vector<16xi32>
      %mul3A_123 = arith.constant 32 : i32
      %mul3A_124 = arith.muli %scan3A_113, %mul3A_123 : i32
      %add3A_125 = vector.broadcast %mul3A_124 : i32 to vector<16xi32>
      %add3A_126 = arith.addi %add3A_125, %mul3A_40 : vector<16xi32>
      tpu.vector_store_idx %arg16[%add3A_126], %and3A : memref<3072xi32, #tpu.memory_space<vmem>>[vector<16xi32>], vector<16xi32>,
      %add3A_127 = vector.broadcast %mul3A_124 : i32 to vector<16xi32>
      %add3A_128 = arith.addi %add3A_127, %mul3A_40 : vector<16xi32>
      %add3A_129 = arith.constant 1 : i32
      %add3A_130 = vector.broadcast %add3A_129 : i32 to vector<16xi32>
      %add3A_131 = arith.addi %add3A_128, %add3A_130 : vector<16xi32>
      tpu.vector_store_idx %arg16[%add3A_131], %and3A_122 : memref<3072xi32, #tpu.memory_space<vmem>>[vector<16xi32>], vector<16xi32>,
      %scan3A_132 = arith.constant 0 : i32
      scf.yield %scan3A_132 : i32
    }
    %scan3A_56 = arith.constant 96 : i32
    %add3A_57 = arith.constant 3072 : i32
    %add3A_58 = arith.addi %mul3A_2, %add3A_57 : i32
    "tpu.region"() ({
      %run_scoped3A = tpu.sem_alloc : memref<!tpu.dma_semaphore, #tpu.memory_space<semaphore_mem>>
      %dma_start3A_113 = arith.constant 0 : i32
      %dma_start3A_114 = tpu.memref_slice %arg16[%dma_start3A_113] : memref<3072xi32, #tpu.memory_space<vmem>> -> memref<3072xi32, #tpu.memory_space<vmem>>
      %dma_start3A_115 = tpu.memref_slice %arg8[%add3A_58] : memref<719872xi32, #tpu.memory_space<hbm>> -> memref<3072xi32, #tpu.memory_space<hbm>>
      %dma_start3A_116 = tpu.memref_slice %arg8[%add3A_58] : memref<719872xi32, #tpu.memory_space<hbm>> -> memref<3072xi32, #tpu.memory_space<hbm>>
      %dma_start3A_117 = arith.constant 0 : i32
      %dma_start3A_118 = tpu.memref_slice %arg16[%dma_start3A_117] : memref<3072xi32, #tpu.memory_space<vmem>> -> memref<3072xi32, #tpu.memory_space<vmem>>
      tpu.enqueue_dma source(%dma_start3A_118 : memref<3072xi32, #tpu.memory_space<vmem>>) target(%dma_start3A_116 : memref<3072xi32, #tpu.memory_space<hbm>>) target_semaphore(%run_scoped3A : memref<!tpu.dma_semaphore, #tpu.memory_space<semaphore_mem>>)
      %dma_wait3A = arith.constant 0 : i32
      %dma_wait3A_119 = tpu.memref_slice %arg16[%dma_wait3A] : memref<3072xi32, #tpu.memory_space<vmem>> -> memref<3072xi32, #tpu.memory_space<vmem>>
      %dma_wait3A_120 = tpu.memref_slice %arg8[%add3A_58] : memref<719872xi32, #tpu.memory_space<hbm>> -> memref<3072xi32, #tpu.memory_space<hbm>>
      %dma_wait3A_121 = tpu.memref_slice %arg8[%add3A_58] : memref<719872xi32, #tpu.memory_space<hbm>> -> memref<3072xi32, #tpu.memory_space<hbm>>
      %dma_wait3A_122 = arith.constant 0 : i32
      %dma_wait3A_123 = tpu.memref_slice %arg16[%dma_wait3A_122] : memref<3072xi32, #tpu.memory_space<vmem>> -> memref<3072xi32, #tpu.memory_space<vmem>>
      tpu.wait_dma2 semaphore(%run_scoped3A : memref<!tpu.dma_semaphore, #tpu.memory_space<semaphore_mem>>) src(%dma_wait3A_123 : memref<3072xi32, #tpu.memory_space<vmem>>) dst(%dma_wait3A_121 : memref<3072xi32, #tpu.memory_space<hbm>>)
      tpu.yield
    }) : () -> ()
    %scan3A_59 = arith.constant 0 : i32
    %scan3A_60 = arith.constant 0 : i32
    %scan3A_61 = arith.constant 96 : i32
    %scan3A_62 = arith.addi %scan3A_60, %scan3A_61 : i32
    %scan3A_63 = arith.constant 1 : i32
    %scan3A_64 = scf.for %scan3A_113 = %scan3A_60 to %scan3A_62 step %scan3A_63 iter_args(%scan3A_114 = %scan3A_59) -> (i32)  : i32 {
      %add3A_115 = arith.constant 192 : i32
      %add3A_116 = arith.addi %add3A_115, %scan3A_113 : i32
      %mul3A_117 = arith.constant 16 : i32
      %mul3A_118 = arith.muli %add3A_116, %mul3A_117 : i32
      %get3A = arith.index_cast %mul3A_118 : i32 to index
      %get3A_119 = tpu.vector_load %arg14[%get3A] {strides = array<i32>} : memref<11248xi32, #tpu.memory_space<vmem>>, vector<16xi32>,
      %and3A = arith.andi %get3A_119, %broadcast_in_dim3A_37 : vector<16xi32>
      %shift_right_arithmetic3A = arith.constant 16 : i32
      %shift_right_arithmetic3A_120 = vector.broadcast %shift_right_arithmetic3A : i32 to vector<16xi32>
      %shift_right_arithmetic3A_121 = arith.shrsi %get3A_119, %shift_right_arithmetic3A_120 : vector<16xi32>
      %and3A_122 = arith.andi %shift_right_arithmetic3A_121, %broadcast_in_dim3A_37 : vector<16xi32>
      %mul3A_123 = arith.constant 32 : i32
      %mul3A_124 = arith.muli %scan3A_113, %mul3A_123 : i32
      %add3A_125 = vector.broadcast %mul3A_124 : i32 to vector<16xi32>
      %add3A_126 = arith.addi %add3A_125, %mul3A_40 : vector<16xi32>
      tpu.vector_store_idx %arg15[%add3A_126], %and3A : memref<3072xi32, #tpu.memory_space<vmem>>[vector<16xi32>], vector<16xi32>,
      %add3A_127 = vector.broadcast %mul3A_124 : i32 to vector<16xi32>
      %add3A_128 = arith.addi %add3A_127, %mul3A_40 : vector<16xi32>
      %add3A_129 = arith.constant 1 : i32
      %add3A_130 = vector.broadcast %add3A_129 : i32 to vector<16xi32>
      %add3A_131 = arith.addi %add3A_128, %add3A_130 : vector<16xi32>
      tpu.vector_store_idx %arg15[%add3A_131], %and3A_122 : memref<3072xi32, #tpu.memory_space<vmem>>[vector<16xi32>], vector<16xi32>,
      %scan3A_132 = arith.constant 0 : i32
      scf.yield %scan3A_132 : i32
    }
    %scan3A_65 = arith.constant 96 : i32
    %add3A_66 = arith.constant 6144 : i32
    %add3A_67 = arith.addi %mul3A_2, %add3A_66 : i32
    "tpu.region"() ({
      %run_scoped3A = tpu.sem_alloc : memref<!tpu.dma_semaphore, #tpu.memory_space<semaphore_mem>>
      %dma_start3A_113 = arith.constant 0 : i32
      %dma_start3A_114 = tpu.memref_slice %arg15[%dma_start3A_113] : memref<3072xi32, #tpu.memory_space<vmem>> -> memref<3072xi32, #tpu.memory_space<vmem>>
      %dma_start3A_115 = tpu.memref_slice %arg8[%add3A_67] : memref<719872xi32, #tpu.memory_space<hbm>> -> memref<3072xi32, #tpu.memory_space<hbm>>
      %dma_start3A_116 = tpu.memref_slice %arg8[%add3A_67] : memref<719872xi32, #tpu.memory_space<hbm>> -> memref<3072xi32, #tpu.memory_space<hbm>>
      %dma_start3A_117 = arith.constant 0 : i32
      %dma_start3A_118 = tpu.memref_slice %arg15[%dma_start3A_117] : memref<3072xi32, #tpu.memory_space<vmem>> -> memref<3072xi32, #tpu.memory_space<vmem>>
      tpu.enqueue_dma source(%dma_start3A_118 : memref<3072xi32, #tpu.memory_space<vmem>>) target(%dma_start3A_116 : memref<3072xi32, #tpu.memory_space<hbm>>) target_semaphore(%run_scoped3A : memref<!tpu.dma_semaphore, #tpu.memory_space<semaphore_mem>>)
      %dma_wait3A = arith.constant 0 : i32
      %dma_wait3A_119 = tpu.memref_slice %arg15[%dma_wait3A] : memref<3072xi32, #tpu.memory_space<vmem>> -> memref<3072xi32, #tpu.memory_space<vmem>>
      %dma_wait3A_120 = tpu.memref_slice %arg8[%add3A_67] : memref<719872xi32, #tpu.memory_space<hbm>> -> memref<3072xi32, #tpu.memory_space<hbm>>
      %dma_wait3A_121 = tpu.memref_slice %arg8[%add3A_67] : memref<719872xi32, #tpu.memory_space<hbm>> -> memref<3072xi32, #tpu.memory_space<hbm>>
      %dma_wait3A_122 = arith.constant 0 : i32
      %dma_wait3A_123 = tpu.memref_slice %arg15[%dma_wait3A_122] : memref<3072xi32, #tpu.memory_space<vmem>> -> memref<3072xi32, #tpu.memory_space<vmem>>
      tpu.wait_dma2 semaphore(%run_scoped3A : memref<!tpu.dma_semaphore, #tpu.memory_space<semaphore_mem>>) src(%dma_wait3A_123 : memref<3072xi32, #tpu.memory_space<vmem>>) dst(%dma_wait3A_121 : memref<3072xi32, #tpu.memory_space<hbm>>)
      tpu.yield
    }) : () -> ()
    %scan3A_68 = arith.constant 0 : i32
    %scan3A_69 = arith.constant 0 : i32
    %scan3A_70 = arith.constant 96 : i32
    %scan3A_71 = arith.addi %scan3A_69, %scan3A_70 : i32
    %scan3A_72 = arith.constant 1 : i32
    %scan3A_73 = scf.for %scan3A_113 = %scan3A_69 to %scan3A_71 step %scan3A_72 iter_args(%scan3A_114 = %scan3A_68) -> (i32)  : i32 {
      %add3A_115 = arith.constant 288 : i32
      %add3A_116 = arith.addi %add3A_115, %scan3A_113 : i32
      %mul3A_117 = arith.constant 16 : i32
      %mul3A_118 = arith.muli %add3A_116, %mul3A_117 : i32
      %get3A = arith.index_cast %mul3A_118 : i32 to index
      %get3A_119 = tpu.vector_load %arg14[%get3A] {strides = array<i32>} : memref<11248xi32, #tpu.memory_space<vmem>>, vector<16xi32>,
      %and3A = arith.andi %get3A_119, %broadcast_in_dim3A_37 : vector<16xi32>
      %shift_right_arithmetic3A = arith.constant 16 : i32
      %shift_right_arithmetic3A_120 = vector.broadcast %shift_right_arithmetic3A : i32 to vector<16xi32>
      %shift_right_arithmetic3A_121 = arith.shrsi %get3A_119, %shift_right_arithmetic3A_120 : vector<16xi32>
      %and3A_122 = arith.andi %shift_right_arithmetic3A_121, %broadcast_in_dim3A_37 : vector<16xi32>
      %mul3A_123 = arith.constant 32 : i32
      %mul3A_124 = arith.muli %scan3A_113, %mul3A_123 : i32
      %add3A_125 = vector.broadcast %mul3A_124 : i32 to vector<16xi32>
      %add3A_126 = arith.addi %add3A_125, %mul3A_40 : vector<16xi32>
      tpu.vector_store_idx %arg16[%add3A_126], %and3A : memref<3072xi32, #tpu.memory_space<vmem>>[vector<16xi32>], vector<16xi32>,
      %add3A_127 = vector.broadcast %mul3A_124 : i32 to vector<16xi32>
      %add3A_128 = arith.addi %add3A_127, %mul3A_40 : vector<16xi32>
      %add3A_129 = arith.constant 1 : i32
      %add3A_130 = vector.broadcast %add3A_129 : i32 to vector<16xi32>
      %add3A_131 = arith.addi %add3A_128, %add3A_130 : vector<16xi32>
      tpu.vector_store_idx %arg16[%add3A_131], %and3A_122 : memref<3072xi32, #tpu.memory_space<vmem>>[vector<16xi32>], vector<16xi32>,
      %scan3A_132 = arith.constant 0 : i32
      scf.yield %scan3A_132 : i32
    }
    %scan3A_74 = arith.constant 96 : i32
    %add3A_75 = arith.constant 9216 : i32
    %add3A_76 = arith.addi %mul3A_2, %add3A_75 : i32
    "tpu.region"() ({
      %run_scoped3A = tpu.sem_alloc : memref<!tpu.dma_semaphore, #tpu.memory_space<semaphore_mem>>
      %dma_start3A_113 = arith.constant 0 : i32
      %dma_start3A_114 = tpu.memref_slice %arg16[%dma_start3A_113] : memref<3072xi32, #tpu.memory_space<vmem>> -> memref<3072xi32, #tpu.memory_space<vmem>>
      %dma_start3A_115 = tpu.memref_slice %arg8[%add3A_76] : memref<719872xi32, #tpu.memory_space<hbm>> -> memref<3072xi32, #tpu.memory_space<hbm>>
      %dma_start3A_116 = tpu.memref_slice %arg8[%add3A_76] : memref<719872xi32, #tpu.memory_space<hbm>> -> memref<3072xi32, #tpu.memory_space<hbm>>
      %dma_start3A_117 = arith.constant 0 : i32
      %dma_start3A_118 = tpu.memref_slice %arg16[%dma_start3A_117] : memref<3072xi32, #tpu.memory_space<vmem>> -> memref<3072xi32, #tpu.memory_space<vmem>>
      tpu.enqueue_dma source(%dma_start3A_118 : memref<3072xi32, #tpu.memory_space<vmem>>) target(%dma_start3A_116 : memref<3072xi32, #tpu.memory_space<hbm>>) target_semaphore(%run_scoped3A : memref<!tpu.dma_semaphore, #tpu.memory_space<semaphore_mem>>)
      %dma_wait3A = arith.constant 0 : i32
      %dma_wait3A_119 = tpu.memref_slice %arg16[%dma_wait3A] : memref<3072xi32, #tpu.memory_space<vmem>> -> memref<3072xi32, #tpu.memory_space<vmem>>
      %dma_wait3A_120 = tpu.memref_slice %arg8[%add3A_76] : memref<719872xi32, #tpu.memory_space<hbm>> -> memref<3072xi32, #tpu.memory_space<hbm>>
      %dma_wait3A_121 = tpu.memref_slice %arg8[%add3A_76] : memref<719872xi32, #tpu.memory_space<hbm>> -> memref<3072xi32, #tpu.memory_space<hbm>>
      %dma_wait3A_122 = arith.constant 0 : i32
      %dma_wait3A_123 = tpu.memref_slice %arg16[%dma_wait3A_122] : memref<3072xi32, #tpu.memory_space<vmem>> -> memref<3072xi32, #tpu.memory_space<vmem>>
      tpu.wait_dma2 semaphore(%run_scoped3A : memref<!tpu.dma_semaphore, #tpu.memory_space<semaphore_mem>>) src(%dma_wait3A_123 : memref<3072xi32, #tpu.memory_space<vmem>>) dst(%dma_wait3A_121 : memref<3072xi32, #tpu.memory_space<hbm>>)
      tpu.yield
    }) : () -> ()
    %scan3A_77 = arith.constant 0 : i32
    %scan3A_78 = arith.constant 0 : i32
    %scan3A_79 = arith.constant 96 : i32
    %scan3A_80 = arith.addi %scan3A_78, %scan3A_79 : i32
    %scan3A_81 = arith.constant 1 : i32
    %scan3A_82 = scf.for %scan3A_113 = %scan3A_78 to %scan3A_80 step %scan3A_81 iter_args(%scan3A_114 = %scan3A_77) -> (i32)  : i32 {
      %add3A_115 = arith.constant 384 : i32
      %add3A_116 = arith.addi %add3A_115, %scan3A_113 : i32
      %mul3A_117 = arith.constant 16 : i32
      %mul3A_118 = arith.muli %add3A_116, %mul3A_117 : i32
      %get3A = arith.index_cast %mul3A_118 : i32 to index
      %get3A_119 = tpu.vector_load %arg14[%get3A] {strides = array<i32>} : memref<11248xi32, #tpu.memory_space<vmem>>, vector<16xi32>,
      %and3A = arith.andi %get3A_119, %broadcast_in_dim3A_37 : vector<16xi32>
      %shift_right_arithmetic3A = arith.constant 16 : i32
      %shift_right_arithmetic3A_120 = vector.broadcast %shift_right_arithmetic3A : i32 to vector<16xi32>
      %shift_right_arithmetic3A_121 = arith.shrsi %get3A_119, %shift_right_arithmetic3A_120 : vector<16xi32>
      %and3A_122 = arith.andi %shift_right_arithmetic3A_121, %broadcast_in_dim3A_37 : vector<16xi32>
      %mul3A_123 = arith.constant 32 : i32
      %mul3A_124 = arith.muli %scan3A_113, %mul3A_123 : i32
      %add3A_125 = vector.broadcast %mul3A_124 : i32 to vector<16xi32>
      %add3A_126 = arith.addi %add3A_125, %mul3A_40 : vector<16xi32>
      tpu.vector_store_idx %arg15[%add3A_126], %and3A : memref<3072xi32, #tpu.memory_space<vmem>>[vector<16xi32>], vector<16xi32>,
      %add3A_127 = vector.broadcast %mul3A_124 : i32 to vector<16xi32>
      %add3A_128 = arith.addi %add3A_127, %mul3A_40 : vector<16xi32>
      %add3A_129 = arith.constant 1 : i32
      %add3A_130 = vector.broadcast %add3A_129 : i32 to vector<16xi32>
      %add3A_131 = arith.addi %add3A_128, %add3A_130 : vector<16xi32>
      tpu.vector_store_idx %arg15[%add3A_131], %and3A_122 : memref<3072xi32, #tpu.memory_space<vmem>>[vector<16xi32>], vector<16xi32>,
      %scan3A_132 = arith.constant 0 : i32
      scf.yield %scan3A_132 : i32
    }
    %scan3A_83 = arith.constant 96 : i32
    %add3A_84 = arith.constant 12288 : i32
    %add3A_85 = arith.addi %mul3A_2, %add3A_84 : i32
    "tpu.region"() ({
      %run_scoped3A = tpu.sem_alloc : memref<!tpu.dma_semaphore, #tpu.memory_space<semaphore_mem>>
      %dma_start3A_113 = arith.constant 0 : i32
      %dma_start3A_114 = tpu.memref_slice %arg15[%dma_start3A_113] : memref<3072xi32, #tpu.memory_space<vmem>> -> memref<3072xi32, #tpu.memory_space<vmem>>
      %dma_start3A_115 = tpu.memref_slice %arg8[%add3A_85] : memref<719872xi32, #tpu.memory_space<hbm>> -> memref<3072xi32, #tpu.memory_space<hbm>>
      %dma_start3A_116 = tpu.memref_slice %arg8[%add3A_85] : memref<719872xi32, #tpu.memory_space<hbm>> -> memref<3072xi32, #tpu.memory_space<hbm>>
      %dma_start3A_117 = arith.constant 0 : i32
      %dma_start3A_118 = tpu.memref_slice %arg15[%dma_start3A_117] : memref<3072xi32, #tpu.memory_space<vmem>> -> memref<3072xi32, #tpu.memory_space<vmem>>
      tpu.enqueue_dma source(%dma_start3A_118 : memref<3072xi32, #tpu.memory_space<vmem>>) target(%dma_start3A_116 : memref<3072xi32, #tpu.memory_space<hbm>>) target_semaphore(%run_scoped3A : memref<!tpu.dma_semaphore, #tpu.memory_space<semaphore_mem>>)
      %dma_wait3A = arith.constant 0 : i32
      %dma_wait3A_119 = tpu.memref_slice %arg15[%dma_wait3A] : memref<3072xi32, #tpu.memory_space<vmem>> -> memref<3072xi32, #tpu.memory_space<vmem>>
      %dma_wait3A_120 = tpu.memref_slice %arg8[%add3A_85] : memref<719872xi32, #tpu.memory_space<hbm>> -> memref<3072xi32, #tpu.memory_space<hbm>>
      %dma_wait3A_121 = tpu.memref_slice %arg8[%add3A_85] : memref<719872xi32, #tpu.memory_space<hbm>> -> memref<3072xi32, #tpu.memory_space<hbm>>
      %dma_wait3A_122 = arith.constant 0 : i32
      %dma_wait3A_123 = tpu.memref_slice %arg15[%dma_wait3A_122] : memref<3072xi32, #tpu.memory_space<vmem>> -> memref<3072xi32, #tpu.memory_space<vmem>>
      tpu.wait_dma2 semaphore(%run_scoped3A : memref<!tpu.dma_semaphore, #tpu.memory_space<semaphore_mem>>) src(%dma_wait3A_123 : memref<3072xi32, #tpu.memory_space<vmem>>) dst(%dma_wait3A_121 : memref<3072xi32, #tpu.memory_space<hbm>>)
      tpu.yield
    }) : () -> ()
    %scan3A_86 = arith.constant 0 : i32
    %scan3A_87 = arith.constant 0 : i32
    %scan3A_88 = arith.constant 96 : i32
    %scan3A_89 = arith.addi %scan3A_87, %scan3A_88 : i32
    %scan3A_90 = arith.constant 1 : i32
    %scan3A_91 = scf.for %scan3A_113 = %scan3A_87 to %scan3A_89 step %scan3A_90 iter_args(%scan3A_114 = %scan3A_86) -> (i32)  : i32 {
      %add3A_115 = arith.constant 480 : i32
      %add3A_116 = arith.addi %add3A_115, %scan3A_113 : i32
      %mul3A_117 = arith.constant 16 : i32
      %mul3A_118 = arith.muli %add3A_116, %mul3A_117 : i32
      %get3A = arith.index_cast %mul3A_118 : i32 to index
      %get3A_119 = tpu.vector_load %arg14[%get3A] {strides = array<i32>} : memref<11248xi32, #tpu.memory_space<vmem>>, vector<16xi32>,
      %and3A = arith.andi %get3A_119, %broadcast_in_dim3A_37 : vector<16xi32>
      %shift_right_arithmetic3A = arith.constant 16 : i32
      %shift_right_arithmetic3A_120 = vector.broadcast %shift_right_arithmetic3A : i32 to vector<16xi32>
      %shift_right_arithmetic3A_121 = arith.shrsi %get3A_119, %shift_right_arithmetic3A_120 : vector<16xi32>
      %and3A_122 = arith.andi %shift_right_arithmetic3A_121, %broadcast_in_dim3A_37 : vector<16xi32>
      %mul3A_123 = arith.constant 32 : i32
      %mul3A_124 = arith.muli %scan3A_113, %mul3A_123 : i32
      %add3A_125 = vector.broadcast %mul3A_124 : i32 to vector<16xi32>
      %add3A_126 = arith.addi %add3A_125, %mul3A_40 : vector<16xi32>
      tpu.vector_store_idx %arg16[%add3A_126], %and3A : memref<3072xi32, #tpu.memory_space<vmem>>[vector<16xi32>], vector<16xi32>,
      %add3A_127 = vector.broadcast %mul3A_124 : i32 to vector<16xi32>
      %add3A_128 = arith.addi %add3A_127, %mul3A_40 : vector<16xi32>
      %add3A_129 = arith.constant 1 : i32
      %add3A_130 = vector.broadcast %add3A_129 : i32 to vector<16xi32>
      %add3A_131 = arith.addi %add3A_128, %add3A_130 : vector<16xi32>
      tpu.vector_store_idx %arg16[%add3A_131], %and3A_122 : memref<3072xi32, #tpu.memory_space<vmem>>[vector<16xi32>], vector<16xi32>,
      %scan3A_132 = arith.constant 0 : i32
      scf.yield %scan3A_132 : i32
    }
    %scan3A_92 = arith.constant 96 : i32
    %add3A_93 = arith.constant 15360 : i32
    %add3A_94 = arith.addi %mul3A_2, %add3A_93 : i32
    "tpu.region"() ({
      %run_scoped3A = tpu.sem_alloc : memref<!tpu.dma_semaphore, #tpu.memory_space<semaphore_mem>>
      %dma_start3A_113 = arith.constant 0 : i32
      %dma_start3A_114 = tpu.memref_slice %arg16[%dma_start3A_113] : memref<3072xi32, #tpu.memory_space<vmem>> -> memref<3072xi32, #tpu.memory_space<vmem>>
      %dma_start3A_115 = tpu.memref_slice %arg8[%add3A_94] : memref<719872xi32, #tpu.memory_space<hbm>> -> memref<3072xi32, #tpu.memory_space<hbm>>
      %dma_start3A_116 = tpu.memref_slice %arg8[%add3A_94] : memref<719872xi32, #tpu.memory_space<hbm>> -> memref<3072xi32, #tpu.memory_space<hbm>>
      %dma_start3A_117 = arith.constant 0 : i32
      %dma_start3A_118 = tpu.memref_slice %arg16[%dma_start3A_117] : memref<3072xi32, #tpu.memory_space<vmem>> -> memref<3072xi32, #tpu.memory_space<vmem>>
      tpu.enqueue_dma source(%dma_start3A_118 : memref<3072xi32, #tpu.memory_space<vmem>>) target(%dma_start3A_116 : memref<3072xi32, #tpu.memory_space<hbm>>) target_semaphore(%run_scoped3A : memref<!tpu.dma_semaphore, #tpu.memory_space<semaphore_mem>>)
      %dma_wait3A = arith.constant 0 : i32
      %dma_wait3A_119 = tpu.memref_slice %arg16[%dma_wait3A] : memref<3072xi32, #tpu.memory_space<vmem>> -> memref<3072xi32, #tpu.memory_space<vmem>>
      %dma_wait3A_120 = tpu.memref_slice %arg8[%add3A_94] : memref<719872xi32, #tpu.memory_space<hbm>> -> memref<3072xi32, #tpu.memory_space<hbm>>
      %dma_wait3A_121 = tpu.memref_slice %arg8[%add3A_94] : memref<719872xi32, #tpu.memory_space<hbm>> -> memref<3072xi32, #tpu.memory_space<hbm>>
      %dma_wait3A_122 = arith.constant 0 : i32
      %dma_wait3A_123 = tpu.memref_slice %arg16[%dma_wait3A_122] : memref<3072xi32, #tpu.memory_space<vmem>> -> memref<3072xi32, #tpu.memory_space<vmem>>
      tpu.wait_dma2 semaphore(%run_scoped3A : memref<!tpu.dma_semaphore, #tpu.memory_space<semaphore_mem>>) src(%dma_wait3A_123 : memref<3072xi32, #tpu.memory_space<vmem>>) dst(%dma_wait3A_121 : memref<3072xi32, #tpu.memory_space<hbm>>)
      tpu.yield
    }) : () -> ()
    %scan3A_95 = arith.constant 0 : i32
    %scan3A_96 = arith.constant 0 : i32
    %scan3A_97 = arith.constant 96 : i32
    %scan3A_98 = arith.addi %scan3A_96, %scan3A_97 : i32
    %scan3A_99 = arith.constant 1 : i32
    %scan3A_100 = scf.for %scan3A_113 = %scan3A_96 to %scan3A_98 step %scan3A_99 iter_args(%scan3A_114 = %scan3A_95) -> (i32)  : i32 {
      %add3A_115 = arith.constant 576 : i32
      %add3A_116 = arith.addi %add3A_115, %scan3A_113 : i32
      %mul3A_117 = arith.constant 16 : i32
      %mul3A_118 = arith.muli %add3A_116, %mul3A_117 : i32
      %get3A = arith.index_cast %mul3A_118 : i32 to index
      %get3A_119 = tpu.vector_load %arg14[%get3A] {strides = array<i32>} : memref<11248xi32, #tpu.memory_space<vmem>>, vector<16xi32>,
      %and3A = arith.andi %get3A_119, %broadcast_in_dim3A_37 : vector<16xi32>
      %shift_right_arithmetic3A = arith.constant 16 : i32
      %shift_right_arithmetic3A_120 = vector.broadcast %shift_right_arithmetic3A : i32 to vector<16xi32>
      %shift_right_arithmetic3A_121 = arith.shrsi %get3A_119, %shift_right_arithmetic3A_120 : vector<16xi32>
      %and3A_122 = arith.andi %shift_right_arithmetic3A_121, %broadcast_in_dim3A_37 : vector<16xi32>
      %mul3A_123 = arith.constant 32 : i32
      %mul3A_124 = arith.muli %scan3A_113, %mul3A_123 : i32
      %add3A_125 = vector.broadcast %mul3A_124 : i32 to vector<16xi32>
      %add3A_126 = arith.addi %add3A_125, %mul3A_40 : vector<16xi32>
      tpu.vector_store_idx %arg15[%add3A_126], %and3A : memref<3072xi32, #tpu.memory_space<vmem>>[vector<16xi32>], vector<16xi32>,
      %add3A_127 = vector.broadcast %mul3A_124 : i32 to vector<16xi32>
      %add3A_128 = arith.addi %add3A_127, %mul3A_40 : vector<16xi32>
      %add3A_129 = arith.constant 1 : i32
      %add3A_130 = vector.broadcast %add3A_129 : i32 to vector<16xi32>
      %add3A_131 = arith.addi %add3A_128, %add3A_130 : vector<16xi32>
      tpu.vector_store_idx %arg15[%add3A_131], %and3A_122 : memref<3072xi32, #tpu.memory_space<vmem>>[vector<16xi32>], vector<16xi32>,
      %scan3A_132 = arith.constant 0 : i32
      scf.yield %scan3A_132 : i32
    }
    %scan3A_101 = arith.constant 96 : i32
    %add3A_102 = arith.constant 18432 : i32
    %add3A_103 = arith.addi %mul3A_2, %add3A_102 : i32
    "tpu.region"() ({
      %run_scoped3A = tpu.sem_alloc : memref<!tpu.dma_semaphore, #tpu.memory_space<semaphore_mem>>
      %dma_start3A_113 = arith.constant 0 : i32
      %dma_start3A_114 = tpu.memref_slice %arg15[%dma_start3A_113] : memref<3072xi32, #tpu.memory_space<vmem>> -> memref<3072xi32, #tpu.memory_space<vmem>>
      %dma_start3A_115 = tpu.memref_slice %arg8[%add3A_103] : memref<719872xi32, #tpu.memory_space<hbm>> -> memref<3072xi32, #tpu.memory_space<hbm>>
      %dma_start3A_116 = tpu.memref_slice %arg8[%add3A_103] : memref<719872xi32, #tpu.memory_space<hbm>> -> memref<3072xi32, #tpu.memory_space<hbm>>
      %dma_start3A_117 = arith.constant 0 : i32
      %dma_start3A_118 = tpu.memref_slice %arg15[%dma_start3A_117] : memref<3072xi32, #tpu.memory_space<vmem>> -> memref<3072xi32, #tpu.memory_space<vmem>>
      tpu.enqueue_dma source(%dma_start3A_118 : memref<3072xi32, #tpu.memory_space<vmem>>) target(%dma_start3A_116 : memref<3072xi32, #tpu.memory_space<hbm>>) target_semaphore(%run_scoped3A : memref<!tpu.dma_semaphore, #tpu.memory_space<semaphore_mem>>)
      %dma_wait3A = arith.constant 0 : i32
      %dma_wait3A_119 = tpu.memref_slice %arg15[%dma_wait3A] : memref<3072xi32, #tpu.memory_space<vmem>> -> memref<3072xi32, #tpu.memory_space<vmem>>
      %dma_wait3A_120 = tpu.memref_slice %arg8[%add3A_103] : memref<719872xi32, #tpu.memory_space<hbm>> -> memref<3072xi32, #tpu.memory_space<hbm>>
      %dma_wait3A_121 = tpu.memref_slice %arg8[%add3A_103] : memref<719872xi32, #tpu.memory_space<hbm>> -> memref<3072xi32, #tpu.memory_space<hbm>>
      %dma_wait3A_122 = arith.constant 0 : i32
      %dma_wait3A_123 = tpu.memref_slice %arg15[%dma_wait3A_122] : memref<3072xi32, #tpu.memory_space<vmem>> -> memref<3072xi32, #tpu.memory_space<vmem>>
      tpu.wait_dma2 semaphore(%run_scoped3A : memref<!tpu.dma_semaphore, #tpu.memory_space<semaphore_mem>>) src(%dma_wait3A_123 : memref<3072xi32, #tpu.memory_space<vmem>>) dst(%dma_wait3A_121 : memref<3072xi32, #tpu.memory_space<hbm>>)
      tpu.yield
    }) : () -> ()
    %scan3A_104 = arith.constant 0 : i32
    %scan3A_105 = arith.constant 0 : i32
    %scan3A_106 = arith.constant 31 : i32
    %scan3A_107 = arith.addi %scan3A_105, %scan3A_106 : i32
    %scan3A_108 = arith.constant 1 : i32
    %scan3A_109 = scf.for %scan3A_113 = %scan3A_105 to %scan3A_107 step %scan3A_108 iter_args(%scan3A_114 = %scan3A_104) -> (i32)  : i32 {
      %add3A_115 = arith.constant 672 : i32
      %add3A_116 = arith.addi %add3A_115, %scan3A_113 : i32
      %mul3A_117 = arith.constant 16 : i32
      %mul3A_118 = arith.muli %add3A_116, %mul3A_117 : i32
      %get3A = arith.index_cast %mul3A_118 : i32 to index
      %get3A_119 = tpu.vector_load %arg14[%get3A] {strides = array<i32>} : memref<11248xi32, #tpu.memory_space<vmem>>, vector<16xi32>,
      %and3A = arith.andi %get3A_119, %broadcast_in_dim3A_37 : vector<16xi32>
      %shift_right_arithmetic3A = arith.constant 16 : i32
      %shift_right_arithmetic3A_120 = vector.broadcast %shift_right_arithmetic3A : i32 to vector<16xi32>
      %shift_right_arithmetic3A_121 = arith.shrsi %get3A_119, %shift_right_arithmetic3A_120 : vector<16xi32>
      %and3A_122 = arith.andi %shift_right_arithmetic3A_121, %broadcast_in_dim3A_37 : vector<16xi32>
      %mul3A_123 = arith.constant 32 : i32
      %mul3A_124 = arith.muli %scan3A_113, %mul3A_123 : i32
      %add3A_125 = vector.broadcast %mul3A_124 : i32 to vector<16xi32>
      %add3A_126 = arith.addi %add3A_125, %mul3A_40 : vector<16xi32>
      tpu.vector_store_idx %arg16[%add3A_126], %and3A : memref<3072xi32, #tpu.memory_space<vmem>>[vector<16xi32>], vector<16xi32>,
      %add3A_127 = vector.broadcast %mul3A_124 : i32 to vector<16xi32>
      %add3A_128 = arith.addi %add3A_127, %mul3A_40 : vector<16xi32>
      %add3A_129 = arith.constant 1 : i32
      %add3A_130 = vector.broadcast %add3A_129 : i32 to vector<16xi32>
      %add3A_131 = arith.addi %add3A_128, %add3A_130 : vector<16xi32>
      tpu.vector_store_idx %arg16[%add3A_131], %and3A_122 : memref<3072xi32, #tpu.memory_space<vmem>>[vector<16xi32>], vector<16xi32>,
      %scan3A_132 = arith.constant 0 : i32
      scf.yield %scan3A_132 : i32
    }
    %scan3A_110 = arith.constant 31 : i32
    %add3A_111 = arith.constant 21504 : i32
    %add3A_112 = arith.addi %mul3A_2, %add3A_111 : i32
    "tpu.region"() ({
      %run_scoped3A = tpu.sem_alloc : memref<!tpu.dma_semaphore, #tpu.memory_space<semaphore_mem>>
      %dma_start3A_113 = arith.constant 0 : i32
      %dma_start3A_114 = tpu.memref_slice %arg16[%dma_start3A_113] : memref<3072xi32, #tpu.memory_space<vmem>> -> memref<992xi32, #tpu.memory_space<vmem>>
      %dma_start3A_115 = tpu.memref_slice %arg8[%add3A_112] : memref<719872xi32, #tpu.memory_space<hbm>> -> memref<992xi32, #tpu.memory_space<hbm>>
      %dma_start3A_116 = tpu.memref_slice %arg8[%add3A_112] : memref<719872xi32, #tpu.memory_space<hbm>> -> memref<992xi32, #tpu.memory_space<hbm>>
      %dma_start3A_117 = arith.constant 0 : i32
      %dma_start3A_118 = tpu.memref_slice %arg16[%dma_start3A_117] : memref<3072xi32, #tpu.memory_space<vmem>> -> memref<992xi32, #tpu.memory_space<vmem>>
      tpu.enqueue_dma source(%dma_start3A_118 : memref<992xi32, #tpu.memory_space<vmem>>) target(%dma_start3A_116 : memref<992xi32, #tpu.memory_space<hbm>>) target_semaphore(%run_scoped3A : memref<!tpu.dma_semaphore, #tpu.memory_space<semaphore_mem>>)
      %dma_wait3A = arith.constant 0 : i32
      %dma_wait3A_119 = tpu.memref_slice %arg16[%dma_wait3A] : memref<3072xi32, #tpu.memory_space<vmem>> -> memref<992xi32, #tpu.memory_space<vmem>>
      %dma_wait3A_120 = tpu.memref_slice %arg8[%add3A_112] : memref<719872xi32, #tpu.memory_space<hbm>> -> memref<992xi32, #tpu.memory_space<hbm>>
      %dma_wait3A_121 = tpu.memref_slice %arg8[%add3A_112] : memref<719872xi32, #tpu.memory_space<hbm>> -> memref<992xi32, #tpu.memory_space<hbm>>
      %dma_wait3A_122 = arith.constant 0 : i32
      %dma_wait3A_123 = tpu.memref_slice %arg16[%dma_wait3A_122] : memref<3072xi32, #tpu.memory_space<vmem>> -> memref<992xi32, #tpu.memory_space<vmem>>
      tpu.wait_dma2 semaphore(%run_scoped3A : memref<!tpu.dma_semaphore, #tpu.memory_space<semaphore_mem>>) src(%dma_wait3A_123 : memref<992xi32, #tpu.memory_space<vmem>>) dst(%dma_wait3A_121 : memref<992xi32, #tpu.memory_space<hbm>>)
      tpu.yield
    }) : () -> ()
    return
  }
}

module attributes {stable_mosaic.version = 14 : i64} {
  func.func @_prep_body(%arg0: memref<2048x128xf32, #tpu.memory_space<vmem>>, %arg1: memref<2048x128xf32, #tpu.memory_space<vmem>>, %arg2: memref<2048x128xf32, #tpu.memory_space<vmem>>, %arg3: memref<2048x128xi32, #tpu.memory_space<vmem>>, %arg4: memref<2048x128xi32, #tpu.memory_space<vmem>>, %arg5: memref<2048x128xi32, #tpu.memory_space<vmem>>, %arg6: memref<2048x128xi32, #tpu.memory_space<vmem>>) attributes {dimension_semantics = [], scalar_prefetch = 0 : i64, scratch_operands = 0 : i64, tpu.core_type = #tpu.core_type<tc>} {
    %get3A = arith.constant 0 : index
    %get3A_0 = arith.constant 0 : index
    %get3A_1 = vector.load %arg0[%get3A, %get3A_0] : memref<2048x128xf32, #tpu.memory_space<vmem>>, vector<2048x128xf32>
    %get3A_2 = arith.constant 0 : index
    %get3A_3 = arith.constant 0 : index
    %get3A_4 = vector.load %arg1[%get3A_2, %get3A_3] : memref<2048x128xf32, #tpu.memory_space<vmem>>, vector<2048x128xf32>
    %get3A_5 = arith.constant 0 : index
    %get3A_6 = arith.constant 0 : index
    %get3A_7 = vector.load %arg2[%get3A_5, %get3A_6] : memref<2048x128xf32, #tpu.memory_space<vmem>>, vector<2048x128xf32>
    %sub3A = arith.constant -8.480000e+01 : f32
    %sub3A_8 = vector.broadcast %sub3A : f32 to vector<2048x128xf32>
    %sub3A_9 = arith.subf %get3A_1, %sub3A_8 : vector<2048x128xf32>
    %div3A = arith.constant 2.000000e-01 : f32
    %div3A_10 = vector.broadcast %div3A : f32 to vector<2048x128xf32>
    %div3A_11 = arith.divf %sub3A_9, %div3A_10 : vector<2048x128xf32>
    %floor3A = math.floor %div3A_11 : vector<2048x128xf32>
    %convert_element_type3A = arith.fptosi %floor3A : vector<2048x128xf32> to vector<2048x128xi32>
    %sub3A_12 = arith.constant -8.480000e+01 : f32
    %sub3A_13 = vector.broadcast %sub3A_12 : f32 to vector<2048x128xf32>
    %sub3A_14 = arith.subf %get3A_4, %sub3A_13 : vector<2048x128xf32>
    %div3A_15 = arith.constant 2.000000e-01 : f32
    %div3A_16 = vector.broadcast %div3A_15 : f32 to vector<2048x128xf32>
    %div3A_17 = arith.divf %sub3A_14, %div3A_16 : vector<2048x128xf32>
    %floor3A_18 = math.floor %div3A_17 : vector<2048x128xf32>
    %convert_element_type3A_19 = arith.fptosi %floor3A_18 : vector<2048x128xf32> to vector<2048x128xi32>
    %sub3A_20 = arith.constant -3.000000e+00 : f32
    %sub3A_21 = vector.broadcast %sub3A_20 : f32 to vector<2048x128xf32>
    %sub3A_22 = arith.subf %get3A_7, %sub3A_21 : vector<2048x128xf32>
    %div3A_23 = arith.constant 5.000000e+00 : f32
    %div3A_24 = vector.broadcast %div3A_23 : f32 to vector<2048x128xf32>
    %div3A_25 = arith.divf %sub3A_22, %div3A_24 : vector<2048x128xf32>
    %floor3A_26 = math.floor %div3A_25 : vector<2048x128xf32>
    %convert_element_type3A_27 = arith.fptosi %floor3A_26 : vector<2048x128xf32> to vector<2048x128xi32>
    %ge3A = arith.constant 0 : i32
    %ge3A_28 = vector.broadcast %ge3A : i32 to vector<2048x128xi32>
    %ge3A_29 = arith.cmpi sge, %convert_element_type3A, %ge3A_28 : vector<2048x128xi32>
    %lt3A = arith.constant 848 : i32
    %lt3A_30 = vector.broadcast %lt3A : i32 to vector<2048x128xi32>
    %lt3A_31 = arith.cmpi slt, %convert_element_type3A, %lt3A_30 : vector<2048x128xi32>
    %and3A = arith.andi %ge3A_29, %lt3A_31 : vector<2048x128xi1>
    %ge3A_32 = arith.constant 0 : i32
    %ge3A_33 = vector.broadcast %ge3A_32 : i32 to vector<2048x128xi32>
    %ge3A_34 = arith.cmpi sge, %convert_element_type3A_19, %ge3A_33 : vector<2048x128xi32>
    %and3A_35 = arith.andi %and3A, %ge3A_34 : vector<2048x128xi1>
    %lt3A_36 = arith.constant 848 : i32
    %lt3A_37 = vector.broadcast %lt3A_36 : i32 to vector<2048x128xi32>
    %lt3A_38 = arith.cmpi slt, %convert_element_type3A_19, %lt3A_37 : vector<2048x128xi32>
    %and3A_39 = arith.andi %and3A_35, %lt3A_38 : vector<2048x128xi1>
    %ge3A_40 = arith.constant 0 : i32
    %ge3A_41 = vector.broadcast %ge3A_40 : i32 to vector<2048x128xi32>
    %ge3A_42 = arith.cmpi sge, %convert_element_type3A_27, %ge3A_41 : vector<2048x128xi32>
    %and3A_43 = arith.andi %and3A_39, %ge3A_42 : vector<2048x128xi1>
    %lt3A_44 = arith.constant 1 : i32
    %lt3A_45 = vector.broadcast %lt3A_44 : i32 to vector<2048x128xi32>
    %lt3A_46 = arith.cmpi slt, %convert_element_type3A_27, %lt3A_45 : vector<2048x128xi32>
    %and3A_47 = arith.andi %and3A_43, %lt3A_46 : vector<2048x128xi1>
    %mul3A = arith.constant 848 : i32
    %mul3A_48 = vector.broadcast %mul3A : i32 to vector<2048x128xi32>
    %mul3A_49 = arith.muli %convert_element_type3A_19, %mul3A_48 : vector<2048x128xi32>
    %add3A = arith.addi %mul3A_49, %convert_element_type3A : vector<2048x128xi32>
    %sub3A_50 = arith.constant -3.000000e+00 : f32
    %sub3A_51 = vector.broadcast %sub3A_50 : f32 to vector<2048x128xf32>
    %sub3A_52 = arith.subf %get3A_7, %sub3A_51 : vector<2048x128xf32>
    %div3A_53 = arith.constant 5.000000e-01 : f32
    %div3A_54 = vector.broadcast %div3A_53 : f32 to vector<2048x128xf32>
    %div3A_55 = arith.divf %sub3A_52, %div3A_54 : vector<2048x128xf32>
    %floor3A_56 = math.floor %div3A_55 : vector<2048x128xf32>
    %convert_element_type3A_57 = arith.fptosi %floor3A_56 : vector<2048x128xf32> to vector<2048x128xi32>
    %jit3A = arith.constant 0 : i32
    %jit3A_58 = arith.constant 9 : i32
    %max3A = vector.broadcast %jit3A : i32 to vector<2048x128xi32>
    %max3A_59 = arith.maxsi %max3A, %convert_element_type3A_57 : vector<2048x128xi32>
    %min3A = vector.broadcast %jit3A_58 : i32 to vector<2048x128xi32>
    %min3A_60 = arith.minsi %min3A, %max3A_59 : vector<2048x128xi32>
    %shift_left3A = arith.constant 20 : i32
    %shift_left3A_61 = vector.broadcast %shift_left3A : i32 to vector<2048x128xi32>
    %shift_left3A_62 = arith.shli %min3A_60, %shift_left3A_61 : vector<2048x128xi32>
    %or3A = arith.ori %shift_left3A_62, %add3A : vector<2048x128xi32>
    %jit3A_63 = arith.constant 1048575 : i32
    %broadcast_in_dim3A = vector.broadcast %jit3A_63 : i32 to vector<2048x128xi32>
    %select_n3A = arith.select %and3A_47, %or3A, %broadcast_in_dim3A : vector<2048x128xi1>, vector<2048x128xi32>
    %swap3A = arith.constant 0 : index
    %swap3A_64 = arith.constant 0 : index
    %swap3A_65 = vector.load %arg3[%swap3A, %swap3A_64] : memref<2048x128xi32, #tpu.memory_space<vmem>>, vector<2048x128xi32>
    tpu.vector_store %arg3[%swap3A, %swap3A_64], %select_n3A {strides = array<i32>} : memref<2048x128xi32, #tpu.memory_space<vmem>>, vector<2048x128xi32>,
    %broadcast_in_dim3A_66 = arith.constant 0 : i32
    %broadcast_in_dim3A_67 = vector.broadcast %broadcast_in_dim3A_66 : i32 to vector<2048x128xi32>
    %sub3A_68 = arith.constant 1 : i32
    %sub3A_69 = vector.broadcast %sub3A_68 : i32 to vector<2048x128xi32>
    %sub3A_70 = arith.subi %broadcast_in_dim3A_67, %sub3A_69 : vector<2048x128xi32>
    %select_n3A_71 = arith.select %and3A_47, %broadcast_in_dim3A_67, %sub3A_70 : vector<2048x128xi1>, vector<2048x128xi32>
    %swap3A_72 = arith.constant 0 : index
    %swap3A_73 = arith.constant 0 : index
    %swap3A_74 = vector.load %arg4[%swap3A_72, %swap3A_73] : memref<2048x128xi32, #tpu.memory_space<vmem>>, vector<2048x128xi32>
    tpu.vector_store %arg4[%swap3A_72, %swap3A_73], %select_n3A_71 {strides = array<i32>} : memref<2048x128xi32, #tpu.memory_space<vmem>>, vector<2048x128xi32>,
    %select_n3A_75 = arith.select %and3A_47, %convert_element_type3A_19, %sub3A_70 : vector<2048x128xi1>, vector<2048x128xi32>
    %swap3A_76 = arith.constant 0 : index
    %swap3A_77 = arith.constant 0 : index
    %swap3A_78 = vector.load %arg5[%swap3A_76, %swap3A_77] : memref<2048x128xi32, #tpu.memory_space<vmem>>, vector<2048x128xi32>
    tpu.vector_store %arg5[%swap3A_76, %swap3A_77], %select_n3A_75 {strides = array<i32>} : memref<2048x128xi32, #tpu.memory_space<vmem>>, vector<2048x128xi32>,
    %select_n3A_79 = arith.select %and3A_47, %convert_element_type3A, %sub3A_70 : vector<2048x128xi1>, vector<2048x128xi32>
    %swap3A_80 = arith.constant 0 : index
    %swap3A_81 = arith.constant 0 : index
    %swap3A_82 = vector.load %arg6[%swap3A_80, %swap3A_81] : memref<2048x128xi32, #tpu.memory_space<vmem>>, vector<2048x128xi32>
    tpu.vector_store %arg6[%swap3A_80, %swap3A_81], %select_n3A_79 {strides = array<i32>} : memref<2048x128xi32, #tpu.memory_space<vmem>>, vector<2048x128xi32>,
    return
  }
}

module attributes {stable_mosaic.version = 14 : i64} {
  func.func @_finalize_body(%arg0: i32, %arg1: memref<152x128xf32, #tpu.memory_space<vmem>>, %arg2: memref<152x128xf32, #tpu.memory_space<vmem>>, %arg3: memref<152x128xf32, #tpu.memory_space<vmem>>, %arg4: memref<152x128xf32, #tpu.memory_space<vmem>>, %arg5: memref<152x128xf32, #tpu.memory_space<vmem>>, %arg6: memref<152x128xi32, #tpu.memory_space<vmem>>, %arg7: memref<16x152x128xf32, #tpu.memory_space<vmem>>) attributes {dimension_semantics = [#tpu.dimension_semantics<arbitrary>], iteration_bounds = array<i64: 37>, scalar_prefetch = 0 : i64, scratch_operands = 0 : i64, tpu.core_type = #tpu.core_type<tc>, window_params = [{transform_indices = @transform_0, window_bounds = array<i64: 152, 128>}, {transform_indices = @transform_1, window_bounds = array<i64: 152, 128>}, {transform_indices = @transform_2, window_bounds = array<i64: 152, 128>}, {transform_indices = @transform_3, window_bounds = array<i64: 152, 128>}, {transform_indices = @transform_4, window_bounds = array<i64: 152, 128>}, {transform_indices = @transform_5, window_bounds = array<i64: 152, 128>}, {transform_indices = @transform_6, window_bounds = array<i64: 16, 152, 128>}]} {
    %get3A = arith.constant 0 : index
    %get3A_0 = arith.constant 0 : index
    %get3A_1 = vector.load %arg1[%get3A, %get3A_0] : memref<152x128xf32, #tpu.memory_space<vmem>>, vector<152x128xf32>
    %ge3A = arith.constant 1.000000e+00 : f32
    %ge3A_2 = vector.broadcast %ge3A : f32 to vector<152x128xf32>
    %ge3A_3 = arith.cmpf oge, %get3A_1, %ge3A_2 : vector<152x128xf32>
    %jit3A = arith.constant 1.000000e+00 : f32
    %broadcast_in_dim3A = vector.broadcast %jit3A : f32 to vector<152x128xf32>
    %select_n3A = arith.select %ge3A_3, %get3A_1, %broadcast_in_dim3A : vector<152x128xi1>, vector<152x128xf32>
    %get3A_4 = arith.constant 0 : index
    %get3A_5 = arith.constant 0 : index
    %get3A_6 = vector.load %arg4[%get3A_4, %get3A_5] : memref<152x128xf32, #tpu.memory_space<vmem>>, vector<152x128xf32>
    %jit3A_7 = arith.constant 0.000000e+00 : f32
    %broadcast_in_dim3A_8 = vector.broadcast %jit3A_7 : f32 to vector<152x128xf32>
    %select_n3A_9 = arith.select %ge3A_3, %get3A_6, %broadcast_in_dim3A_8 : vector<152x128xi1>, vector<152x128xf32>
    %swap3A = arith.constant 0 : index
    %swap3A_10 = arith.constant 0 : index
    %swap3A_11 = arith.constant 0 : index
    %swap3A_12 = vector.load %arg7[%swap3A, %swap3A_10, %swap3A_11] : memref<16x152x128xf32, #tpu.memory_space<vmem>>, vector<1x152x128xf32>
    %swap3A_13 = vector.shape_cast %swap3A_12 : vector<1x152x128xf32> to vector<152x128xf32>
    %swap3A_14 = vector.shape_cast %select_n3A_9 : vector<152x128xf32> to vector<1x152x128xf32>
    tpu.vector_store %arg7[%swap3A, %swap3A_10, %swap3A_11], %swap3A_14 {strides = array<i32>} : memref<16x152x128xf32, #tpu.memory_space<vmem>>, vector<1x152x128xf32>,
    %get3A_15 = arith.constant 0 : index
    %get3A_16 = arith.constant 0 : index
    %get3A_17 = vector.load %arg2[%get3A_15, %get3A_16] : memref<152x128xf32, #tpu.memory_space<vmem>>, vector<152x128xf32>
    %div3A = arith.divf %get3A_17, %select_n3A : vector<152x128xf32>
    %swap3A_18 = arith.constant 1 : index
    %swap3A_19 = arith.constant 0 : index
    %swap3A_20 = arith.constant 0 : index
    %swap3A_21 = vector.load %arg7[%swap3A_18, %swap3A_19, %swap3A_20] : memref<16x152x128xf32, #tpu.memory_space<vmem>>, vector<1x152x128xf32>
    %swap3A_22 = vector.shape_cast %swap3A_21 : vector<1x152x128xf32> to vector<152x128xf32>
    %swap3A_23 = vector.shape_cast %div3A : vector<152x128xf32> to vector<1x152x128xf32>
    tpu.vector_store %arg7[%swap3A_18, %swap3A_19, %swap3A_20], %swap3A_23 {strides = array<i32>} : memref<16x152x128xf32, #tpu.memory_space<vmem>>, vector<1x152x128xf32>,
    %get3A_24 = arith.constant 0 : index
    %get3A_25 = arith.constant 0 : index
    %get3A_26 = vector.load %arg5[%get3A_24, %get3A_25] : memref<152x128xf32, #tpu.memory_space<vmem>>, vector<152x128xf32>
    %jit3A_27 = arith.constant 0.000000e+00 : f32
    %broadcast_in_dim3A_28 = vector.broadcast %jit3A_27 : f32 to vector<152x128xf32>
    %select_n3A_29 = arith.select %ge3A_3, %get3A_26, %broadcast_in_dim3A_28 : vector<152x128xi1>, vector<152x128xf32>
    %swap3A_30 = arith.constant 2 : index
    %swap3A_31 = arith.constant 0 : index
    %swap3A_32 = arith.constant 0 : index
    %swap3A_33 = vector.load %arg7[%swap3A_30, %swap3A_31, %swap3A_32] : memref<16x152x128xf32, #tpu.memory_space<vmem>>, vector<1x152x128xf32>
    %swap3A_34 = vector.shape_cast %swap3A_33 : vector<1x152x128xf32> to vector<152x128xf32>
    %swap3A_35 = vector.shape_cast %select_n3A_29 : vector<152x128xf32> to vector<1x152x128xf32>
    tpu.vector_store %arg7[%swap3A_30, %swap3A_31, %swap3A_32], %swap3A_35 {strides = array<i32>} : memref<16x152x128xf32, #tpu.memory_space<vmem>>, vector<1x152x128xf32>,
    %get3A_36 = arith.constant 0 : index
    %get3A_37 = arith.constant 0 : index
    %get3A_38 = vector.load %arg3[%get3A_36, %get3A_37] : memref<152x128xf32, #tpu.memory_space<vmem>>, vector<152x128xf32>
    %div3A_39 = arith.divf %get3A_38, %select_n3A : vector<152x128xf32>
    %swap3A_40 = arith.constant 3 : index
    %swap3A_41 = arith.constant 0 : index
    %swap3A_42 = arith.constant 0 : index
    %swap3A_43 = vector.load %arg7[%swap3A_40, %swap3A_41, %swap3A_42] : memref<16x152x128xf32, #tpu.memory_space<vmem>>, vector<1x152x128xf32>
    %swap3A_44 = vector.shape_cast %swap3A_43 : vector<1x152x128xf32> to vector<152x128xf32>
    %swap3A_45 = vector.shape_cast %div3A_39 : vector<152x128xf32> to vector<1x152x128xf32>
    tpu.vector_store %arg7[%swap3A_40, %swap3A_41, %swap3A_42], %swap3A_45 {strides = array<i32>} : memref<16x152x128xf32, #tpu.memory_space<vmem>>, vector<1x152x128xf32>,
    %add3A = arith.constant 1.000000e+00 : f32
    %add3A_46 = vector.broadcast %add3A : f32 to vector<152x128xf32>
    %add3A_47 = arith.addf %get3A_1, %add3A_46 : vector<152x128xf32>
    %jit3A_48 = arith.constant 1.000000e+00 : f32
    %broadcast_in_dim3A_49 = vector.broadcast %jit3A_48 : f32 to vector<152x128xf32>
    %select_n3A_50 = arith.select %ge3A_3, %add3A_47, %broadcast_in_dim3A_49 : vector<152x128xi1>, vector<152x128xf32>
    %log3A = math.log %select_n3A_50 : vector<152x128xf32>
    %swap3A_51 = arith.constant 4 : index
    %swap3A_52 = arith.constant 0 : index
    %swap3A_53 = arith.constant 0 : index
    %swap3A_54 = vector.load %arg7[%swap3A_51, %swap3A_52, %swap3A_53] : memref<16x152x128xf32, #tpu.memory_space<vmem>>, vector<1x152x128xf32>
    %swap3A_55 = vector.shape_cast %swap3A_54 : vector<1x152x128xf32> to vector<152x128xf32>
    %swap3A_56 = vector.shape_cast %log3A : vector<152x128xf32> to vector<1x152x128xf32>
    tpu.vector_store %arg7[%swap3A_51, %swap3A_52, %swap3A_53], %swap3A_56 {strides = array<i32>} : memref<16x152x128xf32, #tpu.memory_space<vmem>>, vector<1x152x128xf32>,
    %convert_element_type3A = arith.extui %ge3A_3 : vector<152x128xi1> to vector<152x128xi32>
    %convert_element_type3A_57 = arith.sitofp %convert_element_type3A : vector<152x128xi32> to vector<152x128xf32>
    %swap3A_58 = arith.constant 5 : index
    %swap3A_59 = arith.constant 0 : index
    %swap3A_60 = arith.constant 0 : index
    %swap3A_61 = vector.load %arg7[%swap3A_58, %swap3A_59, %swap3A_60] : memref<16x152x128xf32, #tpu.memory_space<vmem>>, vector<1x152x128xf32>
    %swap3A_62 = vector.shape_cast %swap3A_61 : vector<1x152x128xf32> to vector<152x128xf32>
    %swap3A_63 = vector.shape_cast %convert_element_type3A_57 : vector<152x128xf32> to vector<1x152x128xf32>
    tpu.vector_store %arg7[%swap3A_58, %swap3A_59, %swap3A_60], %swap3A_63 {strides = array<i32>} : memref<16x152x128xf32, #tpu.memory_space<vmem>>, vector<1x152x128xf32>,
    %get3A_64 = arith.constant 0 : index
    %get3A_65 = arith.constant 0 : index
    %get3A_66 = vector.load %arg6[%get3A_64, %get3A_65] : memref<152x128xi32, #tpu.memory_space<vmem>>, vector<152x128xi32>
    %shift_right_arithmetic3A = arith.constant 0 : i32
    %shift_right_arithmetic3A_67 = vector.broadcast %shift_right_arithmetic3A : i32 to vector<152x128xi32>
    %shift_right_arithmetic3A_68 = arith.shrsi %get3A_66, %shift_right_arithmetic3A_67 : vector<152x128xi32>
    %and3A = arith.constant 1 : i32
    %and3A_69 = vector.broadcast %and3A : i32 to vector<152x128xi32>
    %and3A_70 = arith.andi %shift_right_arithmetic3A_68, %and3A_69 : vector<152x128xi32>
    %convert_element_type3A_71 = arith.sitofp %and3A_70 : vector<152x128xi32> to vector<152x128xf32>
    %swap3A_72 = arith.constant 6 : index
    %swap3A_73 = arith.constant 0 : index
    %swap3A_74 = arith.constant 0 : index
    %swap3A_75 = vector.load %arg7[%swap3A_72, %swap3A_73, %swap3A_74] : memref<16x152x128xf32, #tpu.memory_space<vmem>>, vector<1x152x128xf32>
    %swap3A_76 = vector.shape_cast %swap3A_75 : vector<1x152x128xf32> to vector<152x128xf32>
    %swap3A_77 = vector.shape_cast %convert_element_type3A_71 : vector<152x128xf32> to vector<1x152x128xf32>
    tpu.vector_store %arg7[%swap3A_72, %swap3A_73, %swap3A_74], %swap3A_77 {strides = array<i32>} : memref<16x152x128xf32, #tpu.memory_space<vmem>>, vector<1x152x128xf32>,
    %shift_right_arithmetic3A_78 = arith.constant 1 : i32
    %shift_right_arithmetic3A_79 = vector.broadcast %shift_right_arithmetic3A_78 : i32 to vector<152x128xi32>
    %shift_right_arithmetic3A_80 = arith.shrsi %get3A_66, %shift_right_arithmetic3A_79 : vector<152x128xi32>
    %and3A_81 = arith.constant 1 : i32
    %and3A_82 = vector.broadcast %and3A_81 : i32 to vector<152x128xi32>
    %and3A_83 = arith.andi %shift_right_arithmetic3A_80, %and3A_82 : vector<152x128xi32>
    %convert_element_type3A_84 = arith.sitofp %and3A_83 : vector<152x128xi32> to vector<152x128xf32>
    %swap3A_85 = arith.constant 7 : index
    %swap3A_86 = arith.constant 0 : index
    %swap3A_87 = arith.constant 0 : index
    %swap3A_88 = vector.load %arg7[%swap3A_85, %swap3A_86, %swap3A_87] : memref<16x152x128xf32, #tpu.memory_space<vmem>>, vector<1x152x128xf32>
    %swap3A_89 = vector.shape_cast %swap3A_88 : vector<1x152x128xf32> to vector<152x128xf32>
    %swap3A_90 = vector.shape_cast %convert_element_type3A_84 : vector<152x128xf32> to vector<1x152x128xf32>
    tpu.vector_store %arg7[%swap3A_85, %swap3A_86, %swap3A_87], %swap3A_90 {strides = array<i32>} : memref<16x152x128xf32, #tpu.memory_space<vmem>>, vector<1x152x128xf32>,
    %shift_right_arithmetic3A_91 = arith.constant 2 : i32
    %shift_right_arithmetic3A_92 = vector.broadcast %shift_right_arithmetic3A_91 : i32 to vector<152x128xi32>
    %shift_right_arithmetic3A_93 = arith.shrsi %get3A_66, %shift_right_arithmetic3A_92 : vector<152x128xi32>
    %and3A_94 = arith.constant 1 : i32
    %and3A_95 = vector.broadcast %and3A_94 : i32 to vector<152x128xi32>
    %and3A_96 = arith.andi %shift_right_arithmetic3A_93, %and3A_95 : vector<152x128xi32>
    %convert_element_type3A_97 = arith.sitofp %and3A_96 : vector<152x128xi32> to vector<152x128xf32>
    %swap3A_98 = arith.constant 8 : index
    %swap3A_99 = arith.constant 0 : index
    %swap3A_100 = arith.constant 0 : index
    %swap3A_101 = vector.load %arg7[%swap3A_98, %swap3A_99, %swap3A_100] : memref<16x152x128xf32, #tpu.memory_space<vmem>>, vector<1x152x128xf32>
    %swap3A_102 = vector.shape_cast %swap3A_101 : vector<1x152x128xf32> to vector<152x128xf32>
    %swap3A_103 = vector.shape_cast %convert_element_type3A_97 : vector<152x128xf32> to vector<1x152x128xf32>
    tpu.vector_store %arg7[%swap3A_98, %swap3A_99, %swap3A_100], %swap3A_103 {strides = array<i32>} : memref<16x152x128xf32, #tpu.memory_space<vmem>>, vector<1x152x128xf32>,
    %shift_right_arithmetic3A_104 = arith.constant 3 : i32
    %shift_right_arithmetic3A_105 = vector.broadcast %shift_right_arithmetic3A_104 : i32 to vector<152x128xi32>
    %shift_right_arithmetic3A_106 = arith.shrsi %get3A_66, %shift_right_arithmetic3A_105 : vector<152x128xi32>
    %and3A_107 = arith.constant 1 : i32
    %and3A_108 = vector.broadcast %and3A_107 : i32 to vector<152x128xi32>
    %and3A_109 = arith.andi %shift_right_arithmetic3A_106, %and3A_108 : vector<152x128xi32>
    %convert_element_type3A_110 = arith.sitofp %and3A_109 : vector<152x128xi32> to vector<152x128xf32>
    %swap3A_111 = arith.constant 9 : index
    %swap3A_112 = arith.constant 0 : index
    %swap3A_113 = arith.constant 0 : index
    %swap3A_114 = vector.load %arg7[%swap3A_111, %swap3A_112, %swap3A_113] : memref<16x152x128xf32, #tpu.memory_space<vmem>>, vector<1x152x128xf32>
    %swap3A_115 = vector.shape_cast %swap3A_114 : vector<1x152x128xf32> to vector<152x128xf32>
    %swap3A_116 = vector.shape_cast %convert_element_type3A_110 : vector<152x128xf32> to vector<1x152x128xf32>
    tpu.vector_store %arg7[%swap3A_111, %swap3A_112, %swap3A_113], %swap3A_116 {strides = array<i32>} : memref<16x152x128xf32, #tpu.memory_space<vmem>>, vector<1x152x128xf32>,
    %shift_right_arithmetic3A_117 = arith.constant 4 : i32
    %shift_right_arithmetic3A_118 = vector.broadcast %shift_right_arithmetic3A_117 : i32 to vector<152x128xi32>
    %shift_right_arithmetic3A_119 = arith.shrsi %get3A_66, %shift_right_arithmetic3A_118 : vector<152x128xi32>
    %and3A_120 = arith.constant 1 : i32
    %and3A_121 = vector.broadcast %and3A_120 : i32 to vector<152x128xi32>
    %and3A_122 = arith.andi %shift_right_arithmetic3A_119, %and3A_121 : vector<152x128xi32>
    %convert_element_type3A_123 = arith.sitofp %and3A_122 : vector<152x128xi32> to vector<152x128xf32>
    %swap3A_124 = arith.constant 10 : index
    %swap3A_125 = arith.constant 0 : index
    %swap3A_126 = arith.constant 0 : index
    %swap3A_127 = vector.load %arg7[%swap3A_124, %swap3A_125, %swap3A_126] : memref<16x152x128xf32, #tpu.memory_space<vmem>>, vector<1x152x128xf32>
    %swap3A_128 = vector.shape_cast %swap3A_127 : vector<1x152x128xf32> to vector<152x128xf32>
    %swap3A_129 = vector.shape_cast %convert_element_type3A_123 : vector<152x128xf32> to vector<1x152x128xf32>
    tpu.vector_store %arg7[%swap3A_124, %swap3A_125, %swap3A_126], %swap3A_129 {strides = array<i32>} : memref<16x152x128xf32, #tpu.memory_space<vmem>>, vector<1x152x128xf32>,
    %shift_right_arithmetic3A_130 = arith.constant 5 : i32
    %shift_right_arithmetic3A_131 = vector.broadcast %shift_right_arithmetic3A_130 : i32 to vector<152x128xi32>
    %shift_right_arithmetic3A_132 = arith.shrsi %get3A_66, %shift_right_arithmetic3A_131 : vector<152x128xi32>
    %and3A_133 = arith.constant 1 : i32
    %and3A_134 = vector.broadcast %and3A_133 : i32 to vector<152x128xi32>
    %and3A_135 = arith.andi %shift_right_arithmetic3A_132, %and3A_134 : vector<152x128xi32>
    %convert_element_type3A_136 = arith.sitofp %and3A_135 : vector<152x128xi32> to vector<152x128xf32>
    %swap3A_137 = arith.constant 11 : index
    %swap3A_138 = arith.constant 0 : index
    %swap3A_139 = arith.constant 0 : index
    %swap3A_140 = vector.load %arg7[%swap3A_137, %swap3A_138, %swap3A_139] : memref<16x152x128xf32, #tpu.memory_space<vmem>>, vector<1x152x128xf32>
    %swap3A_141 = vector.shape_cast %swap3A_140 : vector<1x152x128xf32> to vector<152x128xf32>
    %swap3A_142 = vector.shape_cast %convert_element_type3A_136 : vector<152x128xf32> to vector<1x152x128xf32>
    tpu.vector_store %arg7[%swap3A_137, %swap3A_138, %swap3A_139], %swap3A_142 {strides = array<i32>} : memref<16x152x128xf32, #tpu.memory_space<vmem>>, vector<1x152x128xf32>,
    %shift_right_arithmetic3A_143 = arith.constant 6 : i32
    %shift_right_arithmetic3A_144 = vector.broadcast %shift_right_arithmetic3A_143 : i32 to vector<152x128xi32>
    %shift_right_arithmetic3A_145 = arith.shrsi %get3A_66, %shift_right_arithmetic3A_144 : vector<152x128xi32>
    %and3A_146 = arith.constant 1 : i32
    %and3A_147 = vector.broadcast %and3A_146 : i32 to vector<152x128xi32>
    %and3A_148 = arith.andi %shift_right_arithmetic3A_145, %and3A_147 : vector<152x128xi32>
    %convert_element_type3A_149 = arith.sitofp %and3A_148 : vector<152x128xi32> to vector<152x128xf32>
    %swap3A_150 = arith.constant 12 : index
    %swap3A_151 = arith.constant 0 : index
    %swap3A_152 = arith.constant 0 : index
    %swap3A_153 = vector.load %arg7[%swap3A_150, %swap3A_151, %swap3A_152] : memref<16x152x128xf32, #tpu.memory_space<vmem>>, vector<1x152x128xf32>
    %swap3A_154 = vector.shape_cast %swap3A_153 : vector<1x152x128xf32> to vector<152x128xf32>
    %swap3A_155 = vector.shape_cast %convert_element_type3A_149 : vector<152x128xf32> to vector<1x152x128xf32>
    tpu.vector_store %arg7[%swap3A_150, %swap3A_151, %swap3A_152], %swap3A_155 {strides = array<i32>} : memref<16x152x128xf32, #tpu.memory_space<vmem>>, vector<1x152x128xf32>,
    %shift_right_arithmetic3A_156 = arith.constant 7 : i32
    %shift_right_arithmetic3A_157 = vector.broadcast %shift_right_arithmetic3A_156 : i32 to vector<152x128xi32>
    %shift_right_arithmetic3A_158 = arith.shrsi %get3A_66, %shift_right_arithmetic3A_157 : vector<152x128xi32>
    %and3A_159 = arith.constant 1 : i32
    %and3A_160 = vector.broadcast %and3A_159 : i32 to vector<152x128xi32>
    %and3A_161 = arith.andi %shift_right_arithmetic3A_158, %and3A_160 : vector<152x128xi32>
    %convert_element_type3A_162 = arith.sitofp %and3A_161 : vector<152x128xi32> to vector<152x128xf32>
    %swap3A_163 = arith.constant 13 : index
    %swap3A_164 = arith.constant 0 : index
    %swap3A_165 = arith.constant 0 : index
    %swap3A_166 = vector.load %arg7[%swap3A_163, %swap3A_164, %swap3A_165] : memref<16x152x128xf32, #tpu.memory_space<vmem>>, vector<1x152x128xf32>
    %swap3A_167 = vector.shape_cast %swap3A_166 : vector<1x152x128xf32> to vector<152x128xf32>
    %swap3A_168 = vector.shape_cast %convert_element_type3A_162 : vector<152x128xf32> to vector<1x152x128xf32>
    tpu.vector_store %arg7[%swap3A_163, %swap3A_164, %swap3A_165], %swap3A_168 {strides = array<i32>} : memref<16x152x128xf32, #tpu.memory_space<vmem>>, vector<1x152x128xf32>,
    %shift_right_arithmetic3A_169 = arith.constant 8 : i32
    %shift_right_arithmetic3A_170 = vector.broadcast %shift_right_arithmetic3A_169 : i32 to vector<152x128xi32>
    %shift_right_arithmetic3A_171 = arith.shrsi %get3A_66, %shift_right_arithmetic3A_170 : vector<152x128xi32>
    %and3A_172 = arith.constant 1 : i32
    %and3A_173 = vector.broadcast %and3A_172 : i32 to vector<152x128xi32>
    %and3A_174 = arith.andi %shift_right_arithmetic3A_171, %and3A_173 : vector<152x128xi32>
    %convert_element_type3A_175 = arith.sitofp %and3A_174 : vector<152x128xi32> to vector<152x128xf32>
    %swap3A_176 = arith.constant 14 : index
    %swap3A_177 = arith.constant 0 : index
    %swap3A_178 = arith.constant 0 : index
    %swap3A_179 = vector.load %arg7[%swap3A_176, %swap3A_177, %swap3A_178] : memref<16x152x128xf32, #tpu.memory_space<vmem>>, vector<1x152x128xf32>
    %swap3A_180 = vector.shape_cast %swap3A_179 : vector<1x152x128xf32> to vector<152x128xf32>
    %swap3A_181 = vector.shape_cast %convert_element_type3A_175 : vector<152x128xf32> to vector<1x152x128xf32>
    tpu.vector_store %arg7[%swap3A_176, %swap3A_177, %swap3A_178], %swap3A_181 {strides = array<i32>} : memref<16x152x128xf32, #tpu.memory_space<vmem>>, vector<1x152x128xf32>,
    %shift_right_arithmetic3A_182 = arith.constant 9 : i32
    %shift_right_arithmetic3A_183 = vector.broadcast %shift_right_arithmetic3A_182 : i32 to vector<152x128xi32>
    %shift_right_arithmetic3A_184 = arith.shrsi %get3A_66, %shift_right_arithmetic3A_183 : vector<152x128xi32>
    %and3A_185 = arith.constant 1 : i32
    %and3A_186 = vector.broadcast %and3A_185 : i32 to vector<152x128xi32>
    %and3A_187 = arith.andi %shift_right_arithmetic3A_184, %and3A_186 : vector<152x128xi32>
    %convert_element_type3A_188 = arith.sitofp %and3A_187 : vector<152x128xi32> to vector<152x128xf32>
    %swap3A_189 = arith.constant 15 : index
    %swap3A_190 = arith.constant 0 : index
    %swap3A_191 = arith.constant 0 : index
    %swap3A_192 = vector.load %arg7[%swap3A_189, %swap3A_190, %swap3A_191] : memref<16x152x128xf32, #tpu.memory_space<vmem>>, vector<1x152x128xf32>
    %swap3A_193 = vector.shape_cast %swap3A_192 : vector<1x152x128xf32> to vector<152x128xf32>
    %swap3A_194 = vector.shape_cast %convert_element_type3A_188 : vector<152x128xf32> to vector<1x152x128xf32>
    tpu.vector_store %arg7[%swap3A_189, %swap3A_190, %swap3A_191], %swap3A_194 {strides = array<i32>} : memref<16x152x128xf32, #tpu.memory_space<vmem>>, vector<1x152x128xf32>,
    return
  }
  func.func @transform_0(%arg0: i32) -> (i32, i32) {
    %c0_i32 = arith.constant 0 : i32
    %c0_i32_0 = arith.constant 0 : i32
    return %arg0, %c0_i32 : i32, i32
  }
  func.func @transform_1(%arg0: i32) -> (i32, i32) {
    %c0_i32 = arith.constant 0 : i32
    %c0_i32_0 = arith.constant 0 : i32
    return %arg0, %c0_i32 : i32, i32
  }
  func.func @transform_2(%arg0: i32) -> (i32, i32) {
    %c0_i32 = arith.constant 0 : i32
    %c0_i32_0 = arith.constant 0 : i32
    return %arg0, %c0_i32 : i32, i32
  }
  func.func @transform_3(%arg0: i32) -> (i32, i32) {
    %c0_i32 = arith.constant 0 : i32
    %c0_i32_0 = arith.constant 0 : i32
    return %arg0, %c0_i32 : i32, i32
  }
  func.func @transform_4(%arg0: i32) -> (i32, i32) {
    %c0_i32 = arith.constant 0 : i32
    %c0_i32_0 = arith.constant 0 : i32
    return %arg0, %c0_i32 : i32, i32
  }
  func.func @transform_5(%arg0: i32) -> (i32, i32) {
    %c0_i32 = arith.constant 0 : i32
    %c0_i32_0 = arith.constant 0 : i32
    return %arg0, %c0_i32 : i32, i32
  }
  func.func @transform_6(%arg0: i32) -> (i32, i32, i32) {
    %c0_i32 = arith.constant 0 : i32
    %c0_i32_0 = arith.constant 0 : i32
    %c0_i32_1 = arith.constant 0 : i32
    return %c0_i32, %arg0, %c0_i32_0 : i32, i32, i32
  }
}

</mosaic_0001>

<sc_bundles>
// kernel: kernel.5.cloned.1.call-start
scs
__scs_entry_jumppad:
0x0: {  	(pc) =	sbr.rel $0x88, $3  }
0x1: {  	(tag) =	ssettag $0x0;
	lr =	simm.s32 $0x1  }
0x2: {  	[smem:$0x3FA0] =	sst lr;
	_ =	strace $0xD0000000  }
0x3: {  	_ = 	snop  }
0x4: {  	_ = 	snop  }
0x5: {  	_ = 	snop  }
0x6: {  	_ = 	snop  }
0x7: {  	_ = 	snop  }
__scs_overlays_trampoline_lowered:
0x8: {  	[smem:$0x3FAF] =	sst s0  }
0x9: {  	[smem:$0x3FB0] =	sst s1  }
0xa: {  	[smem:$0x3FB1] =	sst s2  }
0xb: {  	[smem:$0x3FB2] =	sst s3  }
0xc: {  	[smem:$0x3FB3] =	sst s4  }
0xd: {  	[smem:$0x3FB4] =	sst s5  }
0xe: {  	[smem:$0x3FB5] =	sst s6  }
0xf: {  	[smem:$0x3FB6] =	sst s7  }
0x10: {  	[smem:$0x3FB7] =	sst s8  }
0x11: {  	[smem:$0x3FB8] =	sst s9;
	s0 =	simm.s32 @!p0 $0x0  }
0x12: {  	s1 =	sld [smem:$0x3F9E];
	s0 =	simm.s32 @p0 $0x1  }
0x13: {  	[smem:$0x3FB9] =	sst s0;
	s0 =	simm.s32 @!p1 $0x0  }
0x14: {  	s2 =	sld [smem:$0x3F9D];
	s0 =	simm.s32 @p1 $0x1  }
0x15: {  	[smem:$0x3FBA] =	sst s0;
	s0 =	simm.s32 @!p2 $0x0  }
0x16: {  	s3 =	sld [smem:$0x3FDB];
	s0 =	simm.s32 @p2 $0x1  }
0x17: {  	s4 =	simm.s32 $0x1BF5;
	[smem:$0x3FBC] =	sst s0  }
0x18: {  	s0 =	sld [smem:$0x3F9F];
	_ =	swait.ge [sflag:s4], $0x0  }
0x19: {  	s7 =	sld [smem:$0x3FA0]  }
0x1a: {  	s8 =	sadd.s32 $0xFFFFE003, lr  }
0x1b: {  	s9 =	sadd.s32 $0xFFFFFEF7, lr;
	s5 =	simm.s32 $0xFFFFFFFF;
	p2 =	slt.u32 s8, $0xFFFFF086  }
0x1c: {  	p1 =	slt.u32 s9, $0xF7A;
	s5 =	simm.s32 @!p2 $0x0  }
0x1d: {  	s5 =	simm.s32 @p1 $0x1;
	p0 =	seq.s32 s7, s2  }
0x1e: {  	s7 =	smul.u32 @!p0 $0xF7A, s2;
	p2 =	seq.s32 @!p0 s5, $0x0  }
0x1f: {  	s9 =	smul.u32 $0xF7A, s1;
	s8 =	simm.s32 @!p0 $0x1BF5;
	p2 =	por !p2, p0  }
0x20: {  	[sflag:s8] =	ssyncset.s32 @!p0 $0xFFFFF086;
	s6 =	sadd.s32 @!p0 s3, s7;
	s7 =	simm.s32 @!p0 $0x108  }
0x21: {  	s3 =	sadd.s32 s3, s9;
	s6 =	sadd.s32 @!p0 $0x88, s6;
	s7 =	simm.s32 @p2 $0x1082  }
0x22: {  	[simem:s7], [sflag:s8] =	dma.local @!p0 [hbm:s6], $0xF7A  }
0x23: {  	s9 =	sor.u32 $0xD0000000, s2;
	s6 =	simm.s32 $0x108;
	_ =	swait.ge @!p0 [sflag:s8], $0x0  }
0x24: {  	s3 =	sadd.s32 $0x88, s3;
	s6 =	simm.s32 @!p1 $0x1082;
	[sflag:s4] =	ssyncset.s32 $0xFFFFF086  }
0x25: {  	[simem:s6], [sflag:s4] =	dma.local [hbm:s3], $0xF7A  }
0x26: {  	[smem:$0x3FA0] =	sst s1;
	(tag) =	ssettag s2;
	_ =	strace s9  }
0x27: {  	s1 =	sld [smem:$0x3FB0]  }
0x28: {  	s2 =	sld [smem:$0x3FB1]  }
0x29: {  	s4 =	sld [smem:$0x3FB3]  }
0x2a: {  	p0 =	seq.s32 s5, $0x0;
	s5 =	sld [smem:$0x3FB4]  }
0x2b: {  	s6 =	sld [smem:$0x3FB5]  }
0x2c: {  	s7 =	sld [smem:$0x3FB6]  }
0x2d: {  	s3 =	simm.s32 $0x108;
	s8 =	sld [smem:$0x3FB7]  }
0x2e: {  	s3 =	simm.s32 @!p0 $0x1082;
	s9 =	sld [smem:$0x3FB8]  }
0x2f: {  	lr =	sadd.s32 s0, s3;
	s0 =	sld [smem:$0x3FAF]  }
0x30: {  	s3 =	sld [smem:$0x3FB2]  }
0x31: {  	[smem:$0x3FBB] =	sst s10  }
0x32: {  	s10 =	sld [smem:$0x3FB9];
	_ =	sdelay $0x3  }
0x33: {  	p0 =	seq.s32 s10, $0x1;
	s10 =	sld [smem:$0x3FBB];
	_ =	sdelay $0x3  }
0x34: {  	[smem:$0x3FBB] =	sst s10  }
0x35: {  	s10 =	sld [smem:$0x3FBA];
	_ =	sdelay $0x3  }
0x36: {  	p1 =	seq.s32 s10, $0x1;
	s10 =	sld [smem:$0x3FBB];
	_ =	sdelay $0x3  }
0x37: {  	[smem:$0x3FBB] =	sst s10  }
0x38: {  	s10 =	sld [smem:$0x3FBC]  }
0x39: {  	_ = 	snop;
	(pc) =	sbr.ind lr, $3  }
0x3a: {  	_ = 	snop  }
0x3b: {  	_ = 	snop  }
0x3c: {  	p2 =	seq.s32 s10, $0x1;
	s10 =	sld [smem:$0x3FBB]  }
0x3d: {  	_ =	shalt  }
0x3e: {  	_ =	shalt  }
0x3f: {  	_ =	shalt  }
0x40: {  	_ =	shalt  }
0x41: {  	_ =	shalt  }
0x42: {  	_ =	shalt  }
0x43: {  	_ =	shalt  }
0x44: {  	_ =	shalt  }
0x45: {  	_ =	shalt  }
0x46: {  	_ =	shalt  }
0x47: {  	_ =	shalt  }
0x48: {  	_ =	shalt  }
0x49: {  	_ =	shalt  }
0x4a: {  	_ =	shalt  }
0x4b: {  	_ =	shalt  }
0x4c: {  	_ =	shalt  }
0x4d: {  	_ =	shalt  }
0x4e: {  	_ =	shalt  }
0x4f: {  	_ =	shalt  }
0x50: {  	_ =	shalt  }
0x51: {  	_ =	shalt  }
0x52: {  	_ =	shalt  }
0x53: {  	_ =	shalt  }
0x54: {  	_ =	shalt  }
0x55: {  	_ =	shalt  }
0x56: {  	_ =	shalt  }
0x57: {  	_ =	shalt  }
0x58: {  	_ =	shalt  }
0x59: {  	_ =	shalt  }
0x5a: {  	_ =	shalt  }
0x5b: {  	_ =	shalt  }
0x5c: {  	_ =	shalt  }
0x5d: {  	_ =	shalt  }
0x5e: {  	_ =	shalt  }
0x5f: {  	_ =	shalt  }
0x60: {  	_ =	shalt  }
0x61: {  	_ =	shalt  }
0x62: {  	_ =	shalt  }
0x63: {  	_ =	shalt  }
0x64: {  	_ =	shalt  }
0x65: {  	_ =	shalt  }
0x66: {  	_ =	shalt  }
0x67: {  	_ =	shalt  }
0x68: {  	_ =	shalt  }
0x69: {  	_ =	shalt  }
0x6a: {  	_ =	shalt  }
0x6b: {  	_ =	shalt  }
0x6c: {  	_ =	shalt  }
0x6d: {  	_ =	shalt  }
0x6e: {  	_ =	shalt  }
0x6f: {  	_ =	shalt  }
0x70: {  	_ =	shalt  }
0x71: {  	_ =	shalt  }
0x72: {  	_ =	shalt  }
0x73: {  	_ =	shalt  }
0x74: {  	_ =	shalt  }
0x75: {  	_ =	shalt  }
0x76: {  	_ =	shalt  }
0x77: {  	_ =	shalt  }
0x78: {  	_ =	shalt  }
0x79: {  	_ =	shalt  }
0x7a: {  	_ =	shalt  }
0x7b: {  	_ =	shalt  }
0x7c: {  	_ =	shalt  }
0x7d: {  	_ =	shalt  }
0x7e: {  	_ =	shalt  }
0x7f: {  	_ =	shalt  }
0x80: {  	_ =	shalt  }
0x81: {  	_ =	shalt  }
0x82: {  	_ =	shalt  }
0x83: {  	_ =	shalt  }
0x84: {  	_ =	shalt  }
0x85: {  	_ =	shalt  }
0x86: {  	_ =	shalt  }
0x87: {  	_ =	shalt  }
.Lfunc_end0:
.L_simem_size_0:
called_computation.1_lowered:
.L_overlay_start_0:
0x88: {  	s2 =	sld [smem:$0x3FD9]  }
0x89: {  	s3 =	sld [smem:$0x3FFE];
	_ =	sdelay $0x1  }
0x8a: {  	s1 =	srdreg.scid  }
0x8b: {  	s0 =	sand.u32 $0x1, s1  }
0x8c: {  	s14 =	sshll.u32 s0, $0xA;
	s2 =	sadd.s32 s3, s2  }
0x8d: {  	s2 =	sadd.s32 s2, s14  }
0x8e: {  	[smem:$0x3FC7] =	sst s2  }
0x8f: {  	_ = 	snop  }
0x90: {  	s2 =	sld [smem:$0x3FD0];
	_ =	sdelay $0x2  }
0x91: {  	s15 =	simm.s32 $0xA;
	s4 =	simm.s32 $0x10  }
0x92: {  	[smem:s4], [sflag:s15] =	dma.local [hbm:s2], $0x1  }
0x93: {  	_ =	swait.eq [sflag:s15], $0x1  }
0x94: {  	[sflag:s15] =	ssyncset.done $0x0  }
0x95: {  	s16 =	sld [smem:$0x10];
	[sflag:s15] =	ssyncadd.s32 $0xFFFFFFFF  }
0x96: {  	s17 =	sld [smem:$0x11];
	(tm) =	ssettm $0x1  }
0x97: {  	s18 =	sld [smem:$0x3FFB];
	_ =	sdelay $0x3  }
0x98: {  	_ =	strace s18  }
0x99: {  	s4 =	sld [smem:$0x3FFC];
	_ =	sdelay $0x3  }
0x9a: {  	_ =	strace s4  }
0x9b: {  	s4 =	sld [smem:$0x3FFD];
	_ =	sdelay $0x3  }
0x9c: {  	_ =	strace s4  }
0x9d: {  	_ =	strace $0x8FFFFFFF  }
0x9e: {  	s19 =	sld [smem:$0x3FDB];
	_ =	sdelay $0x1  }
0x9f: {  	s5 =	simm.s32 $_scs_section_size  }
0xa0: {  	s6 =	simm.s32 $_size__tile_overlayer_lowered;
	s7 =	simm.s32 $_tile_overlayer_lowered  }
0xa1: {  	s22 =	simm.s32 $0x1BFF;
	s21 =	sshll.u32 s7, $0x1;
	s4 =	sadd.s32 s5, s19  }
0xa2: {  	s8 =	simm.s32 $0x0;
	s20 =	sshll.u32 s6, $0x1;
	s6 =	sadd.s32 s21, s4  }
0xa3: {  	[timem:s8], [sflag:s22] =	dma.local [hbm:s6], s20  }
0xa4: {  	_ =	swait.ge [sflag:s22], s20  }
0xa5: {  	s5 =	ssub.s32 $0x0, s20;
	[sflag:s22] =	ssyncset.done $0x0  }
0xa6: {  	[sflag:s22] =	ssyncadd.s32 s5;
	_ =	sdelay $0x1  }
0xa7: {  	s23 =	simm.s32 $0x1B8B  }
0xa8: {  	_ =	swait.ge [sflag:s23], $0x1  }
0xa9: {  	[sflag:s23] =	ssyncset.done $0x0  }
0xaa: {  	s25 =	simm.s32 $0x1B8E;
	s24 =	sld [smem:$0x3FFE];
	[sflag:s23] =	ssyncadd.s32 $0xFFFFFFFF  }
0xab: {  	s26 =	simm.s32 $execute0_lowered;
	[smem:$0x3FD2] =	sst s25  }
0xac: {  	s6 =	sshll.u32 s26, $0x1;
	_ =	strace $0x80000046;
	[dreg:$0x1] =	wrdreg $0xFFFFFFFF  }
0xad: {  	s28 =	simm.s32 $_size_execute0_lowered;
	s4 =	sadd.s32 s4, s6;
	[dreg:$0x0] =	wrdreg $0x0  }
0xae: {  	s6 =	sshll.u32 s28, $0x1;
	[dreg:$0x2] =	wrdreg s4  }
0xaf: {  	[dreg:$0x3] =	wrdreg s6  }
0xb0: {  	[dreg:$0x4] =	wrdreg $0xC0  }
0xb1: {  	_ =	task [dreg:s8], $0x5FFFF  }
0xb2: {  	[dreg:$0x1] =	wrdreg $0xFFFFFFFF  }
0xb3: {  	[dreg:$0x0] =	wrdreg $0x60  }
0xb4: {  	[dreg:$0x2] =	wrdreg s16  }
0xb5: {  	[dreg:$0x3] =	wrdreg s17  }
0xb6: {  	[dreg:$0x4] =	wrdreg s24  }
0xb7: {  	[dreg:$0x5] =	wrdreg $0x9  }
0xb8: {  	_ =	task.clear_ibuf [dreg:s8], $0x6FFFF;
	_ =	strace $0x90000046  }
0xb9: {  	s29 =	simm.s32 $0x9;
	_ =	strace $0x80000048  }
0xba: {  	_ =	swait.ge [sflag:s29], $0x1  }
0xbb: {  	[sflag:s29] =	ssyncadd.s32 $0xFFFFFFFF  }
0xbc: {  	_ =	strace $0x90000048  }
0xbd: {  	_ =	sfence  }
0xbe: {  	s30 =	sld [smem:$0x0];
	_ =	sdelay $0x2  }
0xbf: {  	s31 =	sshll.u32 s1, $0xD;
	s1 =	sshrl.u32 s1, $0x2  }
0xc0: {  	s3 =	sand.u32 $0x4000, s31;
	s1 =	sadd.s32 s1, s30  }
0xc1: {  	s0 =	sor.u32 s3, s0;
	s1 =	sshll.u32 s1, $0x11  }
0xc2: {  	s0 =	sor.u32 s1, s0  }
0xc3: {  	s0 =	sadd.s32 $0x8F2B, s0  }
0xc4: {  	[sflag:s0] =	ssyncadd.remote.s32 $0x1  }
0xc5: {  	_ =	sfence.sel $0xFFFF  }
0xc6: {  	[dreg:$0x0] =	wrdreg $0xFFFFFFFF;
	(pc) =	sbr.abs _section_cstart, $3  }
0xc7: {  	[dreg:$0x1] =	wrdreg $0xFFFFFFFF  }
0xc8: {  	_ =	task.clear_ibuf [dreg:s8], $0x2FFFF;
	_ =	strace $0x9FFFFFFF  }
0xc9: {  	(tm) =	ssettm $0x7FFFFFFF  }
tec
execute0_lowered:
.L_overlay_start_1:
0x0: {  	(tag) =	ssettag $0x1  }
0x1: {  	s1 =	rddreg [dreg:$0x0]  }
0x2: {  	s0 =	srdreg.scid;
	s4 =	rddreg [dreg:$0x1]  }
0x3: {  	s2 =	stileid.u32;
	s5 =	rddreg [dreg:$0x2]  }
0x4: {  	s3 =	simm.s32 $0x0;
	s18 =	simm.s32 $0x80;
	s19 =	simm.s32 $0x400  }
0x5: {  	s20 =	simm.s32 $0x1E400;
	s21 =	simm.s32 $0x1F000;
	s22 =	simm.s32 $0x1  }
0x6: {  	s23 =	simm.s32 $0x5800;
	s0 =	sand.u32 $0x1, s0;
	s2 =	sshll.u32 s2, $0x1  }
0x7: {  	s24 =	simm.s32 $0xB000;
	s28 =	simm.s32 $0x1B800;
	s2 =	sor.u32 s0, s2  }
0x8: {  	s29 =	simm.s32 $0x2;
	s30 =	simm.s32 $0x3;
	s2 =	smul.u32 $0x57E0, s2  }
0x9: {  	s31 =	simm.s32 $0x0;
	[smem:$0x7FF] =	sst s3;
	s0 =	ssub.s32 $0x2, s0  }
0xa: {  	_ =	strace $0x80000047;
	s7 =	sshrl.u32 s0, $0x1;
	s6 =	sshrl.u32 s2, $0x3  }
0xb: {  	s0 =	ssub.s32 s0, s7;
	s16 =	sadd.s32 s6, s5;
	s4 =	sadd.s32 s4, s6  }
0xc: {  	s17 =	smax.u32 s0, $0x1;
	[dreg:$0x4] =	wrdreg s4;
	s25 =	sadd.s32 $0x1600, s16  }
0xd: {  	s26 =	sadd.s32 $0x17600, s16;
	s7 =	sadd.s32 $0x2D600, s16;
	s8 =	sadd.s32 $0x43600, s16  }
0xe: {  	v6 =	vlaneseq.u32;
	s9 =	sadd.s32 $0x59600, s16;
	s10 =	sadd.s32 $0x59780, s16;
	s11 =	sadd.s32 $0x59900, s16  }
0xf: {  	v6 =	vmul.u32 $0x2, v6;
	s12 =	sadd.s32 $0x59A80, s16;
	s13 =	sadd.s32 $0x59C00, s16;
	s14 =	sadd.s32 $0x59D80, s16  }
0x10: {  	v1 =	vimm.f32 $0.0e+00;
	s15 =	sadd.s32 $0x59F00, s16;
	s16 =	sadd.s32 $0x5A080, s16;
	[dreg:$0x5] =	wrdreg s25  }
0x11: {  	v2 =	vimm.f32 $-Inf;
	v3 =	vimm.s32 $0x0;
	[tilespmem:$0x1FFF0] =	vst v6;
	v0 =	vmov s2;
	[dreg:$0x6] =	wrdreg s26;
	s25 =	simm.s32 $0x10800;
	s26 =	simm.s32 $0x16000  }
.LBB2_1:
0x12: {  	s2 =	simm.s32 $0x40;
	s0 =	simm.s32 $0x0  }
.LBB2_2:
0x13: {  	p0 =	sne.s32 s2, $0x15F40;
	[tilespmem:s0+$0x16000] =	vst v2;
	s4 =	smov.u32 s2;
	s2 =	sadd.s32 $0x40, s2  }
.Ltmp0:
0x14: {  	[tilespmem:s0+$0x10800] =	vst v2;
	(pc) =	sbr.rel @p0 .LBB2_2-.Ltmp0, $4  }
0x15: {  	[tilespmem:s0+$0xB000] =	vst v1  }
0x16: {  	[tilespmem:s0+$0x0] =	vst v1  }
0x17: {  	[tilespmem:s0+$0x5800] =	vst v1  }
0x18: {  	s0 =	sshra.s32 s4, $0x2  }
0x19: {  	[tilespmem:s0+$0x16000] =	vst v2  }
0x1a: {  	[tilespmem:s0+$0x10800] =	vst v2  }
0x1b: {  	[tilespmem:s0+$0xB000] =	vst v1  }
0x1c: {  	[tilespmem:s0+$0x0] =	vst v1  }
0x1d: {  	[tilespmem:s0+$0x5800] =	vst v1;
	s0 =	simm.s32 $0x40;
	s2 =	simm.s32 $0x0  }
.LBB2_4:
0x1e: {  	p0 =	sne.s32 s0, $0xAF80;
	[tilespmem:s2+$0x1B800] =	vst v3;
	s2 =	smov.u32 s0;
	s0 =	sadd.s32 $0x40, s0  }
.Ltmp1:
0x1f: {  	(pc) =	sbr.rel @p0 .LBB2_4-.Ltmp1, $2  }
0x20: {  	_ =	sdelay $0x2  }
0x21: {  	s2 =	sshra.s32 s2, $0x2  }
.Ltmp2:
0x22: {  	(pc) =	sbr.rel .LBB2_6-.Ltmp2, $3  }
0x23: {  	_ =	sdelay $0x1  }
0x24: {  	[tilespmem:s2+$0x1B800] =	vst v3;
	s2 =	simm.s32 $0x0  }
0x25: {  	[tilespmem:s20], [sflag:$0x1] =	stream.strided.gather [hbm4b:s1+s18], $0xC00, s19, s18, $0x38;
	[tilespmem:$0x1FC00] =	vst v63  }
.LBB2_30:
0x26: {  	s2 =	sadd.s32 $0x1, s2  }
0x27: {  	p0 =	sne.s32 s2, $0x80  }
.Ltmp3:
0x28: {  	_ = 	snop;
	(pc) =	sbr.rel @!p0 .LBB2_31-.Ltmp3, $1  }
0x29: {  	_ =	sdelay $0x3  }
.LBB2_6:
0x2a: {  	s0 =	sshrl.u32 s2, $0x2  }
0x2b: {  	s4 =	sshll.u32 s2, $0x8;
	s0 =	smul.u32 $0x6000, s0  }
0x2c: {  	s4 =	sand.u32 $0x300, s4  }
0x2d: {  	s0 =	sor.u32 s0, s4  }
0x2e: {  	s0 =	sshrl.u32 s0, $0x3  }
0x2f: {  	s0 =	sadd.s32 s0, s1  }
.Ltmp4:
0x30: {  	s0 =	sadd.s32 $0x10, s0;
	(pc) =	sbr.rel .LBB2_7-.Ltmp4, $4  }
0x31: {  	[tilespmem:s21], [sflag:$0x2] =	stream.strided.gather [hbm4b:s0+s18], $0xC00, s19, s18, $0x38;
	[tilespmem:$0x1FC00] =	vst v63  }
0x32: {  	_ =	swait.ge [sflag:s22], $0xC00  }
0x33: {  	[sflag:s22] =	ssyncset.done $0x0  }
0x34: {  	s0 =	simm.s32 $0x0;
	[sflag:s22] =	ssyncadd.s32 $0xFFFFF400  }
.LBB2_17:
0x35: {  	s0 =	sadd.s32 $0x1, s0  }
0x36: {  	p0 =	sne.s32 s0, $0x8  }
.Ltmp5:
0x37: {  	_ = 	snop;
	(pc) =	sbr.rel @!p0 .LBB2_18-.Ltmp5, $1  }
0x38: {  	_ =	sdelay $0x3  }
.LBB2_7:
0x39: {  	s4 =	sshll.u32 s0, $0x7  }
0x3a: {  	s4 =	sand.u32 $0x3FFFFF80, s4  }
0x3b: {  	v7 =	vld [tilespmem:s4+$0x1E400];
	_ =	sdelay $0x4  }
0x3c: {  	v8 =	vand.u32 $0xFFFFF, v7  }
0x3d: {  	v8 =	vsub.s32 v8, v0  }
0x3e: {  	vm0 =	vlt.u32 v8, $0x57E0  }
0x3f: {  	v39 =	vnsel vm0, $0x0, v8  }
0x40: {  	v41 =	vld [tilespmem:s4+$0x1E800]  }
0x41: {  	v43 =	vld [tilespmem:s4+$0x1EC00];
	_ =	sdelay $0x1  }
0x42: {  	v5 =	vimm.f32 $1.000000000e+00  }
0x43: {  	[tilespmem:v39+s3+$0x0] =	vst.idx.add.f32.msk vm0, v5  }
0x44: {  	[tilespmem:v39+s23+$0x0] =	vst.idx.add.f32.msk vm0, v41  }
0x45: {  	[tilespmem:v39+s24+$0x0] =	vst.idx.add.f32.msk vm0, v43  }
0x46: {  	v8 =	vld.idx.msk [tilespmem:v39+s25+$0x0], $0xffff;
	_ =	sdelay $0x4  }
0x47: {  	v8 =	vmax.f32 v8, v41  }
0x48: {  	[tilespmem:v39+s25+$0x0] =	vst.idx.msk vm0, v8  }
0x49: {  	v8 =	vld.idx.msk [tilespmem:v39+s26+$0x0], $0xffff;
	_ =	sdelay $0x1  }
0x4a: {  	v45 =	vshra.s32 v39, $0x1;
	_ =	sdelay $0x2  }
0x4b: {  	v8 =	vmax.f32 v8, v43  }
0x4c: {  	[tilespmem:v39+s26+$0x0] =	vst.idx.msk vm0, v8  }
0x4d: {  	v8 =	vld.idx.msk [tilespmem:v45+s28+$0x0], $0xffff  }
0x4e: {  	v9 =	vshll.u32 v39, $0x4  }
0x4f: {  	v7 =	vshra.s32 v7, $0x14;
	v9 =	vand.u32 $0x10, v9  }
0x50: {  	v6 =	vimm.s32 $0x1;
	v7 =	vadd.s32 v7, v9  }
0x51: {  	v46 =	vshll.u32 v6, v7  }
0x52: {  	v7 =	vor.u32 v46, v8  }
0x53: {  	[tilespmem:v45+s28+$0x0] =	vst.idx.msk vm0, v7  }
0x54: {  	v7 =	vld [tilespmem:s4+$0x1E410];
	_ =	sdelay $0x4  }
0x55: {  	v8 =	vand.u32 $0xFFFFF, v7  }
0x56: {  	v8 =	vsub.s32 v8, v0  }
0x57: {  	vm1 =	vlt.u32 v8, $0x57E0  }
0x58: {  	v13 =	vld.idx.msk [tilespmem:v39+s25+$0x0], $0xffff;
	v34 =	vnsel vm1, $0x0, v8  }
0x59: {  	v35 =	vld [tilespmem:s4+$0x1E810]  }
0x5a: {  	v36 =	vld [tilespmem:s4+$0x1EC10]  }
0x5b: {  	v29 =	vld.idx.msk [tilespmem:v45+s28+$0x0], $0xffff  }
0x5c: {  	v47 =	vld.idx.msk [tilespmem:v39+s26+$0x0], $0xffff  }
0x5d: {  	[tilespmem:v34+s3+$0x0] =	vst.idx.add.f32.msk vm1, v5  }
0x5e: {  	[tilespmem:v34+s23+$0x0] =	vst.idx.add.f32.msk vm1, v35  }
0x5f: {  	[tilespmem:v34+s24+$0x0] =	vst.idx.add.f32.msk vm1, v36  }
0x60: {  	v8 =	vld.idx.msk [tilespmem:v34+s25+$0x0], $0xffff;
	_ =	sdelay $0x4  }
0x61: {  	v8 =	vmax.f32 v8, v35  }
0x62: {  	[tilespmem:v34+s25+$0x0] =	vst.idx.msk vm1, v8  }
0x63: {  	v8 =	vld.idx.msk [tilespmem:v34+s26+$0x0], $0xffff;
	_ =	sdelay $0x1  }
0x64: {  	v42 =	vshra.s32 v34, $0x1;
	_ =	sdelay $0x2  }
0x65: {  	v8 =	vmax.f32 v8, v36  }
0x66: {  	[tilespmem:v34+s26+$0x0] =	vst.idx.msk vm1, v8  }
0x67: {  	v8 =	vld.idx.msk [tilespmem:v42+s28+$0x0], $0xffff  }
0x68: {  	v9 =	vshll.u32 v34, $0x4  }
0x69: {  	v7 =	vshra.s32 v7, $0x14;
	v9 =	vand.u32 $0x10, v9  }
0x6a: {  	v7 =	vadd.s32 v7, v9  }
0x6b: {  	v44 =	vshll.u32 v6, v7  }
0x6c: {  	v7 =	vor.u32 v44, v8  }
0x6d: {  	[tilespmem:v42+s28+$0x0] =	vst.idx.msk vm1, v7  }
0x6e: {  	v7 =	vld [tilespmem:s4+$0x1E420];
	_ =	sdelay $0x4  }
0x6f: {  	v8 =	vand.u32 $0xFFFFF, v7  }
0x70: {  	v8 =	vsub.s32 v8, v0  }
0x71: {  	vm2 =	vlt.u32 v8, $0x57E0  }
0x72: {  	v48 =	vld.idx.msk [tilespmem:v34+s25+$0x0], $0xffff;
	v28 =	vnsel vm2, $0x0, v8  }
0x73: {  	v30 =	vld [tilespmem:s4+$0x1E820]  }
0x74: {  	v31 =	vld [tilespmem:s4+$0x1EC20]  }
0x75: {  	v49 =	vld.idx.msk [tilespmem:v42+s28+$0x0], $0xffff  }
0x76: {  	v50 =	vld.idx.msk [tilespmem:v34+s26+$0x0], $0xffff  }
0x77: {  	[tilespmem:v28+s3+$0x0] =	vst.idx.add.f32.msk vm2, v5  }
0x78: {  	[tilespmem:v28+s23+$0x0] =	vst.idx.add.f32.msk vm2, v30  }
0x79: {  	[tilespmem:v28+s24+$0x0] =	vst.idx.add.f32.msk vm2, v31  }
0x7a: {  	v8 =	vld.idx.msk [tilespmem:v28+s25+$0x0], $0xffff;
	_ =	sdelay $0x4  }
0x7b: {  	v8 =	vmax.f32 v8, v30  }
0x7c: {  	[tilespmem:v28+s25+$0x0] =	vst.idx.msk vm2, v8  }
0x7d: {  	v8 =	vld.idx.msk [tilespmem:v28+s26+$0x0], $0xffff;
	_ =	sdelay $0x1  }
0x7e: {  	v38 =	vshra.s32 v28, $0x1;
	_ =	sdelay $0x2  }
0x7f: {  	v8 =	vmax.f32 v8, v31  }
0x80: {  	[tilespmem:v28+s26+$0x0] =	vst.idx.msk vm2, v8  }
0x81: {  	v8 =	vld.idx.msk [tilespmem:v38+s28+$0x0], $0xffff  }
0x82: {  	v9 =	vshll.u32 v28, $0x4  }
0x83: {  	v7 =	vshra.s32 v7, $0x14;
	v9 =	vand.u32 $0x10, v9  }
0x84: {  	v7 =	vadd.s32 v7, v9  }
0x85: {  	v40 =	vshll.u32 v6, v7  }
0x86: {  	v7 =	vor.u32 v40, v8  }
0x87: {  	[tilespmem:v38+s28+$0x0] =	vst.idx.msk vm2, v7  }
0x88: {  	v7 =	vld [tilespmem:s4+$0x1E430];
	_ =	sdelay $0x4  }
0x89: {  	v8 =	vand.u32 $0xFFFFF, v7  }
0x8a: {  	v8 =	vsub.s32 v8, v0  }
0x8b: {  	vm3 =	vlt.u32 v8, $0x57E0  }
0x8c: {  	v52 =	vld.idx.msk [tilespmem:v28+s25+$0x0], $0xffff;
	v23 =	vnsel vm3, $0x0, v8  }
0x8d: {  	v24 =	vld [tilespmem:s4+$0x1E830]  }
0x8e: {  	v25 =	vld [tilespmem:s4+$0x1EC30]  }
0x8f: {  	v51 =	vld.idx.msk [tilespmem:v38+s28+$0x0], $0xffff  }
0x90: {  	v53 =	vld.idx.msk [tilespmem:v28+s26+$0x0], $0xffff  }
0x91: {  	[tilespmem:v23+s3+$0x0] =	vst.idx.add.f32.msk vm3, v5  }
0x92: {  	[tilespmem:v23+s23+$0x0] =	vst.idx.add.f32.msk vm3, v24  }
0x93: {  	[tilespmem:v23+s24+$0x0] =	vst.idx.add.f32.msk vm3, v25  }
0x94: {  	v8 =	vld.idx.msk [tilespmem:v23+s25+$0x0], $0xffff;
	_ =	sdelay $0x4  }
0x95: {  	v8 =	vmax.f32 v8, v24  }
0x96: {  	[tilespmem:v23+s25+$0x0] =	vst.idx.msk vm3, v8  }
0x97: {  	v8 =	vld.idx.msk [tilespmem:v23+s26+$0x0], $0xffff;
	_ =	sdelay $0x1  }
0x98: {  	v33 =	vshra.s32 v23, $0x1;
	_ =	sdelay $0x2  }
0x99: {  	v8 =	vmax.f32 v8, v25  }
0x9a: {  	[tilespmem:v23+s26+$0x0] =	vst.idx.msk vm3, v8  }
0x9b: {  	v8 =	vld.idx.msk [tilespmem:v33+s28+$0x0], $0xffff  }
0x9c: {  	v9 =	vshll.u32 v23, $0x4  }
0x9d: {  	v7 =	vshra.s32 v7, $0x14;
	v9 =	vand.u32 $0x10, v9  }
0x9e: {  	v7 =	vadd.s32 v7, v9  }
0x9f: {  	v37 =	vshll.u32 v6, v7  }
0xa0: {  	v7 =	vor.u32 v37, v8  }
0xa1: {  	[tilespmem:v33+s28+$0x0] =	vst.idx.msk vm3, v7  }
0xa2: {  	v7 =	vld [tilespmem:s4+$0x1E440];
	_ =	sdelay $0x4  }
0xa3: {  	v8 =	vand.u32 $0xFFFFF, v7  }
0xa4: {  	v8 =	vsub.s32 v8, v0  }
0xa5: {  	vm6 =	vlt.u32 v8, $0x57E0  }
0xa6: {  	v54 =	vld.idx.msk [tilespmem:v23+s25+$0x0], $0xffff;
	v18 =	vnsel vm6, $0x0, v8  }
0xa7: {  	v19 =	vld [tilespmem:s4+$0x1E840]  }
0xa8: {  	v20 =	vld [tilespmem:s4+$0x1EC40]  }
0xa9: {  	v55 =	vld.idx.msk [tilespmem:v33+s28+$0x0], $0xffff  }
0xaa: {  	v56 =	vld.idx.msk [tilespmem:v23+s26+$0x0], $0xffff  }
0xab: {  	[tilespmem:v18+s3+$0x0] =	vst.idx.add.f32.msk vm6, v5  }
0xac: {  	[tilespmem:v18+s23+$0x0] =	vst.idx.add.f32.msk vm6, v19  }
0xad: {  	[tilespmem:v18+s24+$0x0] =	vst.idx.add.f32.msk vm6, v20  }
0xae: {  	v8 =	vld.idx.msk [tilespmem:v18+s25+$0x0], $0xffff;
	_ =	sdelay $0x4  }
0xaf: {  	v8 =	vmax.f32 v8, v19  }
0xb0: {  	[tilespmem:v18+s25+$0x0] =	vst.idx.msk vm6, v8  }
0xb1: {  	v8 =	vld.idx.msk [tilespmem:v18+s26+$0x0], $0xffff;
	_ =	sdelay $0x1  }
0xb2: {  	v27 =	vshra.s32 v18, $0x1;
	_ =	sdelay $0x2  }
0xb3: {  	v8 =	vmax.f32 v8, v20  }
0xb4: {  	[tilespmem:v18+s26+$0x0] =	vst.idx.msk vm6, v8  }
0xb5: {  	v8 =	vld.idx.msk [tilespmem:v27+s28+$0x0], $0xffff  }
0xb6: {  	v9 =	vshll.u32 v18, $0x4  }
0xb7: {  	v7 =	vshra.s32 v7, $0x14;
	v9 =	vand.u32 $0x10, v9  }
0xb8: {  	v7 =	vadd.s32 v7, v9  }
0xb9: {  	v32 =	vshll.u32 v6, v7  }
0xba: {  	v7 =	vor.u32 v32, v8  }
0xbb: {  	[tilespmem:v27+s28+$0x0] =	vst.idx.msk vm6, v7  }
0xbc: {  	v7 =	vld [tilespmem:s4+$0x1E450];
	_ =	sdelay $0x4  }
0xbd: {  	v8 =	vand.u32 $0xFFFFF, v7  }
0xbe: {  	v8 =	vsub.s32 v8, v0  }
0xbf: {  	vm8 =	vlt.u32 v8, $0x57E0  }
0xc0: {  	v57 =	vld.idx.msk [tilespmem:v18+s25+$0x0], $0xffff;
	v14 =	vnsel vm8, $0x0, v8  }
0xc1: {  	v15 =	vld [tilespmem:s4+$0x1E850]  }
0xc2: {  	v16 =	vld [tilespmem:s4+$0x1EC50]  }
0xc3: {  	v58 =	vld.idx.msk [tilespmem:v27+s28+$0x0], $0xffff  }
0xc4: {  	v59 =	vld.idx.msk [tilespmem:v18+s26+$0x0], $0xffff  }
0xc5: {  	[tilespmem:v14+s3+$0x0] =	vst.idx.add.f32.msk vm8, v5  }
0xc6: {  	[tilespmem:v14+s23+$0x0] =	vst.idx.add.f32.msk vm8, v15  }
0xc7: {  	[tilespmem:v14+s24+$0x0] =	vst.idx.add.f32.msk vm8, v16  }
0xc8: {  	v8 =	vld.idx.msk [tilespmem:v14+s25+$0x0], $0xffff;
	_ =	sdelay $0x4  }
0xc9: {  	v8 =	vmax.f32 v8, v15  }
0xca: {  	[tilespmem:v14+s25+$0x0] =	vst.idx.msk vm8, v8  }
0xcb: {  	v8 =	vld.idx.msk [tilespmem:v14+s26+$0x0], $0xffff;
	_ =	sdelay $0x1  }
0xcc: {  	v22 =	vshra.s32 v14, $0x1;
	_ =	sdelay $0x2  }
0xcd: {  	v8 =	vmax.f32 v8, v16  }
0xce: {  	[tilespmem:v14+s26+$0x0] =	vst.idx.msk vm8, v8  }
0xcf: {  	v8 =	vld.idx.msk [tilespmem:v22+s28+$0x0], $0xffff  }
0xd0: {  	v9 =	vshll.u32 v14, $0x4  }
0xd1: {  	v7 =	vshra.s32 v7, $0x14;
	v9 =	vand.u32 $0x10, v9  }
0xd2: {  	v7 =	vadd.s32 v7, v9  }
0xd3: {  	v26 =	vshll.u32 v6, v7  }
0xd4: {  	v7 =	vor.u32 v26, v8  }
0xd5: {  	[tilespmem:v22+s28+$0x0] =	vst.idx.msk vm8, v7  }
0xd6: {  	v7 =	vld [tilespmem:s4+$0x1E460];
	_ =	sdelay $0x4  }
0xd7: {  	v8 =	vand.u32 $0xFFFFF, v7  }
0xd8: {  	v8 =	vsub.s32 v8, v0  }
0xd9: {  	vm9 =	vlt.u32 v8, $0x57E0  }
0xda: {  	v60 =	vld.idx.msk [tilespmem:v14+s25+$0x0], $0xffff;
	v10 =	vnsel vm9, $0x0, v8  }
0xdb: {  	v11 =	vld [tilespmem:s4+$0x1E860]  }
0xdc: {  	v12 =	vld [tilespmem:s4+$0x1EC60]  }
0xdd: {  	v61 =	vld.idx.msk [tilespmem:v22+s28+$0x0], $0xffff  }
0xde: {  	v62 =	vld.idx.msk [tilespmem:v14+s26+$0x0], $0xffff  }
0xdf: {  	[tilespmem:v10+s3+$0x0] =	vst.idx.add.f32.msk vm9, v5  }
0xe0: {  	[tilespmem:v10+s23+$0x0] =	vst.idx.add.f32.msk vm9, v11  }
0xe1: {  	[tilespmem:v10+s24+$0x0] =	vst.idx.add.f32.msk vm9, v12  }
0xe2: {  	v8 =	vld.idx.msk [tilespmem:v10+s25+$0x0], $0xffff;
	_ =	sdelay $0x4  }
0xe3: {  	v8 =	vmax.f32 v8, v11  }
0xe4: {  	[tilespmem:v10+s25+$0x0] =	vst.idx.msk vm9, v8  }
0xe5: {  	v8 =	vld.idx.msk [tilespmem:v10+s26+$0x0], $0xffff;
	_ =	sdelay $0x1  }
0xe6: {  	v17 =	vshra.s32 v10, $0x1;
	_ =	sdelay $0x2  }
0xe7: {  	v8 =	vmax.f32 v8, v12  }
0xe8: {  	[tilespmem:v10+s26+$0x0] =	vst.idx.msk vm9, v8  }
0xe9: {  	v8 =	vld.idx.msk [tilespmem:v17+s28+$0x0], $0xffff  }
0xea: {  	v9 =	vshll.u32 v10, $0x4  }
0xeb: {  	v7 =	vshra.s32 v7, $0x14;
	v9 =	vand.u32 $0x10, v9  }
0xec: {  	v7 =	vadd.s32 v7, v9  }
0xed: {  	v21 =	vshll.u32 v6, v7  }
0xee: {  	v7 =	vor.u32 v21, v8  }
0xef: {  	[tilespmem:v17+s28+$0x0] =	vst.idx.msk vm9, v7  }
0xf0: {  	v63 =	vld [tilespmem:s4+$0x1E470];
	_ =	sdelay $0x4  }
0xf1: {  	v7 =	vand.u32 $0xFFFFF, v63  }
0xf2: {  	v7 =	vsub.s32 v7, v0  }
0xf3: {  	vm11 =	vlt.u32 v7, $0x57E0  }
0xf4: {  	v3 =	vld.idx.msk [tilespmem:v10+s25+$0x0], $0xffff;
	v7 =	vnsel vm11, $0x0, v7  }
0xf5: {  	v8 =	vld [tilespmem:s4+$0x1E870]  }
0xf6: {  	v9 =	vld [tilespmem:s4+$0x1EC70]  }
0xf7: {  	v2 =	vld.idx.msk [tilespmem:v17+s28+$0x0], $0xffff  }
0xf8: {  	v4 =	vld.idx.msk [tilespmem:v10+s26+$0x0], $0xffff  }
0xf9: {  	[tilespmem:v7+s3+$0x0] =	vst.idx.add.f32.msk vm11, v5  }
0xfa: {  	[tilespmem:v7+s23+$0x0] =	vst.idx.add.f32.msk vm11, v8  }
0xfb: {  	[tilespmem:v7+s24+$0x0] =	vst.idx.add.f32.msk vm11, v9  }
0xfc: {  	v5 =	vld.idx.msk [tilespmem:v7+s25+$0x0], $0xffff;
	_ =	sdelay $0x4  }
0xfd: {  	v5 =	vmax.f32 v5, v8  }
0xfe: {  	[tilespmem:v7+s25+$0x0] =	vst.idx.msk vm11, v5  }
0xff: {  	v5 =	vld.idx.msk [tilespmem:v7+s26+$0x0], $0xffff  }
0x100: {  	vm4 =	vlt.f32 v13, v41;
	v13 =	vand.u32 v46, v29;
	vm5 =	vlt.f32 v47, v43  }
0x101: {  	vm7 =	veq.s32 v13, $0x0;
	vm4 =	vmor vm4, vm5;
	v13 =	vshra.s32 v7, $0x1  }
0x102: {  	vm10 =	vlt.f32 v48, v35;
	v29 =	vand.u32 v44, v49;
	vm5 =	vlt.f32 v50, v36  }
0x103: {  	vm4 =	vmor vm7, vm4;
	vm7 =	veq.s32 v29, $0x0;
	vm5 =	vmor vm10, vm5  }
0x104: {  	vm5 =	vmor vm7, vm5;
	v5 =	vmax.f32 v5, v9  }
0x105: {  	vm10 =	vmand vm0, vm4;
	vm7 =	vmand vm1, vm5;
	[tilespmem:v7+s26+$0x0] =	vst.idx.msk vm11, v5;
	v5 =	vand.u32 v40, v51  }
0x106: {  	vm12 =	vlt.f32 v52, v30;
	vm13 =	vlt.f32 v53, v31;
	vm0 =	veq.s32 v5, $0x0;
	v5 =	vld.idx.msk [tilespmem:v13+s28+$0x0], $0xffff  }
0x107: {  	vm1 =	vmor vm12, vm13;
	vm4 =	vlt.f32 v54, v24;
	v29 =	vshll.u32 v7, $0x4  }
0x108: {  	vm12 =	vlt.f32 v56, v25;
	v54 =	vshra.s32 v63, $0x14;
	v29 =	vand.u32 $0x10, v29  }
0x109: {  	v56 =	vand.u32 v37, v55;
	v61 =	vand.u32 v26, v61;
	v29 =	vadd.s32 v54, v29  }
0x10a: {  	v2 =	vand.u32 v21, v2;
	v29 =	vshll.u32 v6, v29;
	vm0 =	vmor vm0, vm1  }
0x10b: {  	vm1 =	veq.s32 v56, $0x0;
	vm5 =	vmand vm2, vm0;
	v5 =	vor.u32 v29, v5  }
0x10c: {  	vm0 =	vlt.f32 v57, v19;
	vm2 =	vmor vm4, vm12;
	[tilespmem:v13+s28+$0x0] =	vst.idx.msk vm11, v5;
	v5 =	vand.u32 v32, v58  }
0x10d: {  	vm4 =	vlt.f32 v59, v20;
	vm1 =	vmor vm1, vm2;
	vm2 =	veq.s32 v5, $0x0;
	v5 =	vld.idx.msk [tilespmem:v7+s25+$0x0], $0xffff  }
0x10e: {  	vm12 =	vlt.f32 v60, v15;
	vm0 =	vmor vm0, vm4;
	vm4 =	vmand vm3, vm1;
	v63 =	vld.idx.msk [tilespmem:v7+s26+$0x0], $0xffff  }
0x10f: {  	vm1 =	vlt.f32 v3, v11;
	vm0 =	vmor vm2, vm0;
	vm2 =	vlt.f32 v62, v16;
	v62 =	vld.idx.msk [tilespmem:v13+s28+$0x0], $0xffff  }
0x110: {  	vm3 =	vmand vm6, vm0;
	vm0 =	veq.s32 v61, $0x0;
	vm2 =	vmor vm12, vm2  }
0x111: {  	vm6 =	vlt.f32 v4, v12;
	vm12 =	veq.s32 v2, $0x0;
	vm0 =	vmor vm0, vm2  }
0x112: {  	vm2 =	vmand vm8, vm0;
	vm0 =	vmor vm1, vm6;
	vm1 =	vmor vm10, vm7  }
0x113: {  	vm0 =	vmor vm12, vm0;
	vm6 =	vlt.f32 v5, v8;
	vm1 =	vmor vm1, vm5  }
0x114: {  	vm8 =	vlt.f32 v63, v9;
	v2 =	vand.u32 v29, v62;
	vm1 =	vmor vm1, vm4  }
0x115: {  	vm6 =	vmor vm6, vm8;
	vm8 =	veq.s32 v2, $0x0;
	vm12 =	vmor vm1, vm3  }
0x116: {  	vm1 =	vmand vm9, vm0;
	vm0 =	vmor vm8, vm6;
	vm6 =	vmor vm12, vm2  }
0x117: {  	vm0 =	vmand vm11, vm0;
	vm6 =	vmor vm6, vm1  }
0x118: {  	vm6 =	vmor vm6, vm0  }
0x119: {  	v2 =	vsel vm6, $0x3F800000, v1  }
0x11a: {  	(xrf0) =	vmax.scan.msk.f32 $0xffff, v2;
	_ =	sdelay $0x5  }
0x11b: {  	v2, _, _ =	vpop (xrf0)  }
0x11c: {  	(v2sf) =	vpush v2, $0xF;
	_ =	sdelay $0xe  }
0x11d: {  	s6 =	spop (v2sf)  }
0x11e: {  	p0 =	sgt.f32 s6, $0.0e+00  }
.Ltmp6:
0x11f: {  	_ = 	snop;
	(pc) =	sbr.rel @!p0 .LBB2_17-.Ltmp6, $1  }
0x120: {  	_ =	sdelay $0x3  }
0x121: {  	v2 =	vsel vm10, $0x3F800000, v1  }
0x122: {  	(xrf0) =	vmax.scan.msk.f32 $0xffff, v2;
	_ =	sdelay $0x5  }
0x123: {  	v2, _, _ =	vpop (xrf0)  }
0x124: {  	(v2sf) =	vpush v2, $0xF;
	_ =	sdelay $0xe  }
0x125: {  	s4 =	spop (v2sf)  }
0x126: {  	p0 =	sgt.f32 s4, $0.0e+00  }
.Ltmp7:
0x127: {  	_ = 	snop;
	(pc) =	sbr.rel @!p0 .LBB2_9-.Ltmp7, $1  }
0x128: {  	_ =	sdelay $0x3  }
.LBB2_49:
0x129: {  	v2 =	vld.idx.msk [tilespmem:v39+s25+$0x0], $0xffff;
	_ =	sdelay $0x4  }
0x12a: {  	v2 =	vmax.f32 v2, v41  }
0x12b: {  	[tilespmem:v39+s25+$0x0] =	vst.idx.msk vm10, v2  }
0x12c: {  	v2 =	vld.idx.msk [tilespmem:v39+s26+$0x0], $0xffff;
	_ =	sdelay $0x4  }
0x12d: {  	v2 =	vmax.f32 v2, v43  }
0x12e: {  	[tilespmem:v39+s26+$0x0] =	vst.idx.msk vm10, v2  }
0x12f: {  	v2 =	vld.idx.msk [tilespmem:v45+s28+$0x0], $0xffff;
	_ =	sdelay $0x4  }
0x130: {  	v2 =	vor.u32 v46, v2  }
0x131: {  	[tilespmem:v45+s28+$0x0] =	vst.idx.msk vm10, v2  }
0x132: {  	v2 =	vld.idx.msk [tilespmem:v39+s25+$0x0], $0xffff  }
0x133: {  	v3 =	vld.idx.msk [tilespmem:v39+s26+$0x0], $0xffff  }
0x134: {  	v4 =	vld.idx.msk [tilespmem:v45+s28+$0x0], $0xffff;
	_ =	sdelay $0x4  }
0x135: {  	vm6 =	vlt.f32 v2, v41;
	vm8 =	vlt.f32 v3, v43;
	v2 =	vand.u32 v46, v4  }
0x136: {  	vm6 =	vmor vm6, vm8;
	vm8 =	veq.s32 v2, $0x0  }
0x137: {  	vm6 =	vmor vm6, vm8  }
0x138: {  	vm10 =	vmand vm10, vm6  }
0x139: {  	v2 =	vsel vm10, $0x3F800000, v1  }
0x13a: {  	(xrf0) =	vmax.scan.msk.f32 $0xffff, v2;
	_ =	sdelay $0x5  }
0x13b: {  	v2, _, _ =	vpop (xrf0)  }
0x13c: {  	(v2sf) =	vpush v2, $0xF;
	_ =	sdelay $0xe  }
0x13d: {  	s4 =	spop (v2sf)  }
0x13e: {  	p0 =	sgt.f32 s4, $0.0e+00  }
.Ltmp8:
0x13f: {  	_ = 	snop;
	(pc) =	sbr.rel @p0 .LBB2_49-.Ltmp8, $1  }
0x140: {  	_ =	sdelay $0x3  }
.LBB2_9:
0x141: {  	v2 =	vsel vm7, $0x3F800000, v1  }
0x142: {  	(xrf0) =	vmax.scan.msk.f32 $0xffff, v2;
	_ =	sdelay $0x5  }
0x143: {  	v2, _, _ =	vpop (xrf0)  }
0x144: {  	(v2sf) =	vpush v2, $0xF;
	_ =	sdelay $0xe  }
0x145: {  	s4 =	spop (v2sf)  }
0x146: {  	p0 =	sgt.f32 s4, $0.0e+00  }
.Ltmp9:
0x147: {  	_ = 	snop;
	(pc) =	sbr.rel @!p0 .LBB2_10-.Ltmp9, $1  }
0x148: {  	_ =	sdelay $0x3  }
.LBB2_50:
0x149: {  	v2 =	vld.idx.msk [tilespmem:v34+s25+$0x0], $0xffff;
	_ =	sdelay $0x4  }
0x14a: {  	v2 =	vmax.f32 v2, v35  }
0x14b: {  	[tilespmem:v34+s25+$0x0] =	vst.idx.msk vm7, v2  }
0x14c: {  	v2 =	vld.idx.msk [tilespmem:v34+s26+$0x0], $0xffff;
	_ =	sdelay $0x4  }
0x14d: {  	v2 =	vmax.f32 v2, v36  }
0x14e: {  	[tilespmem:v34+s26+$0x0] =	vst.idx.msk vm7, v2  }
0x14f: {  	v2 =	vld.idx.msk [tilespmem:v42+s28+$0x0], $0xffff;
	_ =	sdelay $0x4  }
0x150: {  	v2 =	vor.u32 v44, v2  }
0x151: {  	[tilespmem:v42+s28+$0x0] =	vst.idx.msk vm7, v2  }
0x152: {  	v2 =	vld.idx.msk [tilespmem:v34+s25+$0x0], $0xffff  }
0x153: {  	v3 =	vld.idx.msk [tilespmem:v34+s26+$0x0], $0xffff  }
0x154: {  	v4 =	vld.idx.msk [tilespmem:v42+s28+$0x0], $0xffff;
	_ =	sdelay $0x4  }
0x155: {  	vm6 =	vlt.f32 v2, v35;
	vm8 =	vlt.f32 v3, v36;
	v2 =	vand.u32 v44, v4  }
0x156: {  	vm6 =	vmor vm6, vm8;
	vm8 =	veq.s32 v2, $0x0  }
0x157: {  	vm6 =	vmor vm6, vm8  }
0x158: {  	vm7 =	vmand vm7, vm6  }
0x159: {  	v2 =	vsel vm7, $0x3F800000, v1  }
0x15a: {  	(xrf0) =	vmax.scan.msk.f32 $0xffff, v2;
	_ =	sdelay $0x5  }
0x15b: {  	v2, _, _ =	vpop (xrf0)  }
0x15c: {  	(v2sf) =	vpush v2, $0xF;
	_ =	sdelay $0xe  }
0x15d: {  	s4 =	spop (v2sf)  }
0x15e: {  	p0 =	sgt.f32 s4, $0.0e+00  }
.Ltmp10:
0x15f: {  	_ = 	snop;
	(pc) =	sbr.rel @p0 .LBB2_50-.Ltmp10, $1  }
0x160: {  	_ =	sdelay $0x3  }
.LBB2_10:
0x161: {  	v2 =	vsel vm5, $0x3F800000, v1  }
0x162: {  	(xrf0) =	vmax.scan.msk.f32 $0xffff, v2;
	_ =	sdelay $0x5  }
0x163: {  	v2, _, _ =	vpop (xrf0)  }
0x164: {  	(v2sf) =	vpush v2, $0xF;
	_ =	sdelay $0xe  }
0x165: {  	s4 =	spop (v2sf)  }
0x166: {  	p0 =	sgt.f32 s4, $0.0e+00  }
.Ltmp11:
0x167: {  	_ = 	snop;
	(pc) =	sbr.rel @!p0 .LBB2_11-.Ltmp11, $1  }
0x168: {  	_ =	sdelay $0x3  }
.LBB2_51:
0x169: {  	v2 =	vld.idx.msk [tilespmem:v28+s25+$0x0], $0xffff;
	_ =	sdelay $0x4  }
0x16a: {  	v2 =	vmax.f32 v2, v30  }
0x16b: {  	[tilespmem:v28+s25+$0x0] =	vst.idx.msk vm5, v2  }
0x16c: {  	v2 =	vld.idx.msk [tilespmem:v28+s26+$0x0], $0xffff;
	_ =	sdelay $0x4  }
0x16d: {  	v2 =	vmax.f32 v2, v31  }
0x16e: {  	[tilespmem:v28+s26+$0x0] =	vst.idx.msk vm5, v2  }
0x16f: {  	v2 =	vld.idx.msk [tilespmem:v38+s28+$0x0], $0xffff;
	_ =	sdelay $0x4  }
0x170: {  	v2 =	vor.u32 v40, v2  }
0x171: {  	[tilespmem:v38+s28+$0x0] =	vst.idx.msk vm5, v2  }
0x172: {  	v2 =	vld.idx.msk [tilespmem:v28+s25+$0x0], $0xffff  }
0x173: {  	v3 =	vld.idx.msk [tilespmem:v28+s26+$0x0], $0xffff  }
0x174: {  	v4 =	vld.idx.msk [tilespmem:v38+s28+$0x0], $0xffff;
	_ =	sdelay $0x4  }
0x175: {  	vm6 =	vlt.f32 v2, v30;
	vm7 =	vlt.f32 v3, v31;
	v2 =	vand.u32 v40, v4  }
0x176: {  	vm6 =	vmor vm6, vm7;
	vm7 =	veq.s32 v2, $0x0  }
0x177: {  	vm6 =	vmor vm6, vm7  }
0x178: {  	vm5 =	vmand vm5, vm6  }
0x179: {  	v2 =	vsel vm5, $0x3F800000, v1  }
0x17a: {  	(xrf0) =	vmax.scan.msk.f32 $0xffff, v2;
	_ =	sdelay $0x5  }
0x17b: {  	v2, _, _ =	vpop (xrf0)  }
0x17c: {  	(v2sf) =	vpush v2, $0xF;
	_ =	sdelay $0xe  }
0x17d: {  	s4 =	spop (v2sf)  }
0x17e: {  	p0 =	sgt.f32 s4, $0.0e+00  }
.Ltmp12:
0x17f: {  	_ = 	snop;
	(pc) =	sbr.rel @p0 .LBB2_51-.Ltmp12, $1  }
0x180: {  	_ =	sdelay $0x3  }
.LBB2_11:
0x181: {  	v2 =	vsel vm4, $0x3F800000, v1  }
0x182: {  	(xrf0) =	vmax.scan.msk.f32 $0xffff, v2;
	_ =	sdelay $0x5  }
0x183: {  	v2, _, _ =	vpop (xrf0)  }
0x184: {  	(v2sf) =	vpush v2, $0xF;
	_ =	sdelay $0xe  }
0x185: {  	s4 =	spop (v2sf)  }
0x186: {  	p0 =	sgt.f32 s4, $0.0e+00  }
.Ltmp13:
0x187: {  	_ = 	snop;
	(pc) =	sbr.rel @!p0 .LBB2_12-.Ltmp13, $1  }
0x188: {  	_ =	sdelay $0x3  }
.LBB2_52:
0x189: {  	v2 =	vld.idx.msk [tilespmem:v23+s25+$0x0], $0xffff;
	_ =	sdelay $0x4  }
0x18a: {  	v2 =	vmax.f32 v2, v24  }
0x18b: {  	[tilespmem:v23+s25+$0x0] =	vst.idx.msk vm4, v2  }
0x18c: {  	v2 =	vld.idx.msk [tilespmem:v23+s26+$0x0], $0xffff;
	_ =	sdelay $0x4  }
0x18d: {  	v2 =	vmax.f32 v2, v25  }
0x18e: {  	[tilespmem:v23+s26+$0x0] =	vst.idx.msk vm4, v2  }
0x18f: {  	v2 =	vld.idx.msk [tilespmem:v33+s28+$0x0], $0xffff;
	_ =	sdelay $0x4  }
0x190: {  	v2 =	vor.u32 v37, v2  }
0x191: {  	[tilespmem:v33+s28+$0x0] =	vst.idx.msk vm4, v2  }
0x192: {  	v2 =	vld.idx.msk [tilespmem:v23+s25+$0x0], $0xffff  }
0x193: {  	v3 =	vld.idx.msk [tilespmem:v23+s26+$0x0], $0xffff  }
0x194: {  	v4 =	vld.idx.msk [tilespmem:v33+s28+$0x0], $0xffff;
	_ =	sdelay $0x4  }
0x195: {  	vm5 =	vlt.f32 v2, v24;
	vm6 =	vlt.f32 v3, v25;
	v2 =	vand.u32 v37, v4  }
0x196: {  	vm5 =	vmor vm5, vm6;
	vm6 =	veq.s32 v2, $0x0  }
0x197: {  	vm5 =	vmor vm5, vm6  }
0x198: {  	vm4 =	vmand vm4, vm5  }
0x199: {  	v2 =	vsel vm4, $0x3F800000, v1  }
0x19a: {  	(xrf0) =	vmax.scan.msk.f32 $0xffff, v2;
	_ =	sdelay $0x5  }
0x19b: {  	v2, _, _ =	vpop (xrf0)  }
0x19c: {  	(v2sf) =	vpush v2, $0xF;
	_ =	sdelay $0xe  }
0x19d: {  	s4 =	spop (v2sf)  }
0x19e: {  	p0 =	sgt.f32 s4, $0.0e+00  }
.Ltmp14:
0x19f: {  	_ = 	snop;
	(pc) =	sbr.rel @p0 .LBB2_52-.Ltmp14, $1  }
0x1a0: {  	_ =	sdelay $0x3  }
.LBB2_12:
0x1a1: {  	v2 =	vsel vm3, $0x3F800000, v1  }
0x1a2: {  	(xrf0) =	vmax.scan.msk.f32 $0xffff, v2;
	_ =	sdelay $0x5  }
0x1a3: {  	v2, _, _ =	vpop (xrf0)  }
0x1a4: {  	(v2sf) =	vpush v2, $0xF;
	_ =	sdelay $0xe  }
0x1a5: {  	s4 =	spop (v2sf)  }
0x1a6: {  	p0 =	sgt.f32 s4, $0.0e+00  }
.Ltmp15:
0x1a7: {  	_ = 	snop;
	(pc) =	sbr.rel @!p0 .LBB2_13-.Ltmp15, $1  }
0x1a8: {  	_ =	sdelay $0x3  }
.LBB2_53:
0x1a9: {  	v2 =	vld.idx.msk [tilespmem:v18+s25+$0x0], $0xffff;
	_ =	sdelay $0x4  }
0x1aa: {  	v2 =	vmax.f32 v2, v19  }
0x1ab: {  	[tilespmem:v18+s25+$0x0] =	vst.idx.msk vm3, v2  }
0x1ac: {  	v2 =	vld.idx.msk [tilespmem:v18+s26+$0x0], $0xffff;
	_ =	sdelay $0x4  }
0x1ad: {  	v2 =	vmax.f32 v2, v20  }
0x1ae: {  	[tilespmem:v18+s26+$0x0] =	vst.idx.msk vm3, v2  }
0x1af: {  	v2 =	vld.idx.msk [tilespmem:v27+s28+$0x0], $0xffff;
	_ =	sdelay $0x4  }
0x1b0: {  	v2 =	vor.u32 v32, v2  }
0x1b1: {  	[tilespmem:v27+s28+$0x0] =	vst.idx.msk vm3, v2  }
0x1b2: {  	v2 =	vld.idx.msk [tilespmem:v18+s25+$0x0], $0xffff  }
0x1b3: {  	v3 =	vld.idx.msk [tilespmem:v18+s26+$0x0], $0xffff  }
0x1b4: {  	v4 =	vld.idx.msk [tilespmem:v27+s28+$0x0], $0xffff;
	_ =	sdelay $0x4  }
0x1b5: {  	vm4 =	vlt.f32 v2, v19;
	vm5 =	vlt.f32 v3, v20;
	v2 =	vand.u32 v32, v4  }
0x1b6: {  	vm4 =	vmor vm4, vm5;
	vm5 =	veq.s32 v2, $0x0  }
0x1b7: {  	vm4 =	vmor vm4, vm5  }
0x1b8: {  	vm3 =	vmand vm3, vm4  }
0x1b9: {  	v2 =	vsel vm3, $0x3F800000, v1  }
0x1ba: {  	(xrf0) =	vmax.scan.msk.f32 $0xffff, v2;
	_ =	sdelay $0x5  }
0x1bb: {  	v2, _, _ =	vpop (xrf0)  }
0x1bc: {  	(v2sf) =	vpush v2, $0xF;
	_ =	sdelay $0xe  }
0x1bd: {  	s4 =	spop (v2sf)  }
0x1be: {  	p0 =	sgt.f32 s4, $0.0e+00  }
.Ltmp16:
0x1bf: {  	_ = 	snop;
	(pc) =	sbr.rel @p0 .LBB2_53-.Ltmp16, $1  }
0x1c0: {  	_ =	sdelay $0x3  }
.LBB2_13:
0x1c1: {  	v2 =	vsel vm2, $0x3F800000, v1  }
0x1c2: {  	(xrf0) =	vmax.scan.msk.f32 $0xffff, v2;
	_ =	sdelay $0x5  }
0x1c3: {  	v2, _, _ =	vpop (xrf0)  }
0x1c4: {  	(v2sf) =	vpush v2, $0xF;
	_ =	sdelay $0xe  }
0x1c5: {  	s4 =	spop (v2sf)  }
0x1c6: {  	p0 =	sgt.f32 s4, $0.0e+00  }
.Ltmp17:
0x1c7: {  	_ = 	snop;
	(pc) =	sbr.rel @!p0 .LBB2_14-.Ltmp17, $1  }
0x1c8: {  	_ =	sdelay $0x3  }
.LBB2_54:
0x1c9: {  	v2 =	vld.idx.msk [tilespmem:v14+s25+$0x0], $0xffff;
	_ =	sdelay $0x4  }
0x1ca: {  	v2 =	vmax.f32 v2, v15  }
0x1cb: {  	[tilespmem:v14+s25+$0x0] =	vst.idx.msk vm2, v2  }
0x1cc: {  	v2 =	vld.idx.msk [tilespmem:v14+s26+$0x0], $0xffff;
	_ =	sdelay $0x4  }
0x1cd: {  	v2 =	vmax.f32 v2, v16  }
0x1ce: {  	[tilespmem:v14+s26+$0x0] =	vst.idx.msk vm2, v2  }
0x1cf: {  	v2 =	vld.idx.msk [tilespmem:v22+s28+$0x0], $0xffff;
	_ =	sdelay $0x4  }
0x1d0: {  	v2 =	vor.u32 v26, v2  }
0x1d1: {  	[tilespmem:v22+s28+$0x0] =	vst.idx.msk vm2, v2  }
0x1d2: {  	v2 =	vld.idx.msk [tilespmem:v14+s25+$0x0], $0xffff  }
0x1d3: {  	v3 =	vld.idx.msk [tilespmem:v14+s26+$0x0], $0xffff  }
0x1d4: {  	v4 =	vld.idx.msk [tilespmem:v22+s28+$0x0], $0xffff;
	_ =	sdelay $0x4  }
0x1d5: {  	vm3 =	vlt.f32 v2, v15;
	vm4 =	vlt.f32 v3, v16;
	v2 =	vand.u32 v26, v4  }
0x1d6: {  	vm3 =	vmor vm3, vm4;
	vm15 =	veq.s32 v2, $0x0  }
0x1d7: {  	vm3 =	vmor vm3, vm15  }
0x1d8: {  	vm2 =	vmand vm2, vm3  }
0x1d9: {  	v2 =	vsel vm2, $0x3F800000, v1  }
0x1da: {  	(xrf0) =	vmax.scan.msk.f32 $0xffff, v2;
	_ =	sdelay $0x5  }
0x1db: {  	v2, _, _ =	vpop (xrf0)  }
0x1dc: {  	(v2sf) =	vpush v2, $0xF;
	_ =	sdelay $0xe  }
0x1dd: {  	s4 =	spop (v2sf)  }
0x1de: {  	p0 =	sgt.f32 s4, $0.0e+00  }
.Ltmp18:
0x1df: {  	_ = 	snop;
	(pc) =	sbr.rel @p0 .LBB2_54-.Ltmp18, $1  }
0x1e0: {  	_ =	sdelay $0x3  }
.LBB2_14:
0x1e1: {  	v2 =	vsel vm1, $0x3F800000, v1  }
0x1e2: {  	(xrf0) =	vmax.scan.msk.f32 $0xffff, v2;
	_ =	sdelay $0x5  }
0x1e3: {  	v2, _, _ =	vpop (xrf0)  }
0x1e4: {  	(v2sf) =	vpush v2, $0xF;
	_ =	sdelay $0xe  }
0x1e5: {  	s4 =	spop (v2sf)  }
0x1e6: {  	p0 =	sgt.f32 s4, $0.0e+00  }
.Ltmp19:
0x1e7: {  	_ = 	snop;
	(pc) =	sbr.rel @!p0 .LBB2_15-.Ltmp19, $1  }
0x1e8: {  	_ =	sdelay $0x3  }
.LBB2_55:
0x1e9: {  	v2 =	vld.idx.msk [tilespmem:v10+s25+$0x0], $0xffff;
	_ =	sdelay $0x4  }
0x1ea: {  	v2 =	vmax.f32 v2, v11  }
0x1eb: {  	[tilespmem:v10+s25+$0x0] =	vst.idx.msk vm1, v2  }
0x1ec: {  	v2 =	vld.idx.msk [tilespmem:v10+s26+$0x0], $0xffff;
	_ =	sdelay $0x4  }
0x1ed: {  	v2 =	vmax.f32 v2, v12  }
0x1ee: {  	[tilespmem:v10+s26+$0x0] =	vst.idx.msk vm1, v2  }
0x1ef: {  	v2 =	vld.idx.msk [tilespmem:v17+s28+$0x0], $0xffff;
	_ =	sdelay $0x4  }
0x1f0: {  	v2 =	vor.u32 v21, v2  }
0x1f1: {  	[tilespmem:v17+s28+$0x0] =	vst.idx.msk vm1, v2  }
0x1f2: {  	v2 =	vld.idx.msk [tilespmem:v10+s25+$0x0], $0xffff  }
0x1f3: {  	v3 =	vld.idx.msk [tilespmem:v10+s26+$0x0], $0xffff  }
0x1f4: {  	v4 =	vld.idx.msk [tilespmem:v17+s28+$0x0], $0xffff;
	_ =	sdelay $0x4  }
0x1f5: {  	vm2 =	vlt.f32 v2, v11;
	vm3 =	vlt.f32 v3, v12;
	v2 =	vand.u32 v21, v4  }
0x1f6: {  	vm2 =	vmor vm2, vm3;
	vm3 =	veq.s32 v2, $0x0  }
0x1f7: {  	vm2 =	vmor vm2, vm3  }
0x1f8: {  	vm1 =	vmand vm1, vm2  }
0x1f9: {  	v2 =	vsel vm1, $0x3F800000, v1  }
0x1fa: {  	(xrf0) =	vmax.scan.msk.f32 $0xffff, v2;
	_ =	sdelay $0x5  }
0x1fb: {  	v2, _, _ =	vpop (xrf0)  }
0x1fc: {  	(v2sf) =	vpush v2, $0xF;
	_ =	sdelay $0xe  }
0x1fd: {  	s4 =	spop (v2sf)  }
0x1fe: {  	p0 =	sgt.f32 s4, $0.0e+00  }
.Ltmp20:
0x1ff: {  	_ = 	snop;
	(pc) =	sbr.rel @p0 .LBB2_55-.Ltmp20, $1  }
0x200: {  	_ =	sdelay $0x3  }
.LBB2_15:
0x201: {  	v2 =	vsel vm0, $0x3F800000, v1  }
0x202: {  	(xrf0) =	vmax.scan.msk.f32 $0xffff, v2;
	_ =	sdelay $0x5  }
0x203: {  	v2, _, _ =	vpop (xrf0)  }
0x204: {  	(v2sf) =	vpush v2, $0xF;
	_ =	sdelay $0xe  }
0x205: {  	s4 =	spop (v2sf)  }
0x206: {  	p0 =	sgt.f32 s4, $0.0e+00  }
.Ltmp21:
0x207: {  	_ = 	snop;
	(pc) =	sbr.rel @!p0 .LBB2_17-.Ltmp21, $1  }
0x208: {  	_ =	sdelay $0x3  }
.LBB2_16:
0x209: {  	v2 =	vld.idx.msk [tilespmem:v7+s25+$0x0], $0xffff;
	_ =	sdelay $0x4  }
0x20a: {  	v2 =	vmax.f32 v2, v8  }
0x20b: {  	[tilespmem:v7+s25+$0x0] =	vst.idx.msk vm0, v2  }
0x20c: {  	v2 =	vld.idx.msk [tilespmem:v7+s26+$0x0], $0xffff;
	_ =	sdelay $0x4  }
0x20d: {  	v2 =	vmax.f32 v2, v9  }
0x20e: {  	[tilespmem:v7+s26+$0x0] =	vst.idx.msk vm0, v2  }
0x20f: {  	v2 =	vld.idx.msk [tilespmem:v13+s28+$0x0], $0xffff;
	_ =	sdelay $0x4  }
0x210: {  	v2 =	vor.u32 v29, v2  }
0x211: {  	[tilespmem:v13+s28+$0x0] =	vst.idx.msk vm0, v2  }
0x212: {  	v2 =	vld.idx.msk [tilespmem:v7+s25+$0x0], $0xffff  }
0x213: {  	v3 =	vld.idx.msk [tilespmem:v7+s26+$0x0], $0xffff  }
0x214: {  	v4 =	vld.idx.msk [tilespmem:v13+s28+$0x0], $0xffff;
	_ =	sdelay $0x4  }
0x215: {  	vm1 =	vlt.f32 v2, v8;
	vm2 =	vlt.f32 v3, v9;
	v2 =	vand.u32 v29, v4  }
0x216: {  	vm1 =	vmor vm1, vm2;
	vm2 =	veq.s32 v2, $0x0  }
0x217: {  	vm1 =	vmor vm1, vm2  }
0x218: {  	vm0 =	vmand vm0, vm1  }
0x219: {  	v2 =	vsel vm0, $0x3F800000, v1  }
0x21a: {  	(xrf0) =	vmax.scan.msk.f32 $0xffff, v2;
	_ =	sdelay $0x5  }
0x21b: {  	v2, _, _ =	vpop (xrf0)  }
0x21c: {  	(v2sf) =	vpush v2, $0xF;
	_ =	sdelay $0xe  }
0x21d: {  	s4 =	spop (v2sf)  }
0x21e: {  	p0 =	sgt.f32 s4, $0.0e+00  }
.Ltmp22:
0x21f: {  	_ = 	snop;
	(pc) =	sbr.rel @p0 .LBB2_16-.Ltmp22, $1  }
0x220: {  	_ =	sdelay $0x3  }
.Ltmp23:
0x221: {  	_ = 	snop;
	(pc) =	sbr.rel .LBB2_17-.Ltmp23, $1  }
0x222: {  	_ =	sdelay $0x3  }
.LBB2_18:
0x223: {  	p0 =	seq.s32 s2, $0x7F  }
0x224: {  	s0 =	sshll.u32 @!p0 s2, $0x1  }
0x225: {  	s0 =	sadd.s32 @!p0 $0x2, s0  }
0x226: {  	s4 =	sshrl.u32 @!p0 s0, $0x3  }
0x227: {  	s0 =	sshll.u32 @!p0 s0, $0x7;
	s4 =	smul.u32 @!p0 $0x6000, s4  }
0x228: {  	s0 =	sand.u32 @!p0 $0x300, s0  }
0x229: {  	s0 =	sor.u32 @!p0 s0, s4  }
0x22a: {  	s5 =	simm.s32 @!p0 $0x400;
	s6 =	simm.s32 @!p0 $0x1E400;
	s0 =	sshrl.u32 @!p0 s0, $0x3  }
.Ltmp24:
0x22b: {  	s4 =	simm.s32 @!p0 $0x80;
	s0 =	sadd.s32 @!p0 s1, s0;
	(pc) =	sbr.rel .LBB2_19-.Ltmp24, $4  }
0x22c: {  	[tilespmem:s6], [sflag:$0x1] =	stream.strided.gather @!p0 [hbm4b:s0+s4], $0xC00, s5, s4, $0x38;
	[tilespmem:$0x1FC00] =	vst v63  }
0x22d: {  	_ =	swait.ge [sflag:s29], $0xC00  }
0x22e: {  	[sflag:s29] =	ssyncset.done $0x0  }
0x22f: {  	s0 =	simm.s32 $0x0;
	[sflag:s29] =	ssyncadd.s32 $0xFFFFF400  }
.LBB2_29:
0x230: {  	s0 =	sadd.s32 $0x1, s0  }
0x231: {  	p0 =	sne.s32 s0, $0x8  }
.Ltmp25:
0x232: {  	_ = 	snop;
	(pc) =	sbr.rel @!p0 .LBB2_30-.Ltmp25, $1  }
0x233: {  	_ =	sdelay $0x3  }
.LBB2_19:
0x234: {  	s4 =	sshll.u32 s0, $0x7  }
0x235: {  	s4 =	sand.u32 $0x3FFFFF80, s4  }
0x236: {  	v2 =	vld [tilespmem:s4+$0x1F000];
	_ =	sdelay $0x4  }
0x237: {  	v3 =	vand.u32 $0xFFFFF, v2  }
0x238: {  	v3 =	vsub.s32 v3, v0  }
0x239: {  	vm0 =	vlt.u32 v3, $0x57E0  }
0x23a: {  	v39 =	vnsel vm0, $0x0, v3  }
0x23b: {  	v41 =	vld [tilespmem:s4+$0x1F400]  }
0x23c: {  	v43 =	vld [tilespmem:s4+$0x1F800];
	_ =	sdelay $0x1  }
0x23d: {  	v63 =	vimm.f32 $1.000000000e+00  }
0x23e: {  	[tilespmem:v39+s3+$0x0] =	vst.idx.add.f32.msk vm0, v63  }
0x23f: {  	[tilespmem:v39+s23+$0x0] =	vst.idx.add.f32.msk vm0, v41  }
0x240: {  	[tilespmem:v39+s24+$0x0] =	vst.idx.add.f32.msk vm0, v43  }
0x241: {  	v3 =	vld.idx.msk [tilespmem:v39+s25+$0x0], $0xffff;
	_ =	sdelay $0x4  }
0x242: {  	v3 =	vmax.f32 v3, v41  }
0x243: {  	[tilespmem:v39+s25+$0x0] =	vst.idx.msk vm0, v3  }
0x244: {  	v3 =	vld.idx.msk [tilespmem:v39+s26+$0x0], $0xffff;
	_ =	sdelay $0x1  }
0x245: {  	v45 =	vshra.s32 v39, $0x1;
	_ =	sdelay $0x2  }
0x246: {  	v3 =	vmax.f32 v3, v43  }
0x247: {  	[tilespmem:v39+s26+$0x0] =	vst.idx.msk vm0, v3  }
0x248: {  	v3 =	vld.idx.msk [tilespmem:v45+s28+$0x0], $0xffff  }
0x249: {  	v4 =	vshll.u32 v39, $0x4  }
0x24a: {  	v2 =	vshra.s32 v2, $0x14;
	v4 =	vand.u32 $0x10, v4  }
0x24b: {  	v6 =	vimm.s32 $0x1;
	v2 =	vadd.s32 v2, v4  }
0x24c: {  	v46 =	vshll.u32 v6, v2  }
0x24d: {  	v2 =	vor.u32 v46, v3  }
0x24e: {  	[tilespmem:v45+s28+$0x0] =	vst.idx.msk vm0, v2  }
0x24f: {  	v2 =	vld [tilespmem:s4+$0x1F010];
	_ =	sdelay $0x4  }
0x250: {  	v3 =	vand.u32 $0xFFFFF, v2  }
0x251: {  	v3 =	vsub.s32 v3, v0  }
0x252: {  	vm1 =	vlt.u32 v3, $0x57E0  }
0x253: {  	v13 =	vld.idx.msk [tilespmem:v39+s25+$0x0], $0xffff;
	v34 =	vnsel vm1, $0x0, v3  }
0x254: {  	v35 =	vld [tilespmem:s4+$0x1F410]  }
0x255: {  	v36 =	vld [tilespmem:s4+$0x1F810]  }
0x256: {  	v29 =	vld.idx.msk [tilespmem:v45+s28+$0x0], $0xffff  }
0x257: {  	v47 =	vld.idx.msk [tilespmem:v39+s26+$0x0], $0xffff  }
0x258: {  	[tilespmem:v34+s3+$0x0] =	vst.idx.add.f32.msk vm1, v63  }
0x259: {  	[tilespmem:v34+s23+$0x0] =	vst.idx.add.f32.msk vm1, v35  }
0x25a: {  	[tilespmem:v34+s24+$0x0] =	vst.idx.add.f32.msk vm1, v36  }
0x25b: {  	v3 =	vld.idx.msk [tilespmem:v34+s25+$0x0], $0xffff;
	_ =	sdelay $0x4  }
0x25c: {  	v3 =	vmax.f32 v3, v35  }
0x25d: {  	[tilespmem:v34+s25+$0x0] =	vst.idx.msk vm1, v3  }
0x25e: {  	v3 =	vld.idx.msk [tilespmem:v34+s26+$0x0], $0xffff;
	_ =	sdelay $0x1  }
0x25f: {  	v42 =	vshra.s32 v34, $0x1;
	_ =	sdelay $0x2  }
0x260: {  	v3 =	vmax.f32 v3, v36  }
0x261: {  	[tilespmem:v34+s26+$0x0] =	vst.idx.msk vm1, v3  }
0x262: {  	v3 =	vld.idx.msk [tilespmem:v42+s28+$0x0], $0xffff  }
0x263: {  	v4 =	vshll.u32 v34, $0x4  }
0x264: {  	v2 =	vshra.s32 v2, $0x14;
	v4 =	vand.u32 $0x10, v4  }
0x265: {  	v2 =	vadd.s32 v2, v4  }
0x266: {  	v44 =	vshll.u32 v6, v2  }
0x267: {  	v2 =	vor.u32 v44, v3  }
0x268: {  	[tilespmem:v42+s28+$0x0] =	vst.idx.msk vm1, v2  }
0x269: {  	v2 =	vld [tilespmem:s4+$0x1F020];
	_ =	sdelay $0x4  }
0x26a: {  	v3 =	vand.u32 $0xFFFFF, v2  }
0x26b: {  	v3 =	vsub.s32 v3, v0  }
0x26c: {  	vm2 =	vlt.u32 v3, $0x57E0  }
0x26d: {  	v48 =	vld.idx.msk [tilespmem:v34+s25+$0x0], $0xffff;
	v28 =	vnsel vm2, $0x0, v3  }
0x26e: {  	v30 =	vld [tilespmem:s4+$0x1F420]  }
0x26f: {  	v31 =	vld [tilespmem:s4+$0x1F820]  }
0x270: {  	v49 =	vld.idx.msk [tilespmem:v42+s28+$0x0], $0xffff  }
0x271: {  	v50 =	vld.idx.msk [tilespmem:v34+s26+$0x0], $0xffff  }
0x272: {  	[tilespmem:v28+s3+$0x0] =	vst.idx.add.f32.msk vm2, v63  }
0x273: {  	[tilespmem:v28+s23+$0x0] =	vst.idx.add.f32.msk vm2, v30  }
0x274: {  	[tilespmem:v28+s24+$0x0] =	vst.idx.add.f32.msk vm2, v31  }
0x275: {  	v3 =	vld.idx.msk [tilespmem:v28+s25+$0x0], $0xffff;
	_ =	sdelay $0x4  }
0x276: {  	v3 =	vmax.f32 v3, v30  }
0x277: {  	[tilespmem:v28+s25+$0x0] =	vst.idx.msk vm2, v3  }
0x278: {  	v3 =	vld.idx.msk [tilespmem:v28+s26+$0x0], $0xffff;
	_ =	sdelay $0x1  }
0x279: {  	v38 =	vshra.s32 v28, $0x1;
	_ =	sdelay $0x2  }
0x27a: {  	v3 =	vmax.f32 v3, v31  }
0x27b: {  	[tilespmem:v28+s26+$0x0] =	vst.idx.msk vm2, v3  }
0x27c: {  	v3 =	vld.idx.msk [tilespmem:v38+s28+$0x0], $0xffff  }
0x27d: {  	v4 =	vshll.u32 v28, $0x4  }
0x27e: {  	v2 =	vshra.s32 v2, $0x14;
	v4 =	vand.u32 $0x10, v4  }
0x27f: {  	v2 =	vadd.s32 v2, v4  }
0x280: {  	v40 =	vshll.u32 v6, v2  }
0x281: {  	v2 =	vor.u32 v40, v3  }
0x282: {  	[tilespmem:v38+s28+$0x0] =	vst.idx.msk vm2, v2  }
0x283: {  	v2 =	vld [tilespmem:s4+$0x1F030];
	_ =	sdelay $0x4  }
0x284: {  	v3 =	vand.u32 $0xFFFFF, v2  }
0x285: {  	v3 =	vsub.s32 v3, v0  }
0x286: {  	vm3 =	vlt.u32 v3, $0x57E0  }
0x287: {  	v52 =	vld.idx.msk [tilespmem:v28+s25+$0x0], $0xffff;
	v23 =	vnsel vm3, $0x0, v3  }
0x288: {  	v24 =	vld [tilespmem:s4+$0x1F430]  }
0x289: {  	v25 =	vld [tilespmem:s4+$0x1F830]  }
0x28a: {  	v51 =	vld.idx.msk [tilespmem:v38+s28+$0x0], $0xffff  }
0x28b: {  	v53 =	vld.idx.msk [tilespmem:v28+s26+$0x0], $0xffff  }
0x28c: {  	[tilespmem:v23+s3+$0x0] =	vst.idx.add.f32.msk vm3, v63  }
0x28d: {  	[tilespmem:v23+s23+$0x0] =	vst.idx.add.f32.msk vm3, v24  }
0x28e: {  	[tilespmem:v23+s24+$0x0] =	vst.idx.add.f32.msk vm3, v25  }
0x28f: {  	v3 =	vld.idx.msk [tilespmem:v23+s25+$0x0], $0xffff;
	_ =	sdelay $0x4  }
0x290: {  	v3 =	vmax.f32 v3, v24  }
0x291: {  	[tilespmem:v23+s25+$0x0] =	vst.idx.msk vm3, v3  }
0x292: {  	v3 =	vld.idx.msk [tilespmem:v23+s26+$0x0], $0xffff;
	_ =	sdelay $0x1  }
0x293: {  	v33 =	vshra.s32 v23, $0x1;
	_ =	sdelay $0x2  }
0x294: {  	v3 =	vmax.f32 v3, v25  }
0x295: {  	[tilespmem:v23+s26+$0x0] =	vst.idx.msk vm3, v3  }
0x296: {  	v3 =	vld.idx.msk [tilespmem:v33+s28+$0x0], $0xffff  }
0x297: {  	v4 =	vshll.u32 v23, $0x4  }
0x298: {  	v2 =	vshra.s32 v2, $0x14;
	v4 =	vand.u32 $0x10, v4  }
0x299: {  	v2 =	vadd.s32 v2, v4  }
0x29a: {  	v37 =	vshll.u32 v6, v2  }
0x29b: {  	v2 =	vor.u32 v37, v3  }
0x29c: {  	[tilespmem:v33+s28+$0x0] =	vst.idx.msk vm3, v2  }
0x29d: {  	v2 =	vld [tilespmem:s4+$0x1F040];
	_ =	sdelay $0x4  }
0x29e: {  	v3 =	vand.u32 $0xFFFFF, v2  }
0x29f: {  	v3 =	vsub.s32 v3, v0  }
0x2a0: {  	vm6 =	vlt.u32 v3, $0x57E0  }
0x2a1: {  	v4 =	vld.idx.msk [tilespmem:v23+s25+$0x0], $0xffff;
	v18 =	vnsel vm6, $0x0, v3  }
0x2a2: {  	v19 =	vld [tilespmem:s4+$0x1F440]  }
0x2a3: {  	v20 =	vld [tilespmem:s4+$0x1F840]  }
0x2a4: {  	v5 =	vld.idx.msk [tilespmem:v23+s26+$0x0], $0xffff  }
0x2a5: {  	v3 =	vld.idx.msk [tilespmem:v33+s28+$0x0], $0xffff  }
0x2a6: {  	[tilespmem:v18+s3+$0x0] =	vst.idx.add.f32.msk vm6, v63  }
0x2a7: {  	[tilespmem:v18+s23+$0x0] =	vst.idx.add.f32.msk vm6, v19  }
0x2a8: {  	[tilespmem:v18+s24+$0x0] =	vst.idx.add.f32.msk vm6, v20  }
0x2a9: {  	v7 =	vld.idx.msk [tilespmem:v18+s25+$0x0], $0xffff;
	_ =	sdelay $0x4  }
0x2aa: {  	v7 =	vmax.f32 v7, v19  }
0x2ab: {  	[tilespmem:v18+s25+$0x0] =	vst.idx.msk vm6, v7  }
0x2ac: {  	v7 =	vld.idx.msk [tilespmem:v18+s26+$0x0], $0xffff;
	_ =	sdelay $0x1  }
0x2ad: {  	v27 =	vshra.s32 v18, $0x1;
	_ =	sdelay $0x2  }
0x2ae: {  	v7 =	vmax.f32 v7, v20  }
0x2af: {  	[tilespmem:v18+s26+$0x0] =	vst.idx.msk vm6, v7  }
0x2b0: {  	v7 =	vld.idx.msk [tilespmem:v27+s28+$0x0], $0xffff  }
0x2b1: {  	v8 =	vshll.u32 v18, $0x4  }
0x2b2: {  	v2 =	vshra.s32 v2, $0x14;
	v8 =	vand.u32 $0x10, v8  }
0x2b3: {  	v2 =	vadd.s32 v2, v8  }
0x2b4: {  	v32 =	vshll.u32 v6, v2  }
0x2b5: {  	v2 =	vor.u32 v32, v7  }
0x2b6: {  	[tilespmem:v27+s28+$0x0] =	vst.idx.msk vm6, v2  }
0x2b7: {  	v2 =	vld [tilespmem:s4+$0x1F050];
	_ =	sdelay $0x4  }
0x2b8: {  	v7 =	vand.u32 $0xFFFFF, v2  }
0x2b9: {  	v7 =	vsub.s32 v7, v0  }
0x2ba: {  	vm8 =	vlt.u32 v7, $0x57E0  }
0x2bb: {  	v54 =	vld.idx.msk [tilespmem:v18+s25+$0x0], $0xffff;
	v14 =	vnsel vm8, $0x0, v7  }
0x2bc: {  	v15 =	vld [tilespmem:s4+$0x1F450]  }
0x2bd: {  	v16 =	vld [tilespmem:s4+$0x1F850]  }
0x2be: {  	v55 =	vld.idx.msk [tilespmem:v27+s28+$0x0], $0xffff  }
0x2bf: {  	v56 =	vld.idx.msk [tilespmem:v18+s26+$0x0], $0xffff  }
0x2c0: {  	[tilespmem:v14+s3+$0x0] =	vst.idx.add.f32.msk vm8, v63  }
0x2c1: {  	[tilespmem:v14+s23+$0x0] =	vst.idx.add.f32.msk vm8, v15  }
0x2c2: {  	[tilespmem:v14+s24+$0x0] =	vst.idx.add.f32.msk vm8, v16  }
0x2c3: {  	v7 =	vld.idx.msk [tilespmem:v14+s25+$0x0], $0xffff;
	_ =	sdelay $0x4  }
0x2c4: {  	v7 =	vmax.f32 v7, v15  }
0x2c5: {  	[tilespmem:v14+s25+$0x0] =	vst.idx.msk vm8, v7  }
0x2c6: {  	v7 =	vld.idx.msk [tilespmem:v14+s26+$0x0], $0xffff;
	_ =	sdelay $0x1  }
0x2c7: {  	v22 =	vshra.s32 v14, $0x1;
	_ =	sdelay $0x2  }
0x2c8: {  	v7 =	vmax.f32 v7, v16  }
0x2c9: {  	[tilespmem:v14+s26+$0x0] =	vst.idx.msk vm8, v7  }
0x2ca: {  	v7 =	vld.idx.msk [tilespmem:v22+s28+$0x0], $0xffff  }
0x2cb: {  	v8 =	vshll.u32 v14, $0x4  }
0x2cc: {  	v2 =	vshra.s32 v2, $0x14;
	v8 =	vand.u32 $0x10, v8  }
0x2cd: {  	v2 =	vadd.s32 v2, v8  }
0x2ce: {  	v26 =	vshll.u32 v6, v2  }
0x2cf: {  	v2 =	vor.u32 v26, v7  }
0x2d0: {  	[tilespmem:v22+s28+$0x0] =	vst.idx.msk vm8, v2  }
0x2d1: {  	v2 =	vld [tilespmem:s4+$0x1F060];
	_ =	sdelay $0x4  }
0x2d2: {  	v7 =	vand.u32 $0xFFFFF, v2  }
0x2d3: {  	v7 =	vsub.s32 v7, v0  }
0x2d4: {  	vm9 =	vlt.u32 v7, $0x57E0  }
0x2d5: {  	v57 =	vld.idx.msk [tilespmem:v14+s25+$0x0], $0xffff;
	v10 =	vnsel vm9, $0x0, v7  }
0x2d6: {  	v11 =	vld [tilespmem:s4+$0x1F460]  }
0x2d7: {  	v12 =	vld [tilespmem:s4+$0x1F860]  }
0x2d8: {  	v58 =	vld.idx.msk [tilespmem:v22+s28+$0x0], $0xffff  }
0x2d9: {  	v59 =	vld.idx.msk [tilespmem:v14+s26+$0x0], $0xffff  }
0x2da: {  	[tilespmem:v10+s3+$0x0] =	vst.idx.add.f32.msk vm9, v63  }
0x2db: {  	[tilespmem:v10+s23+$0x0] =	vst.idx.add.f32.msk vm9, v11  }
0x2dc: {  	[tilespmem:v10+s24+$0x0] =	vst.idx.add.f32.msk vm9, v12  }
0x2dd: {  	v7 =	vld.idx.msk [tilespmem:v10+s25+$0x0], $0xffff;
	_ =	sdelay $0x4  }
0x2de: {  	v7 =	vmax.f32 v7, v11  }
0x2df: {  	[tilespmem:v10+s25+$0x0] =	vst.idx.msk vm9, v7  }
0x2e0: {  	v7 =	vld.idx.msk [tilespmem:v10+s26+$0x0], $0xffff;
	_ =	sdelay $0x1  }
0x2e1: {  	v17 =	vshra.s32 v10, $0x1;
	_ =	sdelay $0x2  }
0x2e2: {  	v7 =	vmax.f32 v7, v12  }
0x2e3: {  	[tilespmem:v10+s26+$0x0] =	vst.idx.msk vm9, v7  }
0x2e4: {  	v7 =	vld.idx.msk [tilespmem:v17+s28+$0x0], $0xffff  }
0x2e5: {  	v8 =	vshll.u32 v10, $0x4  }
0x2e6: {  	v2 =	vshra.s32 v2, $0x14;
	v8 =	vand.u32 $0x10, v8  }
0x2e7: {  	v2 =	vadd.s32 v2, v8  }
0x2e8: {  	v21 =	vshll.u32 v6, v2  }
0x2e9: {  	v2 =	vor.u32 v21, v7  }
0x2ea: {  	[tilespmem:v17+s28+$0x0] =	vst.idx.msk vm9, v2  }
0x2eb: {  	v2 =	vld [tilespmem:s4+$0x1F070];
	_ =	sdelay $0x4  }
0x2ec: {  	v7 =	vand.u32 $0xFFFFF, v2  }
0x2ed: {  	v7 =	vsub.s32 v7, v0  }
0x2ee: {  	vm11 =	vlt.u32 v7, $0x57E0  }
0x2ef: {  	v60 =	vld.idx.msk [tilespmem:v10+s25+$0x0], $0xffff;
	v7 =	vnsel vm11, $0x0, v7  }
0x2f0: {  	v8 =	vld [tilespmem:s4+$0x1F470]  }
0x2f1: {  	v9 =	vld [tilespmem:s4+$0x1F870]  }
0x2f2: {  	v61 =	vld.idx.msk [tilespmem:v17+s28+$0x0], $0xffff  }
0x2f3: {  	v62 =	vld.idx.msk [tilespmem:v10+s26+$0x0], $0xffff  }
0x2f4: {  	[tilespmem:v7+s3+$0x0] =	vst.idx.add.f32.msk vm11, v63  }
0x2f5: {  	[tilespmem:v7+s23+$0x0] =	vst.idx.add.f32.msk vm11, v8  }
0x2f6: {  	[tilespmem:v7+s24+$0x0] =	vst.idx.add.f32.msk vm11, v9  }
0x2f7: {  	v63 =	vld.idx.msk [tilespmem:v7+s25+$0x0], $0xffff;
	_ =	sdelay $0x4  }
0x2f8: {  	v63 =	vmax.f32 v63, v8  }
0x2f9: {  	[tilespmem:v7+s25+$0x0] =	vst.idx.msk vm11, v63  }
0x2fa: {  	v63 =	vld.idx.msk [tilespmem:v7+s26+$0x0], $0xffff  }
0x2fb: {  	vm4 =	vlt.f32 v13, v41;
	v13 =	vand.u32 v46, v29;
	vm5 =	vlt.f32 v47, v43  }
0x2fc: {  	vm7 =	veq.s32 v13, $0x0;
	vm4 =	vmor vm4, vm5;
	v13 =	vshra.s32 v7, $0x1  }
0x2fd: {  	vm10 =	vlt.f32 v48, v35;
	v29 =	vand.u32 v44, v49;
	vm5 =	vlt.f32 v50, v36  }
0x2fe: {  	vm4 =	vmor vm7, vm4;
	vm7 =	veq.s32 v29, $0x0;
	vm5 =	vmor vm10, vm5  }
0x2ff: {  	vm5 =	vmor vm7, vm5;
	v29 =	vmax.f32 v63, v9  }
0x300: {  	vm10 =	vmand vm0, vm4;
	vm7 =	vmand vm1, vm5;
	vm12 =	vlt.f32 v52, v30;
	[tilespmem:v7+s26+$0x0] =	vst.idx.msk vm11, v29  }
0x301: {  	vm13 =	vlt.f32 v53, v31;
	vm4 =	vlt.f32 v4, v24;
	v4 =	vshll.u32 v7, $0x4;
	v63 =	vld.idx.msk [tilespmem:v13+s28+$0x0], $0xffff  }
0x302: {  	vm1 =	vmor vm12, vm13;
	v2 =	vshra.s32 v2, $0x14;
	v4 =	vand.u32 $0x10, v4  }
0x303: {  	vm12 =	vlt.f32 v5, v25;
	v2 =	vadd.s32 v2, v4;
	v29 =	vand.u32 v40, v51  }
0x304: {  	v3 =	vand.u32 v37, v3;
	vm0 =	veq.s32 v29, $0x0;
	v29 =	vshll.u32 v6, v2  }
0x305: {  	vm0 =	vmor vm0, vm1;
	vm1 =	veq.s32 v3, $0x0;
	v3 =	vand.u32 v26, v58  }
0x306: {  	vm5 =	vmand vm2, vm0;
	vm0 =	vlt.f32 v54, v19;
	v2 =	vor.u32 v29, v63  }
0x307: {  	vm2 =	vmor vm4, vm12;
	vm4 =	vlt.f32 v56, v20;
	[tilespmem:v13+s28+$0x0] =	vst.idx.msk vm11, v2;
	v2 =	vand.u32 v32, v55  }
0x308: {  	vm1 =	vmor vm1, vm2;
	vm0 =	vmor vm0, vm4;
	vm2 =	veq.s32 v2, $0x0;
	v2 =	vld.idx.msk [tilespmem:v7+s25+$0x0], $0xffff  }
0x309: {  	vm12 =	vlt.f32 v57, v15;
	vm4 =	vmand vm3, vm1;
	v4 =	vld.idx.msk [tilespmem:v13+s28+$0x0], $0xffff;
	vm0 =	vmor vm2, vm0  }
0x30a: {  	vm2 =	vlt.f32 v59, v16;
	vm3 =	vmand vm6, vm0;
	vm0 =	veq.s32 v3, $0x0;
	v3 =	vld.idx.msk [tilespmem:v7+s26+$0x0], $0xffff  }
0x30b: {  	v5 =	vand.u32 v21, v61;
	vm1 =	vlt.f32 v60, v11;
	vm2 =	vmor vm12, vm2  }
0x30c: {  	vm6 =	vlt.f32 v62, v12;
	vm12 =	veq.s32 v5, $0x0;
	vm0 =	vmor vm0, vm2  }
0x30d: {  	vm2 =	vmand vm8, vm0;
	vm0 =	vmor vm1, vm6;
	vm1 =	vmor vm10, vm7  }
0x30e: {  	vm0 =	vmor vm12, vm0;
	vm6 =	vlt.f32 v2, v8;
	vm1 =	vmor vm1, vm5  }
0x30f: {  	v2 =	vand.u32 v29, v4;
	vm1 =	vmor vm1, vm4;
	vm8 =	vlt.f32 v3, v9  }
0x310: {  	vm12 =	vmor vm1, vm3;
	vm6 =	vmor vm6, vm8;
	vm8 =	veq.s32 v2, $0x0  }
0x311: {  	vm1 =	vmand vm9, vm0;
	vm0 =	vmor vm8, vm6;
	vm6 =	vmor vm12, vm2  }
0x312: {  	vm0 =	vmand vm11, vm0;
	vm6 =	vmor vm6, vm1  }
0x313: {  	vm6 =	vmor vm6, vm0  }
0x314: {  	v2 =	vsel vm6, $0x3F800000, v1  }
0x315: {  	(xrf0) =	vmax.scan.msk.f32 $0xffff, v2;
	_ =	sdelay $0x5  }
0x316: {  	v2, _, _ =	vpop (xrf0)  }
0x317: {  	(v2sf) =	vpush v2, $0xF;
	_ =	sdelay $0xe  }
0x318: {  	s6 =	spop (v2sf)  }
0x319: {  	p0 =	sgt.f32 s6, $0.0e+00  }
.Ltmp26:
0x31a: {  	_ = 	snop;
	(pc) =	sbr.rel @!p0 .LBB2_29-.Ltmp26, $1  }
0x31b: {  	_ =	sdelay $0x3  }
0x31c: {  	v2 =	vsel vm10, $0x3F800000, v1  }
0x31d: {  	(xrf0) =	vmax.scan.msk.f32 $0xffff, v2;
	_ =	sdelay $0x5  }
0x31e: {  	v2, _, _ =	vpop (xrf0)  }
0x31f: {  	(v2sf) =	vpush v2, $0xF;
	_ =	sdelay $0xe  }
0x320: {  	s4 =	spop (v2sf)  }
0x321: {  	p0 =	sgt.f32 s4, $0.0e+00  }
.Ltmp27:
0x322: {  	_ = 	snop;
	(pc) =	sbr.rel @!p0 .LBB2_21-.Ltmp27, $1  }
0x323: {  	_ =	sdelay $0x3  }
.LBB2_56:
0x324: {  	v2 =	vld.idx.msk [tilespmem:v39+s25+$0x0], $0xffff;
	_ =	sdelay $0x4  }
0x325: {  	v2 =	vmax.f32 v2, v41  }
0x326: {  	[tilespmem:v39+s25+$0x0] =	vst.idx.msk vm10, v2  }
0x327: {  	v2 =	vld.idx.msk [tilespmem:v39+s26+$0x0], $0xffff;
	_ =	sdelay $0x4  }
0x328: {  	v2 =	vmax.f32 v2, v43  }
0x329: {  	[tilespmem:v39+s26+$0x0] =	vst.idx.msk vm10, v2  }
0x32a: {  	v2 =	vld.idx.msk [tilespmem:v45+s28+$0x0], $0xffff;
	_ =	sdelay $0x4  }
0x32b: {  	v2 =	vor.u32 v46, v2  }
0x32c: {  	[tilespmem:v45+s28+$0x0] =	vst.idx.msk vm10, v2  }
0x32d: {  	v2 =	vld.idx.msk [tilespmem:v39+s25+$0x0], $0xffff  }
0x32e: {  	v3 =	vld.idx.msk [tilespmem:v39+s26+$0x0], $0xffff  }
0x32f: {  	v4 =	vld.idx.msk [tilespmem:v45+s28+$0x0], $0xffff;
	_ =	sdelay $0x4  }
0x330: {  	vm6 =	vlt.f32 v2, v41;
	vm8 =	vlt.f32 v3, v43;
	v2 =	vand.u32 v46, v4  }
0x331: {  	vm6 =	vmor vm6, vm8;
	vm8 =	veq.s32 v2, $0x0  }
0x332: {  	vm6 =	vmor vm6, vm8  }
0x333: {  	vm10 =	vmand vm10, vm6  }
0x334: {  	v2 =	vsel vm10, $0x3F800000, v1  }
0x335: {  	(xrf0) =	vmax.scan.msk.f32 $0xffff, v2;
	_ =	sdelay $0x5  }
0x336: {  	v2, _, _ =	vpop (xrf0)  }
0x337: {  	(v2sf) =	vpush v2, $0xF;
	_ =	sdelay $0xe  }
0x338: {  	s4 =	spop (v2sf)  }
0x339: {  	p0 =	sgt.f32 s4, $0.0e+00  }
.Ltmp28:
0x33a: {  	_ = 	snop;
	(pc) =	sbr.rel @p0 .LBB2_56-.Ltmp28, $1  }
0x33b: {  	_ =	sdelay $0x3  }
.LBB2_21:
0x33c: {  	v2 =	vsel vm7, $0x3F800000, v1  }
0x33d: {  	(xrf0) =	vmax.scan.msk.f32 $0xffff, v2;
	_ =	sdelay $0x5  }
0x33e: {  	v2, _, _ =	vpop (xrf0)  }
0x33f: {  	(v2sf) =	vpush v2, $0xF;
	_ =	sdelay $0xe  }
0x340: {  	s4 =	spop (v2sf)  }
0x341: {  	p0 =	sgt.f32 s4, $0.0e+00  }
.Ltmp29:
0x342: {  	_ = 	snop;
	(pc) =	sbr.rel @!p0 .LBB2_22-.Ltmp29, $1  }
0x343: {  	_ =	sdelay $0x3  }
.LBB2_57:
0x344: {  	v2 =	vld.idx.msk [tilespmem:v34+s25+$0x0], $0xffff;
	_ =	sdelay $0x4  }
0x345: {  	v2 =	vmax.f32 v2, v35  }
0x346: {  	[tilespmem:v34+s25+$0x0] =	vst.idx.msk vm7, v2  }
0x347: {  	v2 =	vld.idx.msk [tilespmem:v34+s26+$0x0], $0xffff;
	_ =	sdelay $0x4  }
0x348: {  	v2 =	vmax.f32 v2, v36  }
0x349: {  	[tilespmem:v34+s26+$0x0] =	vst.idx.msk vm7, v2  }
0x34a: {  	v2 =	vld.idx.msk [tilespmem:v42+s28+$0x0], $0xffff;
	_ =	sdelay $0x4  }
0x34b: {  	v2 =	vor.u32 v44, v2  }
0x34c: {  	[tilespmem:v42+s28+$0x0] =	vst.idx.msk vm7, v2  }
0x34d: {  	v2 =	vld.idx.msk [tilespmem:v34+s25+$0x0], $0xffff  }
0x34e: {  	v3 =	vld.idx.msk [tilespmem:v34+s26+$0x0], $0xffff  }
0x34f: {  	v4 =	vld.idx.msk [tilespmem:v42+s28+$0x0], $0xffff;
	_ =	sdelay $0x4  }
0x350: {  	vm6 =	vlt.f32 v2, v35;
	vm8 =	vlt.f32 v3, v36;
	v2 =	vand.u32 v44, v4  }
0x351: {  	vm6 =	vmor vm6, vm8;
	vm8 =	veq.s32 v2, $0x0  }
0x352: {  	vm6 =	vmor vm6, vm8  }
0x353: {  	vm7 =	vmand vm7, vm6  }
0x354: {  	v2 =	vsel vm7, $0x3F800000, v1  }
0x355: {  	(xrf0) =	vmax.scan.msk.f32 $0xffff, v2;
	_ =	sdelay $0x5  }
0x356: {  	v2, _, _ =	vpop (xrf0)  }
0x357: {  	(v2sf) =	vpush v2, $0xF;
	_ =	sdelay $0xe  }
0x358: {  	s4 =	spop (v2sf)  }
0x359: {  	p0 =	sgt.f32 s4, $0.0e+00  }
.Ltmp30:
0x35a: {  	_ = 	snop;
	(pc) =	sbr.rel @p0 .LBB2_57-.Ltmp30, $1  }
0x35b: {  	_ =	sdelay $0x3  }
.LBB2_22:
0x35c: {  	v2 =	vsel vm5, $0x3F800000, v1  }
0x35d: {  	(xrf0) =	vmax.scan.msk.f32 $0xffff, v2;
	_ =	sdelay $0x5  }
0x35e: {  	v2, _, _ =	vpop (xrf0)  }
0x35f: {  	(v2sf) =	vpush v2, $0xF;
	_ =	sdelay $0xe  }
0x360: {  	s4 =	spop (v2sf)  }
0x361: {  	p0 =	sgt.f32 s4, $0.0e+00  }
.Ltmp31:
0x362: {  	_ = 	snop;
	(pc) =	sbr.rel @!p0 .LBB2_23-.Ltmp31, $1  }
0x363: {  	_ =	sdelay $0x3  }
.LBB2_58:
0x364: {  	v2 =	vld.idx.msk [tilespmem:v28+s25+$0x0], $0xffff;
	_ =	sdelay $0x4  }
0x365: {  	v2 =	vmax.f32 v2, v30  }
0x366: {  	[tilespmem:v28+s25+$0x0] =	vst.idx.msk vm5, v2  }
0x367: {  	v2 =	vld.idx.msk [tilespmem:v28+s26+$0x0], $0xffff;
	_ =	sdelay $0x4  }
0x368: {  	v2 =	vmax.f32 v2, v31  }
0x369: {  	[tilespmem:v28+s26+$0x0] =	vst.idx.msk vm5, v2  }
0x36a: {  	v2 =	vld.idx.msk [tilespmem:v38+s28+$0x0], $0xffff;
	_ =	sdelay $0x4  }
0x36b: {  	v2 =	vor.u32 v40, v2  }
0x36c: {  	[tilespmem:v38+s28+$0x0] =	vst.idx.msk vm5, v2  }
0x36d: {  	v2 =	vld.idx.msk [tilespmem:v28+s25+$0x0], $0xffff  }
0x36e: {  	v3 =	vld.idx.msk [tilespmem:v28+s26+$0x0], $0xffff  }
0x36f: {  	v4 =	vld.idx.msk [tilespmem:v38+s28+$0x0], $0xffff;
	_ =	sdelay $0x4  }
0x370: {  	vm6 =	vlt.f32 v2, v30;
	vm7 =	vlt.f32 v3, v31;
	v2 =	vand.u32 v40, v4  }
0x371: {  	vm6 =	vmor vm6, vm7;
	vm7 =	veq.s32 v2, $0x0  }
0x372: {  	vm6 =	vmor vm6, vm7  }
0x373: {  	vm5 =	vmand vm5, vm6  }
0x374: {  	v2 =	vsel vm5, $0x3F800000, v1  }
0x375: {  	(xrf0) =	vmax.scan.msk.f32 $0xffff, v2;
	_ =	sdelay $0x5  }
0x376: {  	v2, _, _ =	vpop (xrf0)  }
0x377: {  	(v2sf) =	vpush v2, $0xF;
	_ =	sdelay $0xe  }
0x378: {  	s4 =	spop (v2sf)  }
0x379: {  	p0 =	sgt.f32 s4, $0.0e+00  }
.Ltmp32:
0x37a: {  	_ = 	snop;
	(pc) =	sbr.rel @p0 .LBB2_58-.Ltmp32, $1  }
0x37b: {  	_ =	sdelay $0x3  }
.LBB2_23:
0x37c: {  	v2 =	vsel vm4, $0x3F800000, v1  }
0x37d: {  	(xrf0) =	vmax.scan.msk.f32 $0xffff, v2;
	_ =	sdelay $0x5  }
0x37e: {  	v2, _, _ =	vpop (xrf0)  }
0x37f: {  	(v2sf) =	vpush v2, $0xF;
	_ =	sdelay $0xe  }
0x380: {  	s4 =	spop (v2sf)  }
0x381: {  	p0 =	sgt.f32 s4, $0.0e+00  }
.Ltmp33:
0x382: {  	_ = 	snop;
	(pc) =	sbr.rel @!p0 .LBB2_24-.Ltmp33, $1  }
0x383: {  	_ =	sdelay $0x3  }
.LBB2_59:
0x384: {  	v2 =	vld.idx.msk [tilespmem:v23+s25+$0x0], $0xffff;
	_ =	sdelay $0x4  }
0x385: {  	v2 =	vmax.f32 v2, v24  }
0x386: {  	[tilespmem:v23+s25+$0x0] =	vst.idx.msk vm4, v2  }
0x387: {  	v2 =	vld.idx.msk [tilespmem:v23+s26+$0x0], $0xffff;
	_ =	sdelay $0x4  }
0x388: {  	v2 =	vmax.f32 v2, v25  }
0x389: {  	[tilespmem:v23+s26+$0x0] =	vst.idx.msk vm4, v2  }
0x38a: {  	v2 =	vld.idx.msk [tilespmem:v33+s28+$0x0], $0xffff;
	_ =	sdelay $0x4  }
0x38b: {  	v2 =	vor.u32 v37, v2  }
0x38c: {  	[tilespmem:v33+s28+$0x0] =	vst.idx.msk vm4, v2  }
0x38d: {  	v2 =	vld.idx.msk [tilespmem:v23+s25+$0x0], $0xffff  }
0x38e: {  	v3 =	vld.idx.msk [tilespmem:v23+s26+$0x0], $0xffff  }
0x38f: {  	v4 =	vld.idx.msk [tilespmem:v33+s28+$0x0], $0xffff;
	_ =	sdelay $0x4  }
0x390: {  	vm5 =	vlt.f32 v2, v24;
	vm6 =	vlt.f32 v3, v25;
	v2 =	vand.u32 v37, v4  }
0x391: {  	vm5 =	vmor vm5, vm6;
	vm6 =	veq.s32 v2, $0x0  }
0x392: {  	vm5 =	vmor vm5, vm6  }
0x393: {  	vm4 =	vmand vm4, vm5  }
0x394: {  	v2 =	vsel vm4, $0x3F800000, v1  }
0x395: {  	(xrf0) =	vmax.scan.msk.f32 $0xffff, v2;
	_ =	sdelay $0x5  }
0x396: {  	v2, _, _ =	vpop (xrf0)  }
0x397: {  	(v2sf) =	vpush v2, $0xF;
	_ =	sdelay $0xe  }
0x398: {  	s4 =	spop (v2sf)  }
0x399: {  	p0 =	sgt.f32 s4, $0.0e+00  }
.Ltmp34:
0x39a: {  	_ = 	snop;
	(pc) =	sbr.rel @p0 .LBB2_59-.Ltmp34, $1  }
0x39b: {  	_ =	sdelay $0x3  }
.LBB2_24:
0x39c: {  	v2 =	vsel vm3, $0x3F800000, v1  }
0x39d: {  	(xrf0) =	vmax.scan.msk.f32 $0xffff, v2;
	_ =	sdelay $0x5  }
0x39e: {  	v2, _, _ =	vpop (xrf0)  }
0x39f: {  	(v2sf) =	vpush v2, $0xF;
	_ =	sdelay $0xe  }
0x3a0: {  	s4 =	spop (v2sf)  }
0x3a1: {  	p0 =	sgt.f32 s4, $0.0e+00  }
.Ltmp35:
0x3a2: {  	_ = 	snop;
	(pc) =	sbr.rel @!p0 .LBB2_25-.Ltmp35, $1  }
0x3a3: {  	_ =	sdelay $0x3  }
.LBB2_60:
0x3a4: {  	v2 =	vld.idx.msk [tilespmem:v18+s25+$0x0], $0xffff;
	_ =	sdelay $0x4  }
0x3a5: {  	v2 =	vmax.f32 v2, v19  }
0x3a6: {  	[tilespmem:v18+s25+$0x0] =	vst.idx.msk vm3, v2  }
0x3a7: {  	v2 =	vld.idx.msk [tilespmem:v18+s26+$0x0], $0xffff;
	_ =	sdelay $0x4  }
0x3a8: {  	v2 =	vmax.f32 v2, v20  }
0x3a9: {  	[tilespmem:v18+s26+$0x0] =	vst.idx.msk vm3, v2  }
0x3aa: {  	v2 =	vld.idx.msk [tilespmem:v27+s28+$0x0], $0xffff;
	_ =	sdelay $0x4  }
0x3ab: {  	v2 =	vor.u32 v32, v2  }
0x3ac: {  	[tilespmem:v27+s28+$0x0] =	vst.idx.msk vm3, v2  }
0x3ad: {  	v2 =	vld.idx.msk [tilespmem:v18+s25+$0x0], $0xffff  }
0x3ae: {  	v3 =	vld.idx.msk [tilespmem:v18+s26+$0x0], $0xffff  }
0x3af: {  	v4 =	vld.idx.msk [tilespmem:v27+s28+$0x0], $0xffff;
	_ =	sdelay $0x4  }
0x3b0: {  	vm4 =	vlt.f32 v2, v19;
	vm5 =	vlt.f32 v3, v20;
	v2 =	vand.u32 v32, v4  }
0x3b1: {  	vm4 =	vmor vm4, vm5;
	vm5 =	veq.s32 v2, $0x0  }
0x3b2: {  	vm4 =	vmor vm4, vm5  }
0x3b3: {  	vm3 =	vmand vm3, vm4  }
0x3b4: {  	v2 =	vsel vm3, $0x3F800000, v1  }
0x3b5: {  	(xrf0) =	vmax.scan.msk.f32 $0xffff, v2;
	_ =	sdelay $0x5  }
0x3b6: {  	v2, _, _ =	vpop (xrf0)  }
0x3b7: {  	(v2sf) =	vpush v2, $0xF;
	_ =	sdelay $0xe  }
0x3b8: {  	s4 =	spop (v2sf)  }
0x3b9: {  	p0 =	sgt.f32 s4, $0.0e+00  }
.Ltmp36:
0x3ba: {  	_ = 	snop;
	(pc) =	sbr.rel @p0 .LBB2_60-.Ltmp36, $1  }
0x3bb: {  	_ =	sdelay $0x3  }
.LBB2_25:
0x3bc: {  	v2 =	vsel vm2, $0x3F800000, v1  }
0x3bd: {  	(xrf0) =	vmax.scan.msk.f32 $0xffff, v2;
	_ =	sdelay $0x5  }
0x3be: {  	v2, _, _ =	vpop (xrf0)  }
0x3bf: {  	(v2sf) =	vpush v2, $0xF;
	_ =	sdelay $0xe  }
0x3c0: {  	s4 =	spop (v2sf)  }
0x3c1: {  	p0 =	sgt.f32 s4, $0.0e+00  }
.Ltmp37:
0x3c2: {  	_ = 	snop;
	(pc) =	sbr.rel @!p0 .LBB2_26-.Ltmp37, $1  }
0x3c3: {  	_ =	sdelay $0x3  }
.LBB2_61:
0x3c4: {  	v2 =	vld.idx.msk [tilespmem:v14+s25+$0x0], $0xffff;
	_ =	sdelay $0x4  }
0x3c5: {  	v2 =	vmax.f32 v2, v15  }
0x3c6: {  	[tilespmem:v14+s25+$0x0] =	vst.idx.msk vm2, v2  }
0x3c7: {  	v2 =	vld.idx.msk [tilespmem:v14+s26+$0x0], $0xffff;
	_ =	sdelay $0x4  }
0x3c8: {  	v2 =	vmax.f32 v2, v16  }
0x3c9: {  	[tilespmem:v14+s26+$0x0] =	vst.idx.msk vm2, v2  }
0x3ca: {  	v2 =	vld.idx.msk [tilespmem:v22+s28+$0x0], $0xffff;
	_ =	sdelay $0x4  }
0x3cb: {  	v2 =	vor.u32 v26, v2  }
0x3cc: {  	[tilespmem:v22+s28+$0x0] =	vst.idx.msk vm2, v2  }
0x3cd: {  	v2 =	vld.idx.msk [tilespmem:v14+s25+$0x0], $0xffff  }
0x3ce: {  	v3 =	vld.idx.msk [tilespmem:v14+s26+$0x0], $0xffff  }
0x3cf: {  	v4 =	vld.idx.msk [tilespmem:v22+s28+$0x0], $0xffff;
	_ =	sdelay $0x4  }
0x3d0: {  	vm3 =	vlt.f32 v2, v15;
	vm4 =	vlt.f32 v3, v16;
	v2 =	vand.u32 v26, v4  }
0x3d1: {  	vm3 =	vmor vm3, vm4;
	vm15 =	veq.s32 v2, $0x0  }
0x3d2: {  	vm3 =	vmor vm3, vm15  }
0x3d3: {  	vm2 =	vmand vm2, vm3  }
0x3d4: {  	v2 =	vsel vm2, $0x3F800000, v1  }
0x3d5: {  	(xrf0) =	vmax.scan.msk.f32 $0xffff, v2;
	_ =	sdelay $0x5  }
0x3d6: {  	v2, _, _ =	vpop (xrf0)  }
0x3d7: {  	(v2sf) =	vpush v2, $0xF;
	_ =	sdelay $0xe  }
0x3d8: {  	s4 =	spop (v2sf)  }
0x3d9: {  	p0 =	sgt.f32 s4, $0.0e+00  }
.Ltmp38:
0x3da: {  	_ = 	snop;
	(pc) =	sbr.rel @p0 .LBB2_61-.Ltmp38, $1  }
0x3db: {  	_ =	sdelay $0x3  }
.LBB2_26:
0x3dc: {  	v2 =	vsel vm1, $0x3F800000, v1  }
0x3dd: {  	(xrf0) =	vmax.scan.msk.f32 $0xffff, v2;
	_ =	sdelay $0x5  }
0x3de: {  	v2, _, _ =	vpop (xrf0)  }
0x3df: {  	(v2sf) =	vpush v2, $0xF;
	_ =	sdelay $0xe  }
0x3e0: {  	s4 =	spop (v2sf)  }
0x3e1: {  	p0 =	sgt.f32 s4, $0.0e+00  }
.Ltmp39:
0x3e2: {  	_ = 	snop;
	(pc) =	sbr.rel @!p0 .LBB2_27-.Ltmp39, $1  }
0x3e3: {  	_ =	sdelay $0x3  }
.LBB2_62:
0x3e4: {  	v2 =	vld.idx.msk [tilespmem:v10+s25+$0x0], $0xffff;
	_ =	sdelay $0x4  }
0x3e5: {  	v2 =	vmax.f32 v2, v11  }
0x3e6: {  	[tilespmem:v10+s25+$0x0] =	vst.idx.msk vm1, v2  }
0x3e7: {  	v2 =	vld.idx.msk [tilespmem:v10+s26+$0x0], $0xffff;
	_ =	sdelay $0x4  }
0x3e8: {  	v2 =	vmax.f32 v2, v12  }
0x3e9: {  	[tilespmem:v10+s26+$0x0] =	vst.idx.msk vm1, v2  }
0x3ea: {  	v2 =	vld.idx.msk [tilespmem:v17+s28+$0x0], $0xffff;
	_ =	sdelay $0x4  }
0x3eb: {  	v2 =	vor.u32 v21, v2  }
0x3ec: {  	[tilespmem:v17+s28+$0x0] =	vst.idx.msk vm1, v2  }
0x3ed: {  	v2 =	vld.idx.msk [tilespmem:v10+s25+$0x0], $0xffff  }
0x3ee: {  	v3 =	vld.idx.msk [tilespmem:v10+s26+$0x0], $0xffff  }
0x3ef: {  	v4 =	vld.idx.msk [tilespmem:v17+s28+$0x0], $0xffff;
	_ =	sdelay $0x4  }
0x3f0: {  	vm2 =	vlt.f32 v2, v11;
	vm3 =	vlt.f32 v3, v12;
	v2 =	vand.u32 v21, v4  }
0x3f1: {  	vm2 =	vmor vm2, vm3;
	vm3 =	veq.s32 v2, $0x0  }
0x3f2: {  	vm2 =	vmor vm2, vm3  }
0x3f3: {  	vm1 =	vmand vm1, vm2  }
0x3f4: {  	v2 =	vsel vm1, $0x3F800000, v1  }
0x3f5: {  	(xrf0) =	vmax.scan.msk.f32 $0xffff, v2;
	_ =	sdelay $0x5  }
0x3f6: {  	v2, _, _ =	vpop (xrf0)  }
0x3f7: {  	(v2sf) =	vpush v2, $0xF;
	_ =	sdelay $0xe  }
0x3f8: {  	s4 =	spop (v2sf)  }
0x3f9: {  	p0 =	sgt.f32 s4, $0.0e+00  }
.Ltmp40:
0x3fa: {  	_ = 	snop;
	(pc) =	sbr.rel @p0 .LBB2_62-.Ltmp40, $1  }
0x3fb: {  	_ =	sdelay $0x3  }
.LBB2_27:
0x3fc: {  	v2 =	vsel vm0, $0x3F800000, v1  }
0x3fd: {  	(xrf0) =	vmax.scan.msk.f32 $0xffff, v2;
	_ =	sdelay $0x5  }
0x3fe: {  	v2, _, _ =	vpop (xrf0)  }
0x3ff: {  	(v2sf) =	vpush v2, $0xF;
	_ =	sdelay $0xe  }
0x400: {  	s4 =	spop (v2sf)  }
0x401: {  	p0 =	sgt.f32 s4, $0.0e+00  }
.Ltmp41:
0x402: {  	_ = 	snop;
	(pc) =	sbr.rel @!p0 .LBB2_29-.Ltmp41, $1  }
0x403: {  	_ =	sdelay $0x3  }
.LBB2_28:
0x404: {  	v2 =	vld.idx.msk [tilespmem:v7+s25+$0x0], $0xffff;
	_ =	sdelay $0x4  }
0x405: {  	v2 =	vmax.f32 v2, v8  }
0x406: {  	[tilespmem:v7+s25+$0x0] =	vst.idx.msk vm0, v2  }
0x407: {  	v2 =	vld.idx.msk [tilespmem:v7+s26+$0x0], $0xffff;
	_ =	sdelay $0x4  }
0x408: {  	v2 =	vmax.f32 v2, v9  }
0x409: {  	[tilespmem:v7+s26+$0x0] =	vst.idx.msk vm0, v2  }
0x40a: {  	v2 =	vld.idx.msk [tilespmem:v13+s28+$0x0], $0xffff;
	_ =	sdelay $0x4  }
0x40b: {  	v2 =	vor.u32 v29, v2  }
0x40c: {  	[tilespmem:v13+s28+$0x0] =	vst.idx.msk vm0, v2  }
0x40d: {  	v2 =	vld.idx.msk [tilespmem:v7+s25+$0x0], $0xffff  }
0x40e: {  	v3 =	vld.idx.msk [tilespmem:v7+s26+$0x0], $0xffff  }
0x40f: {  	v4 =	vld.idx.msk [tilespmem:v13+s28+$0x0], $0xffff;
	_ =	sdelay $0x4  }
0x410: {  	vm1 =	vlt.f32 v2, v8;
	vm2 =	vlt.f32 v3, v9;
	v2 =	vand.u32 v29, v4  }
0x411: {  	vm1 =	vmor vm1, vm2;
	vm2 =	veq.s32 v2, $0x0  }
0x412: {  	vm1 =	vmor vm1, vm2  }
0x413: {  	vm0 =	vmand vm0, vm1  }
0x414: {  	v2 =	vsel vm0, $0x3F800000, v1  }
0x415: {  	(xrf0) =	vmax.scan.msk.f32 $0xffff, v2;
	_ =	sdelay $0x5  }
0x416: {  	v2, _, _ =	vpop (xrf0)  }
0x417: {  	(v2sf) =	vpush v2, $0xF;
	_ =	sdelay $0xe  }
0x418: {  	s4 =	spop (v2sf)  }
0x419: {  	p0 =	sgt.f32 s4, $0.0e+00  }
.Ltmp42:
0x41a: {  	_ = 	snop;
	(pc) =	sbr.rel @p0 .LBB2_28-.Ltmp42, $1  }
0x41b: {  	_ =	sdelay $0x3  }
.Ltmp43:
0x41c: {  	_ = 	snop;
	(pc) =	sbr.rel .LBB2_29-.Ltmp43, $1  }
0x41d: {  	_ =	sdelay $0x3  }
.LBB2_31:
0x41e: {  	s0 =	simm.s32 $0x0;
	s2 =	rddreg [dreg:$0x4]  }
0x41f: {  	[hbm4b:s2+s0] =	stream.linear.scatter [tilespmem:s0], [sflag:$0x3], $0x57E0, $0x38;
	[tilespmem:$0x1FC00] =	vst v63  }
0x420: {  	_ =	swait.ge [sflag:s30], $0x57E0  }
0x421: {  	[sflag:s30] =	ssyncset.done $0x0  }
0x422: {  	s5 =	rddreg [dreg:$0x5];
	[sflag:s30] =	ssyncadd.s32 $0xFFFFA820  }
0x423: {  	[hbm4b:s5+s0] =	stream.linear.scatter [tilespmem:s23], [sflag:$0x3], $0x57E0, $0x38;
	[tilespmem:$0x1FC00] =	vst v63  }
0x424: {  	_ =	swait.ge [sflag:s30], $0x57E0  }
0x425: {  	[sflag:s30] =	ssyncset.done $0x0  }
0x426: {  	s6 =	rddreg [dreg:$0x6];
	[sflag:s30] =	ssyncadd.s32 $0xFFFFA820  }
0x427: {  	[hbm4b:s6+s0] =	stream.linear.scatter [tilespmem:s24], [sflag:$0x3], $0x57E0, $0x38;
	[tilespmem:$0x1FC00] =	vst v63  }
0x428: {  	_ =	swait.ge [sflag:s30], $0x57E0  }
0x429: {  	[sflag:s30] =	ssyncset.done $0x0  }
0x42a: {  	[sflag:s30] =	ssyncadd.s32 $0xFFFFA820  }
0x42b: {  	[hbm4b:s7+s0] =	stream.linear.scatter [tilespmem:s25], [sflag:$0x3], $0x57E0, $0x38;
	[tilespmem:$0x1FC00] =	vst v63  }
0x42c: {  	_ =	swait.ge [sflag:s30], $0x57E0  }
0x42d: {  	[sflag:s30] =	ssyncset.done $0x0  }
0x42e: {  	[sflag:s30] =	ssyncadd.s32 $0xFFFFA820  }
0x42f: {  	[hbm4b:s8+s0] =	stream.linear.scatter [tilespmem:s26], [sflag:$0x3], $0x57E0, $0x38;
	[tilespmem:$0x1FC00] =	vst v63  }
0x430: {  	_ =	swait.ge [sflag:s30], $0x57E0  }
0x431: {  	v6 =	vld [tilespmem:$0x1FFF0];
	_ =	sdelay $0x1  }
0x432: {  	[sflag:s30] =	ssyncset.done $0x0  }
0x433: {  	s2 =	simm.s32 $0x1B800;
	[sflag:s30] =	ssyncadd.s32 $0xFFFFA820  }
0x434: {  	s4 =	simm.s32 $0x20;
	v8 =	vld [tilespmem:s2+$0x0]  }
.LBB2_32:
0x435: {  	p0 =	sne.s32 s4, $0xBE0;
	v2 =	vor.u32 s0, v6;
	v7 =	vor.u32 $0x1, v6  }
0x436: {  	v3 =	vor.u32 s0, v7;
	s0 =	smov.u32 s4;
	_ =	sdelay $0x1  }
.Ltmp44:
0x437: {  	(pc) =	sbr.rel @p0 .LBB2_32-.Ltmp44, $4  }
0x438: {  	v4 =	vand.u32 $0x3FF, v8;
	v5 =	vshrl.u32 v8, $0x10  }
0x439: {  	v5 =	vand.u32 $0x3FF, v5;
	[tilespmem:v2+s20+$0x0] =	vst.idx.msk $0xffff, v4  }
0x43a: {  	s2 =	sadd.s32 $0x10, s2;
	[tilespmem:v3+s20+$0x0] =	vst.idx.msk $0xffff, v5  }
0x43b: {  	s4 =	sadd.s32 $0x20, s4;
	v8 =	vld [tilespmem:s2+$0x0]  }
0x43c: {  	v2 =	vor.u32 s0, v6  }
0x43d: {  	v3 =	vor.u32 s0, v7;
	_ =	sdelay $0x2  }
0x43e: {  	v4 =	vand.u32 $0x3FF, v8;
	v5 =	vshrl.u32 v8, $0x10  }
0x43f: {  	v5 =	vand.u32 $0x3FF, v5;
	[tilespmem:v2+s20+$0x0] =	vst.idx.msk $0xffff, v4  }
0x440: {  	s0 =	simm.s32 $0x0;
	[tilespmem:v3+s20+$0x0] =	vst.idx.msk $0xffff, v5  }
0x441: {  	[hbm4b:s9+s0] =	stream.linear.scatter [tilespmem:s20], [sflag:$0x3], $0xC00, $0x38;
	[tilespmem:$0x1FC00] =	vst v63  }
0x442: {  	_ =	swait.ge [sflag:s30], $0xC00  }
0x443: {  	[sflag:s30] =	ssyncset.done $0x0  }
0x444: {  	s2 =	sand.u32 $0x7F0, s0;
	[sflag:s30] =	ssyncadd.s32 $0xFFFFF400  }
0x445: {  	v2 =	vld [tilespmem:s2+$0x1BE00]  }
0x446: {  	v3 =	vor.u32 s0, v6  }
0x447: {  	v4 =	vor.u32 s0, v7;
	_ =	sdelay $0x2  }
0x448: {  	v5 =	vand.u32 $0x3FF, v2;
	v2 =	vshrl.u32 v2, $0x10  }
0x449: {  	s6 =	simm.s32 $0x10;
	v2 =	vand.u32 $0x3FF, v2;
	[tilespmem:v3+s21+$0x0] =	vst.idx.msk $0xffff, v5  }
0x44a: {  	s4 =	sand.u32 $0x7F0, s6;
	s2 =	simm.s32 $0x20;
	[tilespmem:v4+s21+$0x0] =	vst.idx.msk $0xffff, v2  }
.LBB2_34:
0x44b: {  	p0 =	sne.s32 s2, $0x5F0;
	v2 =	vld [tilespmem:s4+$0x1BE00];
	s0 =	sadd.s32 $0x20, s0  }
0x44c: {  	v3 =	vor.u32 s0, v6  }
0x44d: {  	v4 =	vor.u32 s0, v7  }
.Ltmp45:
0x44e: {  	(pc) =	sbr.rel @p0 .LBB2_34-.Ltmp45, $4  }
0x44f: {  	_ = 	snop  }
0x450: {  	v5 =	vand.u32 $0x3FF, v2;
	v2 =	vshrl.u32 v2, $0x10  }
0x451: {  	v2 =	vand.u32 $0x3FF, v2;
	[tilespmem:v3+s21+$0x0] =	vst.idx.msk $0xffff, v5  }
0x452: {  	s4 =	sand.u32 $0x7F0, s2;
	s2 =	sadd.s32 $0x10, s2;
	[tilespmem:v4+s21+$0x0] =	vst.idx.msk $0xffff, v2  }
0x453: {  	v2 =	vld [tilespmem:s4+$0x1BE00];
	s0 =	sadd.s32 $0x20, s0  }
0x454: {  	v3 =	vor.u32 s0, v6  }
0x455: {  	v4 =	vor.u32 s0, v7;
	_ =	sdelay $0x2  }
0x456: {  	v5 =	vand.u32 $0x3FF, v2;
	v2 =	vshrl.u32 v2, $0x10  }
0x457: {  	v2 =	vand.u32 $0x3FF, v2;
	[tilespmem:v3+s21+$0x0] =	vst.idx.msk $0xffff, v5  }
0x458: {  	s0 =	simm.s32 $0x0;
	[tilespmem:v4+s21+$0x0] =	vst.idx.msk $0xffff, v2  }
0x459: {  	[hbm4b:s10+s0] =	stream.linear.scatter [tilespmem:s21], [sflag:$0x3], $0xC00, $0x38;
	[tilespmem:$0x1FC00] =	vst v63  }
0x45a: {  	_ =	swait.ge [sflag:s30], $0xC00  }
0x45b: {  	[sflag:s30] =	ssyncset.done $0x0  }
0x45c: {  	s2 =	sand.u32 $0x7F0, s0;
	[sflag:s30] =	ssyncadd.s32 $0xFFFFF400  }
0x45d: {  	v2 =	vld [tilespmem:s2+$0x1C400]  }
0x45e: {  	v3 =	vor.u32 s0, v6  }
0x45f: {  	v4 =	vor.u32 s0, v7;
	_ =	sdelay $0x2  }
0x460: {  	v5 =	vand.u32 $0x3FF, v2;
	v2 =	vshrl.u32 v2, $0x10  }
0x461: {  	s6 =	simm.s32 $0x10;
	v2 =	vand.u32 $0x3FF, v2;
	[tilespmem:v3+s20+$0x0] =	vst.idx.msk $0xffff, v5  }
0x462: {  	s4 =	sand.u32 $0x7F0, s6;
	s2 =	simm.s32 $0x20;
	[tilespmem:v4+s20+$0x0] =	vst.idx.msk $0xffff, v2  }
.LBB2_36:
0x463: {  	p0 =	sne.s32 s2, $0x5F0;
	v2 =	vld [tilespmem:s4+$0x1C400];
	s0 =	sadd.s32 $0x20, s0  }
0x464: {  	v3 =	vor.u32 s0, v6  }
0x465: {  	v4 =	vor.u32 s0, v7  }
.Ltmp46:
0x466: {  	(pc) =	sbr.rel @p0 .LBB2_36-.Ltmp46, $4  }
0x467: {  	_ = 	snop  }
0x468: {  	v5 =	vand.u32 $0x3FF, v2;
	v2 =	vshrl.u32 v2, $0x10  }
0x469: {  	v2 =	vand.u32 $0x3FF, v2;
	[tilespmem:v3+s20+$0x0] =	vst.idx.msk $0xffff, v5  }
0x46a: {  	s4 =	sand.u32 $0x7F0, s2;
	s2 =	sadd.s32 $0x10, s2;
	[tilespmem:v4+s20+$0x0] =	vst.idx.msk $0xffff, v2  }
0x46b: {  	v2 =	vld [tilespmem:s4+$0x1C400];
	s0 =	sadd.s32 $0x20, s0  }
0x46c: {  	v3 =	vor.u32 s0, v6  }
0x46d: {  	v4 =	vor.u32 s0, v7;
	_ =	sdelay $0x2  }
0x46e: {  	v5 =	vand.u32 $0x3FF, v2;
	v2 =	vshrl.u32 v2, $0x10  }
0x46f: {  	v2 =	vand.u32 $0x3FF, v2;
	[tilespmem:v3+s20+$0x0] =	vst.idx.msk $0xffff, v5  }
0x470: {  	s0 =	simm.s32 $0x0;
	[tilespmem:v4+s20+$0x0] =	vst.idx.msk $0xffff, v2  }
0x471: {  	[hbm4b:s11+s0] =	stream.linear.scatter [tilespmem:s20], [sflag:$0x3], $0xC00, $0x38;
	[tilespmem:$0x1FC00] =	vst v63  }
0x472: {  	_ =	swait.ge [sflag:s30], $0xC00  }
0x473: {  	[sflag:s30] =	ssyncset.done $0x0  }
0x474: {  	s2 =	sand.u32 $0x7F0, s0;
	[sflag:s30] =	ssyncadd.s32 $0xFFFFF400  }
0x475: {  	v2 =	vld [tilespmem:s2+$0x1CA00]  }
0x476: {  	v3 =	vor.u32 s0, v6  }
0x477: {  	v4 =	vor.u32 s0, v7;
	_ =	sdelay $0x2  }
0x478: {  	v5 =	vand.u32 $0x3FF, v2;
	v2 =	vshrl.u32 v2, $0x10  }
0x479: {  	s6 =	simm.s32 $0x10;
	v2 =	vand.u32 $0x3FF, v2;
	[tilespmem:v3+s21+$0x0] =	vst.idx.msk $0xffff, v5  }
0x47a: {  	s4 =	sand.u32 $0x7F0, s6;
	s2 =	simm.s32 $0x20;
	[tilespmem:v4+s21+$0x0] =	vst.idx.msk $0xffff, v2  }
.LBB2_38:
0x47b: {  	p0 =	sne.s32 s2, $0x5F0;
	v2 =	vld [tilespmem:s4+$0x1CA00];
	s0 =	sadd.s32 $0x20, s0  }
0x47c: {  	v3 =	vor.u32 s0, v6  }
0x47d: {  	v4 =	vor.u32 s0, v7  }
.Ltmp47:
0x47e: {  	(pc) =	sbr.rel @p0 .LBB2_38-.Ltmp47, $4  }
0x47f: {  	_ = 	snop  }
0x480: {  	v5 =	vand.u32 $0x3FF, v2;
	v2 =	vshrl.u32 v2, $0x10  }
0x481: {  	v2 =	vand.u32 $0x3FF, v2;
	[tilespmem:v3+s21+$0x0] =	vst.idx.msk $0xffff, v5  }
0x482: {  	s4 =	sand.u32 $0x7F0, s2;
	s2 =	sadd.s32 $0x10, s2;
	[tilespmem:v4+s21+$0x0] =	vst.idx.msk $0xffff, v2  }
0x483: {  	v2 =	vld [tilespmem:s4+$0x1CA00];
	s0 =	sadd.s32 $0x20, s0  }
0x484: {  	v3 =	vor.u32 s0, v6  }
0x485: {  	v4 =	vor.u32 s0, v7;
	_ =	sdelay $0x2  }
0x486: {  	v5 =	vand.u32 $0x3FF, v2;
	v2 =	vshrl.u32 v2, $0x10  }
0x487: {  	v2 =	vand.u32 $0x3FF, v2;
	[tilespmem:v3+s21+$0x0] =	vst.idx.msk $0xffff, v5  }
0x488: {  	s0 =	simm.s32 $0x0;
	[tilespmem:v4+s21+$0x0] =	vst.idx.msk $0xffff, v2  }
0x489: {  	[hbm4b:s12+s0] =	stream.linear.scatter [tilespmem:s21], [sflag:$0x3], $0xC00, $0x38;
	[tilespmem:$0x1FC00] =	vst v63  }
0x48a: {  	_ =	swait.ge [sflag:s30], $0xC00  }
0x48b: {  	[sflag:s30] =	ssyncset.done $0x0  }
0x48c: {  	s2 =	sand.u32 $0x7F0, s0;
	[sflag:s30] =	ssyncadd.s32 $0xFFFFF400  }
0x48d: {  	v2 =	vld [tilespmem:s2+$0x1D000]  }
0x48e: {  	v3 =	vor.u32 s0, v6  }
0x48f: {  	v4 =	vor.u32 s0, v7;
	_ =	sdelay $0x2  }
0x490: {  	v5 =	vand.u32 $0x3FF, v2;
	v2 =	vshrl.u32 v2, $0x10  }
0x491: {  	s6 =	simm.s32 $0x10;
	v2 =	vand.u32 $0x3FF, v2;
	[tilespmem:v3+s20+$0x0] =	vst.idx.msk $0xffff, v5  }
0x492: {  	s4 =	sand.u32 $0x7F0, s6;
	s2 =	simm.s32 $0x20;
	[tilespmem:v4+s20+$0x0] =	vst.idx.msk $0xffff, v2  }
.LBB2_40:
0x493: {  	p0 =	sne.s32 s2, $0x5F0;
	v2 =	vld [tilespmem:s4+$0x1D000];
	s0 =	sadd.s32 $0x20, s0  }
0x494: {  	v3 =	vor.u32 s0, v6  }
0x495: {  	v4 =	vor.u32 s0, v7  }
.Ltmp48:
0x496: {  	(pc) =	sbr.rel @p0 .LBB2_40-.Ltmp48, $4  }
0x497: {  	_ = 	snop  }
0x498: {  	v5 =	vand.u32 $0x3FF, v2;
	v2 =	vshrl.u32 v2, $0x10  }
0x499: {  	v2 =	vand.u32 $0x3FF, v2;
	[tilespmem:v3+s20+$0x0] =	vst.idx.msk $0xffff, v5  }
0x49a: {  	s4 =	sand.u32 $0x7F0, s2;
	s2 =	sadd.s32 $0x10, s2;
	[tilespmem:v4+s20+$0x0] =	vst.idx.msk $0xffff, v2  }
0x49b: {  	v2 =	vld [tilespmem:s4+$0x1D000];
	s0 =	sadd.s32 $0x20, s0  }
0x49c: {  	v3 =	vor.u32 s0, v6  }
0x49d: {  	v4 =	vor.u32 s0, v7;
	_ =	sdelay $0x2  }
0x49e: {  	v5 =	vand.u32 $0x3FF, v2;
	v2 =	vshrl.u32 v2, $0x10  }
0x49f: {  	v2 =	vand.u32 $0x3FF, v2;
	[tilespmem:v3+s20+$0x0] =	vst.idx.msk $0xffff, v5  }
0x4a0: {  	s0 =	simm.s32 $0x0;
	[tilespmem:v4+s20+$0x0] =	vst.idx.msk $0xffff, v2  }
0x4a1: {  	[hbm4b:s13+s0] =	stream.linear.scatter [tilespmem:s20], [sflag:$0x3], $0xC00, $0x38;
	[tilespmem:$0x1FC00] =	vst v63  }
0x4a2: {  	_ =	swait.ge [sflag:s30], $0xC00  }
0x4a3: {  	[sflag:s30] =	ssyncset.done $0x0  }
0x4a4: {  	s2 =	sand.u32 $0x7F0, s0;
	[sflag:s30] =	ssyncadd.s32 $0xFFFFF400  }
0x4a5: {  	v2 =	vld [tilespmem:s2+$0x1D600]  }
0x4a6: {  	v3 =	vor.u32 s0, v6  }
0x4a7: {  	v4 =	vor.u32 s0, v7;
	_ =	sdelay $0x2  }
0x4a8: {  	v5 =	vand.u32 $0x3FF, v2;
	v2 =	vshrl.u32 v2, $0x10  }
0x4a9: {  	s6 =	simm.s32 $0x10;
	v2 =	vand.u32 $0x3FF, v2;
	[tilespmem:v3+s21+$0x0] =	vst.idx.msk $0xffff, v5  }
0x4aa: {  	s4 =	sand.u32 $0x7F0, s6;
	s2 =	simm.s32 $0x20;
	[tilespmem:v4+s21+$0x0] =	vst.idx.msk $0xffff, v2  }
.LBB2_42:
0x4ab: {  	p0 =	sne.s32 s2, $0x5F0;
	v2 =	vld [tilespmem:s4+$0x1D600];
	s0 =	sadd.s32 $0x20, s0  }
0x4ac: {  	v3 =	vor.u32 s0, v6  }
0x4ad: {  	v4 =	vor.u32 s0, v7  }
.Ltmp49:
0x4ae: {  	(pc) =	sbr.rel @p0 .LBB2_42-.Ltmp49, $4  }
0x4af: {  	_ = 	snop  }
0x4b0: {  	v5 =	vand.u32 $0x3FF, v2;
	v2 =	vshrl.u32 v2, $0x10  }
0x4b1: {  	v2 =	vand.u32 $0x3FF, v2;
	[tilespmem:v3+s21+$0x0] =	vst.idx.msk $0xffff, v5  }
0x4b2: {  	s4 =	sand.u32 $0x7F0, s2;
	s2 =	sadd.s32 $0x10, s2;
	[tilespmem:v4+s21+$0x0] =	vst.idx.msk $0xffff, v2  }
0x4b3: {  	v2 =	vld [tilespmem:s4+$0x1D600];
	s0 =	sadd.s32 $0x20, s0  }
0x4b4: {  	v3 =	vor.u32 s0, v6  }
0x4b5: {  	v4 =	vor.u32 s0, v7;
	_ =	sdelay $0x2  }
0x4b6: {  	v5 =	vand.u32 $0x3FF, v2;
	v2 =	vshrl.u32 v2, $0x10  }
0x4b7: {  	v2 =	vand.u32 $0x3FF, v2;
	[tilespmem:v3+s21+$0x0] =	vst.idx.msk $0xffff, v5  }
0x4b8: {  	s0 =	simm.s32 $0x0;
	[tilespmem:v4+s21+$0x0] =	vst.idx.msk $0xffff, v2  }
0x4b9: {  	[hbm4b:s14+s0] =	stream.linear.scatter [tilespmem:s21], [sflag:$0x3], $0xC00, $0x38;
	[tilespmem:$0x1FC00] =	vst v63  }
0x4ba: {  	_ =	swait.ge [sflag:s30], $0xC00  }
0x4bb: {  	[sflag:s30] =	ssyncset.done $0x0  }
0x4bc: {  	s2 =	sand.u32 $0x7F0, s0;
	[sflag:s30] =	ssyncadd.s32 $0xFFFFF400  }
0x4bd: {  	v2 =	vld [tilespmem:s2+$0x1DC00]  }
0x4be: {  	v3 =	vor.u32 s0, v6  }
0x4bf: {  	v4 =	vor.u32 s0, v7;
	_ =	sdelay $0x2  }
0x4c0: {  	v5 =	vand.u32 $0x3FF, v2;
	v2 =	vshrl.u32 v2, $0x10  }
0x4c1: {  	s6 =	simm.s32 $0x10;
	v2 =	vand.u32 $0x3FF, v2;
	[tilespmem:v3+s20+$0x0] =	vst.idx.msk $0xffff, v5  }
0x4c2: {  	s4 =	sand.u32 $0x7F0, s6;
	s2 =	simm.s32 $0x20;
	[tilespmem:v4+s20+$0x0] =	vst.idx.msk $0xffff, v2  }
.LBB2_44:
0x4c3: {  	p0 =	sne.s32 s2, $0x5F0;
	v2 =	vld [tilespmem:s4+$0x1DC00];
	s0 =	sadd.s32 $0x20, s0  }
0x4c4: {  	v3 =	vor.u32 s0, v6  }
0x4c5: {  	v4 =	vor.u32 s0, v7  }
.Ltmp50:
0x4c6: {  	(pc) =	sbr.rel @p0 .LBB2_44-.Ltmp50, $4  }
0x4c7: {  	_ = 	snop  }
0x4c8: {  	v5 =	vand.u32 $0x3FF, v2;
	v2 =	vshrl.u32 v2, $0x10  }
0x4c9: {  	v2 =	vand.u32 $0x3FF, v2;
	[tilespmem:v3+s20+$0x0] =	vst.idx.msk $0xffff, v5  }
0x4ca: {  	s4 =	sand.u32 $0x7F0, s2;
	s2 =	sadd.s32 $0x10, s2;
	[tilespmem:v4+s20+$0x0] =	vst.idx.msk $0xffff, v2  }
0x4cb: {  	v2 =	vld [tilespmem:s4+$0x1DC00];
	s0 =	sadd.s32 $0x20, s0  }
0x4cc: {  	v3 =	vor.u32 s0, v6  }
0x4cd: {  	v4 =	vor.u32 s0, v7;
	_ =	sdelay $0x2  }
0x4ce: {  	v5 =	vand.u32 $0x3FF, v2;
	v2 =	vshrl.u32 v2, $0x10  }
0x4cf: {  	v2 =	vand.u32 $0x3FF, v2;
	[tilespmem:v3+s20+$0x0] =	vst.idx.msk $0xffff, v5  }
0x4d0: {  	s0 =	simm.s32 $0x0;
	[tilespmem:v4+s20+$0x0] =	vst.idx.msk $0xffff, v2  }
0x4d1: {  	[hbm4b:s15+s0] =	stream.linear.scatter [tilespmem:s20], [sflag:$0x3], $0xC00, $0x38;
	[tilespmem:$0x1FC00] =	vst v63  }
0x4d2: {  	_ =	swait.ge [sflag:s30], $0xC00  }
0x4d3: {  	[sflag:s30] =	ssyncset.done $0x0  }
0x4d4: {  	s2 =	sand.u32 $0x1F0, s0;
	[sflag:s30] =	ssyncadd.s32 $0xFFFFF400  }
0x4d5: {  	v2 =	vld [tilespmem:s2+$0x1E200]  }
0x4d6: {  	v3 =	vor.u32 s0, v6  }
0x4d7: {  	v4 =	vor.u32 s0, v7;
	_ =	sdelay $0x2  }
0x4d8: {  	v5 =	vand.u32 $0x3FF, v2;
	v2 =	vshrl.u32 v2, $0x10  }
0x4d9: {  	s6 =	simm.s32 $0x10;
	v2 =	vand.u32 $0x3FF, v2;
	[tilespmem:v3+s21+$0x0] =	vst.idx.msk $0xffff, v5  }
0x4da: {  	s4 =	sand.u32 $0x1F0, s6;
	s2 =	simm.s32 $0x20;
	[tilespmem:v4+s21+$0x0] =	vst.idx.msk $0xffff, v2  }
.LBB2_46:
0x4db: {  	p0 =	sne.s32 s2, $0x1E0;
	v2 =	vld [tilespmem:s4+$0x1E200];
	s0 =	sadd.s32 $0x20, s0  }
0x4dc: {  	v3 =	vor.u32 s0, v6  }
0x4dd: {  	v4 =	vor.u32 s0, v7  }
.Ltmp51:
0x4de: {  	(pc) =	sbr.rel @p0 .LBB2_46-.Ltmp51, $4  }
0x4df: {  	_ = 	snop  }
0x4e0: {  	v5 =	vand.u32 $0x3FF, v2;
	v2 =	vshrl.u32 v2, $0x10  }
0x4e1: {  	v2 =	vand.u32 $0x3FF, v2;
	[tilespmem:v3+s21+$0x0] =	vst.idx.msk $0xffff, v5  }
0x4e2: {  	s4 =	sand.u32 $0x1F0, s2;
	s2 =	sadd.s32 $0x10, s2;
	[tilespmem:v4+s21+$0x0] =	vst.idx.msk $0xffff, v2  }
0x4e3: {  	v2 =	vld [tilespmem:s4+$0x1E200];
	s0 =	sadd.s32 $0x20, s0  }
0x4e4: {  	v3 =	vor.u32 s0, v6  }
0x4e5: {  	v4 =	vor.u32 s0, v7;
	_ =	sdelay $0x2  }
0x4e6: {  	s31 =	sadd.s32 $0x1, s31;
	v5 =	vand.u32 $0x3FF, v2;
	v2 =	vshrl.u32 v2, $0x10  }
0x4e7: {  	p0 =	sne.s32 s31, s17;
	v2 =	vand.u32 $0x3FF, v2;
	[tilespmem:v3+s21+$0x0] =	vst.idx.msk $0xffff, v5  }
.Ltmp52:
0x4e8: {  	[tilespmem:v4+s21+$0x0] =	vst.idx.msk $0xffff, v2;
	(pc) =	sbr.rel @p0 .LBB2_1-.Ltmp52, $4  }
0x4e9: {  	[hbm4b:s16+s3] =	stream.linear.scatter [tilespmem:s21], [sflag:$0x3], $0x3E0, $0x38;
	[tilespmem:$0x1FC00] =	vst v63  }
0x4ea: {  	_ =	swait.ge [sflag:s30], $0x3E0  }
0x4eb: {  	[sflag:s30] =	ssyncset.done $0x0  }
0x4ec: {  	v3 =	vimm.s32 $0x0;
	v2 =	vimm.f32 $-Inf;
	[sflag:s30] =	ssyncadd.s32 $0xFFFFFC20  }
0x4ed: {  	_ =	sfence.sel $0x180000  }
0x4ee: {  	[bflag:$0x0] =	sbarrier.arrive $0xFFFF  }
0x4ef: {  	_ =	strace $0x90000047  }
0x4f0: {  	s0 =	stileid.u32;
	[bflag:$0x2] =	sbarrier.arrive $0xFFFF  }
0x4f1: {  	p0 =	sne.s32 s0, $0x0;
	s0 =	rddreg [dreg:$0x3]  }
0x4f2: {  	s0 =	sadd.s32 @!p0 $0x100000, s0  }
0x4f3: {  	[sflag:s0] =	ssyncadd.tile.s32 @!p0 $0x1;
	_ =	shalt  }
.Lfunc_end2:
_tile_overlayer_lowered:
.L_overlay_start_2:
0x4f4: {  	(tag) =	ssettag $0x2  }
0x4f5: {  	s0 =	rddreg [dreg:$0x0];
	s2 =	stileid.u32  }
0x4f6: {  	s1 =	rddreg [dreg:$0x1];
	p0 =	sne.s32 s2, $0x0  }
0x4f7: {  	s3 =	rddreg [dreg:$0x2];
	[bflag:$0x3] =	sbarrier.arrive $0xFFFF;
	s2 =	simm.s32 @!p0 $0x1C03  }
0x4f8: {  	[timem:s3], [sflag:s2] =	dma.local @!p0 [hbm:s0], s1  }
0x4f9: {  	s0 =	simm.s32 @!p0 $0x3  }
0x4fa: {  	_ =	swait.ge @!p0 [sflag:s0], s1  }
0x4fb: {  	s1 =	ssub.s32 @!p0 $0x0, s1;
	[sflag:s0] =	ssyncset.done @!p0 $0x0  }
0x4fc: {  	[sflag:s0] =	ssyncadd.s32 @!p0 s1  }
0x4fd: {  	[bflag:$0x3] =	sbarrier.arrive $0xFFFF  }
0x4fe: {  	_ =	shalt  }

// kernel: sparse-core-data-format-call.cloned.1.call-start
scs
called_computation_lowered:
.L_overlay_start_0:
0x0: {  	s2 =	sld [smem:$0x3FD9]  }
0x1: {  	s3 =	sld [smem:$0x3FFE];
	_ =	sdelay $0x1  }
0x2: {  	s1 =	srdreg.scid  }
0x3: {  	s0 =	sand.u32 $0x1, s1  }
0x4: {  	s15 =	sshll.u32 s0, $0xA;
	s2 =	sadd.s32 s3, s2  }
0x5: {  	s2 =	sadd.s32 s2, s15  }
0x6: {  	[smem:$0x3FC7] =	sst s2  }
0x7: {  	_ = 	snop  }
0x8: {  	s2 =	sld [smem:$0x3FD0];
	_ =	sdelay $0x2  }
0x9: {  	s16 =	simm.s32 $0xA;
	s4 =	simm.s32 $0x10  }
0xa: {  	[smem:s4], [sflag:s16] =	dma.local [hbm:s2], $0x1  }
0xb: {  	_ =	swait.eq [sflag:s16], $0x1  }
0xc: {  	[sflag:s16] =	ssyncset.done $0x0  }
0xd: {  	[sflag:s16] =	ssyncadd.s32 $0xFFFFFFFF  }
0xe: {  	s17 =	sld [smem:$0x11];
	(tm) =	ssettm $0x1  }
0xf: {  	s18 =	sld [smem:$0x3FFB];
	_ =	sdelay $0x3  }
0x10: {  	_ =	strace s18  }
0x11: {  	s3 =	sld [smem:$0x3FFC];
	_ =	sdelay $0x3  }
0x12: {  	_ =	strace s3  }
0x13: {  	s3 =	sld [smem:$0x3FFD];
	_ =	sdelay $0x3  }
0x14: {  	_ =	strace s3  }
0x15: {  	_ =	strace $0x8FFFFFFF  }
0x16: {  	s19 =	sld [smem:$0x3FDB];
	_ =	sdelay $0x1  }
0x17: {  	s20 =	simm.s32 $_scs_section_size  }
0x18: {  	s5 =	simm.s32 $_size__tile_overlayer_lowered;
	s6 =	simm.s32 $_tile_overlayer_lowered  }
0x19: {  	s23 =	simm.s32 $0x1BFF;
	s22 =	sshll.u32 s6, $0x1;
	s3 =	sadd.s32 s20, s19  }
0x1a: {  	s7 =	simm.s32 $0x0;
	s21 =	sshll.u32 s5, $0x1;
	s5 =	sadd.s32 s22, s3  }
0x1b: {  	[timem:s7], [sflag:s23] =	dma.local [hbm:s5], s21  }
0x1c: {  	_ =	swait.ge [sflag:s23], s21  }
0x1d: {  	s4 =	ssub.s32 $0x0, s21;
	[sflag:s23] =	ssyncset.done $0x0  }
0x1e: {  	[sflag:s23] =	ssyncadd.s32 s4;
	_ =	sdelay $0x1  }
0x1f: {  	s24 =	simm.s32 $0x1B8B  }
0x20: {  	_ =	swait.ge [sflag:s24], $0x1  }
0x21: {  	[sflag:s24] =	ssyncset.done $0x0  }
0x22: {  	s26 =	simm.s32 $0x1B8E;
	s25 =	sld [smem:$0x3FFE];
	[sflag:s24] =	ssyncadd.s32 $0xFFFFFFFF  }
0x23: {  	s27 =	simm.s32 $execute0_lowered;
	[smem:$0x3FD2] =	sst s26  }
0x24: {  	s5 =	sshll.u32 s27, $0x1;
	_ =	strace $0x80000049;
	[dreg:$0x1] =	wrdreg $0xFFFFFFFF  }
0x25: {  	s28 =	simm.s32 $_size_execute0_lowered;
	s3 =	sadd.s32 s3, s5;
	[dreg:$0x0] =	wrdreg $0x0  }
0x26: {  	s5 =	sshll.u32 s28, $0x1;
	[dreg:$0x2] =	wrdreg s3  }
0x27: {  	[dreg:$0x3] =	wrdreg s5  }
0x28: {  	[dreg:$0x4] =	wrdreg $0xC0  }
0x29: {  	_ =	task [dreg:s7], $0x5FFFF  }
0x2a: {  	[dreg:$0x1] =	wrdreg $0xFFFFFFFF  }
0x2b: {  	[dreg:$0x0] =	wrdreg $0x60  }
0x2c: {  	[dreg:$0x2] =	wrdreg s17  }
0x2d: {  	[dreg:$0x3] =	wrdreg s25  }
0x2e: {  	[dreg:$0x4] =	wrdreg $0x9  }
0x2f: {  	_ =	task.clear_ibuf [dreg:s7], $0x5FFFF;
	_ =	strace $0x90000049  }
0x30: {  	s29 =	simm.s32 $0x9;
	_ =	strace $0x8000004B  }
0x31: {  	_ =	swait.ge [sflag:s29], $0x1  }
0x32: {  	[sflag:s29] =	ssyncadd.s32 $0xFFFFFFFF  }
0x33: {  	_ =	strace $0x9000004B  }
0x34: {  	_ =	sfence  }
0x35: {  	s30 =	sld [smem:$0x0];
	_ =	sdelay $0x2  }
0x36: {  	s31 =	sshll.u32 s1, $0xD;
	s1 =	sshrl.u32 s1, $0x2  }
0x37: {  	s3 =	sand.u32 $0x4000, s31;
	s1 =	sadd.s32 s1, s30  }
0x38: {  	s0 =	sor.u32 s3, s0;
	s1 =	sshll.u32 s1, $0x11  }
0x39: {  	s0 =	sor.u32 s1, s0  }
0x3a: {  	s0 =	sadd.s32 $0x8F2B, s0  }
0x3b: {  	[sflag:s0] =	ssyncadd.remote.s32 $0x1  }
0x3c: {  	_ =	sfence.sel $0xFFFF  }
0x3d: {  	[dreg:$0x0] =	wrdreg $0xFFFFFFFF;
	(pc) =	sbr.abs _section_cstart, $3  }
0x3e: {  	[dreg:$0x1] =	wrdreg $0xFFFFFFFF  }
0x3f: {  	_ =	task.clear_ibuf [dreg:s7], $0x2FFFF;
	_ =	strace $0x9FFFFFFF  }
0x40: {  	(tm) =	ssettm $0x7FFFFFFF  }
0x41: {  	_ =	shalt  }
tec
execute0_lowered:
.L_overlay_start_1:
0x0: {  	(tag) =	ssettag $0x1  }
0x1: {  	s2 =	rddreg [dreg:$0x0]  }
0x2: {  	s0 =	srdreg.scid;
	s3 =	rddreg [dreg:$0x1]  }
0x3: {  	s1 =	stileid.u32;
	s5 =	simm.s32 $0x15;
	s7 =	simm.s32 $0x2  }
0x4: {  	s14 =	simm.s32 $0x0;
	s8 =	simm.s32 $0x2000;
	s9 =	simm.s32 $0x57E000  }
0x5: {  	s15 =	simm.s32 $0x0;
	s16 =	simm.s32 $0x0;
	s11 =	simm.s32 $0x0  }
0x6: {  	s12 =	simm.s32 $0x0;
	s13 =	simm.s32 $0x0;
	s4 =	sshll.u32 s0, $0x4  }
.Ltmp0:
0x7: {  	s0 =	rddreg [dreg:$0x2];
	s4 =	sand.u32 $0x10, s4;
	(pc) =	sbr.rel .LBB1_1-.Ltmp0, $4  }
0x8: {  	_ =	strace $0x8000004A;
	s6 =	sor.u32 s1, s4;
	s4 =	simm.s32 $0x1  }
0x9: {  	s3 =	sadd.s32 $0x1600, s3;
	p0 =	seq.s32 s6, $0x1F;
	[sflag:s4] =	ssyncpa.u1 $0x0  }
0xa: {  	s6 =	sshll.u32 s6, $0x3;
	s5 =	simm.s32 @!p0 $0x16;
	[sflag:s7] =	ssyncpa.u1 $0x0  }
0xb: {  	p0 =	por $0x0, $0x0;
	s10 =	smov.u32 s6;
	s7 =	sadd.s32 $0x1, s5  }
.LBB1_9:
0xc: {  	s17 =	sadd.s32 $0x100, s10  }
0xd: {  	s14 =	sadd.s32 $0x8, s11;
	s18 =	smov.u32 s11;
	p2 =	sgt.s32 s17, $0x15F7  }
0xe: {  	s18 =	smov.u32 @p2 s14  }
0xf: {  	s20 =	smov.u32 s12;
	s14 =	sadd.s32 $0x2, s12;
	p3 =	sgt.s32 s18, $0x7  }
0x10: {  	s20 =	smov.u32 @p3 s14  }
0x11: {  	s17 =	smov.u32 @p2 s6;
	p2 =	sgt.s32 s20, $0x1  }
0x12: {  	p1 =	slt.u32 s13, $0x2;
	s20 =	simm.s32 @p2 $0x0;
	p2 =	sne.s32 s13, s7  }
.Ltmp1:
0x13: {  	s19 =	simm.s32 @!p1 $0x2;
	(pc) =	sbr.rel @!p2 .LBB1_10-.Ltmp1, $4  }
0x14: {  	s15 =	smov.u32 s11;
	s16 =	smov.u32 s12;
	_ =	swait.ge @!p1 [sflag:s19], $0x4000  }
0x15: {  	p0 =	por !p0, !p0;
	[sflag:s19] =	ssyncset.done @!p1 $0x0;
	s18 =	simm.s32 @p3 $0x0  }
0x16: {  	s14 =	smov.u32 s10;
	[sflag:s19] =	ssyncadd.s32 @!p1 $0xFFFFC000;
	s10 =	smov.u32 s17  }
0x17: {  	s11 =	smov.u32 s18;
	s13 =	sadd.s32 $0x1, s13;
	s12 =	smov.u32 s20  }
.LBB1_1:
0x18: {  	p1 =	sge.u32 s13, s5  }
0x19: {  	s17 =	sand.u32 @!p1 $0x1FFFFFF, s10  }
0x1a: {  	s18 =	smulhi.u32 @!p1 $0x2E9C961, s17  }
0x1b: {  	s19 =	smul.u32 @!p1 $0xAFC00, s12  }
0x1c: {  	s21 =	smul.u32 @!p1 $0x15F80, s11;
	s18 =	sshrl.u32 @!p1 s18, $0x6  }
0x1d: {  	s18 =	smul.u32 @!p1 $0x15F8, s18  }
0x1e: {  	s31 =	sadd.s32 $0xFFFFFFFF, s13;
	s19 =	sadd.s32 @!p1 s2, s19  }
0x1f: {  	s20 =	sxor.u32 @!p1 $0xFFFFFFFF, s13;
	s19 =	sadd.s32 @!p1 s21, s19;
	s17 =	ssub.s32 @!p1 s17, s18  }
0x20: {  	s18 =	sshll.u32 @!p1 s20, $0xE;
	s20 =	simm.s32 @!p1 $0xAFC00;
	s17 =	sshll.u32 @!p1 s17, $0x4  }
0x21: {  	s18 =	sand.u32 @!p1 $0x4000, s18;
	s17 =	sadd.s32 @!p1 s17, s19;
	s19 =	simm.s32 @!p1 $0x400  }
0x22: {  	[tilespmem:s18], [sflag:$0x1] =	stream.strided.gather @!p1 [hbm4b:s17+s19], $0x4000, s20, s19, $0x38;
	[tilespmem:$0x10000] =	vst v63  }
0x23: {  	p1 =	sge.u32 s31, s5  }
.Ltmp2:
0x24: {  	_ = 	snop;
	(pc) =	sbr.rel @p1 .LBB1_9-.Ltmp2, $1  }
0x25: {  	_ =	sdelay $0x3  }
0x26: {  	s17 =	simm.s32 $0x1;
	_ =	swait.ge [sflag:s4], $0x4000  }
0x27: {  	s18 =	sshll.u32 s13, $0xE;
	s20 =	simm.s32 $0x0;
	s17 =	simm.s32 @!p0 $0x0  }
0x28: {  	p2 =	por $0x1, $0x1;
	[sflag:s4] =	ssyncset.done $0x0;
	s17 =	sshll.u32 s17, $0x10  }
0x29: {  	s18 =	sand.u32 $0x4000, s18;
	[sflag:s4] =	ssyncadd.s32 $0xFFFFC000;
	s19 =	sshrl.u32 s17, $0x2  }
0x2a: {  	s17 =	sor.u32 $0x8000, s18;
	s18 =	sadd.s32 $0x8040, s19;
	s19 =	sadd.s32 $0x40, s19  }
.LBB1_3:
0x2b: {  	s20 =	sshll.u32 s20, $0x2  }
0x2c: {  	p1 =	por p2, p2;
	s21 =	sshra.s32 s20, $0x2  }
0x2d: {  	s22 =	simm.s32 $0x0;
	s20 =	sadd.s32 s21, s18;
	s21 =	sadd.s32 s21, s19  }
.LBB1_4:
0x2e: {  	v0 =	vmov s21;
	_ =	sdelay $0x3  }
0x2f: {  	s24 =	simm.s32 $0x0  }
0x30: {  	v6 =	vld.idx.msk [tilespmem:v0+s24+$0x30 ss:$0x1], $0xffff  }
0x31: {  	v7 =	vld.idx.msk [tilespmem:v0+s24+$0xFFFFFFC0 ss:$0x1], $0xffff  }
0x32: {  	v5 =	vld.idx.msk [tilespmem:v0+s24+$0xFFFFFFD0 ss:$0x1], $0xffff  }
0x33: {  	v4 =	vld.idx.msk [tilespmem:v0+s24+$0xFFFFFFE0 ss:$0x1], $0xffff  }
0x34: {  	v3 =	vld.idx.msk [tilespmem:v0+s24+$0xFFFFFFF0 ss:$0x1], $0xffff  }
0x35: {  	v1 =	vld.idx.msk [tilespmem:v0+s24+$0x0 ss:$0x1], $0xffff  }
0x36: {  	v2 =	vld.idx.msk [tilespmem:v0+s24+$0x10 ss:$0x1], $0xffff;
	[tilespmem:s20+$0x30] =	vst v6  }
0x37: {  	s23 =	simm.s32 $0x80;
	s25 =	simm.s32 $0x400;
	[tilespmem:s20+$0xFFFFFFC0] =	vst v7;
	v6 =	vld.idx.msk [tilespmem:v0+s24+$0x20 ss:$0x1], $0xffff;
	s24 =	smov.u32 s20  }
.LBB1_5:
0x38: {  	p2 =	sne.s32 s25, $0xE00;
	v7 =	vld.idx.msk [tilespmem:v0+s23+$0x30 ss:$0x1], $0xffff;
	[tilespmem:s24+$0xFFFFFFD0] =	vst v5  }
0x39: {  	v8 =	vld.idx.msk [tilespmem:v0+s23+$0xFFFFFFC0 ss:$0x1], $0xffff;
	[tilespmem:s24+$0xFFFFFFE0] =	vst v4  }
0x3a: {  	v5 =	vld.idx.msk [tilespmem:v0+s23+$0xFFFFFFD0 ss:$0x1], $0xffff;
	[tilespmem:s24+$0xFFFFFFF0] =	vst v3  }
.Ltmp3:
0x3b: {  	v4 =	vld.idx.msk [tilespmem:v0+s23+$0xFFFFFFE0 ss:$0x1], $0xffff;
	[tilespmem:s24+$0x0] =	vst v1;
	(pc) =	sbr.rel @p2 .LBB1_5-.Ltmp3, $4  }
0x3c: {  	v3 =	vld.idx.msk [tilespmem:v0+s23+$0xFFFFFFF0 ss:$0x1], $0xffff;
	[tilespmem:s24+$0x10] =	vst v2  }
0x3d: {  	v1 =	vld.idx.msk [tilespmem:v0+s23+$0x0 ss:$0x1], $0xffff;
	[tilespmem:s24+$0x20] =	vst v6;
	s24 =	sadd.s32 $0x400, s24  }
0x3e: {  	v2 =	vld.idx.msk [tilespmem:v0+s23+$0x10 ss:$0x1], $0xffff;
	[tilespmem:s24+$0x30] =	vst v7  }
0x3f: {  	[tilespmem:s24+$0xFFFFFFC0] =	vst v8;
	v6 =	vld.idx.msk [tilespmem:v0+s23+$0x20 ss:$0x1], $0xffff;
	s23 =	sshra.s32 s25, $0x2;
	s25 =	sadd.s32 $0x200, s25  }
0x40: {  	_ =	sdelay $0x2  }
0x41: {  	[tilespmem:s24+$0xFFFFFFD0] =	vst v5  }
0x42: {  	v56 =	vld.idx.msk [tilespmem:v0+s23+$0x30 ss:$0x1], $0xffff;
	[tilespmem:s24+$0xFFFFFFE0] =	vst v4  }
0x43: {  	v57 =	vld.idx.msk [tilespmem:v0+s23+$0xFFFFFFC0 ss:$0x1], $0xffff;
	[tilespmem:s24+$0xFFFFFFF0] =	vst v3  }
0x44: {  	v58 =	vld.idx.msk [tilespmem:v0+s23+$0xFFFFFFD0 ss:$0x1], $0xffff;
	[tilespmem:s24+$0x0] =	vst v1  }
0x45: {  	v59 =	vld.idx.msk [tilespmem:v0+s23+$0xFFFFFFE0 ss:$0x1], $0xffff;
	[tilespmem:s24+$0x10] =	vst v2  }
0x46: {  	v60 =	vld.idx.msk [tilespmem:v0+s23+$0xFFFFFFF0 ss:$0x1], $0xffff;
	s31 =	sadd.s32 $0x400, s24;
	[tilespmem:s24+$0x20] =	vst v6  }
0x47: {  	v61 =	vld.idx.msk [tilespmem:v0+s23+$0x0 ss:$0x1], $0xffff;
	[tilespmem:s31+$0x30] =	vst v56  }
0x48: {  	v62 =	vld.idx.msk [tilespmem:v0+s23+$0x10 ss:$0x1], $0xffff;
	s22 =	sadd.s32 $0x1, s22;
	[tilespmem:s31+$0xFFFFFFC0] =	vst v57  }
0x49: {  	v63 =	vld.idx.msk [tilespmem:v0+s23+$0x20 ss:$0x1], $0xffff;
	p2 =	sne.s32 s22, $0x8;
	[tilespmem:s31+$0xFFFFFFD0] =	vst v58  }
.Ltmp4:
0x4a: {  	[tilespmem:s31+$0xFFFFFFE0] =	vst v59;
	(pc) =	sbr.rel @p2 .LBB1_4-.Ltmp4, $4  }
0x4b: {  	[tilespmem:s31+$0xFFFFFFF0] =	vst v60  }
0x4c: {  	[tilespmem:s31+$0x0] =	vst v61  }
0x4d: {  	[tilespmem:s31+$0x10] =	vst v62  }
0x4e: {  	s20 =	sadd.s32 $0x80, s20;
	s21 =	sadd.s32 $0x400, s21;
	[tilespmem:s31+$0x20] =	vst v63  }
.Ltmp5:
0x4f: {  	(pc) =	sbr.rel @p1 .LBB1_3-.Ltmp5, $2  }
0x50: {  	_ =	sdelay $0x2  }
0x51: {  	s20 =	simm.s32 $0x2000;
	p2 =	por $0x0, $0x0  }
0x52: {  	s16 =	smul.u32 $0xAFC00, s16  }
.Ltmp6:
0x53: {  	_ = 	snop;
	(pc) =	sbr.rel .LBB1_9-.Ltmp6, $4  }
0x54: {  	s14 =	sshll.u32 s14, $0x7;
	s15 =	sshll.u32 s15, $0x4;
	s16 =	sadd.s32 s3, s16  }
0x55: {  	s15 =	sand.u32 $0x70, s15;
	s14 =	sadd.s32 s14, s16  }
0x56: {  	s14 =	sadd.s32 s15, s14  }
0x57: {  	[hbm4b:s14+s8] =	stream.strided.scatter [tilespmem:s17], [sflag:$0x2], $0x4000, s9, s8, $0x38;
	[tilespmem:$0x10000] =	vst v63  }
.LBB1_10:
0x58: {  	_ =	sfence.sel $0x180000  }
0x59: {  	s2 =	simm.s32 $0x1;
	[bflag:$0x0] =	sbarrier.arrive $0xFFFF  }
0x5a: {  	s31 =	simm.s32 $0x2;
	[sflag:s2] =	ssyncpa.u1 $0x1  }
0x5b: {  	[sflag:s31] =	ssyncpa.u1 $0x1  }
0x5c: {  	p0 =	sne.s32 s1, $0x0;
	_ =	strace $0x9000004A  }
0x5d: {  	s0 =	sadd.s32 @!p0 $0x100000, s0;
	[bflag:$0x2] =	sbarrier.arrive $0xFFFF  }
0x5e: {  	[sflag:s0] =	ssyncadd.tile.s32 @!p0 $0x1;
	_ =	shalt  }
.Lfunc_end1:
_tile_overlayer_lowered:
.L_overlay_start_2:
0x5f: {  	(tag) =	ssettag $0x2  }
0x60: {  	s0 =	rddreg [dreg:$0x0];
	s2 =	stileid.u32  }
0x61: {  	s1 =	rddreg [dreg:$0x1];
	p0 =	sne.s32 s2, $0x0  }
0x62: {  	s3 =	rddreg [dreg:$0x2];
	[bflag:$0x3] =	sbarrier.arrive $0xFFFF;
	s2 =	simm.s32 @!p0 $0x1C01  }
0x63: {  	[timem:s3], [sflag:s2] =	dma.local @!p0 [hbm:s0], s1  }
0x64: {  	s0 =	simm.s32 @!p0 $0x1  }
0x65: {  	_ =	swait.ge @!p0 [sflag:s0], s1  }
0x66: {  	s1 =	ssub.s32 @!p0 $0x0, s1;
	[sflag:s0] =	ssyncset.done @!p0 $0x0  }
0x67: {  	[sflag:s0] =	ssyncadd.s32 @!p0 s1  }
0x68: {  	[bflag:$0x3] =	sbarrier.arrive $0xFFFF  }
0x69: {  	_ =	shalt  }

</sc_bundles>
